<compile_context>
chip_gen: v7x
topology: tpu7x:2x2x1
jax: 0.10.2.dev20260603
libtpu: 0.0.44.dev20260713+nightly
codegen_flags: <defaults>
</compile_context>

<pallas_src>
import functools

import jax
import jax.numpy as jnp
from jax import lax
from jax.experimental import pallas as pl
from jax.experimental.pallas import tpu as pltpu
from jax.experimental.pallas import tpu_sc as plsc

N = 10000
E = 320000
G = 64
EPS = 1e-5
NEG = -3.4028235e38

R = 2000
NBLK = N // R

NC = 2
NS = 16
NW = NC * NS
CH = 128
NCH0 = 160
QCH = 40
EPAD = NS * NCH0 * CH
SLICE = 632
NROW = NS * SLICE


def _sc_body(z_hbm, srcs_hbm, dsts_hbm, out_hbm, src_v, dst_v, rows, aggsh, sem):
    c = lax.axis_index("c")
    s = lax.axis_index("s")

    @pl.when(c == 0)
    def _():
        @pl.loop(0, CH)
        def _zr(r):
            @pl.loop(0, 128, step=16)
            def _zc(k):
                rows.at[0, r, pl.ds(k, 16)][...] = jnp.zeros((16,), jnp.float32)

        @pl.loop(0, 4)
        def _zs(b):
            pltpu.sync_copy(rows.at[0], aggsh.at[pl.ds(s * SLICE + b * CH, CH)])

        pltpu.sync_copy(
            rows.at[0, pl.ds(0, SLICE - 4 * CH)],
            aggsh.at[pl.ds(s * SLICE + 4 * CH, SLICE - 4 * CH)],
        )
        plsc.subcore_barrier()

        for q in range(NCH0 // QCH):
            pltpu.sync_copy(srcs_hbm.at[s, pl.ds(q * QCH, QCH)], src_v)
            pltpu.sync_copy(dsts_hbm.at[s, pl.ds(q * QCH, QCH)], dst_v)
            pltpu.sync_copy(z_hbm.at[src_v.at[0]], rows.at[0])

            @pl.loop(0, QCH - 2, step=2)
            def _mn(j):
                for b in range(2):
                    jj = j + b
                    nxt = pltpu.async_copy(z_hbm.at[src_v.at[jj + 1]], rows.at[1 - b], sem)
                    pltpu.sync_copy(rows.at[b], aggsh.at[dst_v.at[jj]], add=True)
                    nxt.wait()

            nxt = pltpu.async_copy(z_hbm.at[src_v.at[QCH - 1]], rows.at[1], sem)
            pltpu.sync_copy(rows.at[0], aggsh.at[dst_v.at[QCH - 2]], add=True)
            nxt.wait()
            pltpu.sync_copy(rows.at[1], aggsh.at[dst_v.at[QCH - 1]], add=True)

        plsc.subcore_barrier()
        pltpu.sync_copy(
            aggsh.at[pl.ds(s * SLICE, SLICE)],
            out_hbm.at[pl.ds(s * SLICE, SLICE)],
        )


_sc_scatter = functools.partial(
    pl.kernel,
    out_type=jax.ShapeDtypeStruct((NROW, 128), jnp.float32),
    mesh=plsc.VectorSubcoreMesh(core_axis_name="c", subcore_axis_name="s"),
    scratch_types=[
        pltpu.VMEM((QCH, CH), jnp.int32),
        pltpu.VMEM((QCH, CH), jnp.int32),
        pltpu.VMEM((2, CH, 128), jnp.float32),
        pltpu.VMEM_SHARED((NROW, 128), jnp.float32),
        pltpu.SemaphoreType.DMA,
    ],
)(_sc_body)


def _dot(a, b):
    return jnp.dot(a, b, preferred_element_type=jnp.float32)


def _tc_z_body(x_ref, w_ref, z_ref):
    z_ref[...] = _dot(x_ref[...], w_ref[...])


def _tc_branches_body(x_ref, w1, b1, w2, b2, w3, b3, o_ref):
    x = x_ref[...]
    a = jnp.maximum(_dot(x, w1[...]) + b1[...], 0.0)
    p = jnp.maximum(_dot(x, w2[...]) + b2[...], 0.0)
    q = jnp.maximum(_dot(x, w3[...]) + b3[...], 0.0)
    o_ref[...] = jnp.concatenate([a, p * q], axis=1)


def _tc_combine_body(pre_ref, a_ref, bc, g_ref, bb, m_ref, v_ref, wn, h_ref, z_ref):
    conv = jnp.maximum(a_ref[...] + bc[...], 0.0)
    pre = pre_ref[...]
    h = jnp.concatenate([pre[:, :128] + conv, pre[:, 128:]], axis=1)
    h = (h - m_ref[...]) / jnp.sqrt(v_ref[...] + EPS) * g_ref[...] + bb[...]
    h_ref[...] = h
    z_ref[...] = _dot(h, wn[...])


def _tc_final_body(pre_ref, a_ref, bt_ref, bc, g_ref, bb, m_ref, v_ref, w2, b2,
                   o_ref, ssum, cnt, mx):
    i = pl.program_id(0)

    @pl.when(i == 0)
    def _():
        ssum[...] = jnp.zeros_like(ssum)
        cnt[...] = jnp.zeros_like(cnt)
        mx[...] = jnp.full_like(mx, NEG)

    conv = jnp.maximum(a_ref[...] + bc[...], 0.0)
    pre = pre_ref[...]
    h = jnp.concatenate([pre[:, :128] + conv, pre[:, 128:]], axis=1)
    h = (h - m_ref[...]) / jnp.sqrt(v_ref[...] + EPS) * g_ref[...] + bb[...]

    bt = bt_ref[...]
    onehot = (bt == lax.broadcasted_iota(jnp.int32, (1, G), 1)).astype(jnp.float32)
    dn = (((0,), (0,)), ((), ()))
    ssum[...] += lax.dot_general(onehot, h, dn, preferred_element_type=jnp.float32)
    cnt[...] += lax.dot_general(onehot, jnp.ones((R, 192), jnp.float32), dn,
                                preferred_element_type=jnp.float32)

    lo = bt[0, 0]
    hi = bt[R - 1, 0]

    def body(gidx, _):
        mask = bt == gidx
        cand = jnp.max(jnp.where(mask, h, NEG), axis=0, keepdims=True)
        sel = lax.broadcasted_iota(jnp.int32, (G, 1), 0) == gidx
        mx[...] = jnp.where(sel, jnp.maximum(mx[...], cand), mx[...])
        return 0

    lax.fori_loop(lo, hi + 1, body, 0)

    @pl.when(i == NBLK - 1)
    def _():
        cn = cnt[...]
        mean = ssum[...] / jnp.maximum(cn, 1.0)
        mxv = jnp.where(cn > 0.0, mx[...], 0.0)
        pooled = jnp.concatenate([mean, mxv], axis=1)
        logits = _dot(pooled, w2[...]) + b2[...]
        lane = lax.broadcasted_iota(jnp.int32, (G, 128), 1)
        valid = lane < 6
        lm = jnp.max(jnp.where(valid, logits, NEG), axis=1, keepdims=True)
        ex = jnp.where(valid, jnp.exp(logits - lm), 0.0)
        lse = jnp.log(jnp.sum(ex, axis=1, keepdims=True))
        o_ref[...] = logits - lm - lse


def _full(shape):
    return pl.BlockSpec(shape, lambda i: (0,) * len(shape))


_tc_z = pl.pallas_call(
    _tc_z_body,
    grid=(NBLK,),
    in_specs=[pl.BlockSpec((R, 128), lambda i: (i, 0)), _full((128, 128))],
    out_specs=pl.BlockSpec((R, 128), lambda i: (i, 0)),
    out_shape=jax.ShapeDtypeStruct((N, 128), jnp.float32),
)

_tc_branches_l1 = pl.pallas_call(
    _tc_branches_body,
    grid=(NBLK,),
    in_specs=[
        pl.BlockSpec((R, 128), lambda i: (i, 0)),
        _full((128, 128)), _full((1, 128)),
        _full((128, 64)), _full((1, 64)),
        _full((128, 64)), _full((1, 64)),
    ],
    out_specs=pl.BlockSpec((R, 192), lambda i: (i, 0)),
    out_shape=jax.ShapeDtypeStruct((N, 192), jnp.float32),
)

_tc_branches_l2 = pl.pallas_call(
    _tc_branches_body,
    grid=(NBLK,),
    in_specs=[
        pl.BlockSpec((R, 192), lambda i: (i, 0)),
        _full((192, 128)), _full((1, 128)),
        _full((192, 64)), _full((1, 64)),
        _full((192, 64)), _full((1, 64)),
    ],
    out_specs=pl.BlockSpec((R, 192), lambda i: (i, 0)),
    out_shape=jax.ShapeDtypeStruct((N, 192), jnp.float32),
)

_tc_combine = pl.pallas_call(
    _tc_combine_body,
    grid=(NBLK,),
    in_specs=[
        pl.BlockSpec((R, 192), lambda i: (i, 0)),
        pl.BlockSpec((R, 128), lambda i: (i, 0)),
        _full((1, 128)),
        _full((1, 192)), _full((1, 192)), _full((1, 192)), _full((1, 192)),
        _full((192, 128)),
    ],
    out_specs=[
        pl.BlockSpec((R, 192), lambda i: (i, 0)),
        pl.BlockSpec((R, 128), lambda i: (i, 0)),
    ],
    out_shape=[
        jax.ShapeDtypeStruct((N, 192), jnp.float32),
        jax.ShapeDtypeStruct((N, 128), jnp.float32),
    ],
)

_tc_final = pl.pallas_call(
    _tc_final_body,
    grid=(NBLK,),
    in_specs=[
        pl.BlockSpec((R, 192), lambda i: (i, 0)),
        pl.BlockSpec((R, 128), lambda i: (i, 0)),
        pl.BlockSpec((R, 1), lambda i: (i, 0)),
        _full((1, 128)),
        _full((1, 192)), _full((1, 192)), _full((1, 192)), _full((1, 192)),
        _full((384, 128)), _full((1, 128)),
    ],
    out_specs=pl.BlockSpec((G, 128), lambda i: (0, 0)),
    out_shape=jax.ShapeDtypeStruct((G, 128), jnp.float32),
    scratch_shapes=[
        pltpu.VMEM((G, 192), jnp.float32),
        pltpu.VMEM((G, 192), jnp.float32),
        pltpu.VMEM((G, 192), jnp.float32),
    ],
)


@jax.jit
def kernel(x, edge_index, batch, W11, b11, W12, b12, W13, b13, Wc1, bc1,
           W21, b21, W22, b22, W23, b23, Wc2, bc2,
           bn1_g, bn1_b, bn1_m, bn1_v, bn2_g, bn2_b, bn2_m, bn2_v, W2, b2):
    src = edge_index[0].astype(jnp.int32)
    dst = edge_index[1].astype(jnp.int32)
    pad = EPAD - E
    pad_dst = N + jnp.arange(pad, dtype=jnp.int32) % (NROW - N)
    srcs = jnp.concatenate([src, jnp.zeros((pad,), jnp.int32)]).reshape(NS, NCH0, CH)
    dsts = jnp.concatenate([dst, pad_dst]).reshape(NS, NCH0, CH)
    bt = batch.astype(jnp.int32).reshape(N, 1)

    r1 = lambda a: a.reshape(1, -1)
    W2p = jnp.pad(W2, ((0, 0), (0, 128 - W2.shape[1])))
    b2p = jnp.pad(b2, (0, 128 - b2.shape[0])).reshape(1, 128)

    z1 = _tc_z(x, Wc1)
    agg1 = _sc_scatter(z1, srcs, dsts)
    pre1 = _tc_branches_l1(x, W11, r1(b11), W12, r1(b12), W13, r1(b13))
    h1, z2 = _tc_combine(pre1, agg1[:N, :], r1(bc1),
                         r1(bn1_g), r1(bn1_b), r1(bn1_m), r1(bn1_v), Wc2)

    agg2 = _sc_scatter(z2, srcs, dsts)
    pre2 = _tc_branches_l2(h1, W21, r1(b21), W22, r1(b22), W23, r1(b23))

    out = _tc_final(pre2, agg2[:N, :], bt, r1(bc2),
                    r1(bn2_g), r1(bn2_b), r1(bn2_m), r1(bn2_v), W2p, b2p)
    return out[:, :6]

# --- scband reference (transcript-rebuilt; emitter-appended) ---
"""Pipeline reference for scband-gnnml1-64991445123432 (READ-ONLY COPY).

The authoritative reference and input builder live on the scoring server;
editing this copy changes nothing except your own understanding.
"""

import jax, jax.numpy as jnp
import numpy as np

N = 10000
E = 320000
F_IN = 128
G = 64
EPS = 1e-5


def _lin(key, fan_in, fan_out):
    k1, k2 = jax.random.split(key)
    lim = 1.0 / np.sqrt(fan_in)
    W = jax.random.uniform(k1, (fan_in, fan_out), minval=-lim, maxval=lim, dtype=jnp.float32)
    b = jax.random.uniform(k2, (fan_out,), minval=-lim, maxval=lim, dtype=jnp.float32)
    return W, b


def setup_inputs(seed: int = 0):
    key = jax.random.key(seed)
    ks = jax.random.split(key, 16)
    inp = {}
    inp["x"] = jax.random.normal(ks[0], (N, F_IN), dtype=jnp.float32)
    inp["edge_index"] = jax.random.randint(ks[1], (2, E), 0, N)
    inp["batch"] = jnp.sort(jax.random.randint(ks[2], (N,), 0, G))
    inp["W11"], inp["b11"] = _lin(ks[3], F_IN, 128)
    inp["W12"], inp["b12"] = _lin(ks[4], F_IN, 64)
    inp["W13"], inp["b13"] = _lin(ks[5], F_IN, 64)
    inp["Wc1"], inp["bc1"] = _lin(ks[6], F_IN, 128)
    inp["W21"], inp["b21"] = _lin(ks[7], 192, 128)
    inp["W22"], inp["b22"] = _lin(ks[8], 192, 64)
    inp["W23"], inp["b23"] = _lin(ks[9], 192, 64)
    inp["Wc2"], inp["bc2"] = _lin(ks[10], 192, 128)
    inp["bn1_g"] = jnp.ones((192,), jnp.float32)
    inp["bn1_b"] = jnp.zeros((192,), jnp.float32)
    inp["bn1_m"] = jnp.zeros((192,), jnp.float32)
    inp["bn1_v"] = jnp.ones((192,), jnp.float32)
    inp["bn2_g"] = jnp.ones((192,), jnp.float32)
    inp["bn2_b"] = jnp.zeros((192,), jnp.float32)
    inp["bn2_m"] = jnp.zeros((192,), jnp.float32)
    inp["bn2_v"] = jnp.ones((192,), jnp.float32)
    inp["W2"], inp["b2"] = _lin(ks[11], 384, 6)
    return inp


def reference(x, edge_index, batch, W11, b11, W12, b12, W13, b13, Wc1, bc1, W21, b21, W22, b22, W23, b23, Wc2, bc2, bn1_g, bn1_b, bn1_m, bn1_v, bn2_g, bn2_b, bn2_m, bn2_v, W2, b2):
    # eval mode: dropout = identity, BatchNorm uses running stats
    src = edge_index[0]
    dst = edge_index[1]
    ea = jnp.ones((edge_index.shape[1], 1), dtype=x.dtype)  # edge_attr = ones(E,1)

    def conv(h, W, b):
        # SpectConv with S=1, selfconn=False: scatter-add of edge_attr-weighted source feats, then linear
        msg = ea * jnp.take(h, src, axis=0)
        agg = jax.ops.segment_sum(msg, dst, num_segments=h.shape[0])
        return agg @ W + b

    def bn(h, g, bb, m, v):
        return (h - m) / jnp.sqrt(v + EPS) * g + bb

    h = jnp.concatenate([
        jax.nn.relu(x @ W11 + b11) + jax.nn.relu(conv(x, Wc1, bc1)),
        jax.nn.relu(x @ W12 + b12) * jax.nn.relu(x @ W13 + b13),
    ], axis=1)
    h = bn(h, bn1_g, bn1_b, bn1_m, bn1_v)
    h = jnp.concatenate([
        jax.nn.relu(h @ W21 + b21) + jax.nn.relu(conv(h, Wc2, bc2)),
        jax.nn.relu(h @ W22 + b22) * jax.nn.relu(h @ W23 + b23),
    ], axis=1)
    h = bn(h, bn2_g, bn2_b, bn2_m, bn2_v)
    ssum = jax.ops.segment_sum(h, batch, num_segments=G)
    cnt = jax.ops.segment_sum(jnp.ones((h.shape[0],), h.dtype), batch, num_segments=G)
    mean = ssum / jnp.clip(cnt, 1.0)[:, None]
    mx = jax.ops.segment_max(h, batch, num_segments=G)
    mx = jnp.where(cnt[:, None] > 0, mx, 0.0)
    pooled = jnp.concatenate([mean, mx], axis=1)
    logits = pooled @ W2 + b2
    return jax.nn.log_softmax(logits, axis=1)

if __name__ == "__main__":
    import jax
    _d = setup_inputs()
    print(jax.jit(kernel)(*tuple(_d.values())))

</pallas_src>

<mosaic_0001>
#map = affine_map<(d0, d1) -> (0, 0)>
#map1 = affine_map<(d0, d1) -> (0, 0, 0)>
module attributes {stable_mosaic.version = 14 : i64} {
  func.func @_sc_body(%arg0: i32, %arg1: i32, %arg2: memref<10000x128xf32, #tpu.memory_space<hbm>>, %arg3: memref<16x160x128xi32, #tpu.memory_space<hbm>>, %arg4: memref<16x160x128xi32, #tpu.memory_space<hbm>>, %arg5: memref<10112x128xf32, #tpu.memory_space<hbm>>, %arg6: memref<40x128xi32, #tpu.memory_space<vmem>>, %arg7: memref<40x128xi32, #tpu.memory_space<vmem>>, %arg8: memref<2x128x128xf32, #tpu.memory_space<vmem>>, %arg9: memref<10112x128xf32, #tpu.memory_space<vmem_shared>>, %arg10: memref<!tpu.dma_semaphore, #tpu.memory_space<semaphore_mem>>) attributes {dimension_semantics = [#tpu.dimension_semantics<core_parallel>, #tpu.dimension_semantics<subcore_parallel>], iteration_bounds = array<i64: 2, 16>, scalar_prefetch = 0 : i64, scratch_operands = 5 : i64, tpu.core_type = #tpu.core_type<sc_vector_subcore>, window_params = [{transform_indices = #map}, {transform_indices = #map1}, {transform_indices = #map1}, {transform_indices = #map}]} {
    %eq3A = arith.constant 0 : i32
    %eq3A_0 = arith.cmpi eq, %arg0, %eq3A : i32
    %convert_element_type3A = arith.extui %eq3A_0 : i1 to i32
    %cond3A = arith.constant 0 : i32
    %cond3A_1 = arith.cmpi ne, %convert_element_type3A, %cond3A : i32
    scf.if %cond3A_1 {
      %scan3A = arith.constant 0 : i32
      %scan3A_2 = arith.constant 128 : i32
      %scan3A_3 = arith.addi %scan3A, %scan3A_2 : i32
      %scan3A_4 = arith.constant 1 : i32
      scf.for %scan3A_156 = %scan3A to %scan3A_3 step %scan3A_4  : i32 {
        %mul3A_157 = arith.constant 1 : i32
        %mul3A_158 = arith.muli %scan3A_156, %mul3A_157 : i32
        %add3A_159 = arith.constant 0 : i32
        %add3A_160 = arith.addi %add3A_159, %mul3A_158 : i32
        %scan3A_161 = arith.constant 0 : i32
        %scan3A_162 = arith.constant 8 : i32
        %scan3A_163 = arith.addi %scan3A_161, %scan3A_162 : i32
        %scan3A_164 = arith.constant 1 : i32
        scf.for %scan3A_166 = %scan3A_161 to %scan3A_163 step %scan3A_164  : i32 {
          %mul3A_167 = arith.constant 16 : i32
          %mul3A_168 = arith.muli %scan3A_166, %mul3A_167 : i32
          %add3A_169 = arith.constant 0 : i32
          %add3A_170 = arith.addi %add3A_169, %mul3A_168 : i32
          %broadcast_in_dim3A = arith.constant 0.000000e+00 : f32
          %broadcast_in_dim3A_171 = vector.broadcast %broadcast_in_dim3A : f32 to vector<16xf32>
          %swap3A = arith.constant 0 : i32
          %swap3A_172 = arith.index_cast %swap3A : i32 to index
          %swap3A_173 = arith.index_cast %add3A_160 : i32 to index
          %swap3A_174 = arith.index_cast %add3A_170 : i32 to index
          %swap3A_175 = tpu.vector_load %arg8[%swap3A_172, %swap3A_173, %swap3A_174] {strides = array<i32>} : memref<2x128x128xf32, #tpu.memory_space<vmem>>, vector<1x1x16xf32>,
          %swap3A_176 = vector.shape_cast %swap3A_175 : vector<1x1x16xf32> to vector<16xf32>
          %swap3A_177 = vector.shape_cast %broadcast_in_dim3A_171 : vector<16xf32> to vector<1x1x16xf32>
          tpu.vector_store %arg8[%swap3A_172, %swap3A_173, %swap3A_174], %swap3A_177 {strides = array<i32>} : memref<2x128x128xf32, #tpu.memory_space<vmem>>, vector<1x1x16xf32>,
        }
        %scan3A_165 = arith.constant 8 : i32
      }
      %scan3A_5 = arith.constant 128 : i32
      %scan3A_6 = arith.constant 0 : i32
      %scan3A_7 = arith.constant 4 : i32
      %scan3A_8 = arith.addi %scan3A_6, %scan3A_7 : i32
      %scan3A_9 = arith.constant 1 : i32
      scf.for %scan3A_156 = %scan3A_6 to %scan3A_8 step %scan3A_9  : i32 {
        %mul3A_157 = arith.constant 1 : i32
        %mul3A_158 = arith.muli %scan3A_156, %mul3A_157 : i32
        %add3A_159 = arith.constant 0 : i32
        %add3A_160 = arith.addi %add3A_159, %mul3A_158 : i32
        %mul3A_161 = arith.constant 632 : i32
        %mul3A_162 = arith.muli %arg1, %mul3A_161 : i32
        %mul3A_163 = arith.constant 128 : i32
        %mul3A_164 = arith.muli %add3A_160, %mul3A_163 : i32
        %add3A_165 = arith.addi %mul3A_162, %mul3A_164 : i32
        %run_scoped3A_166 = arith.constant 0 : i32
        "tpu.region"() ({
          %run_scoped3A_167 = tpu.sem_alloc : memref<!tpu.dma_semaphore, #tpu.memory_space<semaphore_mem>>
          %dma_start3A_168 = arith.constant 0 : i32
          %dma_start3A_169 = arith.constant 0 : i32
          %dma_start3A_170 = tpu.memref_slice %arg8[%run_scoped3A_166, %dma_start3A_168, %dma_start3A_169] : memref<2x128x128xf32, #tpu.memory_space<vmem>> -> memref<1x128x128xf32, #tpu.memory_space<vmem>>
          %dma_start3A_171 = tpu.memref_squeeze %dma_start3A_170 : memref<1x128x128xf32, #tpu.memory_space<vmem>> -> memref<128x128xf32, #tpu.memory_space<vmem>>
          %dma_start3A_172 = arith.constant 0 : i32
          %dma_start3A_173 = tpu.memref_slice %arg9[%add3A_165, %dma_start3A_172] : memref<10112x128xf32, #tpu.memory_space<vmem_shared>> -> memref<128x128xf32, #tpu.memory_space<vmem_shared>>
          %dma_start3A_174 = arith.constant 0 : i32
          %dma_start3A_175 = tpu.memref_slice %arg9[%add3A_165, %dma_start3A_174] : memref<10112x128xf32, #tpu.memory_space<vmem_shared>> -> memref<128x128xf32, #tpu.memory_space<vmem_shared>>
          %dma_start3A_176 = arith.constant 0 : i32
          %dma_start3A_177 = arith.constant 0 : i32
          %dma_start3A_178 = tpu.memref_slice %arg8[%run_scoped3A_166, %dma_start3A_176, %dma_start3A_177] : memref<2x128x128xf32, #tpu.memory_space<vmem>> -> memref<1x128x128xf32, #tpu.memory_space<vmem>>
          %dma_start3A_179 = tpu.memref_squeeze %dma_start3A_178 : memref<1x128x128xf32, #tpu.memory_space<vmem>> -> memref<128x128xf32, #tpu.memory_space<vmem>>
          tpu.enqueue_dma source(%dma_start3A_179 : memref<128x128xf32, #tpu.memory_space<vmem>>) target(%dma_start3A_175 : memref<128x128xf32, #tpu.memory_space<vmem_shared>>) target_semaphore(%run_scoped3A_167 : memref<!tpu.dma_semaphore, #tpu.memory_space<semaphore_mem>>)
          %dma_wait3A_180 = arith.constant 0 : i32
          %dma_wait3A_181 = arith.constant 0 : i32
          %dma_wait3A_182 = tpu.memref_slice %arg8[%run_scoped3A_166, %dma_wait3A_180, %dma_wait3A_181] : memref<2x128x128xf32, #tpu.memory_space<vmem>> -> memref<1x128x128xf32, #tpu.memory_space<vmem>>
          %dma_wait3A_183 = tpu.memref_squeeze %dma_wait3A_182 : memref<1x128x128xf32, #tpu.memory_space<vmem>> -> memref<128x128xf32, #tpu.memory_space<vmem>>
          %dma_wait3A_184 = arith.constant 0 : i32
          %dma_wait3A_185 = tpu.memref_slice %arg9[%add3A_165, %dma_wait3A_184] : memref<10112x128xf32, #tpu.memory_space<vmem_shared>> -> memref<128x128xf32, #tpu.memory_space<vmem_shared>>
          %dma_wait3A_186 = arith.constant 0 : i32
          %dma_wait3A_187 = tpu.memref_slice %arg9[%add3A_165, %dma_wait3A_186] : memref<10112x128xf32, #tpu.memory_space<vmem_shared>> -> memref<128x128xf32, #tpu.memory_space<vmem_shared>>
          %dma_wait3A_188 = arith.constant 0 : i32
          %dma_wait3A_189 = arith.constant 0 : i32
          %dma_wait3A_190 = tpu.memref_slice %arg8[%run_scoped3A_166, %dma_wait3A_188, %dma_wait3A_189] : memref<2x128x128xf32, #tpu.memory_space<vmem>> -> memref<1x128x128xf32, #tpu.memory_space<vmem>>
          %dma_wait3A_191 = tpu.memref_squeeze %dma_wait3A_190 : memref<1x128x128xf32, #tpu.memory_space<vmem>> -> memref<128x128xf32, #tpu.memory_space<vmem>>
          tpu.wait_dma2 semaphore(%run_scoped3A_167 : memref<!tpu.dma_semaphore, #tpu.memory_space<semaphore_mem>>) src(%dma_wait3A_191 : memref<128x128xf32, #tpu.memory_space<vmem>>) dst(%dma_wait3A_187 : memref<128x128xf32, #tpu.memory_space<vmem_shared>>)
          tpu.yield
        }) : () -> ()
      }
      %scan3A_10 = arith.constant 4 : i32
      %mul3A = arith.constant 632 : i32
      %mul3A_11 = arith.muli %arg1, %mul3A : i32
      %add3A = arith.constant 512 : i32
      %add3A_12 = arith.addi %mul3A_11, %add3A : i32
      %run_scoped3A = arith.constant 0 : i32
      "tpu.region"() ({
        %run_scoped3A_156 = tpu.sem_alloc : memref<!tpu.dma_semaphore, #tpu.memory_space<semaphore_mem>>
        %dma_start3A_157 = arith.constant 0 : i32
        %dma_start3A_158 = arith.constant 0 : i32
        %dma_start3A_159 = tpu.memref_slice %arg8[%run_scoped3A, %dma_start3A_157, %dma_start3A_158] : memref<2x128x128xf32, #tpu.memory_space<vmem>> -> memref<1x120x128xf32, #tpu.memory_space<vmem>>
        %dma_start3A_160 = tpu.memref_squeeze %dma_start3A_159 : memref<1x120x128xf32, #tpu.memory_space<vmem>> -> memref<120x128xf32, #tpu.memory_space<vmem>>
        %dma_start3A_161 = arith.constant 0 : i32
        %dma_start3A_162 = tpu.memref_slice %arg9[%add3A_12, %dma_start3A_161] : memref<10112x128xf32, #tpu.memory_space<vmem_shared>> -> memref<120x128xf32, #tpu.memory_space<vmem_shared>>
        %dma_start3A_163 = arith.constant 0 : i32
        %dma_start3A_164 = tpu.memref_slice %arg9[%add3A_12, %dma_start3A_163] : memref<10112x128xf32, #tpu.memory_space<vmem_shared>> -> memref<120x128xf32, #tpu.memory_space<vmem_shared>>
        %dma_start3A_165 = arith.constant 0 : i32
        %dma_start3A_166 = arith.constant 0 : i32
        %dma_start3A_167 = tpu.memref_slice %arg8[%run_scoped3A, %dma_start3A_165, %dma_start3A_166] : memref<2x128x128xf32, #tpu.memory_space<vmem>> -> memref<1x120x128xf32, #tpu.memory_space<vmem>>
        %dma_start3A_168 = tpu.memref_squeeze %dma_start3A_167 : memref<1x120x128xf32, #tpu.memory_space<vmem>> -> memref<120x128xf32, #tpu.memory_space<vmem>>
        tpu.enqueue_dma source(%dma_start3A_168 : memref<120x128xf32, #tpu.memory_space<vmem>>) target(%dma_start3A_164 : memref<120x128xf32, #tpu.memory_space<vmem_shared>>) target_semaphore(%run_scoped3A_156 : memref<!tpu.dma_semaphore, #tpu.memory_space<semaphore_mem>>)
        %dma_wait3A_169 = arith.constant 0 : i32
        %dma_wait3A_170 = arith.constant 0 : i32
        %dma_wait3A_171 = tpu.memref_slice %arg8[%run_scoped3A, %dma_wait3A_169, %dma_wait3A_170] : memref<2x128x128xf32, #tpu.memory_space<vmem>> -> memref<1x120x128xf32, #tpu.memory_space<vmem>>
        %dma_wait3A_172 = tpu.memref_squeeze %dma_wait3A_171 : memref<1x120x128xf32, #tpu.memory_space<vmem>> -> memref<120x128xf32, #tpu.memory_space<vmem>>
        %dma_wait3A_173 = arith.constant 0 : i32
        %dma_wait3A_174 = tpu.memref_slice %arg9[%add3A_12, %dma_wait3A_173] : memref<10112x128xf32, #tpu.memory_space<vmem_shared>> -> memref<120x128xf32, #tpu.memory_space<vmem_shared>>
        %dma_wait3A_175 = arith.constant 0 : i32
        %dma_wait3A_176 = tpu.memref_slice %arg9[%add3A_12, %dma_wait3A_175] : memref<10112x128xf32, #tpu.memory_space<vmem_shared>> -> memref<120x128xf32, #tpu.memory_space<vmem_shared>>
        %dma_wait3A_177 = arith.constant 0 : i32
        %dma_wait3A_178 = arith.constant 0 : i32
        %dma_wait3A_179 = tpu.memref_slice %arg8[%run_scoped3A, %dma_wait3A_177, %dma_wait3A_178] : memref<2x128x128xf32, #tpu.memory_space<vmem>> -> memref<1x120x128xf32, #tpu.memory_space<vmem>>
        %dma_wait3A_180 = tpu.memref_squeeze %dma_wait3A_179 : memref<1x120x128xf32, #tpu.memory_space<vmem>> -> memref<120x128xf32, #tpu.memory_space<vmem>>
        tpu.wait_dma2 semaphore(%run_scoped3A_156 : memref<!tpu.dma_semaphore, #tpu.memory_space<semaphore_mem>>) src(%dma_wait3A_180 : memref<120x128xf32, #tpu.memory_space<vmem>>) dst(%dma_wait3A_176 : memref<120x128xf32, #tpu.memory_space<vmem_shared>>)
        tpu.yield
      }) : () -> ()
      %barrier3A = arith.constant 0 : index
      tpu.barrier barrier_id(%barrier3A)
      "tpu.region"() ({
        %run_scoped3A_156 = tpu.sem_alloc : memref<!tpu.dma_semaphore, #tpu.memory_space<semaphore_mem>>
        %dma_start3A_157 = arith.constant 0 : i32
        %dma_start3A_158 = arith.constant 0 : i32
        %dma_start3A_159 = tpu.memref_slice %arg3[%arg1, %dma_start3A_157, %dma_start3A_158] : memref<16x160x128xi32, #tpu.memory_space<hbm>> -> memref<1x40x128xi32, #tpu.memory_space<hbm>>
        %dma_start3A_160 = tpu.memref_squeeze %dma_start3A_159 : memref<1x40x128xi32, #tpu.memory_space<hbm>> -> memref<40x128xi32, #tpu.memory_space<hbm>>
        %dma_start3A_161 = arith.constant 0 : i32
        %dma_start3A_162 = arith.constant 0 : i32
        %dma_start3A_163 = tpu.memref_slice %arg3[%arg1, %dma_start3A_161, %dma_start3A_162] : memref<16x160x128xi32, #tpu.memory_space<hbm>> -> memref<1x40x128xi32, #tpu.memory_space<hbm>>
        %dma_start3A_164 = tpu.memref_squeeze %dma_start3A_163 : memref<1x40x128xi32, #tpu.memory_space<hbm>> -> memref<40x128xi32, #tpu.memory_space<hbm>>
        tpu.enqueue_dma source(%dma_start3A_164 : memref<40x128xi32, #tpu.memory_space<hbm>>) target(%arg6 : memref<40x128xi32, #tpu.memory_space<vmem>>) target_semaphore(%run_scoped3A_156 : memref<!tpu.dma_semaphore, #tpu.memory_space<semaphore_mem>>)
        %dma_wait3A_165 = arith.constant 0 : i32
        %dma_wait3A_166 = arith.constant 0 : i32
        %dma_wait3A_167 = tpu.memref_slice %arg3[%arg1, %dma_wait3A_165, %dma_wait3A_166] : memref<16x160x128xi32, #tpu.memory_space<hbm>> -> memref<1x40x128xi32, #tpu.memory_space<hbm>>
        %dma_wait3A_168 = tpu.memref_squeeze %dma_wait3A_167 : memref<1x40x128xi32, #tpu.memory_space<hbm>> -> memref<40x128xi32, #tpu.memory_space<hbm>>
        %dma_wait3A_169 = arith.constant 0 : i32
        %dma_wait3A_170 = arith.constant 0 : i32
        %dma_wait3A_171 = tpu.memref_slice %arg3[%arg1, %dma_wait3A_169, %dma_wait3A_170] : memref<16x160x128xi32, #tpu.memory_space<hbm>> -> memref<1x40x128xi32, #tpu.memory_space<hbm>>
        %dma_wait3A_172 = tpu.memref_squeeze %dma_wait3A_171 : memref<1x40x128xi32, #tpu.memory_space<hbm>> -> memref<40x128xi32, #tpu.memory_space<hbm>>
        tpu.wait_dma2 semaphore(%run_scoped3A_156 : memref<!tpu.dma_semaphore, #tpu.memory_space<semaphore_mem>>) src(%dma_wait3A_172 : memref<40x128xi32, #tpu.memory_space<hbm>>) dst(%arg6 : memref<40x128xi32, #tpu.memory_space<vmem>>)
        tpu.yield
      }) : () -> ()
      "tpu.region"() ({
        %run_scoped3A_156 = tpu.sem_alloc : memref<!tpu.dma_semaphore, #tpu.memory_space<semaphore_mem>>
        %dma_start3A_157 = arith.constant 0 : i32
        %dma_start3A_158 = arith.constant 0 : i32
        %dma_start3A_159 = tpu.memref_slice %arg4[%arg1, %dma_start3A_157, %dma_start3A_158] : memref<16x160x128xi32, #tpu.memory_space<hbm>> -> memref<1x40x128xi32, #tpu.memory_space<hbm>>
        %dma_start3A_160 = tpu.memref_squeeze %dma_start3A_159 : memref<1x40x128xi32, #tpu.memory_space<hbm>> -> memref<40x128xi32, #tpu.memory_space<hbm>>
        %dma_start3A_161 = arith.constant 0 : i32
        %dma_start3A_162 = arith.constant 0 : i32
        %dma_start3A_163 = tpu.memref_slice %arg4[%arg1, %dma_start3A_161, %dma_start3A_162] : memref<16x160x128xi32, #tpu.memory_space<hbm>> -> memref<1x40x128xi32, #tpu.memory_space<hbm>>
        %dma_start3A_164 = tpu.memref_squeeze %dma_start3A_163 : memref<1x40x128xi32, #tpu.memory_space<hbm>> -> memref<40x128xi32, #tpu.memory_space<hbm>>
        tpu.enqueue_dma source(%dma_start3A_164 : memref<40x128xi32, #tpu.memory_space<hbm>>) target(%arg7 : memref<40x128xi32, #tpu.memory_space<vmem>>) target_semaphore(%run_scoped3A_156 : memref<!tpu.dma_semaphore, #tpu.memory_space<semaphore_mem>>)
        %dma_wait3A_165 = arith.constant 0 : i32
        %dma_wait3A_166 = arith.constant 0 : i32
        %dma_wait3A_167 = tpu.memref_slice %arg4[%arg1, %dma_wait3A_165, %dma_wait3A_166] : memref<16x160x128xi32, #tpu.memory_space<hbm>> -> memref<1x40x128xi32, #tpu.memory_space<hbm>>
        %dma_wait3A_168 = tpu.memref_squeeze %dma_wait3A_167 : memref<1x40x128xi32, #tpu.memory_space<hbm>> -> memref<40x128xi32, #tpu.memory_space<hbm>>
        %dma_wait3A_169 = arith.constant 0 : i32
        %dma_wait3A_170 = arith.constant 0 : i32
        %dma_wait3A_171 = tpu.memref_slice %arg4[%arg1, %dma_wait3A_169, %dma_wait3A_170] : memref<16x160x128xi32, #tpu.memory_space<hbm>> -> memref<1x40x128xi32, #tpu.memory_space<hbm>>
        %dma_wait3A_172 = tpu.memref_squeeze %dma_wait3A_171 : memref<1x40x128xi32, #tpu.memory_space<hbm>> -> memref<40x128xi32, #tpu.memory_space<hbm>>
        tpu.wait_dma2 semaphore(%run_scoped3A_156 : memref<!tpu.dma_semaphore, #tpu.memory_space<semaphore_mem>>) src(%dma_wait3A_172 : memref<40x128xi32, #tpu.memory_space<hbm>>) dst(%arg7 : memref<40x128xi32, #tpu.memory_space<vmem>>)
        tpu.yield
      }) : () -> ()
      %run_scoped3A_13 = arith.constant 0 : i32
      %run_scoped3A_14 = arith.constant 0 : i32
      "tpu.region"() ({
        %run_scoped3A_156 = tpu.sem_alloc : memref<!tpu.dma_semaphore, #tpu.memory_space<semaphore_mem>>
        %dma_start3A_157 = arith.constant 0 : i32
        %dma_start3A_158 = arith.constant 0 : i32
        %dma_start3A_159 = tpu.memref_slice %arg8[%run_scoped3A_14, %dma_start3A_157, %dma_start3A_158] : memref<2x128x128xf32, #tpu.memory_space<vmem>> -> memref<1x128x128xf32, #tpu.memory_space<vmem>>
        %dma_start3A_160 = tpu.memref_squeeze %dma_start3A_159 : memref<1x128x128xf32, #tpu.memory_space<vmem>> -> memref<128x128xf32, #tpu.memory_space<vmem>>
        %dma_start3A_161 = arith.constant 0 : i32
        %dma_start3A_162 = tpu.memref_slice %arg6[%run_scoped3A_13, %dma_start3A_161] : memref<40x128xi32, #tpu.memory_space<vmem>> -> memref<1x128xi32, #tpu.memory_space<vmem>>
        %dma_start3A_163 = tpu.memref_squeeze %dma_start3A_162 : memref<1x128xi32, #tpu.memory_space<vmem>> -> memref<128xi32, #tpu.memory_space<vmem>>
        %dma_start3A_164 = arith.constant 0 : i32
        %dma_start3A_165 = arith.constant 0 : i32
        %dma_start3A_166 = tpu.memref_slice %arg2[%dma_start3A_164, %dma_start3A_165] : memref<10000x128xf32, #tpu.memory_space<hbm>> -> memref<10000x128xf32, #tpu.memory_space<hbm>>
        tpu.enqueue_indirect_dma source(%dma_start3A_166 : memref<10000x128xf32, #tpu.memory_space<hbm>>) target(%dma_start3A_160 : memref<128x128xf32, #tpu.memory_space<vmem>>) offsets(%dma_start3A_163 : memref<128xi32, #tpu.memory_space<vmem>>) semaphore(%run_scoped3A_156 : memref<!tpu.dma_semaphore, #tpu.memory_space<semaphore_mem>>)
        %dma_wait3A_167 = arith.constant 0 : i32
        %dma_wait3A_168 = arith.constant 0 : i32
        %dma_wait3A_169 = tpu.memref_slice %arg8[%run_scoped3A_14, %dma_wait3A_167, %dma_wait3A_168] : memref<2x128x128xf32, #tpu.memory_space<vmem>> -> memref<1x128x128xf32, #tpu.memory_space<vmem>>
        %dma_wait3A_170 = tpu.memref_squeeze %dma_wait3A_169 : memref<1x128x128xf32, #tpu.memory_space<vmem>> -> memref<128x128xf32, #tpu.memory_space<vmem>>
        %dma_wait3A_171 = arith.constant 0 : i32
        %dma_wait3A_172 = tpu.memref_slice %arg6[%run_scoped3A_13, %dma_wait3A_171] : memref<40x128xi32, #tpu.memory_space<vmem>> -> memref<1x128xi32, #tpu.memory_space<vmem>>
        %dma_wait3A_173 = tpu.memref_squeeze %dma_wait3A_172 : memref<1x128xi32, #tpu.memory_space<vmem>> -> memref<128xi32, #tpu.memory_space<vmem>>
        %dma_wait3A_174 = arith.constant 0 : i32
        %dma_wait3A_175 = arith.constant 0 : i32
        %dma_wait3A_176 = tpu.memref_slice %arg2[%dma_wait3A_174, %dma_wait3A_175] : memref<10000x128xf32, #tpu.memory_space<hbm>> -> memref<10000x128xf32, #tpu.memory_space<hbm>>
        tpu.wait_indirect_dma semaphore(%run_scoped3A_156 : memref<!tpu.dma_semaphore, #tpu.memory_space<semaphore_mem>>) src(%dma_wait3A_176 : memref<10000x128xf32, #tpu.memory_space<hbm>>) dst(%dma_wait3A_170 : memref<128x128xf32, #tpu.memory_space<vmem>>)
        tpu.yield
      }) : () -> ()
      %scan3A_15 = arith.constant 0 : i32
      %scan3A_16 = arith.constant 19 : i32
      %scan3A_17 = arith.addi %scan3A_15, %scan3A_16 : i32
      %scan3A_18 = arith.constant 1 : i32
      scf.for %scan3A_156 = %scan3A_15 to %scan3A_17 step %scan3A_18  : i32 {
        %mul3A_157 = arith.constant 2 : i32
        %mul3A_158 = arith.muli %scan3A_156, %mul3A_157 : i32
        %add3A_159 = arith.constant 0 : i32
        %add3A_160 = arith.addi %add3A_159, %mul3A_158 : i32
        %add3A_161 = arith.constant 0 : i32
        %add3A_162 = arith.addi %add3A_160, %add3A_161 : i32
        %add3A_163 = arith.constant 1 : i32
        %add3A_164 = arith.addi %add3A_162, %add3A_163 : i32
        %dma_start3A_165 = arith.constant 1 : i32
        %dma_start3A_166 = arith.constant 0 : i32
        %dma_start3A_167 = arith.constant 0 : i32
        %dma_start3A_168 = tpu.memref_slice %arg8[%dma_start3A_165, %dma_start3A_166, %dma_start3A_167] : memref<2x128x128xf32, #tpu.memory_space<vmem>> -> memref<1x128x128xf32, #tpu.memory_space<vmem>>
        %dma_start3A_169 = tpu.memref_squeeze %dma_start3A_168 : memref<1x128x128xf32, #tpu.memory_space<vmem>> -> memref<128x128xf32, #tpu.memory_space<vmem>>
        %dma_start3A_170 = arith.constant 0 : i32
        %dma_start3A_171 = tpu.memref_slice %arg6[%add3A_164, %dma_start3A_170] : memref<40x128xi32, #tpu.memory_space<vmem>> -> memref<1x128xi32, #tpu.memory_space<vmem>>
        %dma_start3A_172 = tpu.memref_squeeze %dma_start3A_171 : memref<1x128xi32, #tpu.memory_space<vmem>> -> memref<128xi32, #tpu.memory_space<vmem>>
        %dma_start3A_173 = arith.constant 0 : i32
        %dma_start3A_174 = arith.constant 0 : i32
        %dma_start3A_175 = tpu.memref_slice %arg2[%dma_start3A_173, %dma_start3A_174] : memref<10000x128xf32, #tpu.memory_space<hbm>> -> memref<10000x128xf32, #tpu.memory_space<hbm>>
        tpu.enqueue_indirect_dma source(%dma_start3A_175 : memref<10000x128xf32, #tpu.memory_space<hbm>>) target(%dma_start3A_169 : memref<128x128xf32, #tpu.memory_space<vmem>>) offsets(%dma_start3A_172 : memref<128xi32, #tpu.memory_space<vmem>>) semaphore(%arg10 : memref<!tpu.dma_semaphore, #tpu.memory_space<semaphore_mem>>)
        %run_scoped3A_176 = arith.constant 0 : i32
        "tpu.region"() ({
          %run_scoped3A_215 = tpu.sem_alloc : memref<!tpu.dma_semaphore, #tpu.memory_space<semaphore_mem>>
          %dma_start3A_216 = arith.constant 0 : i32
          %dma_start3A_217 = arith.constant 0 : i32
          %dma_start3A_218 = tpu.memref_slice %arg8[%run_scoped3A_176, %dma_start3A_216, %dma_start3A_217] : memref<2x128x128xf32, #tpu.memory_space<vmem>> -> memref<1x128x128xf32, #tpu.memory_space<vmem>>
          %dma_start3A_219 = tpu.memref_squeeze %dma_start3A_218 : memref<1x128x128xf32, #tpu.memory_space<vmem>> -> memref<128x128xf32, #tpu.memory_space<vmem>>
          %dma_start3A_220 = arith.constant 0 : i32
          %dma_start3A_221 = tpu.memref_slice %arg7[%add3A_162, %dma_start3A_220] : memref<40x128xi32, #tpu.memory_space<vmem>> -> memref<1x128xi32, #tpu.memory_space<vmem>>
          %dma_start3A_222 = tpu.memref_squeeze %dma_start3A_221 : memref<1x128xi32, #tpu.memory_space<vmem>> -> memref<128xi32, #tpu.memory_space<vmem>>
          %dma_start3A_223 = arith.constant 0 : i32
          %dma_start3A_224 = arith.constant 0 : i32
          %dma_start3A_225 = tpu.memref_slice %arg9[%dma_start3A_223, %dma_start3A_224] : memref<10112x128xf32, #tpu.memory_space<vmem_shared>> -> memref<10112x128xf32, #tpu.memory_space<vmem_shared>>
          tpu.enqueue_indirect_dma source(%dma_start3A_219 : memref<128x128xf32, #tpu.memory_space<vmem>>) target(%dma_start3A_225 : memref<10112x128xf32, #tpu.memory_space<vmem_shared>>) offsets(%dma_start3A_222 : memref<128xi32, #tpu.memory_space<vmem>>) semaphore(%run_scoped3A_215 : memref<!tpu.dma_semaphore, #tpu.memory_space<semaphore_mem>>) {add = true}
          %dma_wait3A_226 = arith.constant 0 : i32
          %dma_wait3A_227 = arith.constant 0 : i32
          %dma_wait3A_228 = tpu.memref_slice %arg8[%run_scoped3A_176, %dma_wait3A_226, %dma_wait3A_227] : memref<2x128x128xf32, #tpu.memory_space<vmem>> -> memref<1x128x128xf32, #tpu.memory_space<vmem>>
          %dma_wait3A_229 = tpu.memref_squeeze %dma_wait3A_228 : memref<1x128x128xf32, #tpu.memory_space<vmem>> -> memref<128x128xf32, #tpu.memory_space<vmem>>
          %dma_wait3A_230 = arith.constant 0 : i32
          %dma_wait3A_231 = tpu.memref_slice %arg7[%add3A_162, %dma_wait3A_230] : memref<40x128xi32, #tpu.memory_space<vmem>> -> memref<1x128xi32, #tpu.memory_space<vmem>>
          %dma_wait3A_232 = tpu.memref_squeeze %dma_wait3A_231 : memref<1x128xi32, #tpu.memory_space<vmem>> -> memref<128xi32, #tpu.memory_space<vmem>>
          %dma_wait3A_233 = arith.constant 0 : i32
          %dma_wait3A_234 = arith.constant 0 : i32
          %dma_wait3A_235 = tpu.memref_slice %arg9[%dma_wait3A_233, %dma_wait3A_234] : memref<10112x128xf32, #tpu.memory_space<vmem_shared>> -> memref<10112x128xf32, #tpu.memory_space<vmem_shared>>
          tpu.wait_indirect_dma semaphore(%run_scoped3A_215 : memref<!tpu.dma_semaphore, #tpu.memory_space<semaphore_mem>>) src(%dma_wait3A_229 : memref<128x128xf32, #tpu.memory_space<vmem>>) dst(%dma_wait3A_235 : memref<10112x128xf32, #tpu.memory_space<vmem_shared>>)
          tpu.yield
        }) : () -> ()
        %dma_wait3A_177 = arith.constant 1 : i32
        %dma_wait3A_178 = arith.constant 0 : i32
        %dma_wait3A_179 = arith.constant 0 : i32
        %dma_wait3A_180 = tpu.memref_slice %arg8[%dma_wait3A_177, %dma_wait3A_178, %dma_wait3A_179] : memref<2x128x128xf32, #tpu.memory_space<vmem>> -> memref<1x128x128xf32, #tpu.memory_space<vmem>>
        %dma_wait3A_181 = tpu.memref_squeeze %dma_wait3A_180 : memref<1x128x128xf32, #tpu.memory_space<vmem>> -> memref<128x128xf32, #tpu.memory_space<vmem>>
        %dma_wait3A_182 = arith.constant 0 : i32
        %dma_wait3A_183 = tpu.memref_slice %arg6[%add3A_164, %dma_wait3A_182] : memref<40x128xi32, #tpu.memory_space<vmem>> -> memref<1x128xi32, #tpu.memory_space<vmem>>
        %dma_wait3A_184 = tpu.memref_squeeze %dma_wait3A_183 : memref<1x128xi32, #tpu.memory_space<vmem>> -> memref<128xi32, #tpu.memory_space<vmem>>
        %dma_wait3A_185 = arith.constant 0 : i32
        %dma_wait3A_186 = arith.constant 0 : i32
        %dma_wait3A_187 = tpu.memref_slice %arg2[%dma_wait3A_185, %dma_wait3A_186] : memref<10000x128xf32, #tpu.memory_space<hbm>> -> memref<10000x128xf32, #tpu.memory_space<hbm>>
        tpu.wait_indirect_dma semaphore(%arg10 : memref<!tpu.dma_semaphore, #tpu.memory_space<semaphore_mem>>) src(%dma_wait3A_187 : memref<10000x128xf32, #tpu.memory_space<hbm>>) dst(%dma_wait3A_181 : memref<128x128xf32, #tpu.memory_space<vmem>>)
        %add3A_188 = arith.constant 1 : i32
        %add3A_189 = arith.addi %add3A_160, %add3A_188 : i32
        %add3A_190 = arith.constant 1 : i32
        %add3A_191 = arith.addi %add3A_189, %add3A_190 : i32
        %dma_start3A_192 = arith.constant 0 : i32
        %dma_start3A_193 = arith.constant 0 : i32
        %dma_start3A_194 = arith.constant 0 : i32
        %dma_start3A_195 = tpu.memref_slice %arg8[%dma_start3A_192, %dma_start3A_193, %dma_start3A_194] : memref<2x128x128xf32, #tpu.memory_space<vmem>> -> memref<1x128x128xf32, #tpu.memory_space<vmem>>
        %dma_start3A_196 = tpu.memref_squeeze %dma_start3A_195 : memref<1x128x128xf32, #tpu.memory_space<vmem>> -> memref<128x128xf32, #tpu.memory_space<vmem>>
        %dma_start3A_197 = arith.constant 0 : i32
        %dma_start3A_198 = tpu.memref_slice %arg6[%add3A_191, %dma_start3A_197] : memref<40x128xi32, #tpu.memory_space<vmem>> -> memref<1x128xi32, #tpu.memory_space<vmem>>
        %dma_start3A_199 = tpu.memref_squeeze %dma_start3A_198 : memref<1x128xi32, #tpu.memory_space<vmem>> -> memref<128xi32, #tpu.memory_space<vmem>>
        %dma_start3A_200 = arith.constant 0 : i32
        %dma_start3A_201 = arith.constant 0 : i32
        %dma_start3A_202 = tpu.memref_slice %arg2[%dma_start3A_200, %dma_start3A_201] : memref<10000x128xf32, #tpu.memory_space<hbm>> -> memref<10000x128xf32, #tpu.memory_space<hbm>>
        tpu.enqueue_indirect_dma source(%dma_start3A_202 : memref<10000x128xf32, #tpu.memory_space<hbm>>) target(%dma_start3A_196 : memref<128x128xf32, #tpu.memory_space<vmem>>) offsets(%dma_start3A_199 : memref<128xi32, #tpu.memory_space<vmem>>) semaphore(%arg10 : memref<!tpu.dma_semaphore, #tpu.memory_space<semaphore_mem>>)
        %run_scoped3A_203 = arith.constant 1 : i32
        "tpu.region"() ({
          %run_scoped3A_215 = tpu.sem_alloc : memref<!tpu.dma_semaphore, #tpu.memory_space<semaphore_mem>>
          %dma_start3A_216 = arith.constant 0 : i32
          %dma_start3A_217 = arith.constant 0 : i32
          %dma_start3A_218 = tpu.memref_slice %arg8[%run_scoped3A_203, %dma_start3A_216, %dma_start3A_217] : memref<2x128x128xf32, #tpu.memory_space<vmem>> -> memref<1x128x128xf32, #tpu.memory_space<vmem>>
          %dma_start3A_219 = tpu.memref_squeeze %dma_start3A_218 : memref<1x128x128xf32, #tpu.memory_space<vmem>> -> memref<128x128xf32, #tpu.memory_space<vmem>>
          %dma_start3A_220 = arith.constant 0 : i32
          %dma_start3A_221 = tpu.memref_slice %arg7[%add3A_189, %dma_start3A_220] : memref<40x128xi32, #tpu.memory_space<vmem>> -> memref<1x128xi32, #tpu.memory_space<vmem>>
          %dma_start3A_222 = tpu.memref_squeeze %dma_start3A_221 : memref<1x128xi32, #tpu.memory_space<vmem>> -> memref<128xi32, #tpu.memory_space<vmem>>
          %dma_start3A_223 = arith.constant 0 : i32
          %dma_start3A_224 = arith.constant 0 : i32
          %dma_start3A_225 = tpu.memref_slice %arg9[%dma_start3A_223, %dma_start3A_224] : memref<10112x128xf32, #tpu.memory_space<vmem_shared>> -> memref<10112x128xf32, #tpu.memory_space<vmem_shared>>
          tpu.enqueue_indirect_dma source(%dma_start3A_219 : memref<128x128xf32, #tpu.memory_space<vmem>>) target(%dma_start3A_225 : memref<10112x128xf32, #tpu.memory_space<vmem_shared>>) offsets(%dma_start3A_222 : memref<128xi32, #tpu.memory_space<vmem>>) semaphore(%run_scoped3A_215 : memref<!tpu.dma_semaphore, #tpu.memory_space<semaphore_mem>>) {add = true}
          %dma_wait3A_226 = arith.constant 0 : i32
          %dma_wait3A_227 = arith.constant 0 : i32
          %dma_wait3A_228 = tpu.memref_slice %arg8[%run_scoped3A_203, %dma_wait3A_226, %dma_wait3A_227] : memref<2x128x128xf32, #tpu.memory_space<vmem>> -> memref<1x128x128xf32, #tpu.memory_space<vmem>>
          %dma_wait3A_229 = tpu.memref_squeeze %dma_wait3A_228 : memref<1x128x128xf32, #tpu.memory_space<vmem>> -> memref<128x128xf32, #tpu.memory_space<vmem>>
          %dma_wait3A_230 = arith.constant 0 : i32
          %dma_wait3A_231 = tpu.memref_slice %arg7[%add3A_189, %dma_wait3A_230] : memref<40x128xi32, #tpu.memory_space<vmem>> -> memref<1x128xi32, #tpu.memory_space<vmem>>
          %dma_wait3A_232 = tpu.memref_squeeze %dma_wait3A_231 : memref<1x128xi32, #tpu.memory_space<vmem>> -> memref<128xi32, #tpu.memory_space<vmem>>
          %dma_wait3A_233 = arith.constant 0 : i32
          %dma_wait3A_234 = arith.constant 0 : i32
          %dma_wait3A_235 = tpu.memref_slice %arg9[%dma_wait3A_233, %dma_wait3A_234] : memref<10112x128xf32, #tpu.memory_space<vmem_shared>> -> memref<10112x128xf32, #tpu.memory_space<vmem_shared>>
          tpu.wait_indirect_dma semaphore(%run_scoped3A_215 : memref<!tpu.dma_semaphore, #tpu.memory_space<semaphore_mem>>) src(%dma_wait3A_229 : memref<128x128xf32, #tpu.memory_space<vmem>>) dst(%dma_wait3A_235 : memref<10112x128xf32, #tpu.memory_space<vmem_shared>>)
          tpu.yield
        }) : () -> ()
        %dma_wait3A_204 = arith.constant 0 : i32
        %dma_wait3A_205 = arith.constant 0 : i32
        %dma_wait3A_206 = arith.constant 0 : i32
        %dma_wait3A_207 = tpu.memref_slice %arg8[%dma_wait3A_204, %dma_wait3A_205, %dma_wait3A_206] : memref<2x128x128xf32, #tpu.memory_space<vmem>> -> memref<1x128x128xf32, #tpu.memory_space<vmem>>
        %dma_wait3A_208 = tpu.memref_squeeze %dma_wait3A_207 : memref<1x128x128xf32, #tpu.memory_space<vmem>> -> memref<128x128xf32, #tpu.memory_space<vmem>>
        %dma_wait3A_209 = arith.constant 0 : i32
        %dma_wait3A_210 = tpu.memref_slice %arg6[%add3A_191, %dma_wait3A_209] : memref<40x128xi32, #tpu.memory_space<vmem>> -> memref<1x128xi32, #tpu.memory_space<vmem>>
        %dma_wait3A_211 = tpu.memref_squeeze %dma_wait3A_210 : memref<1x128xi32, #tpu.memory_space<vmem>> -> memref<128xi32, #tpu.memory_space<vmem>>
        %dma_wait3A_212 = arith.constant 0 : i32
        %dma_wait3A_213 = arith.constant 0 : i32
        %dma_wait3A_214 = tpu.memref_slice %arg2[%dma_wait3A_212, %dma_wait3A_213] : memref<10000x128xf32, #tpu.memory_space<hbm>> -> memref<10000x128xf32, #tpu.memory_space<hbm>>
        tpu.wait_indirect_dma semaphore(%arg10 : memref<!tpu.dma_semaphore, #tpu.memory_space<semaphore_mem>>) src(%dma_wait3A_214 : memref<10000x128xf32, #tpu.memory_space<hbm>>) dst(%dma_wait3A_208 : memref<128x128xf32, #tpu.memory_space<vmem>>)
      }
      %scan3A_19 = arith.constant 19 : i32
      %dma_start3A = arith.constant 39 : i32
      %dma_start3A_20 = arith.constant 1 : i32
      %dma_start3A_21 = arith.constant 0 : i32
      %dma_start3A_22 = arith.constant 0 : i32
      %dma_start3A_23 = tpu.memref_slice %arg8[%dma_start3A_20, %dma_start3A_21, %dma_start3A_22] : memref<2x128x128xf32, #tpu.memory_space<vmem>> -> memref<1x128x128xf32, #tpu.memory_space<vmem>>
      %dma_start3A_24 = tpu.memref_squeeze %dma_start3A_23 : memref<1x128x128xf32, #tpu.memory_space<vmem>> -> memref<128x128xf32, #tpu.memory_space<vmem>>
      %dma_start3A_25 = arith.constant 0 : i32
      %dma_start3A_26 = tpu.memref_slice %arg6[%dma_start3A, %dma_start3A_25] : memref<40x128xi32, #tpu.memory_space<vmem>> -> memref<1x128xi32, #tpu.memory_space<vmem>>
      %dma_start3A_27 = tpu.memref_squeeze %dma_start3A_26 : memref<1x128xi32, #tpu.memory_space<vmem>> -> memref<128xi32, #tpu.memory_space<vmem>>
      %dma_start3A_28 = arith.constant 0 : i32
      %dma_start3A_29 = arith.constant 0 : i32
      %dma_start3A_30 = tpu.memref_slice %arg2[%dma_start3A_28, %dma_start3A_29] : memref<10000x128xf32, #tpu.memory_space<hbm>> -> memref<10000x128xf32, #tpu.memory_space<hbm>>
      tpu.enqueue_indirect_dma source(%dma_start3A_30 : memref<10000x128xf32, #tpu.memory_space<hbm>>) target(%dma_start3A_24 : memref<128x128xf32, #tpu.memory_space<vmem>>) offsets(%dma_start3A_27 : memref<128xi32, #tpu.memory_space<vmem>>) semaphore(%arg10 : memref<!tpu.dma_semaphore, #tpu.memory_space<semaphore_mem>>)
      %run_scoped3A_31 = arith.constant 0 : i32
      %run_scoped3A_32 = arith.constant 38 : i32
      "tpu.region"() ({
        %run_scoped3A_156 = tpu.sem_alloc : memref<!tpu.dma_semaphore, #tpu.memory_space<semaphore_mem>>
        %dma_start3A_157 = arith.constant 0 : i32
        %dma_start3A_158 = arith.constant 0 : i32
        %dma_start3A_159 = tpu.memref_slice %arg8[%run_scoped3A_31, %dma_start3A_157, %dma_start3A_158] : memref<2x128x128xf32, #tpu.memory_space<vmem>> -> memref<1x128x128xf32, #tpu.memory_space<vmem>>
        %dma_start3A_160 = tpu.memref_squeeze %dma_start3A_159 : memref<1x128x128xf32, #tpu.memory_space<vmem>> -> memref<128x128xf32, #tpu.memory_space<vmem>>
        %dma_start3A_161 = arith.constant 0 : i32
        %dma_start3A_162 = tpu.memref_slice %arg7[%run_scoped3A_32, %dma_start3A_161] : memref<40x128xi32, #tpu.memory_space<vmem>> -> memref<1x128xi32, #tpu.memory_space<vmem>>
        %dma_start3A_163 = tpu.memref_squeeze %dma_start3A_162 : memref<1x128xi32, #tpu.memory_space<vmem>> -> memref<128xi32, #tpu.memory_space<vmem>>
        %dma_start3A_164 = arith.constant 0 : i32
        %dma_start3A_165 = arith.constant 0 : i32
        %dma_start3A_166 = tpu.memref_slice %arg9[%dma_start3A_164, %dma_start3A_165] : memref<10112x128xf32, #tpu.memory_space<vmem_shared>> -> memref<10112x128xf32, #tpu.memory_space<vmem_shared>>
        tpu.enqueue_indirect_dma source(%dma_start3A_160 : memref<128x128xf32, #tpu.memory_space<vmem>>) target(%dma_start3A_166 : memref<10112x128xf32, #tpu.memory_space<vmem_shared>>) offsets(%dma_start3A_163 : memref<128xi32, #tpu.memory_space<vmem>>) semaphore(%run_scoped3A_156 : memref<!tpu.dma_semaphore, #tpu.memory_space<semaphore_mem>>) {add = true}
        %dma_wait3A_167 = arith.constant 0 : i32
        %dma_wait3A_168 = arith.constant 0 : i32
        %dma_wait3A_169 = tpu.memref_slice %arg8[%run_scoped3A_31, %dma_wait3A_167, %dma_wait3A_168] : memref<2x128x128xf32, #tpu.memory_space<vmem>> -> memref<1x128x128xf32, #tpu.memory_space<vmem>>
        %dma_wait3A_170 = tpu.memref_squeeze %dma_wait3A_169 : memref<1x128x128xf32, #tpu.memory_space<vmem>> -> memref<128x128xf32, #tpu.memory_space<vmem>>
        %dma_wait3A_171 = arith.constant 0 : i32
        %dma_wait3A_172 = tpu.memref_slice %arg7[%run_scoped3A_32, %dma_wait3A_171] : memref<40x128xi32, #tpu.memory_space<vmem>> -> memref<1x128xi32, #tpu.memory_space<vmem>>
        %dma_wait3A_173 = tpu.memref_squeeze %dma_wait3A_172 : memref<1x128xi32, #tpu.memory_space<vmem>> -> memref<128xi32, #tpu.memory_space<vmem>>
        %dma_wait3A_174 = arith.constant 0 : i32
        %dma_wait3A_175 = arith.constant 0 : i32
        %dma_wait3A_176 = tpu.memref_slice %arg9[%dma_wait3A_174, %dma_wait3A_175] : memref<10112x128xf32, #tpu.memory_space<vmem_shared>> -> memref<10112x128xf32, #tpu.memory_space<vmem_shared>>
        tpu.wait_indirect_dma semaphore(%run_scoped3A_156 : memref<!tpu.dma_semaphore, #tpu.memory_space<semaphore_mem>>) src(%dma_wait3A_170 : memref<128x128xf32, #tpu.memory_space<vmem>>) dst(%dma_wait3A_176 : memref<10112x128xf32, #tpu.memory_space<vmem_shared>>)
        tpu.yield
      }) : () -> ()
      %dma_wait3A = arith.constant 39 : i32
      %dma_wait3A_33 = arith.constant 1 : i32
      %dma_wait3A_34 = arith.constant 0 : i32
      %dma_wait3A_35 = arith.constant 0 : i32
      %dma_wait3A_36 = tpu.memref_slice %arg8[%dma_wait3A_33, %dma_wait3A_34, %dma_wait3A_35] : memref<2x128x128xf32, #tpu.memory_space<vmem>> -> memref<1x128x128xf32, #tpu.memory_space<vmem>>
      %dma_wait3A_37 = tpu.memref_squeeze %dma_wait3A_36 : memref<1x128x128xf32, #tpu.memory_space<vmem>> -> memref<128x128xf32, #tpu.memory_space<vmem>>
      %dma_wait3A_38 = arith.constant 0 : i32
      %dma_wait3A_39 = tpu.memref_slice %arg6[%dma_wait3A, %dma_wait3A_38] : memref<40x128xi32, #tpu.memory_space<vmem>> -> memref<1x128xi32, #tpu.memory_space<vmem>>
      %dma_wait3A_40 = tpu.memref_squeeze %dma_wait3A_39 : memref<1x128xi32, #tpu.memory_space<vmem>> -> memref<128xi32, #tpu.memory_space<vmem>>
      %dma_wait3A_41 = arith.constant 0 : i32
      %dma_wait3A_42 = arith.constant 0 : i32
      %dma_wait3A_43 = tpu.memref_slice %arg2[%dma_wait3A_41, %dma_wait3A_42] : memref<10000x128xf32, #tpu.memory_space<hbm>> -> memref<10000x128xf32, #tpu.memory_space<hbm>>
      tpu.wait_indirect_dma semaphore(%arg10 : memref<!tpu.dma_semaphore, #tpu.memory_space<semaphore_mem>>) src(%dma_wait3A_43 : memref<10000x128xf32, #tpu.memory_space<hbm>>) dst(%dma_wait3A_37 : memref<128x128xf32, #tpu.memory_space<vmem>>)
      %run_scoped3A_44 = arith.constant 1 : i32
      %run_scoped3A_45 = arith.constant 39 : i32
      "tpu.region"() ({
        %run_scoped3A_156 = tpu.sem_alloc : memref<!tpu.dma_semaphore, #tpu.memory_space<semaphore_mem>>
        %dma_start3A_157 = arith.constant 0 : i32
        %dma_start3A_158 = arith.constant 0 : i32
        %dma_start3A_159 = tpu.memref_slice %arg8[%run_scoped3A_44, %dma_start3A_157, %dma_start3A_158] : memref<2x128x128xf32, #tpu.memory_space<vmem>> -> memref<1x128x128xf32, #tpu.memory_space<vmem>>
        %dma_start3A_160 = tpu.memref_squeeze %dma_start3A_159 : memref<1x128x128xf32, #tpu.memory_space<vmem>> -> memref<128x128xf32, #tpu.memory_space<vmem>>
        %dma_start3A_161 = arith.constant 0 : i32
        %dma_start3A_162 = tpu.memref_slice %arg7[%run_scoped3A_45, %dma_start3A_161] : memref<40x128xi32, #tpu.memory_space<vmem>> -> memref<1x128xi32, #tpu.memory_space<vmem>>
        %dma_start3A_163 = tpu.memref_squeeze %dma_start3A_162 : memref<1x128xi32, #tpu.memory_space<vmem>> -> memref<128xi32, #tpu.memory_space<vmem>>
        %dma_start3A_164 = arith.constant 0 : i32
        %dma_start3A_165 = arith.constant 0 : i32
        %dma_start3A_166 = tpu.memref_slice %arg9[%dma_start3A_164, %dma_start3A_165] : memref<10112x128xf32, #tpu.memory_space<vmem_shared>> -> memref<10112x128xf32, #tpu.memory_space<vmem_shared>>
        tpu.enqueue_indirect_dma source(%dma_start3A_160 : memref<128x128xf32, #tpu.memory_space<vmem>>) target(%dma_start3A_166 : memref<10112x128xf32, #tpu.memory_space<vmem_shared>>) offsets(%dma_start3A_163 : memref<128xi32, #tpu.memory_space<vmem>>) semaphore(%run_scoped3A_156 : memref<!tpu.dma_semaphore, #tpu.memory_space<semaphore_mem>>) {add = true}
        %dma_wait3A_167 = arith.constant 0 : i32
        %dma_wait3A_168 = arith.constant 0 : i32
        %dma_wait3A_169 = tpu.memref_slice %arg8[%run_scoped3A_44, %dma_wait3A_167, %dma_wait3A_168] : memref<2x128x128xf32, #tpu.memory_space<vmem>> -> memref<1x128x128xf32, #tpu.memory_space<vmem>>
        %dma_wait3A_170 = tpu.memref_squeeze %dma_wait3A_169 : memref<1x128x128xf32, #tpu.memory_space<vmem>> -> memref<128x128xf32, #tpu.memory_space<vmem>>
        %dma_wait3A_171 = arith.constant 0 : i32
        %dma_wait3A_172 = tpu.memref_slice %arg7[%run_scoped3A_45, %dma_wait3A_171] : memref<40x128xi32, #tpu.memory_space<vmem>> -> memref<1x128xi32, #tpu.memory_space<vmem>>
        %dma_wait3A_173 = tpu.memref_squeeze %dma_wait3A_172 : memref<1x128xi32, #tpu.memory_space<vmem>> -> memref<128xi32, #tpu.memory_space<vmem>>
        %dma_wait3A_174 = arith.constant 0 : i32
        %dma_wait3A_175 = arith.constant 0 : i32
        %dma_wait3A_176 = tpu.memref_slice %arg9[%dma_wait3A_174, %dma_wait3A_175] : memref<10112x128xf32, #tpu.memory_space<vmem_shared>> -> memref<10112x128xf32, #tpu.memory_space<vmem_shared>>
        tpu.wait_indirect_dma semaphore(%run_scoped3A_156 : memref<!tpu.dma_semaphore, #tpu.memory_space<semaphore_mem>>) src(%dma_wait3A_170 : memref<128x128xf32, #tpu.memory_space<vmem>>) dst(%dma_wait3A_176 : memref<10112x128xf32, #tpu.memory_space<vmem_shared>>)
        tpu.yield
      }) : () -> ()
      "tpu.region"() ({
        %run_scoped3A_156 = tpu.sem_alloc : memref<!tpu.dma_semaphore, #tpu.memory_space<semaphore_mem>>
        %dma_start3A_157 = arith.constant 40 : i32
        %dma_start3A_158 = arith.constant 0 : i32
        %dma_start3A_159 = tpu.memref_slice %arg3[%arg1, %dma_start3A_157, %dma_start3A_158] : memref<16x160x128xi32, #tpu.memory_space<hbm>> -> memref<1x40x128xi32, #tpu.memory_space<hbm>>
        %dma_start3A_160 = tpu.memref_squeeze %dma_start3A_159 : memref<1x40x128xi32, #tpu.memory_space<hbm>> -> memref<40x128xi32, #tpu.memory_space<hbm>>
        %dma_start3A_161 = arith.constant 40 : i32
        %dma_start3A_162 = arith.constant 0 : i32
        %dma_start3A_163 = tpu.memref_slice %arg3[%arg1, %dma_start3A_161, %dma_start3A_162] : memref<16x160x128xi32, #tpu.memory_space<hbm>> -> memref<1x40x128xi32, #tpu.memory_space<hbm>>
        %dma_start3A_164 = tpu.memref_squeeze %dma_start3A_163 : memref<1x40x128xi32, #tpu.memory_space<hbm>> -> memref<40x128xi32, #tpu.memory_space<hbm>>
        tpu.enqueue_dma source(%dma_start3A_164 : memref<40x128xi32, #tpu.memory_space<hbm>>) target(%arg6 : memref<40x128xi32, #tpu.memory_space<vmem>>) target_semaphore(%run_scoped3A_156 : memref<!tpu.dma_semaphore, #tpu.memory_space<semaphore_mem>>)
        %dma_wait3A_165 = arith.constant 40 : i32
        %dma_wait3A_166 = arith.constant 0 : i32
        %dma_wait3A_167 = tpu.memref_slice %arg3[%arg1, %dma_wait3A_165, %dma_wait3A_166] : memref<16x160x128xi32, #tpu.memory_space<hbm>> -> memref<1x40x128xi32, #tpu.memory_space<hbm>>
        %dma_wait3A_168 = tpu.memref_squeeze %dma_wait3A_167 : memref<1x40x128xi32, #tpu.memory_space<hbm>> -> memref<40x128xi32, #tpu.memory_space<hbm>>
        %dma_wait3A_169 = arith.constant 40 : i32
        %dma_wait3A_170 = arith.constant 0 : i32
        %dma_wait3A_171 = tpu.memref_slice %arg3[%arg1, %dma_wait3A_169, %dma_wait3A_170] : memref<16x160x128xi32, #tpu.memory_space<hbm>> -> memref<1x40x128xi32, #tpu.memory_space<hbm>>
        %dma_wait3A_172 = tpu.memref_squeeze %dma_wait3A_171 : memref<1x40x128xi32, #tpu.memory_space<hbm>> -> memref<40x128xi32, #tpu.memory_space<hbm>>
        tpu.wait_dma2 semaphore(%run_scoped3A_156 : memref<!tpu.dma_semaphore, #tpu.memory_space<semaphore_mem>>) src(%dma_wait3A_172 : memref<40x128xi32, #tpu.memory_space<hbm>>) dst(%arg6 : memref<40x128xi32, #tpu.memory_space<vmem>>)
        tpu.yield
      }) : () -> ()
      "tpu.region"() ({
        %run_scoped3A_156 = tpu.sem_alloc : memref<!tpu.dma_semaphore, #tpu.memory_space<semaphore_mem>>
        %dma_start3A_157 = arith.constant 40 : i32
        %dma_start3A_158 = arith.constant 0 : i32
        %dma_start3A_159 = tpu.memref_slice %arg4[%arg1, %dma_start3A_157, %dma_start3A_158] : memref<16x160x128xi32, #tpu.memory_space<hbm>> -> memref<1x40x128xi32, #tpu.memory_space<hbm>>
        %dma_start3A_160 = tpu.memref_squeeze %dma_start3A_159 : memref<1x40x128xi32, #tpu.memory_space<hbm>> -> memref<40x128xi32, #tpu.memory_space<hbm>>
        %dma_start3A_161 = arith.constant 40 : i32
        %dma_start3A_162 = arith.constant 0 : i32
        %dma_start3A_163 = tpu.memref_slice %arg4[%arg1, %dma_start3A_161, %dma_start3A_162] : memref<16x160x128xi32, #tpu.memory_space<hbm>> -> memref<1x40x128xi32, #tpu.memory_space<hbm>>
        %dma_start3A_164 = tpu.memref_squeeze %dma_start3A_163 : memref<1x40x128xi32, #tpu.memory_space<hbm>> -> memref<40x128xi32, #tpu.memory_space<hbm>>
        tpu.enqueue_dma source(%dma_start3A_164 : memref<40x128xi32, #tpu.memory_space<hbm>>) target(%arg7 : memref<40x128xi32, #tpu.memory_space<vmem>>) target_semaphore(%run_scoped3A_156 : memref<!tpu.dma_semaphore, #tpu.memory_space<semaphore_mem>>)
        %dma_wait3A_165 = arith.constant 40 : i32
        %dma_wait3A_166 = arith.constant 0 : i32
        %dma_wait3A_167 = tpu.memref_slice %arg4[%arg1, %dma_wait3A_165, %dma_wait3A_166] : memref<16x160x128xi32, #tpu.memory_space<hbm>> -> memref<1x40x128xi32, #tpu.memory_space<hbm>>
        %dma_wait3A_168 = tpu.memref_squeeze %dma_wait3A_167 : memref<1x40x128xi32, #tpu.memory_space<hbm>> -> memref<40x128xi32, #tpu.memory_space<hbm>>
        %dma_wait3A_169 = arith.constant 40 : i32
        %dma_wait3A_170 = arith.constant 0 : i32
        %dma_wait3A_171 = tpu.memref_slice %arg4[%arg1, %dma_wait3A_169, %dma_wait3A_170] : memref<16x160x128xi32, #tpu.memory_space<hbm>> -> memref<1x40x128xi32, #tpu.memory_space<hbm>>
        %dma_wait3A_172 = tpu.memref_squeeze %dma_wait3A_171 : memref<1x40x128xi32, #tpu.memory_space<hbm>> -> memref<40x128xi32, #tpu.memory_space<hbm>>
        tpu.wait_dma2 semaphore(%run_scoped3A_156 : memref<!tpu.dma_semaphore, #tpu.memory_space<semaphore_mem>>) src(%dma_wait3A_172 : memref<40x128xi32, #tpu.memory_space<hbm>>) dst(%arg7 : memref<40x128xi32, #tpu.memory_space<vmem>>)
        tpu.yield
      }) : () -> ()
      %run_scoped3A_46 = arith.constant 0 : i32
      %run_scoped3A_47 = arith.constant 0 : i32
      "tpu.region"() ({
        %run_scoped3A_156 = tpu.sem_alloc : memref<!tpu.dma_semaphore, #tpu.memory_space<semaphore_mem>>
        %dma_start3A_157 = arith.constant 0 : i32
        %dma_start3A_158 = arith.constant 0 : i32
        %dma_start3A_159 = tpu.memref_slice %arg8[%run_scoped3A_47, %dma_start3A_157, %dma_start3A_158] : memref<2x128x128xf32, #tpu.memory_space<vmem>> -> memref<1x128x128xf32, #tpu.memory_space<vmem>>
        %dma_start3A_160 = tpu.memref_squeeze %dma_start3A_159 : memref<1x128x128xf32, #tpu.memory_space<vmem>> -> memref<128x128xf32, #tpu.memory_space<vmem>>
        %dma_start3A_161 = arith.constant 0 : i32
        %dma_start3A_162 = tpu.memref_slice %arg6[%run_scoped3A_46, %dma_start3A_161] : memref<40x128xi32, #tpu.memory_space<vmem>> -> memref<1x128xi32, #tpu.memory_space<vmem>>
        %dma_start3A_163 = tpu.memref_squeeze %dma_start3A_162 : memref<1x128xi32, #tpu.memory_space<vmem>> -> memref<128xi32, #tpu.memory_space<vmem>>
        %dma_start3A_164 = arith.constant 0 : i32
        %dma_start3A_165 = arith.constant 0 : i32
        %dma_start3A_166 = tpu.memref_slice %arg2[%dma_start3A_164, %dma_start3A_165] : memref<10000x128xf32, #tpu.memory_space<hbm>> -> memref<10000x128xf32, #tpu.memory_space<hbm>>
        tpu.enqueue_indirect_dma source(%dma_start3A_166 : memref<10000x128xf32, #tpu.memory_space<hbm>>) target(%dma_start3A_160 : memref<128x128xf32, #tpu.memory_space<vmem>>) offsets(%dma_start3A_163 : memref<128xi32, #tpu.memory_space<vmem>>) semaphore(%run_scoped3A_156 : memref<!tpu.dma_semaphore, #tpu.memory_space<semaphore_mem>>)
        %dma_wait3A_167 = arith.constant 0 : i32
        %dma_wait3A_168 = arith.constant 0 : i32
        %dma_wait3A_169 = tpu.memref_slice %arg8[%run_scoped3A_47, %dma_wait3A_167, %dma_wait3A_168] : memref<2x128x128xf32, #tpu.memory_space<vmem>> -> memref<1x128x128xf32, #tpu.memory_space<vmem>>
        %dma_wait3A_170 = tpu.memref_squeeze %dma_wait3A_169 : memref<1x128x128xf32, #tpu.memory_space<vmem>> -> memref<128x128xf32, #tpu.memory_space<vmem>>
        %dma_wait3A_171 = arith.constant 0 : i32
        %dma_wait3A_172 = tpu.memref_slice %arg6[%run_scoped3A_46, %dma_wait3A_171] : memref<40x128xi32, #tpu.memory_space<vmem>> -> memref<1x128xi32, #tpu.memory_space<vmem>>
        %dma_wait3A_173 = tpu.memref_squeeze %dma_wait3A_172 : memref<1x128xi32, #tpu.memory_space<vmem>> -> memref<128xi32, #tpu.memory_space<vmem>>
        %dma_wait3A_174 = arith.constant 0 : i32
        %dma_wait3A_175 = arith.constant 0 : i32
        %dma_wait3A_176 = tpu.memref_slice %arg2[%dma_wait3A_174, %dma_wait3A_175] : memref<10000x128xf32, #tpu.memory_space<hbm>> -> memref<10000x128xf32, #tpu.memory_space<hbm>>
        tpu.wait_indirect_dma semaphore(%run_scoped3A_156 : memref<!tpu.dma_semaphore, #tpu.memory_space<semaphore_mem>>) src(%dma_wait3A_176 : memref<10000x128xf32, #tpu.memory_space<hbm>>) dst(%dma_wait3A_170 : memref<128x128xf32, #tpu.memory_space<vmem>>)
        tpu.yield
      }) : () -> ()
      %scan3A_48 = arith.constant 0 : i32
      %scan3A_49 = arith.constant 19 : i32
      %scan3A_50 = arith.addi %scan3A_48, %scan3A_49 : i32
      %scan3A_51 = arith.constant 1 : i32
      scf.for %scan3A_156 = %scan3A_48 to %scan3A_50 step %scan3A_51  : i32 {
        %mul3A_157 = arith.constant 2 : i32
        %mul3A_158 = arith.muli %scan3A_156, %mul3A_157 : i32
        %add3A_159 = arith.constant 0 : i32
        %add3A_160 = arith.addi %add3A_159, %mul3A_158 : i32
        %add3A_161 = arith.constant 0 : i32
        %add3A_162 = arith.addi %add3A_160, %add3A_161 : i32
        %add3A_163 = arith.constant 1 : i32
        %add3A_164 = arith.addi %add3A_162, %add3A_163 : i32
        %dma_start3A_165 = arith.constant 1 : i32
        %dma_start3A_166 = arith.constant 0 : i32
        %dma_start3A_167 = arith.constant 0 : i32
        %dma_start3A_168 = tpu.memref_slice %arg8[%dma_start3A_165, %dma_start3A_166, %dma_start3A_167] : memref<2x128x128xf32, #tpu.memory_space<vmem>> -> memref<1x128x128xf32, #tpu.memory_space<vmem>>
        %dma_start3A_169 = tpu.memref_squeeze %dma_start3A_168 : memref<1x128x128xf32, #tpu.memory_space<vmem>> -> memref<128x128xf32, #tpu.memory_space<vmem>>
        %dma_start3A_170 = arith.constant 0 : i32
        %dma_start3A_171 = tpu.memref_slice %arg6[%add3A_164, %dma_start3A_170] : memref<40x128xi32, #tpu.memory_space<vmem>> -> memref<1x128xi32, #tpu.memory_space<vmem>>
        %dma_start3A_172 = tpu.memref_squeeze %dma_start3A_171 : memref<1x128xi32, #tpu.memory_space<vmem>> -> memref<128xi32, #tpu.memory_space<vmem>>
        %dma_start3A_173 = arith.constant 0 : i32
        %dma_start3A_174 = arith.constant 0 : i32
        %dma_start3A_175 = tpu.memref_slice %arg2[%dma_start3A_173, %dma_start3A_174] : memref<10000x128xf32, #tpu.memory_space<hbm>> -> memref<10000x128xf32, #tpu.memory_space<hbm>>
        tpu.enqueue_indirect_dma source(%dma_start3A_175 : memref<10000x128xf32, #tpu.memory_space<hbm>>) target(%dma_start3A_169 : memref<128x128xf32, #tpu.memory_space<vmem>>) offsets(%dma_start3A_172 : memref<128xi32, #tpu.memory_space<vmem>>) semaphore(%arg10 : memref<!tpu.dma_semaphore, #tpu.memory_space<semaphore_mem>>)
        %run_scoped3A_176 = arith.constant 0 : i32
        "tpu.region"() ({
          %run_scoped3A_215 = tpu.sem_alloc : memref<!tpu.dma_semaphore, #tpu.memory_space<semaphore_mem>>
          %dma_start3A_216 = arith.constant 0 : i32
          %dma_start3A_217 = arith.constant 0 : i32
          %dma_start3A_218 = tpu.memref_slice %arg8[%run_scoped3A_176, %dma_start3A_216, %dma_start3A_217] : memref<2x128x128xf32, #tpu.memory_space<vmem>> -> memref<1x128x128xf32, #tpu.memory_space<vmem>>
          %dma_start3A_219 = tpu.memref_squeeze %dma_start3A_218 : memref<1x128x128xf32, #tpu.memory_space<vmem>> -> memref<128x128xf32, #tpu.memory_space<vmem>>
          %dma_start3A_220 = arith.constant 0 : i32
          %dma_start3A_221 = tpu.memref_slice %arg7[%add3A_162, %dma_start3A_220] : memref<40x128xi32, #tpu.memory_space<vmem>> -> memref<1x128xi32, #tpu.memory_space<vmem>>
          %dma_start3A_222 = tpu.memref_squeeze %dma_start3A_221 : memref<1x128xi32, #tpu.memory_space<vmem>> -> memref<128xi32, #tpu.memory_space<vmem>>
          %dma_start3A_223 = arith.constant 0 : i32
          %dma_start3A_224 = arith.constant 0 : i32
          %dma_start3A_225 = tpu.memref_slice %arg9[%dma_start3A_223, %dma_start3A_224] : memref<10112x128xf32, #tpu.memory_space<vmem_shared>> -> memref<10112x128xf32, #tpu.memory_space<vmem_shared>>
          tpu.enqueue_indirect_dma source(%dma_start3A_219 : memref<128x128xf32, #tpu.memory_space<vmem>>) target(%dma_start3A_225 : memref<10112x128xf32, #tpu.memory_space<vmem_shared>>) offsets(%dma_start3A_222 : memref<128xi32, #tpu.memory_space<vmem>>) semaphore(%run_scoped3A_215 : memref<!tpu.dma_semaphore, #tpu.memory_space<semaphore_mem>>) {add = true}
          %dma_wait3A_226 = arith.constant 0 : i32
          %dma_wait3A_227 = arith.constant 0 : i32
          %dma_wait3A_228 = tpu.memref_slice %arg8[%run_scoped3A_176, %dma_wait3A_226, %dma_wait3A_227] : memref<2x128x128xf32, #tpu.memory_space<vmem>> -> memref<1x128x128xf32, #tpu.memory_space<vmem>>
          %dma_wait3A_229 = tpu.memref_squeeze %dma_wait3A_228 : memref<1x128x128xf32, #tpu.memory_space<vmem>> -> memref<128x128xf32, #tpu.memory_space<vmem>>
          %dma_wait3A_230 = arith.constant 0 : i32
          %dma_wait3A_231 = tpu.memref_slice %arg7[%add3A_162, %dma_wait3A_230] : memref<40x128xi32, #tpu.memory_space<vmem>> -> memref<1x128xi32, #tpu.memory_space<vmem>>
          %dma_wait3A_232 = tpu.memref_squeeze %dma_wait3A_231 : memref<1x128xi32, #tpu.memory_space<vmem>> -> memref<128xi32, #tpu.memory_space<vmem>>
          %dma_wait3A_233 = arith.constant 0 : i32
          %dma_wait3A_234 = arith.constant 0 : i32
          %dma_wait3A_235 = tpu.memref_slice %arg9[%dma_wait3A_233, %dma_wait3A_234] : memref<10112x128xf32, #tpu.memory_space<vmem_shared>> -> memref<10112x128xf32, #tpu.memory_space<vmem_shared>>
          tpu.wait_indirect_dma semaphore(%run_scoped3A_215 : memref<!tpu.dma_semaphore, #tpu.memory_space<semaphore_mem>>) src(%dma_wait3A_229 : memref<128x128xf32, #tpu.memory_space<vmem>>) dst(%dma_wait3A_235 : memref<10112x128xf32, #tpu.memory_space<vmem_shared>>)
          tpu.yield
        }) : () -> ()
        %dma_wait3A_177 = arith.constant 1 : i32
        %dma_wait3A_178 = arith.constant 0 : i32
        %dma_wait3A_179 = arith.constant 0 : i32
        %dma_wait3A_180 = tpu.memref_slice %arg8[%dma_wait3A_177, %dma_wait3A_178, %dma_wait3A_179] : memref<2x128x128xf32, #tpu.memory_space<vmem>> -> memref<1x128x128xf32, #tpu.memory_space<vmem>>
        %dma_wait3A_181 = tpu.memref_squeeze %dma_wait3A_180 : memref<1x128x128xf32, #tpu.memory_space<vmem>> -> memref<128x128xf32, #tpu.memory_space<vmem>>
        %dma_wait3A_182 = arith.constant 0 : i32
        %dma_wait3A_183 = tpu.memref_slice %arg6[%add3A_164, %dma_wait3A_182] : memref<40x128xi32, #tpu.memory_space<vmem>> -> memref<1x128xi32, #tpu.memory_space<vmem>>
        %dma_wait3A_184 = tpu.memref_squeeze %dma_wait3A_183 : memref<1x128xi32, #tpu.memory_space<vmem>> -> memref<128xi32, #tpu.memory_space<vmem>>
        %dma_wait3A_185 = arith.constant 0 : i32
        %dma_wait3A_186 = arith.constant 0 : i32
        %dma_wait3A_187 = tpu.memref_slice %arg2[%dma_wait3A_185, %dma_wait3A_186] : memref<10000x128xf32, #tpu.memory_space<hbm>> -> memref<10000x128xf32, #tpu.memory_space<hbm>>
        tpu.wait_indirect_dma semaphore(%arg10 : memref<!tpu.dma_semaphore, #tpu.memory_space<semaphore_mem>>) src(%dma_wait3A_187 : memref<10000x128xf32, #tpu.memory_space<hbm>>) dst(%dma_wait3A_181 : memref<128x128xf32, #tpu.memory_space<vmem>>)
        %add3A_188 = arith.constant 1 : i32
        %add3A_189 = arith.addi %add3A_160, %add3A_188 : i32
        %add3A_190 = arith.constant 1 : i32
        %add3A_191 = arith.addi %add3A_189, %add3A_190 : i32
        %dma_start3A_192 = arith.constant 0 : i32
        %dma_start3A_193 = arith.constant 0 : i32
        %dma_start3A_194 = arith.constant 0 : i32
        %dma_start3A_195 = tpu.memref_slice %arg8[%dma_start3A_192, %dma_start3A_193, %dma_start3A_194] : memref<2x128x128xf32, #tpu.memory_space<vmem>> -> memref<1x128x128xf32, #tpu.memory_space<vmem>>
        %dma_start3A_196 = tpu.memref_squeeze %dma_start3A_195 : memref<1x128x128xf32, #tpu.memory_space<vmem>> -> memref<128x128xf32, #tpu.memory_space<vmem>>
        %dma_start3A_197 = arith.constant 0 : i32
        %dma_start3A_198 = tpu.memref_slice %arg6[%add3A_191, %dma_start3A_197] : memref<40x128xi32, #tpu.memory_space<vmem>> -> memref<1x128xi32, #tpu.memory_space<vmem>>
        %dma_start3A_199 = tpu.memref_squeeze %dma_start3A_198 : memref<1x128xi32, #tpu.memory_space<vmem>> -> memref<128xi32, #tpu.memory_space<vmem>>
        %dma_start3A_200 = arith.constant 0 : i32
        %dma_start3A_201 = arith.constant 0 : i32
        %dma_start3A_202 = tpu.memref_slice %arg2[%dma_start3A_200, %dma_start3A_201] : memref<10000x128xf32, #tpu.memory_space<hbm>> -> memref<10000x128xf32, #tpu.memory_space<hbm>>
        tpu.enqueue_indirect_dma source(%dma_start3A_202 : memref<10000x128xf32, #tpu.memory_space<hbm>>) target(%dma_start3A_196 : memref<128x128xf32, #tpu.memory_space<vmem>>) offsets(%dma_start3A_199 : memref<128xi32, #tpu.memory_space<vmem>>) semaphore(%arg10 : memref<!tpu.dma_semaphore, #tpu.memory_space<semaphore_mem>>)
        %run_scoped3A_203 = arith.constant 1 : i32
        "tpu.region"() ({
          %run_scoped3A_215 = tpu.sem_alloc : memref<!tpu.dma_semaphore, #tpu.memory_space<semaphore_mem>>
          %dma_start3A_216 = arith.constant 0 : i32
          %dma_start3A_217 = arith.constant 0 : i32
          %dma_start3A_218 = tpu.memref_slice %arg8[%run_scoped3A_203, %dma_start3A_216, %dma_start3A_217] : memref<2x128x128xf32, #tpu.memory_space<vmem>> -> memref<1x128x128xf32, #tpu.memory_space<vmem>>
          %dma_start3A_219 = tpu.memref_squeeze %dma_start3A_218 : memref<1x128x128xf32, #tpu.memory_space<vmem>> -> memref<128x128xf32, #tpu.memory_space<vmem>>
          %dma_start3A_220 = arith.constant 0 : i32
          %dma_start3A_221 = tpu.memref_slice %arg7[%add3A_189, %dma_start3A_220] : memref<40x128xi32, #tpu.memory_space<vmem>> -> memref<1x128xi32, #tpu.memory_space<vmem>>
          %dma_start3A_222 = tpu.memref_squeeze %dma_start3A_221 : memref<1x128xi32, #tpu.memory_space<vmem>> -> memref<128xi32, #tpu.memory_space<vmem>>
          %dma_start3A_223 = arith.constant 0 : i32
          %dma_start3A_224 = arith.constant 0 : i32
          %dma_start3A_225 = tpu.memref_slice %arg9[%dma_start3A_223, %dma_start3A_224] : memref<10112x128xf32, #tpu.memory_space<vmem_shared>> -> memref<10112x128xf32, #tpu.memory_space<vmem_shared>>
          tpu.enqueue_indirect_dma source(%dma_start3A_219 : memref<128x128xf32, #tpu.memory_space<vmem>>) target(%dma_start3A_225 : memref<10112x128xf32, #tpu.memory_space<vmem_shared>>) offsets(%dma_start3A_222 : memref<128xi32, #tpu.memory_space<vmem>>) semaphore(%run_scoped3A_215 : memref<!tpu.dma_semaphore, #tpu.memory_space<semaphore_mem>>) {add = true}
          %dma_wait3A_226 = arith.constant 0 : i32
          %dma_wait3A_227 = arith.constant 0 : i32
          %dma_wait3A_228 = tpu.memref_slice %arg8[%run_scoped3A_203, %dma_wait3A_226, %dma_wait3A_227] : memref<2x128x128xf32, #tpu.memory_space<vmem>> -> memref<1x128x128xf32, #tpu.memory_space<vmem>>
          %dma_wait3A_229 = tpu.memref_squeeze %dma_wait3A_228 : memref<1x128x128xf32, #tpu.memory_space<vmem>> -> memref<128x128xf32, #tpu.memory_space<vmem>>
          %dma_wait3A_230 = arith.constant 0 : i32
          %dma_wait3A_231 = tpu.memref_slice %arg7[%add3A_189, %dma_wait3A_230] : memref<40x128xi32, #tpu.memory_space<vmem>> -> memref<1x128xi32, #tpu.memory_space<vmem>>
          %dma_wait3A_232 = tpu.memref_squeeze %dma_wait3A_231 : memref<1x128xi32, #tpu.memory_space<vmem>> -> memref<128xi32, #tpu.memory_space<vmem>>
          %dma_wait3A_233 = arith.constant 0 : i32
          %dma_wait3A_234 = arith.constant 0 : i32
          %dma_wait3A_235 = tpu.memref_slice %arg9[%dma_wait3A_233, %dma_wait3A_234] : memref<10112x128xf32, #tpu.memory_space<vmem_shared>> -> memref<10112x128xf32, #tpu.memory_space<vmem_shared>>
          tpu.wait_indirect_dma semaphore(%run_scoped3A_215 : memref<!tpu.dma_semaphore, #tpu.memory_space<semaphore_mem>>) src(%dma_wait3A_229 : memref<128x128xf32, #tpu.memory_space<vmem>>) dst(%dma_wait3A_235 : memref<10112x128xf32, #tpu.memory_space<vmem_shared>>)
          tpu.yield
        }) : () -> ()
        %dma_wait3A_204 = arith.constant 0 : i32
        %dma_wait3A_205 = arith.constant 0 : i32
        %dma_wait3A_206 = arith.constant 0 : i32
        %dma_wait3A_207 = tpu.memref_slice %arg8[%dma_wait3A_204, %dma_wait3A_205, %dma_wait3A_206] : memref<2x128x128xf32, #tpu.memory_space<vmem>> -> memref<1x128x128xf32, #tpu.memory_space<vmem>>
        %dma_wait3A_208 = tpu.memref_squeeze %dma_wait3A_207 : memref<1x128x128xf32, #tpu.memory_space<vmem>> -> memref<128x128xf32, #tpu.memory_space<vmem>>
        %dma_wait3A_209 = arith.constant 0 : i32
        %dma_wait3A_210 = tpu.memref_slice %arg6[%add3A_191, %dma_wait3A_209] : memref<40x128xi32, #tpu.memory_space<vmem>> -> memref<1x128xi32, #tpu.memory_space<vmem>>
        %dma_wait3A_211 = tpu.memref_squeeze %dma_wait3A_210 : memref<1x128xi32, #tpu.memory_space<vmem>> -> memref<128xi32, #tpu.memory_space<vmem>>
        %dma_wait3A_212 = arith.constant 0 : i32
        %dma_wait3A_213 = arith.constant 0 : i32
        %dma_wait3A_214 = tpu.memref_slice %arg2[%dma_wait3A_212, %dma_wait3A_213] : memref<10000x128xf32, #tpu.memory_space<hbm>> -> memref<10000x128xf32, #tpu.memory_space<hbm>>
        tpu.wait_indirect_dma semaphore(%arg10 : memref<!tpu.dma_semaphore, #tpu.memory_space<semaphore_mem>>) src(%dma_wait3A_214 : memref<10000x128xf32, #tpu.memory_space<hbm>>) dst(%dma_wait3A_208 : memref<128x128xf32, #tpu.memory_space<vmem>>)
      }
      %scan3A_52 = arith.constant 19 : i32
      %dma_start3A_53 = arith.constant 39 : i32
      %dma_start3A_54 = arith.constant 1 : i32
      %dma_start3A_55 = arith.constant 0 : i32
      %dma_start3A_56 = arith.constant 0 : i32
      %dma_start3A_57 = tpu.memref_slice %arg8[%dma_start3A_54, %dma_start3A_55, %dma_start3A_56] : memref<2x128x128xf32, #tpu.memory_space<vmem>> -> memref<1x128x128xf32, #tpu.memory_space<vmem>>
      %dma_start3A_58 = tpu.memref_squeeze %dma_start3A_57 : memref<1x128x128xf32, #tpu.memory_space<vmem>> -> memref<128x128xf32, #tpu.memory_space<vmem>>
      %dma_start3A_59 = arith.constant 0 : i32
      %dma_start3A_60 = tpu.memref_slice %arg6[%dma_start3A_53, %dma_start3A_59] : memref<40x128xi32, #tpu.memory_space<vmem>> -> memref<1x128xi32, #tpu.memory_space<vmem>>
      %dma_start3A_61 = tpu.memref_squeeze %dma_start3A_60 : memref<1x128xi32, #tpu.memory_space<vmem>> -> memref<128xi32, #tpu.memory_space<vmem>>
      %dma_start3A_62 = arith.constant 0 : i32
      %dma_start3A_63 = arith.constant 0 : i32
      %dma_start3A_64 = tpu.memref_slice %arg2[%dma_start3A_62, %dma_start3A_63] : memref<10000x128xf32, #tpu.memory_space<hbm>> -> memref<10000x128xf32, #tpu.memory_space<hbm>>
      tpu.enqueue_indirect_dma source(%dma_start3A_64 : memref<10000x128xf32, #tpu.memory_space<hbm>>) target(%dma_start3A_58 : memref<128x128xf32, #tpu.memory_space<vmem>>) offsets(%dma_start3A_61 : memref<128xi32, #tpu.memory_space<vmem>>) semaphore(%arg10 : memref<!tpu.dma_semaphore, #tpu.memory_space<semaphore_mem>>)
      %run_scoped3A_65 = arith.constant 0 : i32
      %run_scoped3A_66 = arith.constant 38 : i32
      "tpu.region"() ({
        %run_scoped3A_156 = tpu.sem_alloc : memref<!tpu.dma_semaphore, #tpu.memory_space<semaphore_mem>>
        %dma_start3A_157 = arith.constant 0 : i32
        %dma_start3A_158 = arith.constant 0 : i32
        %dma_start3A_159 = tpu.memref_slice %arg8[%run_scoped3A_65, %dma_start3A_157, %dma_start3A_158] : memref<2x128x128xf32, #tpu.memory_space<vmem>> -> memref<1x128x128xf32, #tpu.memory_space<vmem>>
        %dma_start3A_160 = tpu.memref_squeeze %dma_start3A_159 : memref<1x128x128xf32, #tpu.memory_space<vmem>> -> memref<128x128xf32, #tpu.memory_space<vmem>>
        %dma_start3A_161 = arith.constant 0 : i32
        %dma_start3A_162 = tpu.memref_slice %arg7[%run_scoped3A_66, %dma_start3A_161] : memref<40x128xi32, #tpu.memory_space<vmem>> -> memref<1x128xi32, #tpu.memory_space<vmem>>
        %dma_start3A_163 = tpu.memref_squeeze %dma_start3A_162 : memref<1x128xi32, #tpu.memory_space<vmem>> -> memref<128xi32, #tpu.memory_space<vmem>>
        %dma_start3A_164 = arith.constant 0 : i32
        %dma_start3A_165 = arith.constant 0 : i32
        %dma_start3A_166 = tpu.memref_slice %arg9[%dma_start3A_164, %dma_start3A_165] : memref<10112x128xf32, #tpu.memory_space<vmem_shared>> -> memref<10112x128xf32, #tpu.memory_space<vmem_shared>>
        tpu.enqueue_indirect_dma source(%dma_start3A_160 : memref<128x128xf32, #tpu.memory_space<vmem>>) target(%dma_start3A_166 : memref<10112x128xf32, #tpu.memory_space<vmem_shared>>) offsets(%dma_start3A_163 : memref<128xi32, #tpu.memory_space<vmem>>) semaphore(%run_scoped3A_156 : memref<!tpu.dma_semaphore, #tpu.memory_space<semaphore_mem>>) {add = true}
        %dma_wait3A_167 = arith.constant 0 : i32
        %dma_wait3A_168 = arith.constant 0 : i32
        %dma_wait3A_169 = tpu.memref_slice %arg8[%run_scoped3A_65, %dma_wait3A_167, %dma_wait3A_168] : memref<2x128x128xf32, #tpu.memory_space<vmem>> -> memref<1x128x128xf32, #tpu.memory_space<vmem>>
        %dma_wait3A_170 = tpu.memref_squeeze %dma_wait3A_169 : memref<1x128x128xf32, #tpu.memory_space<vmem>> -> memref<128x128xf32, #tpu.memory_space<vmem>>
        %dma_wait3A_171 = arith.constant 0 : i32
        %dma_wait3A_172 = tpu.memref_slice %arg7[%run_scoped3A_66, %dma_wait3A_171] : memref<40x128xi32, #tpu.memory_space<vmem>> -> memref<1x128xi32, #tpu.memory_space<vmem>>
        %dma_wait3A_173 = tpu.memref_squeeze %dma_wait3A_172 : memref<1x128xi32, #tpu.memory_space<vmem>> -> memref<128xi32, #tpu.memory_space<vmem>>
        %dma_wait3A_174 = arith.constant 0 : i32
        %dma_wait3A_175 = arith.constant 0 : i32
        %dma_wait3A_176 = tpu.memref_slice %arg9[%dma_wait3A_174, %dma_wait3A_175] : memref<10112x128xf32, #tpu.memory_space<vmem_shared>> -> memref<10112x128xf32, #tpu.memory_space<vmem_shared>>
        tpu.wait_indirect_dma semaphore(%run_scoped3A_156 : memref<!tpu.dma_semaphore, #tpu.memory_space<semaphore_mem>>) src(%dma_wait3A_170 : memref<128x128xf32, #tpu.memory_space<vmem>>) dst(%dma_wait3A_176 : memref<10112x128xf32, #tpu.memory_space<vmem_shared>>)
        tpu.yield
      }) : () -> ()
      %dma_wait3A_67 = arith.constant 39 : i32
      %dma_wait3A_68 = arith.constant 1 : i32
      %dma_wait3A_69 = arith.constant 0 : i32
      %dma_wait3A_70 = arith.constant 0 : i32
      %dma_wait3A_71 = tpu.memref_slice %arg8[%dma_wait3A_68, %dma_wait3A_69, %dma_wait3A_70] : memref<2x128x128xf32, #tpu.memory_space<vmem>> -> memref<1x128x128xf32, #tpu.memory_space<vmem>>
      %dma_wait3A_72 = tpu.memref_squeeze %dma_wait3A_71 : memref<1x128x128xf32, #tpu.memory_space<vmem>> -> memref<128x128xf32, #tpu.memory_space<vmem>>
      %dma_wait3A_73 = arith.constant 0 : i32
      %dma_wait3A_74 = tpu.memref_slice %arg6[%dma_wait3A_67, %dma_wait3A_73] : memref<40x128xi32, #tpu.memory_space<vmem>> -> memref<1x128xi32, #tpu.memory_space<vmem>>
      %dma_wait3A_75 = tpu.memref_squeeze %dma_wait3A_74 : memref<1x128xi32, #tpu.memory_space<vmem>> -> memref<128xi32, #tpu.memory_space<vmem>>
      %dma_wait3A_76 = arith.constant 0 : i32
      %dma_wait3A_77 = arith.constant 0 : i32
      %dma_wait3A_78 = tpu.memref_slice %arg2[%dma_wait3A_76, %dma_wait3A_77] : memref<10000x128xf32, #tpu.memory_space<hbm>> -> memref<10000x128xf32, #tpu.memory_space<hbm>>
      tpu.wait_indirect_dma semaphore(%arg10 : memref<!tpu.dma_semaphore, #tpu.memory_space<semaphore_mem>>) src(%dma_wait3A_78 : memref<10000x128xf32, #tpu.memory_space<hbm>>) dst(%dma_wait3A_72 : memref<128x128xf32, #tpu.memory_space<vmem>>)
      %run_scoped3A_79 = arith.constant 1 : i32
      %run_scoped3A_80 = arith.constant 39 : i32
      "tpu.region"() ({
        %run_scoped3A_156 = tpu.sem_alloc : memref<!tpu.dma_semaphore, #tpu.memory_space<semaphore_mem>>
        %dma_start3A_157 = arith.constant 0 : i32
        %dma_start3A_158 = arith.constant 0 : i32
        %dma_start3A_159 = tpu.memref_slice %arg8[%run_scoped3A_79, %dma_start3A_157, %dma_start3A_158] : memref<2x128x128xf32, #tpu.memory_space<vmem>> -> memref<1x128x128xf32, #tpu.memory_space<vmem>>
        %dma_start3A_160 = tpu.memref_squeeze %dma_start3A_159 : memref<1x128x128xf32, #tpu.memory_space<vmem>> -> memref<128x128xf32, #tpu.memory_space<vmem>>
        %dma_start3A_161 = arith.constant 0 : i32
        %dma_start3A_162 = tpu.memref_slice %arg7[%run_scoped3A_80, %dma_start3A_161] : memref<40x128xi32, #tpu.memory_space<vmem>> -> memref<1x128xi32, #tpu.memory_space<vmem>>
        %dma_start3A_163 = tpu.memref_squeeze %dma_start3A_162 : memref<1x128xi32, #tpu.memory_space<vmem>> -> memref<128xi32, #tpu.memory_space<vmem>>
        %dma_start3A_164 = arith.constant 0 : i32
        %dma_start3A_165 = arith.constant 0 : i32
        %dma_start3A_166 = tpu.memref_slice %arg9[%dma_start3A_164, %dma_start3A_165] : memref<10112x128xf32, #tpu.memory_space<vmem_shared>> -> memref<10112x128xf32, #tpu.memory_space<vmem_shared>>
        tpu.enqueue_indirect_dma source(%dma_start3A_160 : memref<128x128xf32, #tpu.memory_space<vmem>>) target(%dma_start3A_166 : memref<10112x128xf32, #tpu.memory_space<vmem_shared>>) offsets(%dma_start3A_163 : memref<128xi32, #tpu.memory_space<vmem>>) semaphore(%run_scoped3A_156 : memref<!tpu.dma_semaphore, #tpu.memory_space<semaphore_mem>>) {add = true}
        %dma_wait3A_167 = arith.constant 0 : i32
        %dma_wait3A_168 = arith.constant 0 : i32
        %dma_wait3A_169 = tpu.memref_slice %arg8[%run_scoped3A_79, %dma_wait3A_167, %dma_wait3A_168] : memref<2x128x128xf32, #tpu.memory_space<vmem>> -> memref<1x128x128xf32, #tpu.memory_space<vmem>>
        %dma_wait3A_170 = tpu.memref_squeeze %dma_wait3A_169 : memref<1x128x128xf32, #tpu.memory_space<vmem>> -> memref<128x128xf32, #tpu.memory_space<vmem>>
        %dma_wait3A_171 = arith.constant 0 : i32
        %dma_wait3A_172 = tpu.memref_slice %arg7[%run_scoped3A_80, %dma_wait3A_171] : memref<40x128xi32, #tpu.memory_space<vmem>> -> memref<1x128xi32, #tpu.memory_space<vmem>>
        %dma_wait3A_173 = tpu.memref_squeeze %dma_wait3A_172 : memref<1x128xi32, #tpu.memory_space<vmem>> -> memref<128xi32, #tpu.memory_space<vmem>>
        %dma_wait3A_174 = arith.constant 0 : i32
        %dma_wait3A_175 = arith.constant 0 : i32
        %dma_wait3A_176 = tpu.memref_slice %arg9[%dma_wait3A_174, %dma_wait3A_175] : memref<10112x128xf32, #tpu.memory_space<vmem_shared>> -> memref<10112x128xf32, #tpu.memory_space<vmem_shared>>
        tpu.wait_indirect_dma semaphore(%run_scoped3A_156 : memref<!tpu.dma_semaphore, #tpu.memory_space<semaphore_mem>>) src(%dma_wait3A_170 : memref<128x128xf32, #tpu.memory_space<vmem>>) dst(%dma_wait3A_176 : memref<10112x128xf32, #tpu.memory_space<vmem_shared>>)
        tpu.yield
      }) : () -> ()
      "tpu.region"() ({
        %run_scoped3A_156 = tpu.sem_alloc : memref<!tpu.dma_semaphore, #tpu.memory_space<semaphore_mem>>
        %dma_start3A_157 = arith.constant 80 : i32
        %dma_start3A_158 = arith.constant 0 : i32
        %dma_start3A_159 = tpu.memref_slice %arg3[%arg1, %dma_start3A_157, %dma_start3A_158] : memref<16x160x128xi32, #tpu.memory_space<hbm>> -> memref<1x40x128xi32, #tpu.memory_space<hbm>>
        %dma_start3A_160 = tpu.memref_squeeze %dma_start3A_159 : memref<1x40x128xi32, #tpu.memory_space<hbm>> -> memref<40x128xi32, #tpu.memory_space<hbm>>
        %dma_start3A_161 = arith.constant 80 : i32
        %dma_start3A_162 = arith.constant 0 : i32
        %dma_start3A_163 = tpu.memref_slice %arg3[%arg1, %dma_start3A_161, %dma_start3A_162] : memref<16x160x128xi32, #tpu.memory_space<hbm>> -> memref<1x40x128xi32, #tpu.memory_space<hbm>>
        %dma_start3A_164 = tpu.memref_squeeze %dma_start3A_163 : memref<1x40x128xi32, #tpu.memory_space<hbm>> -> memref<40x128xi32, #tpu.memory_space<hbm>>
        tpu.enqueue_dma source(%dma_start3A_164 : memref<40x128xi32, #tpu.memory_space<hbm>>) target(%arg6 : memref<40x128xi32, #tpu.memory_space<vmem>>) target_semaphore(%run_scoped3A_156 : memref<!tpu.dma_semaphore, #tpu.memory_space<semaphore_mem>>)
        %dma_wait3A_165 = arith.constant 80 : i32
        %dma_wait3A_166 = arith.constant 0 : i32
        %dma_wait3A_167 = tpu.memref_slice %arg3[%arg1, %dma_wait3A_165, %dma_wait3A_166] : memref<16x160x128xi32, #tpu.memory_space<hbm>> -> memref<1x40x128xi32, #tpu.memory_space<hbm>>
        %dma_wait3A_168 = tpu.memref_squeeze %dma_wait3A_167 : memref<1x40x128xi32, #tpu.memory_space<hbm>> -> memref<40x128xi32, #tpu.memory_space<hbm>>
        %dma_wait3A_169 = arith.constant 80 : i32
        %dma_wait3A_170 = arith.constant 0 : i32
        %dma_wait3A_171 = tpu.memref_slice %arg3[%arg1, %dma_wait3A_169, %dma_wait3A_170] : memref<16x160x128xi32, #tpu.memory_space<hbm>> -> memref<1x40x128xi32, #tpu.memory_space<hbm>>
        %dma_wait3A_172 = tpu.memref_squeeze %dma_wait3A_171 : memref<1x40x128xi32, #tpu.memory_space<hbm>> -> memref<40x128xi32, #tpu.memory_space<hbm>>
        tpu.wait_dma2 semaphore(%run_scoped3A_156 : memref<!tpu.dma_semaphore, #tpu.memory_space<semaphore_mem>>) src(%dma_wait3A_172 : memref<40x128xi32, #tpu.memory_space<hbm>>) dst(%arg6 : memref<40x128xi32, #tpu.memory_space<vmem>>)
        tpu.yield
      }) : () -> ()
      "tpu.region"() ({
        %run_scoped3A_156 = tpu.sem_alloc : memref<!tpu.dma_semaphore, #tpu.memory_space<semaphore_mem>>
        %dma_start3A_157 = arith.constant 80 : i32
        %dma_start3A_158 = arith.constant 0 : i32
        %dma_start3A_159 = tpu.memref_slice %arg4[%arg1, %dma_start3A_157, %dma_start3A_158] : memref<16x160x128xi32, #tpu.memory_space<hbm>> -> memref<1x40x128xi32, #tpu.memory_space<hbm>>
        %dma_start3A_160 = tpu.memref_squeeze %dma_start3A_159 : memref<1x40x128xi32, #tpu.memory_space<hbm>> -> memref<40x128xi32, #tpu.memory_space<hbm>>
        %dma_start3A_161 = arith.constant 80 : i32
        %dma_start3A_162 = arith.constant 0 : i32
        %dma_start3A_163 = tpu.memref_slice %arg4[%arg1, %dma_start3A_161, %dma_start3A_162] : memref<16x160x128xi32, #tpu.memory_space<hbm>> -> memref<1x40x128xi32, #tpu.memory_space<hbm>>
        %dma_start3A_164 = tpu.memref_squeeze %dma_start3A_163 : memref<1x40x128xi32, #tpu.memory_space<hbm>> -> memref<40x128xi32, #tpu.memory_space<hbm>>
        tpu.enqueue_dma source(%dma_start3A_164 : memref<40x128xi32, #tpu.memory_space<hbm>>) target(%arg7 : memref<40x128xi32, #tpu.memory_space<vmem>>) target_semaphore(%run_scoped3A_156 : memref<!tpu.dma_semaphore, #tpu.memory_space<semaphore_mem>>)
        %dma_wait3A_165 = arith.constant 80 : i32
        %dma_wait3A_166 = arith.constant 0 : i32
        %dma_wait3A_167 = tpu.memref_slice %arg4[%arg1, %dma_wait3A_165, %dma_wait3A_166] : memref<16x160x128xi32, #tpu.memory_space<hbm>> -> memref<1x40x128xi32, #tpu.memory_space<hbm>>
        %dma_wait3A_168 = tpu.memref_squeeze %dma_wait3A_167 : memref<1x40x128xi32, #tpu.memory_space<hbm>> -> memref<40x128xi32, #tpu.memory_space<hbm>>
        %dma_wait3A_169 = arith.constant 80 : i32
        %dma_wait3A_170 = arith.constant 0 : i32
        %dma_wait3A_171 = tpu.memref_slice %arg4[%arg1, %dma_wait3A_169, %dma_wait3A_170] : memref<16x160x128xi32, #tpu.memory_space<hbm>> -> memref<1x40x128xi32, #tpu.memory_space<hbm>>
        %dma_wait3A_172 = tpu.memref_squeeze %dma_wait3A_171 : memref<1x40x128xi32, #tpu.memory_space<hbm>> -> memref<40x128xi32, #tpu.memory_space<hbm>>
        tpu.wait_dma2 semaphore(%run_scoped3A_156 : memref<!tpu.dma_semaphore, #tpu.memory_space<semaphore_mem>>) src(%dma_wait3A_172 : memref<40x128xi32, #tpu.memory_space<hbm>>) dst(%arg7 : memref<40x128xi32, #tpu.memory_space<vmem>>)
        tpu.yield
      }) : () -> ()
      %run_scoped3A_81 = arith.constant 0 : i32
      %run_scoped3A_82 = arith.constant 0 : i32
      "tpu.region"() ({
        %run_scoped3A_156 = tpu.sem_alloc : memref<!tpu.dma_semaphore, #tpu.memory_space<semaphore_mem>>
        %dma_start3A_157 = arith.constant 0 : i32
        %dma_start3A_158 = arith.constant 0 : i32
        %dma_start3A_159 = tpu.memref_slice %arg8[%run_scoped3A_82, %dma_start3A_157, %dma_start3A_158] : memref<2x128x128xf32, #tpu.memory_space<vmem>> -> memref<1x128x128xf32, #tpu.memory_space<vmem>>
        %dma_start3A_160 = tpu.memref_squeeze %dma_start3A_159 : memref<1x128x128xf32, #tpu.memory_space<vmem>> -> memref<128x128xf32, #tpu.memory_space<vmem>>
        %dma_start3A_161 = arith.constant 0 : i32
        %dma_start3A_162 = tpu.memref_slice %arg6[%run_scoped3A_81, %dma_start3A_161] : memref<40x128xi32, #tpu.memory_space<vmem>> -> memref<1x128xi32, #tpu.memory_space<vmem>>
        %dma_start3A_163 = tpu.memref_squeeze %dma_start3A_162 : memref<1x128xi32, #tpu.memory_space<vmem>> -> memref<128xi32, #tpu.memory_space<vmem>>
        %dma_start3A_164 = arith.constant 0 : i32
        %dma_start3A_165 = arith.constant 0 : i32
        %dma_start3A_166 = tpu.memref_slice %arg2[%dma_start3A_164, %dma_start3A_165] : memref<10000x128xf32, #tpu.memory_space<hbm>> -> memref<10000x128xf32, #tpu.memory_space<hbm>>
        tpu.enqueue_indirect_dma source(%dma_start3A_166 : memref<10000x128xf32, #tpu.memory_space<hbm>>) target(%dma_start3A_160 : memref<128x128xf32, #tpu.memory_space<vmem>>) offsets(%dma_start3A_163 : memref<128xi32, #tpu.memory_space<vmem>>) semaphore(%run_scoped3A_156 : memref<!tpu.dma_semaphore, #tpu.memory_space<semaphore_mem>>)
        %dma_wait3A_167 = arith.constant 0 : i32
        %dma_wait3A_168 = arith.constant 0 : i32
        %dma_wait3A_169 = tpu.memref_slice %arg8[%run_scoped3A_82, %dma_wait3A_167, %dma_wait3A_168] : memref<2x128x128xf32, #tpu.memory_space<vmem>> -> memref<1x128x128xf32, #tpu.memory_space<vmem>>
        %dma_wait3A_170 = tpu.memref_squeeze %dma_wait3A_169 : memref<1x128x128xf32, #tpu.memory_space<vmem>> -> memref<128x128xf32, #tpu.memory_space<vmem>>
        %dma_wait3A_171 = arith.constant 0 : i32
        %dma_wait3A_172 = tpu.memref_slice %arg6[%run_scoped3A_81, %dma_wait3A_171] : memref<40x128xi32, #tpu.memory_space<vmem>> -> memref<1x128xi32, #tpu.memory_space<vmem>>
        %dma_wait3A_173 = tpu.memref_squeeze %dma_wait3A_172 : memref<1x128xi32, #tpu.memory_space<vmem>> -> memref<128xi32, #tpu.memory_space<vmem>>
        %dma_wait3A_174 = arith.constant 0 : i32
        %dma_wait3A_175 = arith.constant 0 : i32
        %dma_wait3A_176 = tpu.memref_slice %arg2[%dma_wait3A_174, %dma_wait3A_175] : memref<10000x128xf32, #tpu.memory_space<hbm>> -> memref<10000x128xf32, #tpu.memory_space<hbm>>
        tpu.wait_indirect_dma semaphore(%run_scoped3A_156 : memref<!tpu.dma_semaphore, #tpu.memory_space<semaphore_mem>>) src(%dma_wait3A_176 : memref<10000x128xf32, #tpu.memory_space<hbm>>) dst(%dma_wait3A_170 : memref<128x128xf32, #tpu.memory_space<vmem>>)
        tpu.yield
      }) : () -> ()
      %scan3A_83 = arith.constant 0 : i32
      %scan3A_84 = arith.constant 19 : i32
      %scan3A_85 = arith.addi %scan3A_83, %scan3A_84 : i32
      %scan3A_86 = arith.constant 1 : i32
      scf.for %scan3A_156 = %scan3A_83 to %scan3A_85 step %scan3A_86  : i32 {
        %mul3A_157 = arith.constant 2 : i32
        %mul3A_158 = arith.muli %scan3A_156, %mul3A_157 : i32
        %add3A_159 = arith.constant 0 : i32
        %add3A_160 = arith.addi %add3A_159, %mul3A_158 : i32
        %add3A_161 = arith.constant 0 : i32
        %add3A_162 = arith.addi %add3A_160, %add3A_161 : i32
        %add3A_163 = arith.constant 1 : i32
        %add3A_164 = arith.addi %add3A_162, %add3A_163 : i32
        %dma_start3A_165 = arith.constant 1 : i32
        %dma_start3A_166 = arith.constant 0 : i32
        %dma_start3A_167 = arith.constant 0 : i32
        %dma_start3A_168 = tpu.memref_slice %arg8[%dma_start3A_165, %dma_start3A_166, %dma_start3A_167] : memref<2x128x128xf32, #tpu.memory_space<vmem>> -> memref<1x128x128xf32, #tpu.memory_space<vmem>>
        %dma_start3A_169 = tpu.memref_squeeze %dma_start3A_168 : memref<1x128x128xf32, #tpu.memory_space<vmem>> -> memref<128x128xf32, #tpu.memory_space<vmem>>
        %dma_start3A_170 = arith.constant 0 : i32
        %dma_start3A_171 = tpu.memref_slice %arg6[%add3A_164, %dma_start3A_170] : memref<40x128xi32, #tpu.memory_space<vmem>> -> memref<1x128xi32, #tpu.memory_space<vmem>>
        %dma_start3A_172 = tpu.memref_squeeze %dma_start3A_171 : memref<1x128xi32, #tpu.memory_space<vmem>> -> memref<128xi32, #tpu.memory_space<vmem>>
        %dma_start3A_173 = arith.constant 0 : i32
        %dma_start3A_174 = arith.constant 0 : i32
        %dma_start3A_175 = tpu.memref_slice %arg2[%dma_start3A_173, %dma_start3A_174] : memref<10000x128xf32, #tpu.memory_space<hbm>> -> memref<10000x128xf32, #tpu.memory_space<hbm>>
        tpu.enqueue_indirect_dma source(%dma_start3A_175 : memref<10000x128xf32, #tpu.memory_space<hbm>>) target(%dma_start3A_169 : memref<128x128xf32, #tpu.memory_space<vmem>>) offsets(%dma_start3A_172 : memref<128xi32, #tpu.memory_space<vmem>>) semaphore(%arg10 : memref<!tpu.dma_semaphore, #tpu.memory_space<semaphore_mem>>)
        %run_scoped3A_176 = arith.constant 0 : i32
        "tpu.region"() ({
          %run_scoped3A_215 = tpu.sem_alloc : memref<!tpu.dma_semaphore, #tpu.memory_space<semaphore_mem>>
          %dma_start3A_216 = arith.constant 0 : i32
          %dma_start3A_217 = arith.constant 0 : i32
          %dma_start3A_218 = tpu.memref_slice %arg8[%run_scoped3A_176, %dma_start3A_216, %dma_start3A_217] : memref<2x128x128xf32, #tpu.memory_space<vmem>> -> memref<1x128x128xf32, #tpu.memory_space<vmem>>
          %dma_start3A_219 = tpu.memref_squeeze %dma_start3A_218 : memref<1x128x128xf32, #tpu.memory_space<vmem>> -> memref<128x128xf32, #tpu.memory_space<vmem>>
          %dma_start3A_220 = arith.constant 0 : i32
          %dma_start3A_221 = tpu.memref_slice %arg7[%add3A_162, %dma_start3A_220] : memref<40x128xi32, #tpu.memory_space<vmem>> -> memref<1x128xi32, #tpu.memory_space<vmem>>
          %dma_start3A_222 = tpu.memref_squeeze %dma_start3A_221 : memref<1x128xi32, #tpu.memory_space<vmem>> -> memref<128xi32, #tpu.memory_space<vmem>>
          %dma_start3A_223 = arith.constant 0 : i32
          %dma_start3A_224 = arith.constant 0 : i32
          %dma_start3A_225 = tpu.memref_slice %arg9[%dma_start3A_223, %dma_start3A_224] : memref<10112x128xf32, #tpu.memory_space<vmem_shared>> -> memref<10112x128xf32, #tpu.memory_space<vmem_shared>>
          tpu.enqueue_indirect_dma source(%dma_start3A_219 : memref<128x128xf32, #tpu.memory_space<vmem>>) target(%dma_start3A_225 : memref<10112x128xf32, #tpu.memory_space<vmem_shared>>) offsets(%dma_start3A_222 : memref<128xi32, #tpu.memory_space<vmem>>) semaphore(%run_scoped3A_215 : memref<!tpu.dma_semaphore, #tpu.memory_space<semaphore_mem>>) {add = true}
          %dma_wait3A_226 = arith.constant 0 : i32
          %dma_wait3A_227 = arith.constant 0 : i32
          %dma_wait3A_228 = tpu.memref_slice %arg8[%run_scoped3A_176, %dma_wait3A_226, %dma_wait3A_227] : memref<2x128x128xf32, #tpu.memory_space<vmem>> -> memref<1x128x128xf32, #tpu.memory_space<vmem>>
          %dma_wait3A_229 = tpu.memref_squeeze %dma_wait3A_228 : memref<1x128x128xf32, #tpu.memory_space<vmem>> -> memref<128x128xf32, #tpu.memory_space<vmem>>
          %dma_wait3A_230 = arith.constant 0 : i32
          %dma_wait3A_231 = tpu.memref_slice %arg7[%add3A_162, %dma_wait3A_230] : memref<40x128xi32, #tpu.memory_space<vmem>> -> memref<1x128xi32, #tpu.memory_space<vmem>>
          %dma_wait3A_232 = tpu.memref_squeeze %dma_wait3A_231 : memref<1x128xi32, #tpu.memory_space<vmem>> -> memref<128xi32, #tpu.memory_space<vmem>>
          %dma_wait3A_233 = arith.constant 0 : i32
          %dma_wait3A_234 = arith.constant 0 : i32
          %dma_wait3A_235 = tpu.memref_slice %arg9[%dma_wait3A_233, %dma_wait3A_234] : memref<10112x128xf32, #tpu.memory_space<vmem_shared>> -> memref<10112x128xf32, #tpu.memory_space<vmem_shared>>
          tpu.wait_indirect_dma semaphore(%run_scoped3A_215 : memref<!tpu.dma_semaphore, #tpu.memory_space<semaphore_mem>>) src(%dma_wait3A_229 : memref<128x128xf32, #tpu.memory_space<vmem>>) dst(%dma_wait3A_235 : memref<10112x128xf32, #tpu.memory_space<vmem_shared>>)
          tpu.yield
        }) : () -> ()
        %dma_wait3A_177 = arith.constant 1 : i32
        %dma_wait3A_178 = arith.constant 0 : i32
        %dma_wait3A_179 = arith.constant 0 : i32
        %dma_wait3A_180 = tpu.memref_slice %arg8[%dma_wait3A_177, %dma_wait3A_178, %dma_wait3A_179] : memref<2x128x128xf32, #tpu.memory_space<vmem>> -> memref<1x128x128xf32, #tpu.memory_space<vmem>>
        %dma_wait3A_181 = tpu.memref_squeeze %dma_wait3A_180 : memref<1x128x128xf32, #tpu.memory_space<vmem>> -> memref<128x128xf32, #tpu.memory_space<vmem>>
        %dma_wait3A_182 = arith.constant 0 : i32
        %dma_wait3A_183 = tpu.memref_slice %arg6[%add3A_164, %dma_wait3A_182] : memref<40x128xi32, #tpu.memory_space<vmem>> -> memref<1x128xi32, #tpu.memory_space<vmem>>
        %dma_wait3A_184 = tpu.memref_squeeze %dma_wait3A_183 : memref<1x128xi32, #tpu.memory_space<vmem>> -> memref<128xi32, #tpu.memory_space<vmem>>
        %dma_wait3A_185 = arith.constant 0 : i32
        %dma_wait3A_186 = arith.constant 0 : i32
        %dma_wait3A_187 = tpu.memref_slice %arg2[%dma_wait3A_185, %dma_wait3A_186] : memref<10000x128xf32, #tpu.memory_space<hbm>> -> memref<10000x128xf32, #tpu.memory_space<hbm>>
        tpu.wait_indirect_dma semaphore(%arg10 : memref<!tpu.dma_semaphore, #tpu.memory_space<semaphore_mem>>) src(%dma_wait3A_187 : memref<10000x128xf32, #tpu.memory_space<hbm>>) dst(%dma_wait3A_181 : memref<128x128xf32, #tpu.memory_space<vmem>>)
        %add3A_188 = arith.constant 1 : i32
        %add3A_189 = arith.addi %add3A_160, %add3A_188 : i32
        %add3A_190 = arith.constant 1 : i32
        %add3A_191 = arith.addi %add3A_189, %add3A_190 : i32
        %dma_start3A_192 = arith.constant 0 : i32
        %dma_start3A_193 = arith.constant 0 : i32
        %dma_start3A_194 = arith.constant 0 : i32
        %dma_start3A_195 = tpu.memref_slice %arg8[%dma_start3A_192, %dma_start3A_193, %dma_start3A_194] : memref<2x128x128xf32, #tpu.memory_space<vmem>> -> memref<1x128x128xf32, #tpu.memory_space<vmem>>
        %dma_start3A_196 = tpu.memref_squeeze %dma_start3A_195 : memref<1x128x128xf32, #tpu.memory_space<vmem>> -> memref<128x128xf32, #tpu.memory_space<vmem>>
        %dma_start3A_197 = arith.constant 0 : i32
        %dma_start3A_198 = tpu.memref_slice %arg6[%add3A_191, %dma_start3A_197] : memref<40x128xi32, #tpu.memory_space<vmem>> -> memref<1x128xi32, #tpu.memory_space<vmem>>
        %dma_start3A_199 = tpu.memref_squeeze %dma_start3A_198 : memref<1x128xi32, #tpu.memory_space<vmem>> -> memref<128xi32, #tpu.memory_space<vmem>>
        %dma_start3A_200 = arith.constant 0 : i32
        %dma_start3A_201 = arith.constant 0 : i32
        %dma_start3A_202 = tpu.memref_slice %arg2[%dma_start3A_200, %dma_start3A_201] : memref<10000x128xf32, #tpu.memory_space<hbm>> -> memref<10000x128xf32, #tpu.memory_space<hbm>>
        tpu.enqueue_indirect_dma source(%dma_start3A_202 : memref<10000x128xf32, #tpu.memory_space<hbm>>) target(%dma_start3A_196 : memref<128x128xf32, #tpu.memory_space<vmem>>) offsets(%dma_start3A_199 : memref<128xi32, #tpu.memory_space<vmem>>) semaphore(%arg10 : memref<!tpu.dma_semaphore, #tpu.memory_space<semaphore_mem>>)
        %run_scoped3A_203 = arith.constant 1 : i32
        "tpu.region"() ({
          %run_scoped3A_215 = tpu.sem_alloc : memref<!tpu.dma_semaphore, #tpu.memory_space<semaphore_mem>>
          %dma_start3A_216 = arith.constant 0 : i32
          %dma_start3A_217 = arith.constant 0 : i32
          %dma_start3A_218 = tpu.memref_slice %arg8[%run_scoped3A_203, %dma_start3A_216, %dma_start3A_217] : memref<2x128x128xf32, #tpu.memory_space<vmem>> -> memref<1x128x128xf32, #tpu.memory_space<vmem>>
          %dma_start3A_219 = tpu.memref_squeeze %dma_start3A_218 : memref<1x128x128xf32, #tpu.memory_space<vmem>> -> memref<128x128xf32, #tpu.memory_space<vmem>>
          %dma_start3A_220 = arith.constant 0 : i32
          %dma_start3A_221 = tpu.memref_slice %arg7[%add3A_189, %dma_start3A_220] : memref<40x128xi32, #tpu.memory_space<vmem>> -> memref<1x128xi32, #tpu.memory_space<vmem>>
          %dma_start3A_222 = tpu.memref_squeeze %dma_start3A_221 : memref<1x128xi32, #tpu.memory_space<vmem>> -> memref<128xi32, #tpu.memory_space<vmem>>
          %dma_start3A_223 = arith.constant 0 : i32
          %dma_start3A_224 = arith.constant 0 : i32
          %dma_start3A_225 = tpu.memref_slice %arg9[%dma_start3A_223, %dma_start3A_224] : memref<10112x128xf32, #tpu.memory_space<vmem_shared>> -> memref<10112x128xf32, #tpu.memory_space<vmem_shared>>
          tpu.enqueue_indirect_dma source(%dma_start3A_219 : memref<128x128xf32, #tpu.memory_space<vmem>>) target(%dma_start3A_225 : memref<10112x128xf32, #tpu.memory_space<vmem_shared>>) offsets(%dma_start3A_222 : memref<128xi32, #tpu.memory_space<vmem>>) semaphore(%run_scoped3A_215 : memref<!tpu.dma_semaphore, #tpu.memory_space<semaphore_mem>>) {add = true}
          %dma_wait3A_226 = arith.constant 0 : i32
          %dma_wait3A_227 = arith.constant 0 : i32
          %dma_wait3A_228 = tpu.memref_slice %arg8[%run_scoped3A_203, %dma_wait3A_226, %dma_wait3A_227] : memref<2x128x128xf32, #tpu.memory_space<vmem>> -> memref<1x128x128xf32, #tpu.memory_space<vmem>>
          %dma_wait3A_229 = tpu.memref_squeeze %dma_wait3A_228 : memref<1x128x128xf32, #tpu.memory_space<vmem>> -> memref<128x128xf32, #tpu.memory_space<vmem>>
          %dma_wait3A_230 = arith.constant 0 : i32
          %dma_wait3A_231 = tpu.memref_slice %arg7[%add3A_189, %dma_wait3A_230] : memref<40x128xi32, #tpu.memory_space<vmem>> -> memref<1x128xi32, #tpu.memory_space<vmem>>
          %dma_wait3A_232 = tpu.memref_squeeze %dma_wait3A_231 : memref<1x128xi32, #tpu.memory_space<vmem>> -> memref<128xi32, #tpu.memory_space<vmem>>
          %dma_wait3A_233 = arith.constant 0 : i32
          %dma_wait3A_234 = arith.constant 0 : i32
          %dma_wait3A_235 = tpu.memref_slice %arg9[%dma_wait3A_233, %dma_wait3A_234] : memref<10112x128xf32, #tpu.memory_space<vmem_shared>> -> memref<10112x128xf32, #tpu.memory_space<vmem_shared>>
          tpu.wait_indirect_dma semaphore(%run_scoped3A_215 : memref<!tpu.dma_semaphore, #tpu.memory_space<semaphore_mem>>) src(%dma_wait3A_229 : memref<128x128xf32, #tpu.memory_space<vmem>>) dst(%dma_wait3A_235 : memref<10112x128xf32, #tpu.memory_space<vmem_shared>>)
          tpu.yield
        }) : () -> ()
        %dma_wait3A_204 = arith.constant 0 : i32
        %dma_wait3A_205 = arith.constant 0 : i32
        %dma_wait3A_206 = arith.constant 0 : i32
        %dma_wait3A_207 = tpu.memref_slice %arg8[%dma_wait3A_204, %dma_wait3A_205, %dma_wait3A_206] : memref<2x128x128xf32, #tpu.memory_space<vmem>> -> memref<1x128x128xf32, #tpu.memory_space<vmem>>
        %dma_wait3A_208 = tpu.memref_squeeze %dma_wait3A_207 : memref<1x128x128xf32, #tpu.memory_space<vmem>> -> memref<128x128xf32, #tpu.memory_space<vmem>>
        %dma_wait3A_209 = arith.constant 0 : i32
        %dma_wait3A_210 = tpu.memref_slice %arg6[%add3A_191, %dma_wait3A_209] : memref<40x128xi32, #tpu.memory_space<vmem>> -> memref<1x128xi32, #tpu.memory_space<vmem>>
        %dma_wait3A_211 = tpu.memref_squeeze %dma_wait3A_210 : memref<1x128xi32, #tpu.memory_space<vmem>> -> memref<128xi32, #tpu.memory_space<vmem>>
        %dma_wait3A_212 = arith.constant 0 : i32
        %dma_wait3A_213 = arith.constant 0 : i32
        %dma_wait3A_214 = tpu.memref_slice %arg2[%dma_wait3A_212, %dma_wait3A_213] : memref<10000x128xf32, #tpu.memory_space<hbm>> -> memref<10000x128xf32, #tpu.memory_space<hbm>>
        tpu.wait_indirect_dma semaphore(%arg10 : memref<!tpu.dma_semaphore, #tpu.memory_space<semaphore_mem>>) src(%dma_wait3A_214 : memref<10000x128xf32, #tpu.memory_space<hbm>>) dst(%dma_wait3A_208 : memref<128x128xf32, #tpu.memory_space<vmem>>)
      }
      %scan3A_87 = arith.constant 19 : i32
      %dma_start3A_88 = arith.constant 39 : i32
      %dma_start3A_89 = arith.constant 1 : i32
      %dma_start3A_90 = arith.constant 0 : i32
      %dma_start3A_91 = arith.constant 0 : i32
      %dma_start3A_92 = tpu.memref_slice %arg8[%dma_start3A_89, %dma_start3A_90, %dma_start3A_91] : memref<2x128x128xf32, #tpu.memory_space<vmem>> -> memref<1x128x128xf32, #tpu.memory_space<vmem>>
      %dma_start3A_93 = tpu.memref_squeeze %dma_start3A_92 : memref<1x128x128xf32, #tpu.memory_space<vmem>> -> memref<128x128xf32, #tpu.memory_space<vmem>>
      %dma_start3A_94 = arith.constant 0 : i32
      %dma_start3A_95 = tpu.memref_slice %arg6[%dma_start3A_88, %dma_start3A_94] : memref<40x128xi32, #tpu.memory_space<vmem>> -> memref<1x128xi32, #tpu.memory_space<vmem>>
      %dma_start3A_96 = tpu.memref_squeeze %dma_start3A_95 : memref<1x128xi32, #tpu.memory_space<vmem>> -> memref<128xi32, #tpu.memory_space<vmem>>
      %dma_start3A_97 = arith.constant 0 : i32
      %dma_start3A_98 = arith.constant 0 : i32
      %dma_start3A_99 = tpu.memref_slice %arg2[%dma_start3A_97, %dma_start3A_98] : memref<10000x128xf32, #tpu.memory_space<hbm>> -> memref<10000x128xf32, #tpu.memory_space<hbm>>
      tpu.enqueue_indirect_dma source(%dma_start3A_99 : memref<10000x128xf32, #tpu.memory_space<hbm>>) target(%dma_start3A_93 : memref<128x128xf32, #tpu.memory_space<vmem>>) offsets(%dma_start3A_96 : memref<128xi32, #tpu.memory_space<vmem>>) semaphore(%arg10 : memref<!tpu.dma_semaphore, #tpu.memory_space<semaphore_mem>>)
      %run_scoped3A_100 = arith.constant 0 : i32
      %run_scoped3A_101 = arith.constant 38 : i32
      "tpu.region"() ({
        %run_scoped3A_156 = tpu.sem_alloc : memref<!tpu.dma_semaphore, #tpu.memory_space<semaphore_mem>>
        %dma_start3A_157 = arith.constant 0 : i32
        %dma_start3A_158 = arith.constant 0 : i32
        %dma_start3A_159 = tpu.memref_slice %arg8[%run_scoped3A_100, %dma_start3A_157, %dma_start3A_158] : memref<2x128x128xf32, #tpu.memory_space<vmem>> -> memref<1x128x128xf32, #tpu.memory_space<vmem>>
        %dma_start3A_160 = tpu.memref_squeeze %dma_start3A_159 : memref<1x128x128xf32, #tpu.memory_space<vmem>> -> memref<128x128xf32, #tpu.memory_space<vmem>>
        %dma_start3A_161 = arith.constant 0 : i32
        %dma_start3A_162 = tpu.memref_slice %arg7[%run_scoped3A_101, %dma_start3A_161] : memref<40x128xi32, #tpu.memory_space<vmem>> -> memref<1x128xi32, #tpu.memory_space<vmem>>
        %dma_start3A_163 = tpu.memref_squeeze %dma_start3A_162 : memref<1x128xi32, #tpu.memory_space<vmem>> -> memref<128xi32, #tpu.memory_space<vmem>>
        %dma_start3A_164 = arith.constant 0 : i32
        %dma_start3A_165 = arith.constant 0 : i32
        %dma_start3A_166 = tpu.memref_slice %arg9[%dma_start3A_164, %dma_start3A_165] : memref<10112x128xf32, #tpu.memory_space<vmem_shared>> -> memref<10112x128xf32, #tpu.memory_space<vmem_shared>>
        tpu.enqueue_indirect_dma source(%dma_start3A_160 : memref<128x128xf32, #tpu.memory_space<vmem>>) target(%dma_start3A_166 : memref<10112x128xf32, #tpu.memory_space<vmem_shared>>) offsets(%dma_start3A_163 : memref<128xi32, #tpu.memory_space<vmem>>) semaphore(%run_scoped3A_156 : memref<!tpu.dma_semaphore, #tpu.memory_space<semaphore_mem>>) {add = true}
        %dma_wait3A_167 = arith.constant 0 : i32
        %dma_wait3A_168 = arith.constant 0 : i32
        %dma_wait3A_169 = tpu.memref_slice %arg8[%run_scoped3A_100, %dma_wait3A_167, %dma_wait3A_168] : memref<2x128x128xf32, #tpu.memory_space<vmem>> -> memref<1x128x128xf32, #tpu.memory_space<vmem>>
        %dma_wait3A_170 = tpu.memref_squeeze %dma_wait3A_169 : memref<1x128x128xf32, #tpu.memory_space<vmem>> -> memref<128x128xf32, #tpu.memory_space<vmem>>
        %dma_wait3A_171 = arith.constant 0 : i32
        %dma_wait3A_172 = tpu.memref_slice %arg7[%run_scoped3A_101, %dma_wait3A_171] : memref<40x128xi32, #tpu.memory_space<vmem>> -> memref<1x128xi32, #tpu.memory_space<vmem>>
        %dma_wait3A_173 = tpu.memref_squeeze %dma_wait3A_172 : memref<1x128xi32, #tpu.memory_space<vmem>> -> memref<128xi32, #tpu.memory_space<vmem>>
        %dma_wait3A_174 = arith.constant 0 : i32
        %dma_wait3A_175 = arith.constant 0 : i32
        %dma_wait3A_176 = tpu.memref_slice %arg9[%dma_wait3A_174, %dma_wait3A_175] : memref<10112x128xf32, #tpu.memory_space<vmem_shared>> -> memref<10112x128xf32, #tpu.memory_space<vmem_shared>>
        tpu.wait_indirect_dma semaphore(%run_scoped3A_156 : memref<!tpu.dma_semaphore, #tpu.memory_space<semaphore_mem>>) src(%dma_wait3A_170 : memref<128x128xf32, #tpu.memory_space<vmem>>) dst(%dma_wait3A_176 : memref<10112x128xf32, #tpu.memory_space<vmem_shared>>)
        tpu.yield
      }) : () -> ()
      %dma_wait3A_102 = arith.constant 39 : i32
      %dma_wait3A_103 = arith.constant 1 : i32
      %dma_wait3A_104 = arith.constant 0 : i32
      %dma_wait3A_105 = arith.constant 0 : i32
      %dma_wait3A_106 = tpu.memref_slice %arg8[%dma_wait3A_103, %dma_wait3A_104, %dma_wait3A_105] : memref<2x128x128xf32, #tpu.memory_space<vmem>> -> memref<1x128x128xf32, #tpu.memory_space<vmem>>
      %dma_wait3A_107 = tpu.memref_squeeze %dma_wait3A_106 : memref<1x128x128xf32, #tpu.memory_space<vmem>> -> memref<128x128xf32, #tpu.memory_space<vmem>>
      %dma_wait3A_108 = arith.constant 0 : i32
      %dma_wait3A_109 = tpu.memref_slice %arg6[%dma_wait3A_102, %dma_wait3A_108] : memref<40x128xi32, #tpu.memory_space<vmem>> -> memref<1x128xi32, #tpu.memory_space<vmem>>
      %dma_wait3A_110 = tpu.memref_squeeze %dma_wait3A_109 : memref<1x128xi32, #tpu.memory_space<vmem>> -> memref<128xi32, #tpu.memory_space<vmem>>
      %dma_wait3A_111 = arith.constant 0 : i32
      %dma_wait3A_112 = arith.constant 0 : i32
      %dma_wait3A_113 = tpu.memref_slice %arg2[%dma_wait3A_111, %dma_wait3A_112] : memref<10000x128xf32, #tpu.memory_space<hbm>> -> memref<10000x128xf32, #tpu.memory_space<hbm>>
      tpu.wait_indirect_dma semaphore(%arg10 : memref<!tpu.dma_semaphore, #tpu.memory_space<semaphore_mem>>) src(%dma_wait3A_113 : memref<10000x128xf32, #tpu.memory_space<hbm>>) dst(%dma_wait3A_107 : memref<128x128xf32, #tpu.memory_space<vmem>>)
      %run_scoped3A_114 = arith.constant 1 : i32
      %run_scoped3A_115 = arith.constant 39 : i32
      "tpu.region"() ({
        %run_scoped3A_156 = tpu.sem_alloc : memref<!tpu.dma_semaphore, #tpu.memory_space<semaphore_mem>>
        %dma_start3A_157 = arith.constant 0 : i32
        %dma_start3A_158 = arith.constant 0 : i32
        %dma_start3A_159 = tpu.memref_slice %arg8[%run_scoped3A_114, %dma_start3A_157, %dma_start3A_158] : memref<2x128x128xf32, #tpu.memory_space<vmem>> -> memref<1x128x128xf32, #tpu.memory_space<vmem>>
        %dma_start3A_160 = tpu.memref_squeeze %dma_start3A_159 : memref<1x128x128xf32, #tpu.memory_space<vmem>> -> memref<128x128xf32, #tpu.memory_space<vmem>>
        %dma_start3A_161 = arith.constant 0 : i32
        %dma_start3A_162 = tpu.memref_slice %arg7[%run_scoped3A_115, %dma_start3A_161] : memref<40x128xi32, #tpu.memory_space<vmem>> -> memref<1x128xi32, #tpu.memory_space<vmem>>
        %dma_start3A_163 = tpu.memref_squeeze %dma_start3A_162 : memref<1x128xi32, #tpu.memory_space<vmem>> -> memref<128xi32, #tpu.memory_space<vmem>>
        %dma_start3A_164 = arith.constant 0 : i32
        %dma_start3A_165 = arith.constant 0 : i32
        %dma_start3A_166 = tpu.memref_slice %arg9[%dma_start3A_164, %dma_start3A_165] : memref<10112x128xf32, #tpu.memory_space<vmem_shared>> -> memref<10112x128xf32, #tpu.memory_space<vmem_shared>>
        tpu.enqueue_indirect_dma source(%dma_start3A_160 : memref<128x128xf32, #tpu.memory_space<vmem>>) target(%dma_start3A_166 : memref<10112x128xf32, #tpu.memory_space<vmem_shared>>) offsets(%dma_start3A_163 : memref<128xi32, #tpu.memory_space<vmem>>) semaphore(%run_scoped3A_156 : memref<!tpu.dma_semaphore, #tpu.memory_space<semaphore_mem>>) {add = true}
        %dma_wait3A_167 = arith.constant 0 : i32
        %dma_wait3A_168 = arith.constant 0 : i32
        %dma_wait3A_169 = tpu.memref_slice %arg8[%run_scoped3A_114, %dma_wait3A_167, %dma_wait3A_168] : memref<2x128x128xf32, #tpu.memory_space<vmem>> -> memref<1x128x128xf32, #tpu.memory_space<vmem>>
        %dma_wait3A_170 = tpu.memref_squeeze %dma_wait3A_169 : memref<1x128x128xf32, #tpu.memory_space<vmem>> -> memref<128x128xf32, #tpu.memory_space<vmem>>
        %dma_wait3A_171 = arith.constant 0 : i32
        %dma_wait3A_172 = tpu.memref_slice %arg7[%run_scoped3A_115, %dma_wait3A_171] : memref<40x128xi32, #tpu.memory_space<vmem>> -> memref<1x128xi32, #tpu.memory_space<vmem>>
        %dma_wait3A_173 = tpu.memref_squeeze %dma_wait3A_172 : memref<1x128xi32, #tpu.memory_space<vmem>> -> memref<128xi32, #tpu.memory_space<vmem>>
        %dma_wait3A_174 = arith.constant 0 : i32
        %dma_wait3A_175 = arith.constant 0 : i32
        %dma_wait3A_176 = tpu.memref_slice %arg9[%dma_wait3A_174, %dma_wait3A_175] : memref<10112x128xf32, #tpu.memory_space<vmem_shared>> -> memref<10112x128xf32, #tpu.memory_space<vmem_shared>>
        tpu.wait_indirect_dma semaphore(%run_scoped3A_156 : memref<!tpu.dma_semaphore, #tpu.memory_space<semaphore_mem>>) src(%dma_wait3A_170 : memref<128x128xf32, #tpu.memory_space<vmem>>) dst(%dma_wait3A_176 : memref<10112x128xf32, #tpu.memory_space<vmem_shared>>)
        tpu.yield
      }) : () -> ()
      "tpu.region"() ({
        %run_scoped3A_156 = tpu.sem_alloc : memref<!tpu.dma_semaphore, #tpu.memory_space<semaphore_mem>>
        %dma_start3A_157 = arith.constant 120 : i32
        %dma_start3A_158 = arith.constant 0 : i32
        %dma_start3A_159 = tpu.memref_slice %arg3[%arg1, %dma_start3A_157, %dma_start3A_158] : memref<16x160x128xi32, #tpu.memory_space<hbm>> -> memref<1x40x128xi32, #tpu.memory_space<hbm>>
        %dma_start3A_160 = tpu.memref_squeeze %dma_start3A_159 : memref<1x40x128xi32, #tpu.memory_space<hbm>> -> memref<40x128xi32, #tpu.memory_space<hbm>>
        %dma_start3A_161 = arith.constant 120 : i32
        %dma_start3A_162 = arith.constant 0 : i32
        %dma_start3A_163 = tpu.memref_slice %arg3[%arg1, %dma_start3A_161, %dma_start3A_162] : memref<16x160x128xi32, #tpu.memory_space<hbm>> -> memref<1x40x128xi32, #tpu.memory_space<hbm>>
        %dma_start3A_164 = tpu.memref_squeeze %dma_start3A_163 : memref<1x40x128xi32, #tpu.memory_space<hbm>> -> memref<40x128xi32, #tpu.memory_space<hbm>>
        tpu.enqueue_dma source(%dma_start3A_164 : memref<40x128xi32, #tpu.memory_space<hbm>>) target(%arg6 : memref<40x128xi32, #tpu.memory_space<vmem>>) target_semaphore(%run_scoped3A_156 : memref<!tpu.dma_semaphore, #tpu.memory_space<semaphore_mem>>)
        %dma_wait3A_165 = arith.constant 120 : i32
        %dma_wait3A_166 = arith.constant 0 : i32
        %dma_wait3A_167 = tpu.memref_slice %arg3[%arg1, %dma_wait3A_165, %dma_wait3A_166] : memref<16x160x128xi32, #tpu.memory_space<hbm>> -> memref<1x40x128xi32, #tpu.memory_space<hbm>>
        %dma_wait3A_168 = tpu.memref_squeeze %dma_wait3A_167 : memref<1x40x128xi32, #tpu.memory_space<hbm>> -> memref<40x128xi32, #tpu.memory_space<hbm>>
        %dma_wait3A_169 = arith.constant 120 : i32
        %dma_wait3A_170 = arith.constant 0 : i32
        %dma_wait3A_171 = tpu.memref_slice %arg3[%arg1, %dma_wait3A_169, %dma_wait3A_170] : memref<16x160x128xi32, #tpu.memory_space<hbm>> -> memref<1x40x128xi32, #tpu.memory_space<hbm>>
        %dma_wait3A_172 = tpu.memref_squeeze %dma_wait3A_171 : memref<1x40x128xi32, #tpu.memory_space<hbm>> -> memref<40x128xi32, #tpu.memory_space<hbm>>
        tpu.wait_dma2 semaphore(%run_scoped3A_156 : memref<!tpu.dma_semaphore, #tpu.memory_space<semaphore_mem>>) src(%dma_wait3A_172 : memref<40x128xi32, #tpu.memory_space<hbm>>) dst(%arg6 : memref<40x128xi32, #tpu.memory_space<vmem>>)
        tpu.yield
      }) : () -> ()
      "tpu.region"() ({
        %run_scoped3A_156 = tpu.sem_alloc : memref<!tpu.dma_semaphore, #tpu.memory_space<semaphore_mem>>
        %dma_start3A_157 = arith.constant 120 : i32
        %dma_start3A_158 = arith.constant 0 : i32
        %dma_start3A_159 = tpu.memref_slice %arg4[%arg1, %dma_start3A_157, %dma_start3A_158] : memref<16x160x128xi32, #tpu.memory_space<hbm>> -> memref<1x40x128xi32, #tpu.memory_space<hbm>>
        %dma_start3A_160 = tpu.memref_squeeze %dma_start3A_159 : memref<1x40x128xi32, #tpu.memory_space<hbm>> -> memref<40x128xi32, #tpu.memory_space<hbm>>
        %dma_start3A_161 = arith.constant 120 : i32
        %dma_start3A_162 = arith.constant 0 : i32
        %dma_start3A_163 = tpu.memref_slice %arg4[%arg1, %dma_start3A_161, %dma_start3A_162] : memref<16x160x128xi32, #tpu.memory_space<hbm>> -> memref<1x40x128xi32, #tpu.memory_space<hbm>>
        %dma_start3A_164 = tpu.memref_squeeze %dma_start3A_163 : memref<1x40x128xi32, #tpu.memory_space<hbm>> -> memref<40x128xi32, #tpu.memory_space<hbm>>
        tpu.enqueue_dma source(%dma_start3A_164 : memref<40x128xi32, #tpu.memory_space<hbm>>) target(%arg7 : memref<40x128xi32, #tpu.memory_space<vmem>>) target_semaphore(%run_scoped3A_156 : memref<!tpu.dma_semaphore, #tpu.memory_space<semaphore_mem>>)
        %dma_wait3A_165 = arith.constant 120 : i32
        %dma_wait3A_166 = arith.constant 0 : i32
        %dma_wait3A_167 = tpu.memref_slice %arg4[%arg1, %dma_wait3A_165, %dma_wait3A_166] : memref<16x160x128xi32, #tpu.memory_space<hbm>> -> memref<1x40x128xi32, #tpu.memory_space<hbm>>
        %dma_wait3A_168 = tpu.memref_squeeze %dma_wait3A_167 : memref<1x40x128xi32, #tpu.memory_space<hbm>> -> memref<40x128xi32, #tpu.memory_space<hbm>>
        %dma_wait3A_169 = arith.constant 120 : i32
        %dma_wait3A_170 = arith.constant 0 : i32
        %dma_wait3A_171 = tpu.memref_slice %arg4[%arg1, %dma_wait3A_169, %dma_wait3A_170] : memref<16x160x128xi32, #tpu.memory_space<hbm>> -> memref<1x40x128xi32, #tpu.memory_space<hbm>>
        %dma_wait3A_172 = tpu.memref_squeeze %dma_wait3A_171 : memref<1x40x128xi32, #tpu.memory_space<hbm>> -> memref<40x128xi32, #tpu.memory_space<hbm>>
        tpu.wait_dma2 semaphore(%run_scoped3A_156 : memref<!tpu.dma_semaphore, #tpu.memory_space<semaphore_mem>>) src(%dma_wait3A_172 : memref<40x128xi32, #tpu.memory_space<hbm>>) dst(%arg7 : memref<40x128xi32, #tpu.memory_space<vmem>>)
        tpu.yield
      }) : () -> ()
      %run_scoped3A_116 = arith.constant 0 : i32
      %run_scoped3A_117 = arith.constant 0 : i32
      "tpu.region"() ({
        %run_scoped3A_156 = tpu.sem_alloc : memref<!tpu.dma_semaphore, #tpu.memory_space<semaphore_mem>>
        %dma_start3A_157 = arith.constant 0 : i32
        %dma_start3A_158 = arith.constant 0 : i32
        %dma_start3A_159 = tpu.memref_slice %arg8[%run_scoped3A_117, %dma_start3A_157, %dma_start3A_158] : memref<2x128x128xf32, #tpu.memory_space<vmem>> -> memref<1x128x128xf32, #tpu.memory_space<vmem>>
        %dma_start3A_160 = tpu.memref_squeeze %dma_start3A_159 : memref<1x128x128xf32, #tpu.memory_space<vmem>> -> memref<128x128xf32, #tpu.memory_space<vmem>>
        %dma_start3A_161 = arith.constant 0 : i32
        %dma_start3A_162 = tpu.memref_slice %arg6[%run_scoped3A_116, %dma_start3A_161] : memref<40x128xi32, #tpu.memory_space<vmem>> -> memref<1x128xi32, #tpu.memory_space<vmem>>
        %dma_start3A_163 = tpu.memref_squeeze %dma_start3A_162 : memref<1x128xi32, #tpu.memory_space<vmem>> -> memref<128xi32, #tpu.memory_space<vmem>>
        %dma_start3A_164 = arith.constant 0 : i32
        %dma_start3A_165 = arith.constant 0 : i32
        %dma_start3A_166 = tpu.memref_slice %arg2[%dma_start3A_164, %dma_start3A_165] : memref<10000x128xf32, #tpu.memory_space<hbm>> -> memref<10000x128xf32, #tpu.memory_space<hbm>>
        tpu.enqueue_indirect_dma source(%dma_start3A_166 : memref<10000x128xf32, #tpu.memory_space<hbm>>) target(%dma_start3A_160 : memref<128x128xf32, #tpu.memory_space<vmem>>) offsets(%dma_start3A_163 : memref<128xi32, #tpu.memory_space<vmem>>) semaphore(%run_scoped3A_156 : memref<!tpu.dma_semaphore, #tpu.memory_space<semaphore_mem>>)
        %dma_wait3A_167 = arith.constant 0 : i32
        %dma_wait3A_168 = arith.constant 0 : i32
        %dma_wait3A_169 = tpu.memref_slice %arg8[%run_scoped3A_117, %dma_wait3A_167, %dma_wait3A_168] : memref<2x128x128xf32, #tpu.memory_space<vmem>> -> memref<1x128x128xf32, #tpu.memory_space<vmem>>
        %dma_wait3A_170 = tpu.memref_squeeze %dma_wait3A_169 : memref<1x128x128xf32, #tpu.memory_space<vmem>> -> memref<128x128xf32, #tpu.memory_space<vmem>>
        %dma_wait3A_171 = arith.constant 0 : i32
        %dma_wait3A_172 = tpu.memref_slice %arg6[%run_scoped3A_116, %dma_wait3A_171] : memref<40x128xi32, #tpu.memory_space<vmem>> -> memref<1x128xi32, #tpu.memory_space<vmem>>
        %dma_wait3A_173 = tpu.memref_squeeze %dma_wait3A_172 : memref<1x128xi32, #tpu.memory_space<vmem>> -> memref<128xi32, #tpu.memory_space<vmem>>
        %dma_wait3A_174 = arith.constant 0 : i32
        %dma_wait3A_175 = arith.constant 0 : i32
        %dma_wait3A_176 = tpu.memref_slice %arg2[%dma_wait3A_174, %dma_wait3A_175] : memref<10000x128xf32, #tpu.memory_space<hbm>> -> memref<10000x128xf32, #tpu.memory_space<hbm>>
        tpu.wait_indirect_dma semaphore(%run_scoped3A_156 : memref<!tpu.dma_semaphore, #tpu.memory_space<semaphore_mem>>) src(%dma_wait3A_176 : memref<10000x128xf32, #tpu.memory_space<hbm>>) dst(%dma_wait3A_170 : memref<128x128xf32, #tpu.memory_space<vmem>>)
        tpu.yield
      }) : () -> ()
      %scan3A_118 = arith.constant 0 : i32
      %scan3A_119 = arith.constant 19 : i32
      %scan3A_120 = arith.addi %scan3A_118, %scan3A_119 : i32
      %scan3A_121 = arith.constant 1 : i32
      scf.for %scan3A_156 = %scan3A_118 to %scan3A_120 step %scan3A_121  : i32 {
        %mul3A_157 = arith.constant 2 : i32
        %mul3A_158 = arith.muli %scan3A_156, %mul3A_157 : i32
        %add3A_159 = arith.constant 0 : i32
        %add3A_160 = arith.addi %add3A_159, %mul3A_158 : i32
        %add3A_161 = arith.constant 0 : i32
        %add3A_162 = arith.addi %add3A_160, %add3A_161 : i32
        %add3A_163 = arith.constant 1 : i32
        %add3A_164 = arith.addi %add3A_162, %add3A_163 : i32
        %dma_start3A_165 = arith.constant 1 : i32
        %dma_start3A_166 = arith.constant 0 : i32
        %dma_start3A_167 = arith.constant 0 : i32
        %dma_start3A_168 = tpu.memref_slice %arg8[%dma_start3A_165, %dma_start3A_166, %dma_start3A_167] : memref<2x128x128xf32, #tpu.memory_space<vmem>> -> memref<1x128x128xf32, #tpu.memory_space<vmem>>
        %dma_start3A_169 = tpu.memref_squeeze %dma_start3A_168 : memref<1x128x128xf32, #tpu.memory_space<vmem>> -> memref<128x128xf32, #tpu.memory_space<vmem>>
        %dma_start3A_170 = arith.constant 0 : i32
        %dma_start3A_171 = tpu.memref_slice %arg6[%add3A_164, %dma_start3A_170] : memref<40x128xi32, #tpu.memory_space<vmem>> -> memref<1x128xi32, #tpu.memory_space<vmem>>
        %dma_start3A_172 = tpu.memref_squeeze %dma_start3A_171 : memref<1x128xi32, #tpu.memory_space<vmem>> -> memref<128xi32, #tpu.memory_space<vmem>>
        %dma_start3A_173 = arith.constant 0 : i32
        %dma_start3A_174 = arith.constant 0 : i32
        %dma_start3A_175 = tpu.memref_slice %arg2[%dma_start3A_173, %dma_start3A_174] : memref<10000x128xf32, #tpu.memory_space<hbm>> -> memref<10000x128xf32, #tpu.memory_space<hbm>>
        tpu.enqueue_indirect_dma source(%dma_start3A_175 : memref<10000x128xf32, #tpu.memory_space<hbm>>) target(%dma_start3A_169 : memref<128x128xf32, #tpu.memory_space<vmem>>) offsets(%dma_start3A_172 : memref<128xi32, #tpu.memory_space<vmem>>) semaphore(%arg10 : memref<!tpu.dma_semaphore, #tpu.memory_space<semaphore_mem>>)
        %run_scoped3A_176 = arith.constant 0 : i32
        "tpu.region"() ({
          %run_scoped3A_215 = tpu.sem_alloc : memref<!tpu.dma_semaphore, #tpu.memory_space<semaphore_mem>>
          %dma_start3A_216 = arith.constant 0 : i32
          %dma_start3A_217 = arith.constant 0 : i32
          %dma_start3A_218 = tpu.memref_slice %arg8[%run_scoped3A_176, %dma_start3A_216, %dma_start3A_217] : memref<2x128x128xf32, #tpu.memory_space<vmem>> -> memref<1x128x128xf32, #tpu.memory_space<vmem>>
          %dma_start3A_219 = tpu.memref_squeeze %dma_start3A_218 : memref<1x128x128xf32, #tpu.memory_space<vmem>> -> memref<128x128xf32, #tpu.memory_space<vmem>>
          %dma_start3A_220 = arith.constant 0 : i32
          %dma_start3A_221 = tpu.memref_slice %arg7[%add3A_162, %dma_start3A_220] : memref<40x128xi32, #tpu.memory_space<vmem>> -> memref<1x128xi32, #tpu.memory_space<vmem>>
          %dma_start3A_222 = tpu.memref_squeeze %dma_start3A_221 : memref<1x128xi32, #tpu.memory_space<vmem>> -> memref<128xi32, #tpu.memory_space<vmem>>
          %dma_start3A_223 = arith.constant 0 : i32
          %dma_start3A_224 = arith.constant 0 : i32
          %dma_start3A_225 = tpu.memref_slice %arg9[%dma_start3A_223, %dma_start3A_224] : memref<10112x128xf32, #tpu.memory_space<vmem_shared>> -> memref<10112x128xf32, #tpu.memory_space<vmem_shared>>
          tpu.enqueue_indirect_dma source(%dma_start3A_219 : memref<128x128xf32, #tpu.memory_space<vmem>>) target(%dma_start3A_225 : memref<10112x128xf32, #tpu.memory_space<vmem_shared>>) offsets(%dma_start3A_222 : memref<128xi32, #tpu.memory_space<vmem>>) semaphore(%run_scoped3A_215 : memref<!tpu.dma_semaphore, #tpu.memory_space<semaphore_mem>>) {add = true}
          %dma_wait3A_226 = arith.constant 0 : i32
          %dma_wait3A_227 = arith.constant 0 : i32
          %dma_wait3A_228 = tpu.memref_slice %arg8[%run_scoped3A_176, %dma_wait3A_226, %dma_wait3A_227] : memref<2x128x128xf32, #tpu.memory_space<vmem>> -> memref<1x128x128xf32, #tpu.memory_space<vmem>>
          %dma_wait3A_229 = tpu.memref_squeeze %dma_wait3A_228 : memref<1x128x128xf32, #tpu.memory_space<vmem>> -> memref<128x128xf32, #tpu.memory_space<vmem>>
          %dma_wait3A_230 = arith.constant 0 : i32
          %dma_wait3A_231 = tpu.memref_slice %arg7[%add3A_162, %dma_wait3A_230] : memref<40x128xi32, #tpu.memory_space<vmem>> -> memref<1x128xi32, #tpu.memory_space<vmem>>
          %dma_wait3A_232 = tpu.memref_squeeze %dma_wait3A_231 : memref<1x128xi32, #tpu.memory_space<vmem>> -> memref<128xi32, #tpu.memory_space<vmem>>
          %dma_wait3A_233 = arith.constant 0 : i32
          %dma_wait3A_234 = arith.constant 0 : i32
          %dma_wait3A_235 = tpu.memref_slice %arg9[%dma_wait3A_233, %dma_wait3A_234] : memref<10112x128xf32, #tpu.memory_space<vmem_shared>> -> memref<10112x128xf32, #tpu.memory_space<vmem_shared>>
          tpu.wait_indirect_dma semaphore(%run_scoped3A_215 : memref<!tpu.dma_semaphore, #tpu.memory_space<semaphore_mem>>) src(%dma_wait3A_229 : memref<128x128xf32, #tpu.memory_space<vmem>>) dst(%dma_wait3A_235 : memref<10112x128xf32, #tpu.memory_space<vmem_shared>>)
          tpu.yield
        }) : () -> ()
        %dma_wait3A_177 = arith.constant 1 : i32
        %dma_wait3A_178 = arith.constant 0 : i32
        %dma_wait3A_179 = arith.constant 0 : i32
        %dma_wait3A_180 = tpu.memref_slice %arg8[%dma_wait3A_177, %dma_wait3A_178, %dma_wait3A_179] : memref<2x128x128xf32, #tpu.memory_space<vmem>> -> memref<1x128x128xf32, #tpu.memory_space<vmem>>
        %dma_wait3A_181 = tpu.memref_squeeze %dma_wait3A_180 : memref<1x128x128xf32, #tpu.memory_space<vmem>> -> memref<128x128xf32, #tpu.memory_space<vmem>>
        %dma_wait3A_182 = arith.constant 0 : i32
        %dma_wait3A_183 = tpu.memref_slice %arg6[%add3A_164, %dma_wait3A_182] : memref<40x128xi32, #tpu.memory_space<vmem>> -> memref<1x128xi32, #tpu.memory_space<vmem>>
        %dma_wait3A_184 = tpu.memref_squeeze %dma_wait3A_183 : memref<1x128xi32, #tpu.memory_space<vmem>> -> memref<128xi32, #tpu.memory_space<vmem>>
        %dma_wait3A_185 = arith.constant 0 : i32
        %dma_wait3A_186 = arith.constant 0 : i32
        %dma_wait3A_187 = tpu.memref_slice %arg2[%dma_wait3A_185, %dma_wait3A_186] : memref<10000x128xf32, #tpu.memory_space<hbm>> -> memref<10000x128xf32, #tpu.memory_space<hbm>>
        tpu.wait_indirect_dma semaphore(%arg10 : memref<!tpu.dma_semaphore, #tpu.memory_space<semaphore_mem>>) src(%dma_wait3A_187 : memref<10000x128xf32, #tpu.memory_space<hbm>>) dst(%dma_wait3A_181 : memref<128x128xf32, #tpu.memory_space<vmem>>)
        %add3A_188 = arith.constant 1 : i32
        %add3A_189 = arith.addi %add3A_160, %add3A_188 : i32
        %add3A_190 = arith.constant 1 : i32
        %add3A_191 = arith.addi %add3A_189, %add3A_190 : i32
        %dma_start3A_192 = arith.constant 0 : i32
        %dma_start3A_193 = arith.constant 0 : i32
        %dma_start3A_194 = arith.constant 0 : i32
        %dma_start3A_195 = tpu.memref_slice %arg8[%dma_start3A_192, %dma_start3A_193, %dma_start3A_194] : memref<2x128x128xf32, #tpu.memory_space<vmem>> -> memref<1x128x128xf32, #tpu.memory_space<vmem>>
        %dma_start3A_196 = tpu.memref_squeeze %dma_start3A_195 : memref<1x128x128xf32, #tpu.memory_space<vmem>> -> memref<128x128xf32, #tpu.memory_space<vmem>>
        %dma_start3A_197 = arith.constant 0 : i32
        %dma_start3A_198 = tpu.memref_slice %arg6[%add3A_191, %dma_start3A_197] : memref<40x128xi32, #tpu.memory_space<vmem>> -> memref<1x128xi32, #tpu.memory_space<vmem>>
        %dma_start3A_199 = tpu.memref_squeeze %dma_start3A_198 : memref<1x128xi32, #tpu.memory_space<vmem>> -> memref<128xi32, #tpu.memory_space<vmem>>
        %dma_start3A_200 = arith.constant 0 : i32
        %dma_start3A_201 = arith.constant 0 : i32
        %dma_start3A_202 = tpu.memref_slice %arg2[%dma_start3A_200, %dma_start3A_201] : memref<10000x128xf32, #tpu.memory_space<hbm>> -> memref<10000x128xf32, #tpu.memory_space<hbm>>
        tpu.enqueue_indirect_dma source(%dma_start3A_202 : memref<10000x128xf32, #tpu.memory_space<hbm>>) target(%dma_start3A_196 : memref<128x128xf32, #tpu.memory_space<vmem>>) offsets(%dma_start3A_199 : memref<128xi32, #tpu.memory_space<vmem>>) semaphore(%arg10 : memref<!tpu.dma_semaphore, #tpu.memory_space<semaphore_mem>>)
        %run_scoped3A_203 = arith.constant 1 : i32
        "tpu.region"() ({
          %run_scoped3A_215 = tpu.sem_alloc : memref<!tpu.dma_semaphore, #tpu.memory_space<semaphore_mem>>
          %dma_start3A_216 = arith.constant 0 : i32
          %dma_start3A_217 = arith.constant 0 : i32
          %dma_start3A_218 = tpu.memref_slice %arg8[%run_scoped3A_203, %dma_start3A_216, %dma_start3A_217] : memref<2x128x128xf32, #tpu.memory_space<vmem>> -> memref<1x128x128xf32, #tpu.memory_space<vmem>>
          %dma_start3A_219 = tpu.memref_squeeze %dma_start3A_218 : memref<1x128x128xf32, #tpu.memory_space<vmem>> -> memref<128x128xf32, #tpu.memory_space<vmem>>
          %dma_start3A_220 = arith.constant 0 : i32
          %dma_start3A_221 = tpu.memref_slice %arg7[%add3A_189, %dma_start3A_220] : memref<40x128xi32, #tpu.memory_space<vmem>> -> memref<1x128xi32, #tpu.memory_space<vmem>>
          %dma_start3A_222 = tpu.memref_squeeze %dma_start3A_221 : memref<1x128xi32, #tpu.memory_space<vmem>> -> memref<128xi32, #tpu.memory_space<vmem>>
          %dma_start3A_223 = arith.constant 0 : i32
          %dma_start3A_224 = arith.constant 0 : i32
          %dma_start3A_225 = tpu.memref_slice %arg9[%dma_start3A_223, %dma_start3A_224] : memref<10112x128xf32, #tpu.memory_space<vmem_shared>> -> memref<10112x128xf32, #tpu.memory_space<vmem_shared>>
          tpu.enqueue_indirect_dma source(%dma_start3A_219 : memref<128x128xf32, #tpu.memory_space<vmem>>) target(%dma_start3A_225 : memref<10112x128xf32, #tpu.memory_space<vmem_shared>>) offsets(%dma_start3A_222 : memref<128xi32, #tpu.memory_space<vmem>>) semaphore(%run_scoped3A_215 : memref<!tpu.dma_semaphore, #tpu.memory_space<semaphore_mem>>) {add = true}
          %dma_wait3A_226 = arith.constant 0 : i32
          %dma_wait3A_227 = arith.constant 0 : i32
          %dma_wait3A_228 = tpu.memref_slice %arg8[%run_scoped3A_203, %dma_wait3A_226, %dma_wait3A_227] : memref<2x128x128xf32, #tpu.memory_space<vmem>> -> memref<1x128x128xf32, #tpu.memory_space<vmem>>
          %dma_wait3A_229 = tpu.memref_squeeze %dma_wait3A_228 : memref<1x128x128xf32, #tpu.memory_space<vmem>> -> memref<128x128xf32, #tpu.memory_space<vmem>>
          %dma_wait3A_230 = arith.constant 0 : i32
          %dma_wait3A_231 = tpu.memref_slice %arg7[%add3A_189, %dma_wait3A_230] : memref<40x128xi32, #tpu.memory_space<vmem>> -> memref<1x128xi32, #tpu.memory_space<vmem>>
          %dma_wait3A_232 = tpu.memref_squeeze %dma_wait3A_231 : memref<1x128xi32, #tpu.memory_space<vmem>> -> memref<128xi32, #tpu.memory_space<vmem>>
          %dma_wait3A_233 = arith.constant 0 : i32
          %dma_wait3A_234 = arith.constant 0 : i32
          %dma_wait3A_235 = tpu.memref_slice %arg9[%dma_wait3A_233, %dma_wait3A_234] : memref<10112x128xf32, #tpu.memory_space<vmem_shared>> -> memref<10112x128xf32, #tpu.memory_space<vmem_shared>>
          tpu.wait_indirect_dma semaphore(%run_scoped3A_215 : memref<!tpu.dma_semaphore, #tpu.memory_space<semaphore_mem>>) src(%dma_wait3A_229 : memref<128x128xf32, #tpu.memory_space<vmem>>) dst(%dma_wait3A_235 : memref<10112x128xf32, #tpu.memory_space<vmem_shared>>)
          tpu.yield
        }) : () -> ()
        %dma_wait3A_204 = arith.constant 0 : i32
        %dma_wait3A_205 = arith.constant 0 : i32
        %dma_wait3A_206 = arith.constant 0 : i32
        %dma_wait3A_207 = tpu.memref_slice %arg8[%dma_wait3A_204, %dma_wait3A_205, %dma_wait3A_206] : memref<2x128x128xf32, #tpu.memory_space<vmem>> -> memref<1x128x128xf32, #tpu.memory_space<vmem>>
        %dma_wait3A_208 = tpu.memref_squeeze %dma_wait3A_207 : memref<1x128x128xf32, #tpu.memory_space<vmem>> -> memref<128x128xf32, #tpu.memory_space<vmem>>
        %dma_wait3A_209 = arith.constant 0 : i32
        %dma_wait3A_210 = tpu.memref_slice %arg6[%add3A_191, %dma_wait3A_209] : memref<40x128xi32, #tpu.memory_space<vmem>> -> memref<1x128xi32, #tpu.memory_space<vmem>>
        %dma_wait3A_211 = tpu.memref_squeeze %dma_wait3A_210 : memref<1x128xi32, #tpu.memory_space<vmem>> -> memref<128xi32, #tpu.memory_space<vmem>>
        %dma_wait3A_212 = arith.constant 0 : i32
        %dma_wait3A_213 = arith.constant 0 : i32
        %dma_wait3A_214 = tpu.memref_slice %arg2[%dma_wait3A_212, %dma_wait3A_213] : memref<10000x128xf32, #tpu.memory_space<hbm>> -> memref<10000x128xf32, #tpu.memory_space<hbm>>
        tpu.wait_indirect_dma semaphore(%arg10 : memref<!tpu.dma_semaphore, #tpu.memory_space<semaphore_mem>>) src(%dma_wait3A_214 : memref<10000x128xf32, #tpu.memory_space<hbm>>) dst(%dma_wait3A_208 : memref<128x128xf32, #tpu.memory_space<vmem>>)
      }
      %scan3A_122 = arith.constant 19 : i32
      %dma_start3A_123 = arith.constant 39 : i32
      %dma_start3A_124 = arith.constant 1 : i32
      %dma_start3A_125 = arith.constant 0 : i32
      %dma_start3A_126 = arith.constant 0 : i32
      %dma_start3A_127 = tpu.memref_slice %arg8[%dma_start3A_124, %dma_start3A_125, %dma_start3A_126] : memref<2x128x128xf32, #tpu.memory_space<vmem>> -> memref<1x128x128xf32, #tpu.memory_space<vmem>>
      %dma_start3A_128 = tpu.memref_squeeze %dma_start3A_127 : memref<1x128x128xf32, #tpu.memory_space<vmem>> -> memref<128x128xf32, #tpu.memory_space<vmem>>
      %dma_start3A_129 = arith.constant 0 : i32
      %dma_start3A_130 = tpu.memref_slice %arg6[%dma_start3A_123, %dma_start3A_129] : memref<40x128xi32, #tpu.memory_space<vmem>> -> memref<1x128xi32, #tpu.memory_space<vmem>>
      %dma_start3A_131 = tpu.memref_squeeze %dma_start3A_130 : memref<1x128xi32, #tpu.memory_space<vmem>> -> memref<128xi32, #tpu.memory_space<vmem>>
      %dma_start3A_132 = arith.constant 0 : i32
      %dma_start3A_133 = arith.constant 0 : i32
      %dma_start3A_134 = tpu.memref_slice %arg2[%dma_start3A_132, %dma_start3A_133] : memref<10000x128xf32, #tpu.memory_space<hbm>> -> memref<10000x128xf32, #tpu.memory_space<hbm>>
      tpu.enqueue_indirect_dma source(%dma_start3A_134 : memref<10000x128xf32, #tpu.memory_space<hbm>>) target(%dma_start3A_128 : memref<128x128xf32, #tpu.memory_space<vmem>>) offsets(%dma_start3A_131 : memref<128xi32, #tpu.memory_space<vmem>>) semaphore(%arg10 : memref<!tpu.dma_semaphore, #tpu.memory_space<semaphore_mem>>)
      %run_scoped3A_135 = arith.constant 0 : i32
      %run_scoped3A_136 = arith.constant 38 : i32
      "tpu.region"() ({
        %run_scoped3A_156 = tpu.sem_alloc : memref<!tpu.dma_semaphore, #tpu.memory_space<semaphore_mem>>
        %dma_start3A_157 = arith.constant 0 : i32
        %dma_start3A_158 = arith.constant 0 : i32
        %dma_start3A_159 = tpu.memref_slice %arg8[%run_scoped3A_135, %dma_start3A_157, %dma_start3A_158] : memref<2x128x128xf32, #tpu.memory_space<vmem>> -> memref<1x128x128xf32, #tpu.memory_space<vmem>>
        %dma_start3A_160 = tpu.memref_squeeze %dma_start3A_159 : memref<1x128x128xf32, #tpu.memory_space<vmem>> -> memref<128x128xf32, #tpu.memory_space<vmem>>
        %dma_start3A_161 = arith.constant 0 : i32
        %dma_start3A_162 = tpu.memref_slice %arg7[%run_scoped3A_136, %dma_start3A_161] : memref<40x128xi32, #tpu.memory_space<vmem>> -> memref<1x128xi32, #tpu.memory_space<vmem>>
        %dma_start3A_163 = tpu.memref_squeeze %dma_start3A_162 : memref<1x128xi32, #tpu.memory_space<vmem>> -> memref<128xi32, #tpu.memory_space<vmem>>
        %dma_start3A_164 = arith.constant 0 : i32
        %dma_start3A_165 = arith.constant 0 : i32
        %dma_start3A_166 = tpu.memref_slice %arg9[%dma_start3A_164, %dma_start3A_165] : memref<10112x128xf32, #tpu.memory_space<vmem_shared>> -> memref<10112x128xf32, #tpu.memory_space<vmem_shared>>
        tpu.enqueue_indirect_dma source(%dma_start3A_160 : memref<128x128xf32, #tpu.memory_space<vmem>>) target(%dma_start3A_166 : memref<10112x128xf32, #tpu.memory_space<vmem_shared>>) offsets(%dma_start3A_163 : memref<128xi32, #tpu.memory_space<vmem>>) semaphore(%run_scoped3A_156 : memref<!tpu.dma_semaphore, #tpu.memory_space<semaphore_mem>>) {add = true}
        %dma_wait3A_167 = arith.constant 0 : i32
        %dma_wait3A_168 = arith.constant 0 : i32
        %dma_wait3A_169 = tpu.memref_slice %arg8[%run_scoped3A_135, %dma_wait3A_167, %dma_wait3A_168] : memref<2x128x128xf32, #tpu.memory_space<vmem>> -> memref<1x128x128xf32, #tpu.memory_space<vmem>>
        %dma_wait3A_170 = tpu.memref_squeeze %dma_wait3A_169 : memref<1x128x128xf32, #tpu.memory_space<vmem>> -> memref<128x128xf32, #tpu.memory_space<vmem>>
        %dma_wait3A_171 = arith.constant 0 : i32
        %dma_wait3A_172 = tpu.memref_slice %arg7[%run_scoped3A_136, %dma_wait3A_171] : memref<40x128xi32, #tpu.memory_space<vmem>> -> memref<1x128xi32, #tpu.memory_space<vmem>>
        %dma_wait3A_173 = tpu.memref_squeeze %dma_wait3A_172 : memref<1x128xi32, #tpu.memory_space<vmem>> -> memref<128xi32, #tpu.memory_space<vmem>>
        %dma_wait3A_174 = arith.constant 0 : i32
        %dma_wait3A_175 = arith.constant 0 : i32
        %dma_wait3A_176 = tpu.memref_slice %arg9[%dma_wait3A_174, %dma_wait3A_175] : memref<10112x128xf32, #tpu.memory_space<vmem_shared>> -> memref<10112x128xf32, #tpu.memory_space<vmem_shared>>
        tpu.wait_indirect_dma semaphore(%run_scoped3A_156 : memref<!tpu.dma_semaphore, #tpu.memory_space<semaphore_mem>>) src(%dma_wait3A_170 : memref<128x128xf32, #tpu.memory_space<vmem>>) dst(%dma_wait3A_176 : memref<10112x128xf32, #tpu.memory_space<vmem_shared>>)
        tpu.yield
      }) : () -> ()
      %dma_wait3A_137 = arith.constant 39 : i32
      %dma_wait3A_138 = arith.constant 1 : i32
      %dma_wait3A_139 = arith.constant 0 : i32
      %dma_wait3A_140 = arith.constant 0 : i32
      %dma_wait3A_141 = tpu.memref_slice %arg8[%dma_wait3A_138, %dma_wait3A_139, %dma_wait3A_140] : memref<2x128x128xf32, #tpu.memory_space<vmem>> -> memref<1x128x128xf32, #tpu.memory_space<vmem>>
      %dma_wait3A_142 = tpu.memref_squeeze %dma_wait3A_141 : memref<1x128x128xf32, #tpu.memory_space<vmem>> -> memref<128x128xf32, #tpu.memory_space<vmem>>
      %dma_wait3A_143 = arith.constant 0 : i32
      %dma_wait3A_144 = tpu.memref_slice %arg6[%dma_wait3A_137, %dma_wait3A_143] : memref<40x128xi32, #tpu.memory_space<vmem>> -> memref<1x128xi32, #tpu.memory_space<vmem>>
      %dma_wait3A_145 = tpu.memref_squeeze %dma_wait3A_144 : memref<1x128xi32, #tpu.memory_space<vmem>> -> memref<128xi32, #tpu.memory_space<vmem>>
      %dma_wait3A_146 = arith.constant 0 : i32
      %dma_wait3A_147 = arith.constant 0 : i32
      %dma_wait3A_148 = tpu.memref_slice %arg2[%dma_wait3A_146, %dma_wait3A_147] : memref<10000x128xf32, #tpu.memory_space<hbm>> -> memref<10000x128xf32, #tpu.memory_space<hbm>>
      tpu.wait_indirect_dma semaphore(%arg10 : memref<!tpu.dma_semaphore, #tpu.memory_space<semaphore_mem>>) src(%dma_wait3A_148 : memref<10000x128xf32, #tpu.memory_space<hbm>>) dst(%dma_wait3A_142 : memref<128x128xf32, #tpu.memory_space<vmem>>)
      %run_scoped3A_149 = arith.constant 1 : i32
      %run_scoped3A_150 = arith.constant 39 : i32
      "tpu.region"() ({
        %run_scoped3A_156 = tpu.sem_alloc : memref<!tpu.dma_semaphore, #tpu.memory_space<semaphore_mem>>
        %dma_start3A_157 = arith.constant 0 : i32
        %dma_start3A_158 = arith.constant 0 : i32
        %dma_start3A_159 = tpu.memref_slice %arg8[%run_scoped3A_149, %dma_start3A_157, %dma_start3A_158] : memref<2x128x128xf32, #tpu.memory_space<vmem>> -> memref<1x128x128xf32, #tpu.memory_space<vmem>>
        %dma_start3A_160 = tpu.memref_squeeze %dma_start3A_159 : memref<1x128x128xf32, #tpu.memory_space<vmem>> -> memref<128x128xf32, #tpu.memory_space<vmem>>
        %dma_start3A_161 = arith.constant 0 : i32
        %dma_start3A_162 = tpu.memref_slice %arg7[%run_scoped3A_150, %dma_start3A_161] : memref<40x128xi32, #tpu.memory_space<vmem>> -> memref<1x128xi32, #tpu.memory_space<vmem>>
        %dma_start3A_163 = tpu.memref_squeeze %dma_start3A_162 : memref<1x128xi32, #tpu.memory_space<vmem>> -> memref<128xi32, #tpu.memory_space<vmem>>
        %dma_start3A_164 = arith.constant 0 : i32
        %dma_start3A_165 = arith.constant 0 : i32
        %dma_start3A_166 = tpu.memref_slice %arg9[%dma_start3A_164, %dma_start3A_165] : memref<10112x128xf32, #tpu.memory_space<vmem_shared>> -> memref<10112x128xf32, #tpu.memory_space<vmem_shared>>
        tpu.enqueue_indirect_dma source(%dma_start3A_160 : memref<128x128xf32, #tpu.memory_space<vmem>>) target(%dma_start3A_166 : memref<10112x128xf32, #tpu.memory_space<vmem_shared>>) offsets(%dma_start3A_163 : memref<128xi32, #tpu.memory_space<vmem>>) semaphore(%run_scoped3A_156 : memref<!tpu.dma_semaphore, #tpu.memory_space<semaphore_mem>>) {add = true}
        %dma_wait3A_167 = arith.constant 0 : i32
        %dma_wait3A_168 = arith.constant 0 : i32
        %dma_wait3A_169 = tpu.memref_slice %arg8[%run_scoped3A_149, %dma_wait3A_167, %dma_wait3A_168] : memref<2x128x128xf32, #tpu.memory_space<vmem>> -> memref<1x128x128xf32, #tpu.memory_space<vmem>>
        %dma_wait3A_170 = tpu.memref_squeeze %dma_wait3A_169 : memref<1x128x128xf32, #tpu.memory_space<vmem>> -> memref<128x128xf32, #tpu.memory_space<vmem>>
        %dma_wait3A_171 = arith.constant 0 : i32
        %dma_wait3A_172 = tpu.memref_slice %arg7[%run_scoped3A_150, %dma_wait3A_171] : memref<40x128xi32, #tpu.memory_space<vmem>> -> memref<1x128xi32, #tpu.memory_space<vmem>>
        %dma_wait3A_173 = tpu.memref_squeeze %dma_wait3A_172 : memref<1x128xi32, #tpu.memory_space<vmem>> -> memref<128xi32, #tpu.memory_space<vmem>>
        %dma_wait3A_174 = arith.constant 0 : i32
        %dma_wait3A_175 = arith.constant 0 : i32
        %dma_wait3A_176 = tpu.memref_slice %arg9[%dma_wait3A_174, %dma_wait3A_175] : memref<10112x128xf32, #tpu.memory_space<vmem_shared>> -> memref<10112x128xf32, #tpu.memory_space<vmem_shared>>
        tpu.wait_indirect_dma semaphore(%run_scoped3A_156 : memref<!tpu.dma_semaphore, #tpu.memory_space<semaphore_mem>>) src(%dma_wait3A_170 : memref<128x128xf32, #tpu.memory_space<vmem>>) dst(%dma_wait3A_176 : memref<10112x128xf32, #tpu.memory_space<vmem_shared>>)
        tpu.yield
      }) : () -> ()
      %barrier3A_151 = arith.constant 0 : index
      tpu.barrier barrier_id(%barrier3A_151)
      %mul3A_152 = arith.constant 632 : i32
      %mul3A_153 = arith.muli %arg1, %mul3A_152 : i32
      %mul3A_154 = arith.constant 632 : i32
      %mul3A_155 = arith.muli %arg1, %mul3A_154 : i32
      "tpu.region"() ({
        %run_scoped3A_156 = tpu.sem_alloc : memref<!tpu.dma_semaphore, #tpu.memory_space<semaphore_mem>>
        %dma_start3A_157 = arith.constant 0 : i32
        %dma_start3A_158 = tpu.memref_slice %arg5[%mul3A_155, %dma_start3A_157] : memref<10112x128xf32, #tpu.memory_space<hbm>> -> memref<632x128xf32, #tpu.memory_space<hbm>>
        %dma_start3A_159 = arith.constant 0 : i32
        %dma_start3A_160 = tpu.memref_slice %arg9[%mul3A_153, %dma_start3A_159] : memref<10112x128xf32, #tpu.memory_space<vmem_shared>> -> memref<632x128xf32, #tpu.memory_space<vmem_shared>>
        tpu.enqueue_dma source(%dma_start3A_160 : memref<632x128xf32, #tpu.memory_space<vmem_shared>>) target(%dma_start3A_158 : memref<632x128xf32, #tpu.memory_space<hbm>>) target_semaphore(%run_scoped3A_156 : memref<!tpu.dma_semaphore, #tpu.memory_space<semaphore_mem>>)
        %dma_wait3A_161 = arith.constant 0 : i32
        %dma_wait3A_162 = tpu.memref_slice %arg5[%mul3A_155, %dma_wait3A_161] : memref<10112x128xf32, #tpu.memory_space<hbm>> -> memref<632x128xf32, #tpu.memory_space<hbm>>
        %dma_wait3A_163 = arith.constant 0 : i32
        %dma_wait3A_164 = tpu.memref_slice %arg9[%mul3A_153, %dma_wait3A_163] : memref<10112x128xf32, #tpu.memory_space<vmem_shared>> -> memref<632x128xf32, #tpu.memory_space<vmem_shared>>
        tpu.wait_dma2 semaphore(%run_scoped3A_156 : memref<!tpu.dma_semaphore, #tpu.memory_space<semaphore_mem>>) src(%dma_wait3A_164 : memref<632x128xf32, #tpu.memory_space<vmem_shared>>) dst(%dma_wait3A_162 : memref<632x128xf32, #tpu.memory_space<hbm>>)
        tpu.yield
      }) : () -> ()
    } else {
    }
    return
  }
}

#map = affine_map<(d0, d1) -> (0, 0)>
#map1 = affine_map<(d0, d1) -> (0, 0, 0)>
module attributes {stable_mosaic.version = 14 : i64} {
  func.func @_sc_body(%arg0: i32, %arg1: i32, %arg2: memref<10000x128xf32, #tpu.memory_space<hbm>>, %arg3: memref<16x160x128xi32, #tpu.memory_space<hbm>>, %arg4: memref<16x160x128xi32, #tpu.memory_space<hbm>>, %arg5: memref<10112x128xf32, #tpu.memory_space<hbm>>, %arg6: memref<40x128xi32, #tpu.memory_space<vmem>>, %arg7: memref<40x128xi32, #tpu.memory_space<vmem>>, %arg8: memref<2x128x128xf32, #tpu.memory_space<vmem>>, %arg9: memref<10112x128xf32, #tpu.memory_space<vmem_shared>>, %arg10: memref<!tpu.dma_semaphore, #tpu.memory_space<semaphore_mem>>) attributes {dimension_semantics = [#tpu.dimension_semantics<core_parallel>, #tpu.dimension_semantics<subcore_parallel>], iteration_bounds = array<i64: 2, 16>, scalar_prefetch = 0 : i64, scratch_operands = 5 : i64, tpu.core_type = #tpu.core_type<sc_vector_subcore>, window_params = [{transform_indices = #map}, {transform_indices = #map1}, {transform_indices = #map1}, {transform_indices = #map}]} {
    %eq3A = arith.constant 0 : i32
    %eq3A_0 = arith.cmpi eq, %arg0, %eq3A : i32
    %convert_element_type3A = arith.extui %eq3A_0 : i1 to i32
    %cond3A = arith.constant 0 : i32
    %cond3A_1 = arith.cmpi ne, %convert_element_type3A, %cond3A : i32
    scf.if %cond3A_1 {
      %scan3A = arith.constant 0 : i32
      %scan3A_2 = arith.constant 128 : i32
      %scan3A_3 = arith.addi %scan3A, %scan3A_2 : i32
      %scan3A_4 = arith.constant 1 : i32
      scf.for %scan3A_156 = %scan3A to %scan3A_3 step %scan3A_4  : i32 {
        %mul3A_157 = arith.constant 1 : i32
        %mul3A_158 = arith.muli %scan3A_156, %mul3A_157 : i32
        %add3A_159 = arith.constant 0 : i32
        %add3A_160 = arith.addi %add3A_159, %mul3A_158 : i32
        %scan3A_161 = arith.constant 0 : i32
        %scan3A_162 = arith.constant 8 : i32
        %scan3A_163 = arith.addi %scan3A_161, %scan3A_162 : i32
        %scan3A_164 = arith.constant 1 : i32
        scf.for %scan3A_166 = %scan3A_161 to %scan3A_163 step %scan3A_164  : i32 {
          %mul3A_167 = arith.constant 16 : i32
          %mul3A_168 = arith.muli %scan3A_166, %mul3A_167 : i32
          %add3A_169 = arith.constant 0 : i32
          %add3A_170 = arith.addi %add3A_169, %mul3A_168 : i32
          %broadcast_in_dim3A = arith.constant 0.000000e+00 : f32
          %broadcast_in_dim3A_171 = vector.broadcast %broadcast_in_dim3A : f32 to vector<16xf32>
          %swap3A = arith.constant 0 : i32
          %swap3A_172 = arith.index_cast %swap3A : i32 to index
          %swap3A_173 = arith.index_cast %add3A_160 : i32 to index
          %swap3A_174 = arith.index_cast %add3A_170 : i32 to index
          %swap3A_175 = tpu.vector_load %arg8[%swap3A_172, %swap3A_173, %swap3A_174] {strides = array<i32>} : memref<2x128x128xf32, #tpu.memory_space<vmem>>, vector<1x1x16xf32>,
          %swap3A_176 = vector.shape_cast %swap3A_175 : vector<1x1x16xf32> to vector<16xf32>
          %swap3A_177 = vector.shape_cast %broadcast_in_dim3A_171 : vector<16xf32> to vector<1x1x16xf32>
          tpu.vector_store %arg8[%swap3A_172, %swap3A_173, %swap3A_174], %swap3A_177 {strides = array<i32>} : memref<2x128x128xf32, #tpu.memory_space<vmem>>, vector<1x1x16xf32>,
        }
        %scan3A_165 = arith.constant 8 : i32
      }
      %scan3A_5 = arith.constant 128 : i32
      %scan3A_6 = arith.constant 0 : i32
      %scan3A_7 = arith.constant 4 : i32
      %scan3A_8 = arith.addi %scan3A_6, %scan3A_7 : i32
      %scan3A_9 = arith.constant 1 : i32
      scf.for %scan3A_156 = %scan3A_6 to %scan3A_8 step %scan3A_9  : i32 {
        %mul3A_157 = arith.constant 1 : i32
        %mul3A_158 = arith.muli %scan3A_156, %mul3A_157 : i32
        %add3A_159 = arith.constant 0 : i32
        %add3A_160 = arith.addi %add3A_159, %mul3A_158 : i32
        %mul3A_161 = arith.constant 632 : i32
        %mul3A_162 = arith.muli %arg1, %mul3A_161 : i32
        %mul3A_163 = arith.constant 128 : i32
        %mul3A_164 = arith.muli %add3A_160, %mul3A_163 : i32
        %add3A_165 = arith.addi %mul3A_162, %mul3A_164 : i32
        %run_scoped3A_166 = arith.constant 0 : i32
        "tpu.region"() ({
          %run_scoped3A_167 = tpu.sem_alloc : memref<!tpu.dma_semaphore, #tpu.memory_space<semaphore_mem>>
          %dma_start3A_168 = arith.constant 0 : i32
          %dma_start3A_169 = arith.constant 0 : i32
          %dma_start3A_170 = tpu.memref_slice %arg8[%run_scoped3A_166, %dma_start3A_168, %dma_start3A_169] : memref<2x128x128xf32, #tpu.memory_space<vmem>> -> memref<1x128x128xf32, #tpu.memory_space<vmem>>
          %dma_start3A_171 = tpu.memref_squeeze %dma_start3A_170 : memref<1x128x128xf32, #tpu.memory_space<vmem>> -> memref<128x128xf32, #tpu.memory_space<vmem>>
          %dma_start3A_172 = arith.constant 0 : i32
          %dma_start3A_173 = tpu.memref_slice %arg9[%add3A_165, %dma_start3A_172] : memref<10112x128xf32, #tpu.memory_space<vmem_shared>> -> memref<128x128xf32, #tpu.memory_space<vmem_shared>>
          %dma_start3A_174 = arith.constant 0 : i32
          %dma_start3A_175 = tpu.memref_slice %arg9[%add3A_165, %dma_start3A_174] : memref<10112x128xf32, #tpu.memory_space<vmem_shared>> -> memref<128x128xf32, #tpu.memory_space<vmem_shared>>
          %dma_start3A_176 = arith.constant 0 : i32
          %dma_start3A_177 = arith.constant 0 : i32
          %dma_start3A_178 = tpu.memref_slice %arg8[%run_scoped3A_166, %dma_start3A_176, %dma_start3A_177] : memref<2x128x128xf32, #tpu.memory_space<vmem>> -> memref<1x128x128xf32, #tpu.memory_space<vmem>>
          %dma_start3A_179 = tpu.memref_squeeze %dma_start3A_178 : memref<1x128x128xf32, #tpu.memory_space<vmem>> -> memref<128x128xf32, #tpu.memory_space<vmem>>
          tpu.enqueue_dma source(%dma_start3A_179 : memref<128x128xf32, #tpu.memory_space<vmem>>) target(%dma_start3A_175 : memref<128x128xf32, #tpu.memory_space<vmem_shared>>) target_semaphore(%run_scoped3A_167 : memref<!tpu.dma_semaphore, #tpu.memory_space<semaphore_mem>>)
          %dma_wait3A_180 = arith.constant 0 : i32
          %dma_wait3A_181 = arith.constant 0 : i32
          %dma_wait3A_182 = tpu.memref_slice %arg8[%run_scoped3A_166, %dma_wait3A_180, %dma_wait3A_181] : memref<2x128x128xf32, #tpu.memory_space<vmem>> -> memref<1x128x128xf32, #tpu.memory_space<vmem>>
          %dma_wait3A_183 = tpu.memref_squeeze %dma_wait3A_182 : memref<1x128x128xf32, #tpu.memory_space<vmem>> -> memref<128x128xf32, #tpu.memory_space<vmem>>
          %dma_wait3A_184 = arith.constant 0 : i32
          %dma_wait3A_185 = tpu.memref_slice %arg9[%add3A_165, %dma_wait3A_184] : memref<10112x128xf32, #tpu.memory_space<vmem_shared>> -> memref<128x128xf32, #tpu.memory_space<vmem_shared>>
          %dma_wait3A_186 = arith.constant 0 : i32
          %dma_wait3A_187 = tpu.memref_slice %arg9[%add3A_165, %dma_wait3A_186] : memref<10112x128xf32, #tpu.memory_space<vmem_shared>> -> memref<128x128xf32, #tpu.memory_space<vmem_shared>>
          %dma_wait3A_188 = arith.constant 0 : i32
          %dma_wait3A_189 = arith.constant 0 : i32
          %dma_wait3A_190 = tpu.memref_slice %arg8[%run_scoped3A_166, %dma_wait3A_188, %dma_wait3A_189] : memref<2x128x128xf32, #tpu.memory_space<vmem>> -> memref<1x128x128xf32, #tpu.memory_space<vmem>>
          %dma_wait3A_191 = tpu.memref_squeeze %dma_wait3A_190 : memref<1x128x128xf32, #tpu.memory_space<vmem>> -> memref<128x128xf32, #tpu.memory_space<vmem>>
          tpu.wait_dma2 semaphore(%run_scoped3A_167 : memref<!tpu.dma_semaphore, #tpu.memory_space<semaphore_mem>>) src(%dma_wait3A_191 : memref<128x128xf32, #tpu.memory_space<vmem>>) dst(%dma_wait3A_187 : memref<128x128xf32, #tpu.memory_space<vmem_shared>>)
          tpu.yield
        }) : () -> ()
      }
      %scan3A_10 = arith.constant 4 : i32
      %mul3A = arith.constant 632 : i32
      %mul3A_11 = arith.muli %arg1, %mul3A : i32
      %add3A = arith.constant 512 : i32
      %add3A_12 = arith.addi %mul3A_11, %add3A : i32
      %run_scoped3A = arith.constant 0 : i32
      "tpu.region"() ({
        %run_scoped3A_156 = tpu.sem_alloc : memref<!tpu.dma_semaphore, #tpu.memory_space<semaphore_mem>>
        %dma_start3A_157 = arith.constant 0 : i32
        %dma_start3A_158 = arith.constant 0 : i32
        %dma_start3A_159 = tpu.memref_slice %arg8[%run_scoped3A, %dma_start3A_157, %dma_start3A_158] : memref<2x128x128xf32, #tpu.memory_space<vmem>> -> memref<1x120x128xf32, #tpu.memory_space<vmem>>
        %dma_start3A_160 = tpu.memref_squeeze %dma_start3A_159 : memref<1x120x128xf32, #tpu.memory_space<vmem>> -> memref<120x128xf32, #tpu.memory_space<vmem>>
        %dma_start3A_161 = arith.constant 0 : i32
        %dma_start3A_162 = tpu.memref_slice %arg9[%add3A_12, %dma_start3A_161] : memref<10112x128xf32, #tpu.memory_space<vmem_shared>> -> memref<120x128xf32, #tpu.memory_space<vmem_shared>>
        %dma_start3A_163 = arith.constant 0 : i32
        %dma_start3A_164 = tpu.memref_slice %arg9[%add3A_12, %dma_start3A_163] : memref<10112x128xf32, #tpu.memory_space<vmem_shared>> -> memref<120x128xf32, #tpu.memory_space<vmem_shared>>
        %dma_start3A_165 = arith.constant 0 : i32
        %dma_start3A_166 = arith.constant 0 : i32
        %dma_start3A_167 = tpu.memref_slice %arg8[%run_scoped3A, %dma_start3A_165, %dma_start3A_166] : memref<2x128x128xf32, #tpu.memory_space<vmem>> -> memref<1x120x128xf32, #tpu.memory_space<vmem>>
        %dma_start3A_168 = tpu.memref_squeeze %dma_start3A_167 : memref<1x120x128xf32, #tpu.memory_space<vmem>> -> memref<120x128xf32, #tpu.memory_space<vmem>>
        tpu.enqueue_dma source(%dma_start3A_168 : memref<120x128xf32, #tpu.memory_space<vmem>>) target(%dma_start3A_164 : memref<120x128xf32, #tpu.memory_space<vmem_shared>>) target_semaphore(%run_scoped3A_156 : memref<!tpu.dma_semaphore, #tpu.memory_space<semaphore_mem>>)
        %dma_wait3A_169 = arith.constant 0 : i32
        %dma_wait3A_170 = arith.constant 0 : i32
        %dma_wait3A_171 = tpu.memref_slice %arg8[%run_scoped3A, %dma_wait3A_169, %dma_wait3A_170] : memref<2x128x128xf32, #tpu.memory_space<vmem>> -> memref<1x120x128xf32, #tpu.memory_space<vmem>>
        %dma_wait3A_172 = tpu.memref_squeeze %dma_wait3A_171 : memref<1x120x128xf32, #tpu.memory_space<vmem>> -> memref<120x128xf32, #tpu.memory_space<vmem>>
        %dma_wait3A_173 = arith.constant 0 : i32
        %dma_wait3A_174 = tpu.memref_slice %arg9[%add3A_12, %dma_wait3A_173] : memref<10112x128xf32, #tpu.memory_space<vmem_shared>> -> memref<120x128xf32, #tpu.memory_space<vmem_shared>>
        %dma_wait3A_175 = arith.constant 0 : i32
        %dma_wait3A_176 = tpu.memref_slice %arg9[%add3A_12, %dma_wait3A_175] : memref<10112x128xf32, #tpu.memory_space<vmem_shared>> -> memref<120x128xf32, #tpu.memory_space<vmem_shared>>
        %dma_wait3A_177 = arith.constant 0 : i32
        %dma_wait3A_178 = arith.constant 0 : i32
        %dma_wait3A_179 = tpu.memref_slice %arg8[%run_scoped3A, %dma_wait3A_177, %dma_wait3A_178] : memref<2x128x128xf32, #tpu.memory_space<vmem>> -> memref<1x120x128xf32, #tpu.memory_space<vmem>>
        %dma_wait3A_180 = tpu.memref_squeeze %dma_wait3A_179 : memref<1x120x128xf32, #tpu.memory_space<vmem>> -> memref<120x128xf32, #tpu.memory_space<vmem>>
        tpu.wait_dma2 semaphore(%run_scoped3A_156 : memref<!tpu.dma_semaphore, #tpu.memory_space<semaphore_mem>>) src(%dma_wait3A_180 : memref<120x128xf32, #tpu.memory_space<vmem>>) dst(%dma_wait3A_176 : memref<120x128xf32, #tpu.memory_space<vmem_shared>>)
        tpu.yield
      }) : () -> ()
      %barrier3A = arith.constant 0 : index
      tpu.barrier barrier_id(%barrier3A)
      "tpu.region"() ({
        %run_scoped3A_156 = tpu.sem_alloc : memref<!tpu.dma_semaphore, #tpu.memory_space<semaphore_mem>>
        %dma_start3A_157 = arith.constant 0 : i32
        %dma_start3A_158 = arith.constant 0 : i32
        %dma_start3A_159 = tpu.memref_slice %arg3[%arg1, %dma_start3A_157, %dma_start3A_158] : memref<16x160x128xi32, #tpu.memory_space<hbm>> -> memref<1x40x128xi32, #tpu.memory_space<hbm>>
        %dma_start3A_160 = tpu.memref_squeeze %dma_start3A_159 : memref<1x40x128xi32, #tpu.memory_space<hbm>> -> memref<40x128xi32, #tpu.memory_space<hbm>>
        %dma_start3A_161 = arith.constant 0 : i32
        %dma_start3A_162 = arith.constant 0 : i32
        %dma_start3A_163 = tpu.memref_slice %arg3[%arg1, %dma_start3A_161, %dma_start3A_162] : memref<16x160x128xi32, #tpu.memory_space<hbm>> -> memref<1x40x128xi32, #tpu.memory_space<hbm>>
        %dma_start3A_164 = tpu.memref_squeeze %dma_start3A_163 : memref<1x40x128xi32, #tpu.memory_space<hbm>> -> memref<40x128xi32, #tpu.memory_space<hbm>>
        tpu.enqueue_dma source(%dma_start3A_164 : memref<40x128xi32, #tpu.memory_space<hbm>>) target(%arg6 : memref<40x128xi32, #tpu.memory_space<vmem>>) target_semaphore(%run_scoped3A_156 : memref<!tpu.dma_semaphore, #tpu.memory_space<semaphore_mem>>)
        %dma_wait3A_165 = arith.constant 0 : i32
        %dma_wait3A_166 = arith.constant 0 : i32
        %dma_wait3A_167 = tpu.memref_slice %arg3[%arg1, %dma_wait3A_165, %dma_wait3A_166] : memref<16x160x128xi32, #tpu.memory_space<hbm>> -> memref<1x40x128xi32, #tpu.memory_space<hbm>>
        %dma_wait3A_168 = tpu.memref_squeeze %dma_wait3A_167 : memref<1x40x128xi32, #tpu.memory_space<hbm>> -> memref<40x128xi32, #tpu.memory_space<hbm>>
        %dma_wait3A_169 = arith.constant 0 : i32
        %dma_wait3A_170 = arith.constant 0 : i32
        %dma_wait3A_171 = tpu.memref_slice %arg3[%arg1, %dma_wait3A_169, %dma_wait3A_170] : memref<16x160x128xi32, #tpu.memory_space<hbm>> -> memref<1x40x128xi32, #tpu.memory_space<hbm>>
        %dma_wait3A_172 = tpu.memref_squeeze %dma_wait3A_171 : memref<1x40x128xi32, #tpu.memory_space<hbm>> -> memref<40x128xi32, #tpu.memory_space<hbm>>
        tpu.wait_dma2 semaphore(%run_scoped3A_156 : memref<!tpu.dma_semaphore, #tpu.memory_space<semaphore_mem>>) src(%dma_wait3A_172 : memref<40x128xi32, #tpu.memory_space<hbm>>) dst(%arg6 : memref<40x128xi32, #tpu.memory_space<vmem>>)
        tpu.yield
      }) : () -> ()
      "tpu.region"() ({
        %run_scoped3A_156 = tpu.sem_alloc : memref<!tpu.dma_semaphore, #tpu.memory_space<semaphore_mem>>
        %dma_start3A_157 = arith.constant 0 : i32
        %dma_start3A_158 = arith.constant 0 : i32
        %dma_start3A_159 = tpu.memref_slice %arg4[%arg1, %dma_start3A_157, %dma_start3A_158] : memref<16x160x128xi32, #tpu.memory_space<hbm>> -> memref<1x40x128xi32, #tpu.memory_space<hbm>>
        %dma_start3A_160 = tpu.memref_squeeze %dma_start3A_159 : memref<1x40x128xi32, #tpu.memory_space<hbm>> -> memref<40x128xi32, #tpu.memory_space<hbm>>
        %dma_start3A_161 = arith.constant 0 : i32
        %dma_start3A_162 = arith.constant 0 : i32
        %dma_start3A_163 = tpu.memref_slice %arg4[%arg1, %dma_start3A_161, %dma_start3A_162] : memref<16x160x128xi32, #tpu.memory_space<hbm>> -> memref<1x40x128xi32, #tpu.memory_space<hbm>>
        %dma_start3A_164 = tpu.memref_squeeze %dma_start3A_163 : memref<1x40x128xi32, #tpu.memory_space<hbm>> -> memref<40x128xi32, #tpu.memory_space<hbm>>
        tpu.enqueue_dma source(%dma_start3A_164 : memref<40x128xi32, #tpu.memory_space<hbm>>) target(%arg7 : memref<40x128xi32, #tpu.memory_space<vmem>>) target_semaphore(%run_scoped3A_156 : memref<!tpu.dma_semaphore, #tpu.memory_space<semaphore_mem>>)
        %dma_wait3A_165 = arith.constant 0 : i32
        %dma_wait3A_166 = arith.constant 0 : i32
        %dma_wait3A_167 = tpu.memref_slice %arg4[%arg1, %dma_wait3A_165, %dma_wait3A_166] : memref<16x160x128xi32, #tpu.memory_space<hbm>> -> memref<1x40x128xi32, #tpu.memory_space<hbm>>
        %dma_wait3A_168 = tpu.memref_squeeze %dma_wait3A_167 : memref<1x40x128xi32, #tpu.memory_space<hbm>> -> memref<40x128xi32, #tpu.memory_space<hbm>>
        %dma_wait3A_169 = arith.constant 0 : i32
        %dma_wait3A_170 = arith.constant 0 : i32
        %dma_wait3A_171 = tpu.memref_slice %arg4[%arg1, %dma_wait3A_169, %dma_wait3A_170] : memref<16x160x128xi32, #tpu.memory_space<hbm>> -> memref<1x40x128xi32, #tpu.memory_space<hbm>>
        %dma_wait3A_172 = tpu.memref_squeeze %dma_wait3A_171 : memref<1x40x128xi32, #tpu.memory_space<hbm>> -> memref<40x128xi32, #tpu.memory_space<hbm>>
        tpu.wait_dma2 semaphore(%run_scoped3A_156 : memref<!tpu.dma_semaphore, #tpu.memory_space<semaphore_mem>>) src(%dma_wait3A_172 : memref<40x128xi32, #tpu.memory_space<hbm>>) dst(%arg7 : memref<40x128xi32, #tpu.memory_space<vmem>>)
        tpu.yield
      }) : () -> ()
      %run_scoped3A_13 = arith.constant 0 : i32
      %run_scoped3A_14 = arith.constant 0 : i32
      "tpu.region"() ({
        %run_scoped3A_156 = tpu.sem_alloc : memref<!tpu.dma_semaphore, #tpu.memory_space<semaphore_mem>>
        %dma_start3A_157 = arith.constant 0 : i32
        %dma_start3A_158 = arith.constant 0 : i32
        %dma_start3A_159 = tpu.memref_slice %arg8[%run_scoped3A_14, %dma_start3A_157, %dma_start3A_158] : memref<2x128x128xf32, #tpu.memory_space<vmem>> -> memref<1x128x128xf32, #tpu.memory_space<vmem>>
        %dma_start3A_160 = tpu.memref_squeeze %dma_start3A_159 : memref<1x128x128xf32, #tpu.memory_space<vmem>> -> memref<128x128xf32, #tpu.memory_space<vmem>>
        %dma_start3A_161 = arith.constant 0 : i32
        %dma_start3A_162 = tpu.memref_slice %arg6[%run_scoped3A_13, %dma_start3A_161] : memref<40x128xi32, #tpu.memory_space<vmem>> -> memref<1x128xi32, #tpu.memory_space<vmem>>
        %dma_start3A_163 = tpu.memref_squeeze %dma_start3A_162 : memref<1x128xi32, #tpu.memory_space<vmem>> -> memref<128xi32, #tpu.memory_space<vmem>>
        %dma_start3A_164 = arith.constant 0 : i32
        %dma_start3A_165 = arith.constant 0 : i32
        %dma_start3A_166 = tpu.memref_slice %arg2[%dma_start3A_164, %dma_start3A_165] : memref<10000x128xf32, #tpu.memory_space<hbm>> -> memref<10000x128xf32, #tpu.memory_space<hbm>>
        tpu.enqueue_indirect_dma source(%dma_start3A_166 : memref<10000x128xf32, #tpu.memory_space<hbm>>) target(%dma_start3A_160 : memref<128x128xf32, #tpu.memory_space<vmem>>) offsets(%dma_start3A_163 : memref<128xi32, #tpu.memory_space<vmem>>) semaphore(%run_scoped3A_156 : memref<!tpu.dma_semaphore, #tpu.memory_space<semaphore_mem>>)
        %dma_wait3A_167 = arith.constant 0 : i32
        %dma_wait3A_168 = arith.constant 0 : i32
        %dma_wait3A_169 = tpu.memref_slice %arg8[%run_scoped3A_14, %dma_wait3A_167, %dma_wait3A_168] : memref<2x128x128xf32, #tpu.memory_space<vmem>> -> memref<1x128x128xf32, #tpu.memory_space<vmem>>
        %dma_wait3A_170 = tpu.memref_squeeze %dma_wait3A_169 : memref<1x128x128xf32, #tpu.memory_space<vmem>> -> memref<128x128xf32, #tpu.memory_space<vmem>>
        %dma_wait3A_171 = arith.constant 0 : i32
        %dma_wait3A_172 = tpu.memref_slice %arg6[%run_scoped3A_13, %dma_wait3A_171] : memref<40x128xi32, #tpu.memory_space<vmem>> -> memref<1x128xi32, #tpu.memory_space<vmem>>
        %dma_wait3A_173 = tpu.memref_squeeze %dma_wait3A_172 : memref<1x128xi32, #tpu.memory_space<vmem>> -> memref<128xi32, #tpu.memory_space<vmem>>
        %dma_wait3A_174 = arith.constant 0 : i32
        %dma_wait3A_175 = arith.constant 0 : i32
        %dma_wait3A_176 = tpu.memref_slice %arg2[%dma_wait3A_174, %dma_wait3A_175] : memref<10000x128xf32, #tpu.memory_space<hbm>> -> memref<10000x128xf32, #tpu.memory_space<hbm>>
        tpu.wait_indirect_dma semaphore(%run_scoped3A_156 : memref<!tpu.dma_semaphore, #tpu.memory_space<semaphore_mem>>) src(%dma_wait3A_176 : memref<10000x128xf32, #tpu.memory_space<hbm>>) dst(%dma_wait3A_170 : memref<128x128xf32, #tpu.memory_space<vmem>>)
        tpu.yield
      }) : () -> ()
      %scan3A_15 = arith.constant 0 : i32
      %scan3A_16 = arith.constant 19 : i32
      %scan3A_17 = arith.addi %scan3A_15, %scan3A_16 : i32
      %scan3A_18 = arith.constant 1 : i32
      scf.for %scan3A_156 = %scan3A_15 to %scan3A_17 step %scan3A_18  : i32 {
        %mul3A_157 = arith.constant 2 : i32
        %mul3A_158 = arith.muli %scan3A_156, %mul3A_157 : i32
        %add3A_159 = arith.constant 0 : i32
        %add3A_160 = arith.addi %add3A_159, %mul3A_158 : i32
        %add3A_161 = arith.constant 0 : i32
        %add3A_162 = arith.addi %add3A_160, %add3A_161 : i32
        %add3A_163 = arith.constant 1 : i32
        %add3A_164 = arith.addi %add3A_162, %add3A_163 : i32
        %dma_start3A_165 = arith.constant 1 : i32
        %dma_start3A_166 = arith.constant 0 : i32
        %dma_start3A_167 = arith.constant 0 : i32
        %dma_start3A_168 = tpu.memref_slice %arg8[%dma_start3A_165, %dma_start3A_166, %dma_start3A_167] : memref<2x128x128xf32, #tpu.memory_space<vmem>> -> memref<1x128x128xf32, #tpu.memory_space<vmem>>
        %dma_start3A_169 = tpu.memref_squeeze %dma_start3A_168 : memref<1x128x128xf32, #tpu.memory_space<vmem>> -> memref<128x128xf32, #tpu.memory_space<vmem>>
        %dma_start3A_170 = arith.constant 0 : i32
        %dma_start3A_171 = tpu.memref_slice %arg6[%add3A_164, %dma_start3A_170] : memref<40x128xi32, #tpu.memory_space<vmem>> -> memref<1x128xi32, #tpu.memory_space<vmem>>
        %dma_start3A_172 = tpu.memref_squeeze %dma_start3A_171 : memref<1x128xi32, #tpu.memory_space<vmem>> -> memref<128xi32, #tpu.memory_space<vmem>>
        %dma_start3A_173 = arith.constant 0 : i32
        %dma_start3A_174 = arith.constant 0 : i32
        %dma_start3A_175 = tpu.memref_slice %arg2[%dma_start3A_173, %dma_start3A_174] : memref<10000x128xf32, #tpu.memory_space<hbm>> -> memref<10000x128xf32, #tpu.memory_space<hbm>>
        tpu.enqueue_indirect_dma source(%dma_start3A_175 : memref<10000x128xf32, #tpu.memory_space<hbm>>) target(%dma_start3A_169 : memref<128x128xf32, #tpu.memory_space<vmem>>) offsets(%dma_start3A_172 : memref<128xi32, #tpu.memory_space<vmem>>) semaphore(%arg10 : memref<!tpu.dma_semaphore, #tpu.memory_space<semaphore_mem>>)
        %run_scoped3A_176 = arith.constant 0 : i32
        "tpu.region"() ({
          %run_scoped3A_215 = tpu.sem_alloc : memref<!tpu.dma_semaphore, #tpu.memory_space<semaphore_mem>>
          %dma_start3A_216 = arith.constant 0 : i32
          %dma_start3A_217 = arith.constant 0 : i32
          %dma_start3A_218 = tpu.memref_slice %arg8[%run_scoped3A_176, %dma_start3A_216, %dma_start3A_217] : memref<2x128x128xf32, #tpu.memory_space<vmem>> -> memref<1x128x128xf32, #tpu.memory_space<vmem>>
          %dma_start3A_219 = tpu.memref_squeeze %dma_start3A_218 : memref<1x128x128xf32, #tpu.memory_space<vmem>> -> memref<128x128xf32, #tpu.memory_space<vmem>>
          %dma_start3A_220 = arith.constant 0 : i32
          %dma_start3A_221 = tpu.memref_slice %arg7[%add3A_162, %dma_start3A_220] : memref<40x128xi32, #tpu.memory_space<vmem>> -> memref<1x128xi32, #tpu.memory_space<vmem>>
          %dma_start3A_222 = tpu.memref_squeeze %dma_start3A_221 : memref<1x128xi32, #tpu.memory_space<vmem>> -> memref<128xi32, #tpu.memory_space<vmem>>
          %dma_start3A_223 = arith.constant 0 : i32
          %dma_start3A_224 = arith.constant 0 : i32
          %dma_start3A_225 = tpu.memref_slice %arg9[%dma_start3A_223, %dma_start3A_224] : memref<10112x128xf32, #tpu.memory_space<vmem_shared>> -> memref<10112x128xf32, #tpu.memory_space<vmem_shared>>
          tpu.enqueue_indirect_dma source(%dma_start3A_219 : memref<128x128xf32, #tpu.memory_space<vmem>>) target(%dma_start3A_225 : memref<10112x128xf32, #tpu.memory_space<vmem_shared>>) offsets(%dma_start3A_222 : memref<128xi32, #tpu.memory_space<vmem>>) semaphore(%run_scoped3A_215 : memref<!tpu.dma_semaphore, #tpu.memory_space<semaphore_mem>>) {add = true}
          %dma_wait3A_226 = arith.constant 0 : i32
          %dma_wait3A_227 = arith.constant 0 : i32
          %dma_wait3A_228 = tpu.memref_slice %arg8[%run_scoped3A_176, %dma_wait3A_226, %dma_wait3A_227] : memref<2x128x128xf32, #tpu.memory_space<vmem>> -> memref<1x128x128xf32, #tpu.memory_space<vmem>>
          %dma_wait3A_229 = tpu.memref_squeeze %dma_wait3A_228 : memref<1x128x128xf32, #tpu.memory_space<vmem>> -> memref<128x128xf32, #tpu.memory_space<vmem>>
          %dma_wait3A_230 = arith.constant 0 : i32
          %dma_wait3A_231 = tpu.memref_slice %arg7[%add3A_162, %dma_wait3A_230] : memref<40x128xi32, #tpu.memory_space<vmem>> -> memref<1x128xi32, #tpu.memory_space<vmem>>
          %dma_wait3A_232 = tpu.memref_squeeze %dma_wait3A_231 : memref<1x128xi32, #tpu.memory_space<vmem>> -> memref<128xi32, #tpu.memory_space<vmem>>
          %dma_wait3A_233 = arith.constant 0 : i32
          %dma_wait3A_234 = arith.constant 0 : i32
          %dma_wait3A_235 = tpu.memref_slice %arg9[%dma_wait3A_233, %dma_wait3A_234] : memref<10112x128xf32, #tpu.memory_space<vmem_shared>> -> memref<10112x128xf32, #tpu.memory_space<vmem_shared>>
          tpu.wait_indirect_dma semaphore(%run_scoped3A_215 : memref<!tpu.dma_semaphore, #tpu.memory_space<semaphore_mem>>) src(%dma_wait3A_229 : memref<128x128xf32, #tpu.memory_space<vmem>>) dst(%dma_wait3A_235 : memref<10112x128xf32, #tpu.memory_space<vmem_shared>>)
          tpu.yield
        }) : () -> ()
        %dma_wait3A_177 = arith.constant 1 : i32
        %dma_wait3A_178 = arith.constant 0 : i32
        %dma_wait3A_179 = arith.constant 0 : i32
        %dma_wait3A_180 = tpu.memref_slice %arg8[%dma_wait3A_177, %dma_wait3A_178, %dma_wait3A_179] : memref<2x128x128xf32, #tpu.memory_space<vmem>> -> memref<1x128x128xf32, #tpu.memory_space<vmem>>
        %dma_wait3A_181 = tpu.memref_squeeze %dma_wait3A_180 : memref<1x128x128xf32, #tpu.memory_space<vmem>> -> memref<128x128xf32, #tpu.memory_space<vmem>>
        %dma_wait3A_182 = arith.constant 0 : i32
        %dma_wait3A_183 = tpu.memref_slice %arg6[%add3A_164, %dma_wait3A_182] : memref<40x128xi32, #tpu.memory_space<vmem>> -> memref<1x128xi32, #tpu.memory_space<vmem>>
        %dma_wait3A_184 = tpu.memref_squeeze %dma_wait3A_183 : memref<1x128xi32, #tpu.memory_space<vmem>> -> memref<128xi32, #tpu.memory_space<vmem>>
        %dma_wait3A_185 = arith.constant 0 : i32
        %dma_wait3A_186 = arith.constant 0 : i32
        %dma_wait3A_187 = tpu.memref_slice %arg2[%dma_wait3A_185, %dma_wait3A_186] : memref<10000x128xf32, #tpu.memory_space<hbm>> -> memref<10000x128xf32, #tpu.memory_space<hbm>>
        tpu.wait_indirect_dma semaphore(%arg10 : memref<!tpu.dma_semaphore, #tpu.memory_space<semaphore_mem>>) src(%dma_wait3A_187 : memref<10000x128xf32, #tpu.memory_space<hbm>>) dst(%dma_wait3A_181 : memref<128x128xf32, #tpu.memory_space<vmem>>)
        %add3A_188 = arith.constant 1 : i32
        %add3A_189 = arith.addi %add3A_160, %add3A_188 : i32
        %add3A_190 = arith.constant 1 : i32
        %add3A_191 = arith.addi %add3A_189, %add3A_190 : i32
        %dma_start3A_192 = arith.constant 0 : i32
        %dma_start3A_193 = arith.constant 0 : i32
        %dma_start3A_194 = arith.constant 0 : i32
        %dma_start3A_195 = tpu.memref_slice %arg8[%dma_start3A_192, %dma_start3A_193, %dma_start3A_194] : memref<2x128x128xf32, #tpu.memory_space<vmem>> -> memref<1x128x128xf32, #tpu.memory_space<vmem>>
        %dma_start3A_196 = tpu.memref_squeeze %dma_start3A_195 : memref<1x128x128xf32, #tpu.memory_space<vmem>> -> memref<128x128xf32, #tpu.memory_space<vmem>>
        %dma_start3A_197 = arith.constant 0 : i32
        %dma_start3A_198 = tpu.memref_slice %arg6[%add3A_191, %dma_start3A_197] : memref<40x128xi32, #tpu.memory_space<vmem>> -> memref<1x128xi32, #tpu.memory_space<vmem>>
        %dma_start3A_199 = tpu.memref_squeeze %dma_start3A_198 : memref<1x128xi32, #tpu.memory_space<vmem>> -> memref<128xi32, #tpu.memory_space<vmem>>
        %dma_start3A_200 = arith.constant 0 : i32
        %dma_start3A_201 = arith.constant 0 : i32
        %dma_start3A_202 = tpu.memref_slice %arg2[%dma_start3A_200, %dma_start3A_201] : memref<10000x128xf32, #tpu.memory_space<hbm>> -> memref<10000x128xf32, #tpu.memory_space<hbm>>
        tpu.enqueue_indirect_dma source(%dma_start3A_202 : memref<10000x128xf32, #tpu.memory_space<hbm>>) target(%dma_start3A_196 : memref<128x128xf32, #tpu.memory_space<vmem>>) offsets(%dma_start3A_199 : memref<128xi32, #tpu.memory_space<vmem>>) semaphore(%arg10 : memref<!tpu.dma_semaphore, #tpu.memory_space<semaphore_mem>>)
        %run_scoped3A_203 = arith.constant 1 : i32
        "tpu.region"() ({
          %run_scoped3A_215 = tpu.sem_alloc : memref<!tpu.dma_semaphore, #tpu.memory_space<semaphore_mem>>
          %dma_start3A_216 = arith.constant 0 : i32
          %dma_start3A_217 = arith.constant 0 : i32
          %dma_start3A_218 = tpu.memref_slice %arg8[%run_scoped3A_203, %dma_start3A_216, %dma_start3A_217] : memref<2x128x128xf32, #tpu.memory_space<vmem>> -> memref<1x128x128xf32, #tpu.memory_space<vmem>>
          %dma_start3A_219 = tpu.memref_squeeze %dma_start3A_218 : memref<1x128x128xf32, #tpu.memory_space<vmem>> -> memref<128x128xf32, #tpu.memory_space<vmem>>
          %dma_start3A_220 = arith.constant 0 : i32
          %dma_start3A_221 = tpu.memref_slice %arg7[%add3A_189, %dma_start3A_220] : memref<40x128xi32, #tpu.memory_space<vmem>> -> memref<1x128xi32, #tpu.memory_space<vmem>>
          %dma_start3A_222 = tpu.memref_squeeze %dma_start3A_221 : memref<1x128xi32, #tpu.memory_space<vmem>> -> memref<128xi32, #tpu.memory_space<vmem>>
          %dma_start3A_223 = arith.constant 0 : i32
          %dma_start3A_224 = arith.constant 0 : i32
          %dma_start3A_225 = tpu.memref_slice %arg9[%dma_start3A_223, %dma_start3A_224] : memref<10112x128xf32, #tpu.memory_space<vmem_shared>> -> memref<10112x128xf32, #tpu.memory_space<vmem_shared>>
          tpu.enqueue_indirect_dma source(%dma_start3A_219 : memref<128x128xf32, #tpu.memory_space<vmem>>) target(%dma_start3A_225 : memref<10112x128xf32, #tpu.memory_space<vmem_shared>>) offsets(%dma_start3A_222 : memref<128xi32, #tpu.memory_space<vmem>>) semaphore(%run_scoped3A_215 : memref<!tpu.dma_semaphore, #tpu.memory_space<semaphore_mem>>) {add = true}
          %dma_wait3A_226 = arith.constant 0 : i32
          %dma_wait3A_227 = arith.constant 0 : i32
          %dma_wait3A_228 = tpu.memref_slice %arg8[%run_scoped3A_203, %dma_wait3A_226, %dma_wait3A_227] : memref<2x128x128xf32, #tpu.memory_space<vmem>> -> memref<1x128x128xf32, #tpu.memory_space<vmem>>
          %dma_wait3A_229 = tpu.memref_squeeze %dma_wait3A_228 : memref<1x128x128xf32, #tpu.memory_space<vmem>> -> memref<128x128xf32, #tpu.memory_space<vmem>>
          %dma_wait3A_230 = arith.constant 0 : i32
          %dma_wait3A_231 = tpu.memref_slice %arg7[%add3A_189, %dma_wait3A_230] : memref<40x128xi32, #tpu.memory_space<vmem>> -> memref<1x128xi32, #tpu.memory_space<vmem>>
          %dma_wait3A_232 = tpu.memref_squeeze %dma_wait3A_231 : memref<1x128xi32, #tpu.memory_space<vmem>> -> memref<128xi32, #tpu.memory_space<vmem>>
          %dma_wait3A_233 = arith.constant 0 : i32
          %dma_wait3A_234 = arith.constant 0 : i32
          %dma_wait3A_235 = tpu.memref_slice %arg9[%dma_wait3A_233, %dma_wait3A_234] : memref<10112x128xf32, #tpu.memory_space<vmem_shared>> -> memref<10112x128xf32, #tpu.memory_space<vmem_shared>>
          tpu.wait_indirect_dma semaphore(%run_scoped3A_215 : memref<!tpu.dma_semaphore, #tpu.memory_space<semaphore_mem>>) src(%dma_wait3A_229 : memref<128x128xf32, #tpu.memory_space<vmem>>) dst(%dma_wait3A_235 : memref<10112x128xf32, #tpu.memory_space<vmem_shared>>)
          tpu.yield
        }) : () -> ()
        %dma_wait3A_204 = arith.constant 0 : i32
        %dma_wait3A_205 = arith.constant 0 : i32
        %dma_wait3A_206 = arith.constant 0 : i32
        %dma_wait3A_207 = tpu.memref_slice %arg8[%dma_wait3A_204, %dma_wait3A_205, %dma_wait3A_206] : memref<2x128x128xf32, #tpu.memory_space<vmem>> -> memref<1x128x128xf32, #tpu.memory_space<vmem>>
        %dma_wait3A_208 = tpu.memref_squeeze %dma_wait3A_207 : memref<1x128x128xf32, #tpu.memory_space<vmem>> -> memref<128x128xf32, #tpu.memory_space<vmem>>
        %dma_wait3A_209 = arith.constant 0 : i32
        %dma_wait3A_210 = tpu.memref_slice %arg6[%add3A_191, %dma_wait3A_209] : memref<40x128xi32, #tpu.memory_space<vmem>> -> memref<1x128xi32, #tpu.memory_space<vmem>>
        %dma_wait3A_211 = tpu.memref_squeeze %dma_wait3A_210 : memref<1x128xi32, #tpu.memory_space<vmem>> -> memref<128xi32, #tpu.memory_space<vmem>>
        %dma_wait3A_212 = arith.constant 0 : i32
        %dma_wait3A_213 = arith.constant 0 : i32
        %dma_wait3A_214 = tpu.memref_slice %arg2[%dma_wait3A_212, %dma_wait3A_213] : memref<10000x128xf32, #tpu.memory_space<hbm>> -> memref<10000x128xf32, #tpu.memory_space<hbm>>
        tpu.wait_indirect_dma semaphore(%arg10 : memref<!tpu.dma_semaphore, #tpu.memory_space<semaphore_mem>>) src(%dma_wait3A_214 : memref<10000x128xf32, #tpu.memory_space<hbm>>) dst(%dma_wait3A_208 : memref<128x128xf32, #tpu.memory_space<vmem>>)
      }
      %scan3A_19 = arith.constant 19 : i32
      %dma_start3A = arith.constant 39 : i32
      %dma_start3A_20 = arith.constant 1 : i32
      %dma_start3A_21 = arith.constant 0 : i32
      %dma_start3A_22 = arith.constant 0 : i32
      %dma_start3A_23 = tpu.memref_slice %arg8[%dma_start3A_20, %dma_start3A_21, %dma_start3A_22] : memref<2x128x128xf32, #tpu.memory_space<vmem>> -> memref<1x128x128xf32, #tpu.memory_space<vmem>>
      %dma_start3A_24 = tpu.memref_squeeze %dma_start3A_23 : memref<1x128x128xf32, #tpu.memory_space<vmem>> -> memref<128x128xf32, #tpu.memory_space<vmem>>
      %dma_start3A_25 = arith.constant 0 : i32
      %dma_start3A_26 = tpu.memref_slice %arg6[%dma_start3A, %dma_start3A_25] : memref<40x128xi32, #tpu.memory_space<vmem>> -> memref<1x128xi32, #tpu.memory_space<vmem>>
      %dma_start3A_27 = tpu.memref_squeeze %dma_start3A_26 : memref<1x128xi32, #tpu.memory_space<vmem>> -> memref<128xi32, #tpu.memory_space<vmem>>
      %dma_start3A_28 = arith.constant 0 : i32
      %dma_start3A_29 = arith.constant 0 : i32
      %dma_start3A_30 = tpu.memref_slice %arg2[%dma_start3A_28, %dma_start3A_29] : memref<10000x128xf32, #tpu.memory_space<hbm>> -> memref<10000x128xf32, #tpu.memory_space<hbm>>
      tpu.enqueue_indirect_dma source(%dma_start3A_30 : memref<10000x128xf32, #tpu.memory_space<hbm>>) target(%dma_start3A_24 : memref<128x128xf32, #tpu.memory_space<vmem>>) offsets(%dma_start3A_27 : memref<128xi32, #tpu.memory_space<vmem>>) semaphore(%arg10 : memref<!tpu.dma_semaphore, #tpu.memory_space<semaphore_mem>>)
      %run_scoped3A_31 = arith.constant 0 : i32
      %run_scoped3A_32 = arith.constant 38 : i32
      "tpu.region"() ({
        %run_scoped3A_156 = tpu.sem_alloc : memref<!tpu.dma_semaphore, #tpu.memory_space<semaphore_mem>>
        %dma_start3A_157 = arith.constant 0 : i32
        %dma_start3A_158 = arith.constant 0 : i32
        %dma_start3A_159 = tpu.memref_slice %arg8[%run_scoped3A_31, %dma_start3A_157, %dma_start3A_158] : memref<2x128x128xf32, #tpu.memory_space<vmem>> -> memref<1x128x128xf32, #tpu.memory_space<vmem>>
        %dma_start3A_160 = tpu.memref_squeeze %dma_start3A_159 : memref<1x128x128xf32, #tpu.memory_space<vmem>> -> memref<128x128xf32, #tpu.memory_space<vmem>>
        %dma_start3A_161 = arith.constant 0 : i32
        %dma_start3A_162 = tpu.memref_slice %arg7[%run_scoped3A_32, %dma_start3A_161] : memref<40x128xi32, #tpu.memory_space<vmem>> -> memref<1x128xi32, #tpu.memory_space<vmem>>
        %dma_start3A_163 = tpu.memref_squeeze %dma_start3A_162 : memref<1x128xi32, #tpu.memory_space<vmem>> -> memref<128xi32, #tpu.memory_space<vmem>>
        %dma_start3A_164 = arith.constant 0 : i32
        %dma_start3A_165 = arith.constant 0 : i32
        %dma_start3A_166 = tpu.memref_slice %arg9[%dma_start3A_164, %dma_start3A_165] : memref<10112x128xf32, #tpu.memory_space<vmem_shared>> -> memref<10112x128xf32, #tpu.memory_space<vmem_shared>>
        tpu.enqueue_indirect_dma source(%dma_start3A_160 : memref<128x128xf32, #tpu.memory_space<vmem>>) target(%dma_start3A_166 : memref<10112x128xf32, #tpu.memory_space<vmem_shared>>) offsets(%dma_start3A_163 : memref<128xi32, #tpu.memory_space<vmem>>) semaphore(%run_scoped3A_156 : memref<!tpu.dma_semaphore, #tpu.memory_space<semaphore_mem>>) {add = true}
        %dma_wait3A_167 = arith.constant 0 : i32
        %dma_wait3A_168 = arith.constant 0 : i32
        %dma_wait3A_169 = tpu.memref_slice %arg8[%run_scoped3A_31, %dma_wait3A_167, %dma_wait3A_168] : memref<2x128x128xf32, #tpu.memory_space<vmem>> -> memref<1x128x128xf32, #tpu.memory_space<vmem>>
        %dma_wait3A_170 = tpu.memref_squeeze %dma_wait3A_169 : memref<1x128x128xf32, #tpu.memory_space<vmem>> -> memref<128x128xf32, #tpu.memory_space<vmem>>
        %dma_wait3A_171 = arith.constant 0 : i32
        %dma_wait3A_172 = tpu.memref_slice %arg7[%run_scoped3A_32, %dma_wait3A_171] : memref<40x128xi32, #tpu.memory_space<vmem>> -> memref<1x128xi32, #tpu.memory_space<vmem>>
        %dma_wait3A_173 = tpu.memref_squeeze %dma_wait3A_172 : memref<1x128xi32, #tpu.memory_space<vmem>> -> memref<128xi32, #tpu.memory_space<vmem>>
        %dma_wait3A_174 = arith.constant 0 : i32
        %dma_wait3A_175 = arith.constant 0 : i32
        %dma_wait3A_176 = tpu.memref_slice %arg9[%dma_wait3A_174, %dma_wait3A_175] : memref<10112x128xf32, #tpu.memory_space<vmem_shared>> -> memref<10112x128xf32, #tpu.memory_space<vmem_shared>>
        tpu.wait_indirect_dma semaphore(%run_scoped3A_156 : memref<!tpu.dma_semaphore, #tpu.memory_space<semaphore_mem>>) src(%dma_wait3A_170 : memref<128x128xf32, #tpu.memory_space<vmem>>) dst(%dma_wait3A_176 : memref<10112x128xf32, #tpu.memory_space<vmem_shared>>)
        tpu.yield
      }) : () -> ()
      %dma_wait3A = arith.constant 39 : i32
      %dma_wait3A_33 = arith.constant 1 : i32
      %dma_wait3A_34 = arith.constant 0 : i32
      %dma_wait3A_35 = arith.constant 0 : i32
      %dma_wait3A_36 = tpu.memref_slice %arg8[%dma_wait3A_33, %dma_wait3A_34, %dma_wait3A_35] : memref<2x128x128xf32, #tpu.memory_space<vmem>> -> memref<1x128x128xf32, #tpu.memory_space<vmem>>
      %dma_wait3A_37 = tpu.memref_squeeze %dma_wait3A_36 : memref<1x128x128xf32, #tpu.memory_space<vmem>> -> memref<128x128xf32, #tpu.memory_space<vmem>>
      %dma_wait3A_38 = arith.constant 0 : i32
      %dma_wait3A_39 = tpu.memref_slice %arg6[%dma_wait3A, %dma_wait3A_38] : memref<40x128xi32, #tpu.memory_space<vmem>> -> memref<1x128xi32, #tpu.memory_space<vmem>>
      %dma_wait3A_40 = tpu.memref_squeeze %dma_wait3A_39 : memref<1x128xi32, #tpu.memory_space<vmem>> -> memref<128xi32, #tpu.memory_space<vmem>>
      %dma_wait3A_41 = arith.constant 0 : i32
      %dma_wait3A_42 = arith.constant 0 : i32
      %dma_wait3A_43 = tpu.memref_slice %arg2[%dma_wait3A_41, %dma_wait3A_42] : memref<10000x128xf32, #tpu.memory_space<hbm>> -> memref<10000x128xf32, #tpu.memory_space<hbm>>
      tpu.wait_indirect_dma semaphore(%arg10 : memref<!tpu.dma_semaphore, #tpu.memory_space<semaphore_mem>>) src(%dma_wait3A_43 : memref<10000x128xf32, #tpu.memory_space<hbm>>) dst(%dma_wait3A_37 : memref<128x128xf32, #tpu.memory_space<vmem>>)
      %run_scoped3A_44 = arith.constant 1 : i32
      %run_scoped3A_45 = arith.constant 39 : i32
      "tpu.region"() ({
        %run_scoped3A_156 = tpu.sem_alloc : memref<!tpu.dma_semaphore, #tpu.memory_space<semaphore_mem>>
        %dma_start3A_157 = arith.constant 0 : i32
        %dma_start3A_158 = arith.constant 0 : i32
        %dma_start3A_159 = tpu.memref_slice %arg8[%run_scoped3A_44, %dma_start3A_157, %dma_start3A_158] : memref<2x128x128xf32, #tpu.memory_space<vmem>> -> memref<1x128x128xf32, #tpu.memory_space<vmem>>
        %dma_start3A_160 = tpu.memref_squeeze %dma_start3A_159 : memref<1x128x128xf32, #tpu.memory_space<vmem>> -> memref<128x128xf32, #tpu.memory_space<vmem>>
        %dma_start3A_161 = arith.constant 0 : i32
        %dma_start3A_162 = tpu.memref_slice %arg7[%run_scoped3A_45, %dma_start3A_161] : memref<40x128xi32, #tpu.memory_space<vmem>> -> memref<1x128xi32, #tpu.memory_space<vmem>>
        %dma_start3A_163 = tpu.memref_squeeze %dma_start3A_162 : memref<1x128xi32, #tpu.memory_space<vmem>> -> memref<128xi32, #tpu.memory_space<vmem>>
        %dma_start3A_164 = arith.constant 0 : i32
        %dma_start3A_165 = arith.constant 0 : i32
        %dma_start3A_166 = tpu.memref_slice %arg9[%dma_start3A_164, %dma_start3A_165] : memref<10112x128xf32, #tpu.memory_space<vmem_shared>> -> memref<10112x128xf32, #tpu.memory_space<vmem_shared>>
        tpu.enqueue_indirect_dma source(%dma_start3A_160 : memref<128x128xf32, #tpu.memory_space<vmem>>) target(%dma_start3A_166 : memref<10112x128xf32, #tpu.memory_space<vmem_shared>>) offsets(%dma_start3A_163 : memref<128xi32, #tpu.memory_space<vmem>>) semaphore(%run_scoped3A_156 : memref<!tpu.dma_semaphore, #tpu.memory_space<semaphore_mem>>) {add = true}
        %dma_wait3A_167 = arith.constant 0 : i32
        %dma_wait3A_168 = arith.constant 0 : i32
        %dma_wait3A_169 = tpu.memref_slice %arg8[%run_scoped3A_44, %dma_wait3A_167, %dma_wait3A_168] : memref<2x128x128xf32, #tpu.memory_space<vmem>> -> memref<1x128x128xf32, #tpu.memory_space<vmem>>
        %dma_wait3A_170 = tpu.memref_squeeze %dma_wait3A_169 : memref<1x128x128xf32, #tpu.memory_space<vmem>> -> memref<128x128xf32, #tpu.memory_space<vmem>>
        %dma_wait3A_171 = arith.constant 0 : i32
        %dma_wait3A_172 = tpu.memref_slice %arg7[%run_scoped3A_45, %dma_wait3A_171] : memref<40x128xi32, #tpu.memory_space<vmem>> -> memref<1x128xi32, #tpu.memory_space<vmem>>
        %dma_wait3A_173 = tpu.memref_squeeze %dma_wait3A_172 : memref<1x128xi32, #tpu.memory_space<vmem>> -> memref<128xi32, #tpu.memory_space<vmem>>
        %dma_wait3A_174 = arith.constant 0 : i32
        %dma_wait3A_175 = arith.constant 0 : i32
        %dma_wait3A_176 = tpu.memref_slice %arg9[%dma_wait3A_174, %dma_wait3A_175] : memref<10112x128xf32, #tpu.memory_space<vmem_shared>> -> memref<10112x128xf32, #tpu.memory_space<vmem_shared>>
        tpu.wait_indirect_dma semaphore(%run_scoped3A_156 : memref<!tpu.dma_semaphore, #tpu.memory_space<semaphore_mem>>) src(%dma_wait3A_170 : memref<128x128xf32, #tpu.memory_space<vmem>>) dst(%dma_wait3A_176 : memref<10112x128xf32, #tpu.memory_space<vmem_shared>>)
        tpu.yield
      }) : () -> ()
      "tpu.region"() ({
        %run_scoped3A_156 = tpu.sem_alloc : memref<!tpu.dma_semaphore, #tpu.memory_space<semaphore_mem>>
        %dma_start3A_157 = arith.constant 40 : i32
        %dma_start3A_158 = arith.constant 0 : i32
        %dma_start3A_159 = tpu.memref_slice %arg3[%arg1, %dma_start3A_157, %dma_start3A_158] : memref<16x160x128xi32, #tpu.memory_space<hbm>> -> memref<1x40x128xi32, #tpu.memory_space<hbm>>
        %dma_start3A_160 = tpu.memref_squeeze %dma_start3A_159 : memref<1x40x128xi32, #tpu.memory_space<hbm>> -> memref<40x128xi32, #tpu.memory_space<hbm>>
        %dma_start3A_161 = arith.constant 40 : i32
        %dma_start3A_162 = arith.constant 0 : i32
        %dma_start3A_163 = tpu.memref_slice %arg3[%arg1, %dma_start3A_161, %dma_start3A_162] : memref<16x160x128xi32, #tpu.memory_space<hbm>> -> memref<1x40x128xi32, #tpu.memory_space<hbm>>
        %dma_start3A_164 = tpu.memref_squeeze %dma_start3A_163 : memref<1x40x128xi32, #tpu.memory_space<hbm>> -> memref<40x128xi32, #tpu.memory_space<hbm>>
        tpu.enqueue_dma source(%dma_start3A_164 : memref<40x128xi32, #tpu.memory_space<hbm>>) target(%arg6 : memref<40x128xi32, #tpu.memory_space<vmem>>) target_semaphore(%run_scoped3A_156 : memref<!tpu.dma_semaphore, #tpu.memory_space<semaphore_mem>>)
        %dma_wait3A_165 = arith.constant 40 : i32
        %dma_wait3A_166 = arith.constant 0 : i32
        %dma_wait3A_167 = tpu.memref_slice %arg3[%arg1, %dma_wait3A_165, %dma_wait3A_166] : memref<16x160x128xi32, #tpu.memory_space<hbm>> -> memref<1x40x128xi32, #tpu.memory_space<hbm>>
        %dma_wait3A_168 = tpu.memref_squeeze %dma_wait3A_167 : memref<1x40x128xi32, #tpu.memory_space<hbm>> -> memref<40x128xi32, #tpu.memory_space<hbm>>
        %dma_wait3A_169 = arith.constant 40 : i32
        %dma_wait3A_170 = arith.constant 0 : i32
        %dma_wait3A_171 = tpu.memref_slice %arg3[%arg1, %dma_wait3A_169, %dma_wait3A_170] : memref<16x160x128xi32, #tpu.memory_space<hbm>> -> memref<1x40x128xi32, #tpu.memory_space<hbm>>
        %dma_wait3A_172 = tpu.memref_squeeze %dma_wait3A_171 : memref<1x40x128xi32, #tpu.memory_space<hbm>> -> memref<40x128xi32, #tpu.memory_space<hbm>>
        tpu.wait_dma2 semaphore(%run_scoped3A_156 : memref<!tpu.dma_semaphore, #tpu.memory_space<semaphore_mem>>) src(%dma_wait3A_172 : memref<40x128xi32, #tpu.memory_space<hbm>>) dst(%arg6 : memref<40x128xi32, #tpu.memory_space<vmem>>)
        tpu.yield
      }) : () -> ()
      "tpu.region"() ({
        %run_scoped3A_156 = tpu.sem_alloc : memref<!tpu.dma_semaphore, #tpu.memory_space<semaphore_mem>>
        %dma_start3A_157 = arith.constant 40 : i32
        %dma_start3A_158 = arith.constant 0 : i32
        %dma_start3A_159 = tpu.memref_slice %arg4[%arg1, %dma_start3A_157, %dma_start3A_158] : memref<16x160x128xi32, #tpu.memory_space<hbm>> -> memref<1x40x128xi32, #tpu.memory_space<hbm>>
        %dma_start3A_160 = tpu.memref_squeeze %dma_start3A_159 : memref<1x40x128xi32, #tpu.memory_space<hbm>> -> memref<40x128xi32, #tpu.memory_space<hbm>>
        %dma_start3A_161 = arith.constant 40 : i32
        %dma_start3A_162 = arith.constant 0 : i32
        %dma_start3A_163 = tpu.memref_slice %arg4[%arg1, %dma_start3A_161, %dma_start3A_162] : memref<16x160x128xi32, #tpu.memory_space<hbm>> -> memref<1x40x128xi32, #tpu.memory_space<hbm>>
        %dma_start3A_164 = tpu.memref_squeeze %dma_start3A_163 : memref<1x40x128xi32, #tpu.memory_space<hbm>> -> memref<40x128xi32, #tpu.memory_space<hbm>>
        tpu.enqueue_dma source(%dma_start3A_164 : memref<40x128xi32, #tpu.memory_space<hbm>>) target(%arg7 : memref<40x128xi32, #tpu.memory_space<vmem>>) target_semaphore(%run_scoped3A_156 : memref<!tpu.dma_semaphore, #tpu.memory_space<semaphore_mem>>)
        %dma_wait3A_165 = arith.constant 40 : i32
        %dma_wait3A_166 = arith.constant 0 : i32
        %dma_wait3A_167 = tpu.memref_slice %arg4[%arg1, %dma_wait3A_165, %dma_wait3A_166] : memref<16x160x128xi32, #tpu.memory_space<hbm>> -> memref<1x40x128xi32, #tpu.memory_space<hbm>>
        %dma_wait3A_168 = tpu.memref_squeeze %dma_wait3A_167 : memref<1x40x128xi32, #tpu.memory_space<hbm>> -> memref<40x128xi32, #tpu.memory_space<hbm>>
        %dma_wait3A_169 = arith.constant 40 : i32
        %dma_wait3A_170 = arith.constant 0 : i32
        %dma_wait3A_171 = tpu.memref_slice %arg4[%arg1, %dma_wait3A_169, %dma_wait3A_170] : memref<16x160x128xi32, #tpu.memory_space<hbm>> -> memref<1x40x128xi32, #tpu.memory_space<hbm>>
        %dma_wait3A_172 = tpu.memref_squeeze %dma_wait3A_171 : memref<1x40x128xi32, #tpu.memory_space<hbm>> -> memref<40x128xi32, #tpu.memory_space<hbm>>
        tpu.wait_dma2 semaphore(%run_scoped3A_156 : memref<!tpu.dma_semaphore, #tpu.memory_space<semaphore_mem>>) src(%dma_wait3A_172 : memref<40x128xi32, #tpu.memory_space<hbm>>) dst(%arg7 : memref<40x128xi32, #tpu.memory_space<vmem>>)
        tpu.yield
      }) : () -> ()
      %run_scoped3A_46 = arith.constant 0 : i32
      %run_scoped3A_47 = arith.constant 0 : i32
      "tpu.region"() ({
        %run_scoped3A_156 = tpu.sem_alloc : memref<!tpu.dma_semaphore, #tpu.memory_space<semaphore_mem>>
        %dma_start3A_157 = arith.constant 0 : i32
        %dma_start3A_158 = arith.constant 0 : i32
        %dma_start3A_159 = tpu.memref_slice %arg8[%run_scoped3A_47, %dma_start3A_157, %dma_start3A_158] : memref<2x128x128xf32, #tpu.memory_space<vmem>> -> memref<1x128x128xf32, #tpu.memory_space<vmem>>
        %dma_start3A_160 = tpu.memref_squeeze %dma_start3A_159 : memref<1x128x128xf32, #tpu.memory_space<vmem>> -> memref<128x128xf32, #tpu.memory_space<vmem>>
        %dma_start3A_161 = arith.constant 0 : i32
        %dma_start3A_162 = tpu.memref_slice %arg6[%run_scoped3A_46, %dma_start3A_161] : memref<40x128xi32, #tpu.memory_space<vmem>> -> memref<1x128xi32, #tpu.memory_space<vmem>>
        %dma_start3A_163 = tpu.memref_squeeze %dma_start3A_162 : memref<1x128xi32, #tpu.memory_space<vmem>> -> memref<128xi32, #tpu.memory_space<vmem>>
        %dma_start3A_164 = arith.constant 0 : i32
        %dma_start3A_165 = arith.constant 0 : i32
        %dma_start3A_166 = tpu.memref_slice %arg2[%dma_start3A_164, %dma_start3A_165] : memref<10000x128xf32, #tpu.memory_space<hbm>> -> memref<10000x128xf32, #tpu.memory_space<hbm>>
        tpu.enqueue_indirect_dma source(%dma_start3A_166 : memref<10000x128xf32, #tpu.memory_space<hbm>>) target(%dma_start3A_160 : memref<128x128xf32, #tpu.memory_space<vmem>>) offsets(%dma_start3A_163 : memref<128xi32, #tpu.memory_space<vmem>>) semaphore(%run_scoped3A_156 : memref<!tpu.dma_semaphore, #tpu.memory_space<semaphore_mem>>)
        %dma_wait3A_167 = arith.constant 0 : i32
        %dma_wait3A_168 = arith.constant 0 : i32
        %dma_wait3A_169 = tpu.memref_slice %arg8[%run_scoped3A_47, %dma_wait3A_167, %dma_wait3A_168] : memref<2x128x128xf32, #tpu.memory_space<vmem>> -> memref<1x128x128xf32, #tpu.memory_space<vmem>>
        %dma_wait3A_170 = tpu.memref_squeeze %dma_wait3A_169 : memref<1x128x128xf32, #tpu.memory_space<vmem>> -> memref<128x128xf32, #tpu.memory_space<vmem>>
        %dma_wait3A_171 = arith.constant 0 : i32
        %dma_wait3A_172 = tpu.memref_slice %arg6[%run_scoped3A_46, %dma_wait3A_171] : memref<40x128xi32, #tpu.memory_space<vmem>> -> memref<1x128xi32, #tpu.memory_space<vmem>>
        %dma_wait3A_173 = tpu.memref_squeeze %dma_wait3A_172 : memref<1x128xi32, #tpu.memory_space<vmem>> -> memref<128xi32, #tpu.memory_space<vmem>>
        %dma_wait3A_174 = arith.constant 0 : i32
        %dma_wait3A_175 = arith.constant 0 : i32
        %dma_wait3A_176 = tpu.memref_slice %arg2[%dma_wait3A_174, %dma_wait3A_175] : memref<10000x128xf32, #tpu.memory_space<hbm>> -> memref<10000x128xf32, #tpu.memory_space<hbm>>
        tpu.wait_indirect_dma semaphore(%run_scoped3A_156 : memref<!tpu.dma_semaphore, #tpu.memory_space<semaphore_mem>>) src(%dma_wait3A_176 : memref<10000x128xf32, #tpu.memory_space<hbm>>) dst(%dma_wait3A_170 : memref<128x128xf32, #tpu.memory_space<vmem>>)
        tpu.yield
      }) : () -> ()
      %scan3A_48 = arith.constant 0 : i32
      %scan3A_49 = arith.constant 19 : i32
      %scan3A_50 = arith.addi %scan3A_48, %scan3A_49 : i32
      %scan3A_51 = arith.constant 1 : i32
      scf.for %scan3A_156 = %scan3A_48 to %scan3A_50 step %scan3A_51  : i32 {
        %mul3A_157 = arith.constant 2 : i32
        %mul3A_158 = arith.muli %scan3A_156, %mul3A_157 : i32
        %add3A_159 = arith.constant 0 : i32
        %add3A_160 = arith.addi %add3A_159, %mul3A_158 : i32
        %add3A_161 = arith.constant 0 : i32
        %add3A_162 = arith.addi %add3A_160, %add3A_161 : i32
        %add3A_163 = arith.constant 1 : i32
        %add3A_164 = arith.addi %add3A_162, %add3A_163 : i32
        %dma_start3A_165 = arith.constant 1 : i32
        %dma_start3A_166 = arith.constant 0 : i32
        %dma_start3A_167 = arith.constant 0 : i32
        %dma_start3A_168 = tpu.memref_slice %arg8[%dma_start3A_165, %dma_start3A_166, %dma_start3A_167] : memref<2x128x128xf32, #tpu.memory_space<vmem>> -> memref<1x128x128xf32, #tpu.memory_space<vmem>>
        %dma_start3A_169 = tpu.memref_squeeze %dma_start3A_168 : memref<1x128x128xf32, #tpu.memory_space<vmem>> -> memref<128x128xf32, #tpu.memory_space<vmem>>
        %dma_start3A_170 = arith.constant 0 : i32
        %dma_start3A_171 = tpu.memref_slice %arg6[%add3A_164, %dma_start3A_170] : memref<40x128xi32, #tpu.memory_space<vmem>> -> memref<1x128xi32, #tpu.memory_space<vmem>>
        %dma_start3A_172 = tpu.memref_squeeze %dma_start3A_171 : memref<1x128xi32, #tpu.memory_space<vmem>> -> memref<128xi32, #tpu.memory_space<vmem>>
        %dma_start3A_173 = arith.constant 0 : i32
        %dma_start3A_174 = arith.constant 0 : i32
        %dma_start3A_175 = tpu.memref_slice %arg2[%dma_start3A_173, %dma_start3A_174] : memref<10000x128xf32, #tpu.memory_space<hbm>> -> memref<10000x128xf32, #tpu.memory_space<hbm>>
        tpu.enqueue_indirect_dma source(%dma_start3A_175 : memref<10000x128xf32, #tpu.memory_space<hbm>>) target(%dma_start3A_169 : memref<128x128xf32, #tpu.memory_space<vmem>>) offsets(%dma_start3A_172 : memref<128xi32, #tpu.memory_space<vmem>>) semaphore(%arg10 : memref<!tpu.dma_semaphore, #tpu.memory_space<semaphore_mem>>)
        %run_scoped3A_176 = arith.constant 0 : i32
        "tpu.region"() ({
          %run_scoped3A_215 = tpu.sem_alloc : memref<!tpu.dma_semaphore, #tpu.memory_space<semaphore_mem>>
          %dma_start3A_216 = arith.constant 0 : i32
          %dma_start3A_217 = arith.constant 0 : i32
          %dma_start3A_218 = tpu.memref_slice %arg8[%run_scoped3A_176, %dma_start3A_216, %dma_start3A_217] : memref<2x128x128xf32, #tpu.memory_space<vmem>> -> memref<1x128x128xf32, #tpu.memory_space<vmem>>
          %dma_start3A_219 = tpu.memref_squeeze %dma_start3A_218 : memref<1x128x128xf32, #tpu.memory_space<vmem>> -> memref<128x128xf32, #tpu.memory_space<vmem>>
          %dma_start3A_220 = arith.constant 0 : i32
          %dma_start3A_221 = tpu.memref_slice %arg7[%add3A_162, %dma_start3A_220] : memref<40x128xi32, #tpu.memory_space<vmem>> -> memref<1x128xi32, #tpu.memory_space<vmem>>
          %dma_start3A_222 = tpu.memref_squeeze %dma_start3A_221 : memref<1x128xi32, #tpu.memory_space<vmem>> -> memref<128xi32, #tpu.memory_space<vmem>>
          %dma_start3A_223 = arith.constant 0 : i32
          %dma_start3A_224 = arith.constant 0 : i32
          %dma_start3A_225 = tpu.memref_slice %arg9[%dma_start3A_223, %dma_start3A_224] : memref<10112x128xf32, #tpu.memory_space<vmem_shared>> -> memref<10112x128xf32, #tpu.memory_space<vmem_shared>>
          tpu.enqueue_indirect_dma source(%dma_start3A_219 : memref<128x128xf32, #tpu.memory_space<vmem>>) target(%dma_start3A_225 : memref<10112x128xf32, #tpu.memory_space<vmem_shared>>) offsets(%dma_start3A_222 : memref<128xi32, #tpu.memory_space<vmem>>) semaphore(%run_scoped3A_215 : memref<!tpu.dma_semaphore, #tpu.memory_space<semaphore_mem>>) {add = true}
          %dma_wait3A_226 = arith.constant 0 : i32
          %dma_wait3A_227 = arith.constant 0 : i32
          %dma_wait3A_228 = tpu.memref_slice %arg8[%run_scoped3A_176, %dma_wait3A_226, %dma_wait3A_227] : memref<2x128x128xf32, #tpu.memory_space<vmem>> -> memref<1x128x128xf32, #tpu.memory_space<vmem>>
          %dma_wait3A_229 = tpu.memref_squeeze %dma_wait3A_228 : memref<1x128x128xf32, #tpu.memory_space<vmem>> -> memref<128x128xf32, #tpu.memory_space<vmem>>
          %dma_wait3A_230 = arith.constant 0 : i32
          %dma_wait3A_231 = tpu.memref_slice %arg7[%add3A_162, %dma_wait3A_230] : memref<40x128xi32, #tpu.memory_space<vmem>> -> memref<1x128xi32, #tpu.memory_space<vmem>>
          %dma_wait3A_232 = tpu.memref_squeeze %dma_wait3A_231 : memref<1x128xi32, #tpu.memory_space<vmem>> -> memref<128xi32, #tpu.memory_space<vmem>>
          %dma_wait3A_233 = arith.constant 0 : i32
          %dma_wait3A_234 = arith.constant 0 : i32
          %dma_wait3A_235 = tpu.memref_slice %arg9[%dma_wait3A_233, %dma_wait3A_234] : memref<10112x128xf32, #tpu.memory_space<vmem_shared>> -> memref<10112x128xf32, #tpu.memory_space<vmem_shared>>
          tpu.wait_indirect_dma semaphore(%run_scoped3A_215 : memref<!tpu.dma_semaphore, #tpu.memory_space<semaphore_mem>>) src(%dma_wait3A_229 : memref<128x128xf32, #tpu.memory_space<vmem>>) dst(%dma_wait3A_235 : memref<10112x128xf32, #tpu.memory_space<vmem_shared>>)
          tpu.yield
        }) : () -> ()
        %dma_wait3A_177 = arith.constant 1 : i32
        %dma_wait3A_178 = arith.constant 0 : i32
        %dma_wait3A_179 = arith.constant 0 : i32
        %dma_wait3A_180 = tpu.memref_slice %arg8[%dma_wait3A_177, %dma_wait3A_178, %dma_wait3A_179] : memref<2x128x128xf32, #tpu.memory_space<vmem>> -> memref<1x128x128xf32, #tpu.memory_space<vmem>>
        %dma_wait3A_181 = tpu.memref_squeeze %dma_wait3A_180 : memref<1x128x128xf32, #tpu.memory_space<vmem>> -> memref<128x128xf32, #tpu.memory_space<vmem>>
        %dma_wait3A_182 = arith.constant 0 : i32
        %dma_wait3A_183 = tpu.memref_slice %arg6[%add3A_164, %dma_wait3A_182] : memref<40x128xi32, #tpu.memory_space<vmem>> -> memref<1x128xi32, #tpu.memory_space<vmem>>
        %dma_wait3A_184 = tpu.memref_squeeze %dma_wait3A_183 : memref<1x128xi32, #tpu.memory_space<vmem>> -> memref<128xi32, #tpu.memory_space<vmem>>
        %dma_wait3A_185 = arith.constant 0 : i32
        %dma_wait3A_186 = arith.constant 0 : i32
        %dma_wait3A_187 = tpu.memref_slice %arg2[%dma_wait3A_185, %dma_wait3A_186] : memref<10000x128xf32, #tpu.memory_space<hbm>> -> memref<10000x128xf32, #tpu.memory_space<hbm>>
        tpu.wait_indirect_dma semaphore(%arg10 : memref<!tpu.dma_semaphore, #tpu.memory_space<semaphore_mem>>) src(%dma_wait3A_187 : memref<10000x128xf32, #tpu.memory_space<hbm>>) dst(%dma_wait3A_181 : memref<128x128xf32, #tpu.memory_space<vmem>>)
        %add3A_188 = arith.constant 1 : i32
        %add3A_189 = arith.addi %add3A_160, %add3A_188 : i32
        %add3A_190 = arith.constant 1 : i32
        %add3A_191 = arith.addi %add3A_189, %add3A_190 : i32
        %dma_start3A_192 = arith.constant 0 : i32
        %dma_start3A_193 = arith.constant 0 : i32
        %dma_start3A_194 = arith.constant 0 : i32
        %dma_start3A_195 = tpu.memref_slice %arg8[%dma_start3A_192, %dma_start3A_193, %dma_start3A_194] : memref<2x128x128xf32, #tpu.memory_space<vmem>> -> memref<1x128x128xf32, #tpu.memory_space<vmem>>
        %dma_start3A_196 = tpu.memref_squeeze %dma_start3A_195 : memref<1x128x128xf32, #tpu.memory_space<vmem>> -> memref<128x128xf32, #tpu.memory_space<vmem>>
        %dma_start3A_197 = arith.constant 0 : i32
        %dma_start3A_198 = tpu.memref_slice %arg6[%add3A_191, %dma_start3A_197] : memref<40x128xi32, #tpu.memory_space<vmem>> -> memref<1x128xi32, #tpu.memory_space<vmem>>
        %dma_start3A_199 = tpu.memref_squeeze %dma_start3A_198 : memref<1x128xi32, #tpu.memory_space<vmem>> -> memref<128xi32, #tpu.memory_space<vmem>>
        %dma_start3A_200 = arith.constant 0 : i32
        %dma_start3A_201 = arith.constant 0 : i32
        %dma_start3A_202 = tpu.memref_slice %arg2[%dma_start3A_200, %dma_start3A_201] : memref<10000x128xf32, #tpu.memory_space<hbm>> -> memref<10000x128xf32, #tpu.memory_space<hbm>>
        tpu.enqueue_indirect_dma source(%dma_start3A_202 : memref<10000x128xf32, #tpu.memory_space<hbm>>) target(%dma_start3A_196 : memref<128x128xf32, #tpu.memory_space<vmem>>) offsets(%dma_start3A_199 : memref<128xi32, #tpu.memory_space<vmem>>) semaphore(%arg10 : memref<!tpu.dma_semaphore, #tpu.memory_space<semaphore_mem>>)
        %run_scoped3A_203 = arith.constant 1 : i32
        "tpu.region"() ({
          %run_scoped3A_215 = tpu.sem_alloc : memref<!tpu.dma_semaphore, #tpu.memory_space<semaphore_mem>>
          %dma_start3A_216 = arith.constant 0 : i32
          %dma_start3A_217 = arith.constant 0 : i32
          %dma_start3A_218 = tpu.memref_slice %arg8[%run_scoped3A_203, %dma_start3A_216, %dma_start3A_217] : memref<2x128x128xf32, #tpu.memory_space<vmem>> -> memref<1x128x128xf32, #tpu.memory_space<vmem>>
          %dma_start3A_219 = tpu.memref_squeeze %dma_start3A_218 : memref<1x128x128xf32, #tpu.memory_space<vmem>> -> memref<128x128xf32, #tpu.memory_space<vmem>>
          %dma_start3A_220 = arith.constant 0 : i32
          %dma_start3A_221 = tpu.memref_slice %arg7[%add3A_189, %dma_start3A_220] : memref<40x128xi32, #tpu.memory_space<vmem>> -> memref<1x128xi32, #tpu.memory_space<vmem>>
          %dma_start3A_222 = tpu.memref_squeeze %dma_start3A_221 : memref<1x128xi32, #tpu.memory_space<vmem>> -> memref<128xi32, #tpu.memory_space<vmem>>
          %dma_start3A_223 = arith.constant 0 : i32
          %dma_start3A_224 = arith.constant 0 : i32
          %dma_start3A_225 = tpu.memref_slice %arg9[%dma_start3A_223, %dma_start3A_224] : memref<10112x128xf32, #tpu.memory_space<vmem_shared>> -> memref<10112x128xf32, #tpu.memory_space<vmem_shared>>
          tpu.enqueue_indirect_dma source(%dma_start3A_219 : memref<128x128xf32, #tpu.memory_space<vmem>>) target(%dma_start3A_225 : memref<10112x128xf32, #tpu.memory_space<vmem_shared>>) offsets(%dma_start3A_222 : memref<128xi32, #tpu.memory_space<vmem>>) semaphore(%run_scoped3A_215 : memref<!tpu.dma_semaphore, #tpu.memory_space<semaphore_mem>>) {add = true}
          %dma_wait3A_226 = arith.constant 0 : i32
          %dma_wait3A_227 = arith.constant 0 : i32
          %dma_wait3A_228 = tpu.memref_slice %arg8[%run_scoped3A_203, %dma_wait3A_226, %dma_wait3A_227] : memref<2x128x128xf32, #tpu.memory_space<vmem>> -> memref<1x128x128xf32, #tpu.memory_space<vmem>>
          %dma_wait3A_229 = tpu.memref_squeeze %dma_wait3A_228 : memref<1x128x128xf32, #tpu.memory_space<vmem>> -> memref<128x128xf32, #tpu.memory_space<vmem>>
          %dma_wait3A_230 = arith.constant 0 : i32
          %dma_wait3A_231 = tpu.memref_slice %arg7[%add3A_189, %dma_wait3A_230] : memref<40x128xi32, #tpu.memory_space<vmem>> -> memref<1x128xi32, #tpu.memory_space<vmem>>
          %dma_wait3A_232 = tpu.memref_squeeze %dma_wait3A_231 : memref<1x128xi32, #tpu.memory_space<vmem>> -> memref<128xi32, #tpu.memory_space<vmem>>
          %dma_wait3A_233 = arith.constant 0 : i32
          %dma_wait3A_234 = arith.constant 0 : i32
          %dma_wait3A_235 = tpu.memref_slice %arg9[%dma_wait3A_233, %dma_wait3A_234] : memref<10112x128xf32, #tpu.memory_space<vmem_shared>> -> memref<10112x128xf32, #tpu.memory_space<vmem_shared>>
          tpu.wait_indirect_dma semaphore(%run_scoped3A_215 : memref<!tpu.dma_semaphore, #tpu.memory_space<semaphore_mem>>) src(%dma_wait3A_229 : memref<128x128xf32, #tpu.memory_space<vmem>>) dst(%dma_wait3A_235 : memref<10112x128xf32, #tpu.memory_space<vmem_shared>>)
          tpu.yield
        }) : () -> ()
        %dma_wait3A_204 = arith.constant 0 : i32
        %dma_wait3A_205 = arith.constant 0 : i32
        %dma_wait3A_206 = arith.constant 0 : i32
        %dma_wait3A_207 = tpu.memref_slice %arg8[%dma_wait3A_204, %dma_wait3A_205, %dma_wait3A_206] : memref<2x128x128xf32, #tpu.memory_space<vmem>> -> memref<1x128x128xf32, #tpu.memory_space<vmem>>
        %dma_wait3A_208 = tpu.memref_squeeze %dma_wait3A_207 : memref<1x128x128xf32, #tpu.memory_space<vmem>> -> memref<128x128xf32, #tpu.memory_space<vmem>>
        %dma_wait3A_209 = arith.constant 0 : i32
        %dma_wait3A_210 = tpu.memref_slice %arg6[%add3A_191, %dma_wait3A_209] : memref<40x128xi32, #tpu.memory_space<vmem>> -> memref<1x128xi32, #tpu.memory_space<vmem>>
        %dma_wait3A_211 = tpu.memref_squeeze %dma_wait3A_210 : memref<1x128xi32, #tpu.memory_space<vmem>> -> memref<128xi32, #tpu.memory_space<vmem>>
        %dma_wait3A_212 = arith.constant 0 : i32
        %dma_wait3A_213 = arith.constant 0 : i32
        %dma_wait3A_214 = tpu.memref_slice %arg2[%dma_wait3A_212, %dma_wait3A_213] : memref<10000x128xf32, #tpu.memory_space<hbm>> -> memref<10000x128xf32, #tpu.memory_space<hbm>>
        tpu.wait_indirect_dma semaphore(%arg10 : memref<!tpu.dma_semaphore, #tpu.memory_space<semaphore_mem>>) src(%dma_wait3A_214 : memref<10000x128xf32, #tpu.memory_space<hbm>>) dst(%dma_wait3A_208 : memref<128x128xf32, #tpu.memory_space<vmem>>)
      }
      %scan3A_52 = arith.constant 19 : i32
      %dma_start3A_53 = arith.constant 39 : i32
      %dma_start3A_54 = arith.constant 1 : i32
      %dma_start3A_55 = arith.constant 0 : i32
      %dma_start3A_56 = arith.constant 0 : i32
      %dma_start3A_57 = tpu.memref_slice %arg8[%dma_start3A_54, %dma_start3A_55, %dma_start3A_56] : memref<2x128x128xf32, #tpu.memory_space<vmem>> -> memref<1x128x128xf32, #tpu.memory_space<vmem>>
      %dma_start3A_58 = tpu.memref_squeeze %dma_start3A_57 : memref<1x128x128xf32, #tpu.memory_space<vmem>> -> memref<128x128xf32, #tpu.memory_space<vmem>>
      %dma_start3A_59 = arith.constant 0 : i32
      %dma_start3A_60 = tpu.memref_slice %arg6[%dma_start3A_53, %dma_start3A_59] : memref<40x128xi32, #tpu.memory_space<vmem>> -> memref<1x128xi32, #tpu.memory_space<vmem>>
      %dma_start3A_61 = tpu.memref_squeeze %dma_start3A_60 : memref<1x128xi32, #tpu.memory_space<vmem>> -> memref<128xi32, #tpu.memory_space<vmem>>
      %dma_start3A_62 = arith.constant 0 : i32
      %dma_start3A_63 = arith.constant 0 : i32
      %dma_start3A_64 = tpu.memref_slice %arg2[%dma_start3A_62, %dma_start3A_63] : memref<10000x128xf32, #tpu.memory_space<hbm>> -> memref<10000x128xf32, #tpu.memory_space<hbm>>
      tpu.enqueue_indirect_dma source(%dma_start3A_64 : memref<10000x128xf32, #tpu.memory_space<hbm>>) target(%dma_start3A_58 : memref<128x128xf32, #tpu.memory_space<vmem>>) offsets(%dma_start3A_61 : memref<128xi32, #tpu.memory_space<vmem>>) semaphore(%arg10 : memref<!tpu.dma_semaphore, #tpu.memory_space<semaphore_mem>>)
      %run_scoped3A_65 = arith.constant 0 : i32
      %run_scoped3A_66 = arith.constant 38 : i32
      "tpu.region"() ({
        %run_scoped3A_156 = tpu.sem_alloc : memref<!tpu.dma_semaphore, #tpu.memory_space<semaphore_mem>>
        %dma_start3A_157 = arith.constant 0 : i32
        %dma_start3A_158 = arith.constant 0 : i32
        %dma_start3A_159 = tpu.memref_slice %arg8[%run_scoped3A_65, %dma_start3A_157, %dma_start3A_158] : memref<2x128x128xf32, #tpu.memory_space<vmem>> -> memref<1x128x128xf32, #tpu.memory_space<vmem>>
        %dma_start3A_160 = tpu.memref_squeeze %dma_start3A_159 : memref<1x128x128xf32, #tpu.memory_space<vmem>> -> memref<128x128xf32, #tpu.memory_space<vmem>>
        %dma_start3A_161 = arith.constant 0 : i32
        %dma_start3A_162 = tpu.memref_slice %arg7[%run_scoped3A_66, %dma_start3A_161] : memref<40x128xi32, #tpu.memory_space<vmem>> -> memref<1x128xi32, #tpu.memory_space<vmem>>
        %dma_start3A_163 = tpu.memref_squeeze %dma_start3A_162 : memref<1x128xi32, #tpu.memory_space<vmem>> -> memref<128xi32, #tpu.memory_space<vmem>>
        %dma_start3A_164 = arith.constant 0 : i32
        %dma_start3A_165 = arith.constant 0 : i32
        %dma_start3A_166 = tpu.memref_slice %arg9[%dma_start3A_164, %dma_start3A_165] : memref<10112x128xf32, #tpu.memory_space<vmem_shared>> -> memref<10112x128xf32, #tpu.memory_space<vmem_shared>>
        tpu.enqueue_indirect_dma source(%dma_start3A_160 : memref<128x128xf32, #tpu.memory_space<vmem>>) target(%dma_start3A_166 : memref<10112x128xf32, #tpu.memory_space<vmem_shared>>) offsets(%dma_start3A_163 : memref<128xi32, #tpu.memory_space<vmem>>) semaphore(%run_scoped3A_156 : memref<!tpu.dma_semaphore, #tpu.memory_space<semaphore_mem>>) {add = true}
        %dma_wait3A_167 = arith.constant 0 : i32
        %dma_wait3A_168 = arith.constant 0 : i32
        %dma_wait3A_169 = tpu.memref_slice %arg8[%run_scoped3A_65, %dma_wait3A_167, %dma_wait3A_168] : memref<2x128x128xf32, #tpu.memory_space<vmem>> -> memref<1x128x128xf32, #tpu.memory_space<vmem>>
        %dma_wait3A_170 = tpu.memref_squeeze %dma_wait3A_169 : memref<1x128x128xf32, #tpu.memory_space<vmem>> -> memref<128x128xf32, #tpu.memory_space<vmem>>
        %dma_wait3A_171 = arith.constant 0 : i32
        %dma_wait3A_172 = tpu.memref_slice %arg7[%run_scoped3A_66, %dma_wait3A_171] : memref<40x128xi32, #tpu.memory_space<vmem>> -> memref<1x128xi32, #tpu.memory_space<vmem>>
        %dma_wait3A_173 = tpu.memref_squeeze %dma_wait3A_172 : memref<1x128xi32, #tpu.memory_space<vmem>> -> memref<128xi32, #tpu.memory_space<vmem>>
        %dma_wait3A_174 = arith.constant 0 : i32
        %dma_wait3A_175 = arith.constant 0 : i32
        %dma_wait3A_176 = tpu.memref_slice %arg9[%dma_wait3A_174, %dma_wait3A_175] : memref<10112x128xf32, #tpu.memory_space<vmem_shared>> -> memref<10112x128xf32, #tpu.memory_space<vmem_shared>>
        tpu.wait_indirect_dma semaphore(%run_scoped3A_156 : memref<!tpu.dma_semaphore, #tpu.memory_space<semaphore_mem>>) src(%dma_wait3A_170 : memref<128x128xf32, #tpu.memory_space<vmem>>) dst(%dma_wait3A_176 : memref<10112x128xf32, #tpu.memory_space<vmem_shared>>)
        tpu.yield
      }) : () -> ()
      %dma_wait3A_67 = arith.constant 39 : i32
      %dma_wait3A_68 = arith.constant 1 : i32
      %dma_wait3A_69 = arith.constant 0 : i32
      %dma_wait3A_70 = arith.constant 0 : i32
      %dma_wait3A_71 = tpu.memref_slice %arg8[%dma_wait3A_68, %dma_wait3A_69, %dma_wait3A_70] : memref<2x128x128xf32, #tpu.memory_space<vmem>> -> memref<1x128x128xf32, #tpu.memory_space<vmem>>
      %dma_wait3A_72 = tpu.memref_squeeze %dma_wait3A_71 : memref<1x128x128xf32, #tpu.memory_space<vmem>> -> memref<128x128xf32, #tpu.memory_space<vmem>>
      %dma_wait3A_73 = arith.constant 0 : i32
      %dma_wait3A_74 = tpu.memref_slice %arg6[%dma_wait3A_67, %dma_wait3A_73] : memref<40x128xi32, #tpu.memory_space<vmem>> -> memref<1x128xi32, #tpu.memory_space<vmem>>
      %dma_wait3A_75 = tpu.memref_squeeze %dma_wait3A_74 : memref<1x128xi32, #tpu.memory_space<vmem>> -> memref<128xi32, #tpu.memory_space<vmem>>
      %dma_wait3A_76 = arith.constant 0 : i32
      %dma_wait3A_77 = arith.constant 0 : i32
      %dma_wait3A_78 = tpu.memref_slice %arg2[%dma_wait3A_76, %dma_wait3A_77] : memref<10000x128xf32, #tpu.memory_space<hbm>> -> memref<10000x128xf32, #tpu.memory_space<hbm>>
      tpu.wait_indirect_dma semaphore(%arg10 : memref<!tpu.dma_semaphore, #tpu.memory_space<semaphore_mem>>) src(%dma_wait3A_78 : memref<10000x128xf32, #tpu.memory_space<hbm>>) dst(%dma_wait3A_72 : memref<128x128xf32, #tpu.memory_space<vmem>>)
      %run_scoped3A_79 = arith.constant 1 : i32
      %run_scoped3A_80 = arith.constant 39 : i32
      "tpu.region"() ({
        %run_scoped3A_156 = tpu.sem_alloc : memref<!tpu.dma_semaphore, #tpu.memory_space<semaphore_mem>>
        %dma_start3A_157 = arith.constant 0 : i32
        %dma_start3A_158 = arith.constant 0 : i32
        %dma_start3A_159 = tpu.memref_slice %arg8[%run_scoped3A_79, %dma_start3A_157, %dma_start3A_158] : memref<2x128x128xf32, #tpu.memory_space<vmem>> -> memref<1x128x128xf32, #tpu.memory_space<vmem>>
        %dma_start3A_160 = tpu.memref_squeeze %dma_start3A_159 : memref<1x128x128xf32, #tpu.memory_space<vmem>> -> memref<128x128xf32, #tpu.memory_space<vmem>>
        %dma_start3A_161 = arith.constant 0 : i32
        %dma_start3A_162 = tpu.memref_slice %arg7[%run_scoped3A_80, %dma_start3A_161] : memref<40x128xi32, #tpu.memory_space<vmem>> -> memref<1x128xi32, #tpu.memory_space<vmem>>
        %dma_start3A_163 = tpu.memref_squeeze %dma_start3A_162 : memref<1x128xi32, #tpu.memory_space<vmem>> -> memref<128xi32, #tpu.memory_space<vmem>>
        %dma_start3A_164 = arith.constant 0 : i32
        %dma_start3A_165 = arith.constant 0 : i32
        %dma_start3A_166 = tpu.memref_slice %arg9[%dma_start3A_164, %dma_start3A_165] : memref<10112x128xf32, #tpu.memory_space<vmem_shared>> -> memref<10112x128xf32, #tpu.memory_space<vmem_shared>>
        tpu.enqueue_indirect_dma source(%dma_start3A_160 : memref<128x128xf32, #tpu.memory_space<vmem>>) target(%dma_start3A_166 : memref<10112x128xf32, #tpu.memory_space<vmem_shared>>) offsets(%dma_start3A_163 : memref<128xi32, #tpu.memory_space<vmem>>) semaphore(%run_scoped3A_156 : memref<!tpu.dma_semaphore, #tpu.memory_space<semaphore_mem>>) {add = true}
        %dma_wait3A_167 = arith.constant 0 : i32
        %dma_wait3A_168 = arith.constant 0 : i32
        %dma_wait3A_169 = tpu.memref_slice %arg8[%run_scoped3A_79, %dma_wait3A_167, %dma_wait3A_168] : memref<2x128x128xf32, #tpu.memory_space<vmem>> -> memref<1x128x128xf32, #tpu.memory_space<vmem>>
        %dma_wait3A_170 = tpu.memref_squeeze %dma_wait3A_169 : memref<1x128x128xf32, #tpu.memory_space<vmem>> -> memref<128x128xf32, #tpu.memory_space<vmem>>
        %dma_wait3A_171 = arith.constant 0 : i32
        %dma_wait3A_172 = tpu.memref_slice %arg7[%run_scoped3A_80, %dma_wait3A_171] : memref<40x128xi32, #tpu.memory_space<vmem>> -> memref<1x128xi32, #tpu.memory_space<vmem>>
        %dma_wait3A_173 = tpu.memref_squeeze %dma_wait3A_172 : memref<1x128xi32, #tpu.memory_space<vmem>> -> memref<128xi32, #tpu.memory_space<vmem>>
        %dma_wait3A_174 = arith.constant 0 : i32
        %dma_wait3A_175 = arith.constant 0 : i32
        %dma_wait3A_176 = tpu.memref_slice %arg9[%dma_wait3A_174, %dma_wait3A_175] : memref<10112x128xf32, #tpu.memory_space<vmem_shared>> -> memref<10112x128xf32, #tpu.memory_space<vmem_shared>>
        tpu.wait_indirect_dma semaphore(%run_scoped3A_156 : memref<!tpu.dma_semaphore, #tpu.memory_space<semaphore_mem>>) src(%dma_wait3A_170 : memref<128x128xf32, #tpu.memory_space<vmem>>) dst(%dma_wait3A_176 : memref<10112x128xf32, #tpu.memory_space<vmem_shared>>)
        tpu.yield
      }) : () -> ()
      "tpu.region"() ({
        %run_scoped3A_156 = tpu.sem_alloc : memref<!tpu.dma_semaphore, #tpu.memory_space<semaphore_mem>>
        %dma_start3A_157 = arith.constant 80 : i32
        %dma_start3A_158 = arith.constant 0 : i32
        %dma_start3A_159 = tpu.memref_slice %arg3[%arg1, %dma_start3A_157, %dma_start3A_158] : memref<16x160x128xi32, #tpu.memory_space<hbm>> -> memref<1x40x128xi32, #tpu.memory_space<hbm>>
        %dma_start3A_160 = tpu.memref_squeeze %dma_start3A_159 : memref<1x40x128xi32, #tpu.memory_space<hbm>> -> memref<40x128xi32, #tpu.memory_space<hbm>>
        %dma_start3A_161 = arith.constant 80 : i32
        %dma_start3A_162 = arith.constant 0 : i32
        %dma_start3A_163 = tpu.memref_slice %arg3[%arg1, %dma_start3A_161, %dma_start3A_162] : memref<16x160x128xi32, #tpu.memory_space<hbm>> -> memref<1x40x128xi32, #tpu.memory_space<hbm>>
        %dma_start3A_164 = tpu.memref_squeeze %dma_start3A_163 : memref<1x40x128xi32, #tpu.memory_space<hbm>> -> memref<40x128xi32, #tpu.memory_space<hbm>>
        tpu.enqueue_dma source(%dma_start3A_164 : memref<40x128xi32, #tpu.memory_space<hbm>>) target(%arg6 : memref<40x128xi32, #tpu.memory_space<vmem>>) target_semaphore(%run_scoped3A_156 : memref<!tpu.dma_semaphore, #tpu.memory_space<semaphore_mem>>)
        %dma_wait3A_165 = arith.constant 80 : i32
        %dma_wait3A_166 = arith.constant 0 : i32
        %dma_wait3A_167 = tpu.memref_slice %arg3[%arg1, %dma_wait3A_165, %dma_wait3A_166] : memref<16x160x128xi32, #tpu.memory_space<hbm>> -> memref<1x40x128xi32, #tpu.memory_space<hbm>>
        %dma_wait3A_168 = tpu.memref_squeeze %dma_wait3A_167 : memref<1x40x128xi32, #tpu.memory_space<hbm>> -> memref<40x128xi32, #tpu.memory_space<hbm>>
        %dma_wait3A_169 = arith.constant 80 : i32
        %dma_wait3A_170 = arith.constant 0 : i32
        %dma_wait3A_171 = tpu.memref_slice %arg3[%arg1, %dma_wait3A_169, %dma_wait3A_170] : memref<16x160x128xi32, #tpu.memory_space<hbm>> -> memref<1x40x128xi32, #tpu.memory_space<hbm>>
        %dma_wait3A_172 = tpu.memref_squeeze %dma_wait3A_171 : memref<1x40x128xi32, #tpu.memory_space<hbm>> -> memref<40x128xi32, #tpu.memory_space<hbm>>
        tpu.wait_dma2 semaphore(%run_scoped3A_156 : memref<!tpu.dma_semaphore, #tpu.memory_space<semaphore_mem>>) src(%dma_wait3A_172 : memref<40x128xi32, #tpu.memory_space<hbm>>) dst(%arg6 : memref<40x128xi32, #tpu.memory_space<vmem>>)
        tpu.yield
      }) : () -> ()
      "tpu.region"() ({
        %run_scoped3A_156 = tpu.sem_alloc : memref<!tpu.dma_semaphore, #tpu.memory_space<semaphore_mem>>
        %dma_start3A_157 = arith.constant 80 : i32
        %dma_start3A_158 = arith.constant 0 : i32
        %dma_start3A_159 = tpu.memref_slice %arg4[%arg1, %dma_start3A_157, %dma_start3A_158] : memref<16x160x128xi32, #tpu.memory_space<hbm>> -> memref<1x40x128xi32, #tpu.memory_space<hbm>>
        %dma_start3A_160 = tpu.memref_squeeze %dma_start3A_159 : memref<1x40x128xi32, #tpu.memory_space<hbm>> -> memref<40x128xi32, #tpu.memory_space<hbm>>
        %dma_start3A_161 = arith.constant 80 : i32
        %dma_start3A_162 = arith.constant 0 : i32
        %dma_start3A_163 = tpu.memref_slice %arg4[%arg1, %dma_start3A_161, %dma_start3A_162] : memref<16x160x128xi32, #tpu.memory_space<hbm>> -> memref<1x40x128xi32, #tpu.memory_space<hbm>>
        %dma_start3A_164 = tpu.memref_squeeze %dma_start3A_163 : memref<1x40x128xi32, #tpu.memory_space<hbm>> -> memref<40x128xi32, #tpu.memory_space<hbm>>
        tpu.enqueue_dma source(%dma_start3A_164 : memref<40x128xi32, #tpu.memory_space<hbm>>) target(%arg7 : memref<40x128xi32, #tpu.memory_space<vmem>>) target_semaphore(%run_scoped3A_156 : memref<!tpu.dma_semaphore, #tpu.memory_space<semaphore_mem>>)
        %dma_wait3A_165 = arith.constant 80 : i32
        %dma_wait3A_166 = arith.constant 0 : i32
        %dma_wait3A_167 = tpu.memref_slice %arg4[%arg1, %dma_wait3A_165, %dma_wait3A_166] : memref<16x160x128xi32, #tpu.memory_space<hbm>> -> memref<1x40x128xi32, #tpu.memory_space<hbm>>
        %dma_wait3A_168 = tpu.memref_squeeze %dma_wait3A_167 : memref<1x40x128xi32, #tpu.memory_space<hbm>> -> memref<40x128xi32, #tpu.memory_space<hbm>>
        %dma_wait3A_169 = arith.constant 80 : i32
        %dma_wait3A_170 = arith.constant 0 : i32
        %dma_wait3A_171 = tpu.memref_slice %arg4[%arg1, %dma_wait3A_169, %dma_wait3A_170] : memref<16x160x128xi32, #tpu.memory_space<hbm>> -> memref<1x40x128xi32, #tpu.memory_space<hbm>>
        %dma_wait3A_172 = tpu.memref_squeeze %dma_wait3A_171 : memref<1x40x128xi32, #tpu.memory_space<hbm>> -> memref<40x128xi32, #tpu.memory_space<hbm>>
        tpu.wait_dma2 semaphore(%run_scoped3A_156 : memref<!tpu.dma_semaphore, #tpu.memory_space<semaphore_mem>>) src(%dma_wait3A_172 : memref<40x128xi32, #tpu.memory_space<hbm>>) dst(%arg7 : memref<40x128xi32, #tpu.memory_space<vmem>>)
        tpu.yield
      }) : () -> ()
      %run_scoped3A_81 = arith.constant 0 : i32
      %run_scoped3A_82 = arith.constant 0 : i32
      "tpu.region"() ({
        %run_scoped3A_156 = tpu.sem_alloc : memref<!tpu.dma_semaphore, #tpu.memory_space<semaphore_mem>>
        %dma_start3A_157 = arith.constant 0 : i32
        %dma_start3A_158 = arith.constant 0 : i32
        %dma_start3A_159 = tpu.memref_slice %arg8[%run_scoped3A_82, %dma_start3A_157, %dma_start3A_158] : memref<2x128x128xf32, #tpu.memory_space<vmem>> -> memref<1x128x128xf32, #tpu.memory_space<vmem>>
        %dma_start3A_160 = tpu.memref_squeeze %dma_start3A_159 : memref<1x128x128xf32, #tpu.memory_space<vmem>> -> memref<128x128xf32, #tpu.memory_space<vmem>>
        %dma_start3A_161 = arith.constant 0 : i32
        %dma_start3A_162 = tpu.memref_slice %arg6[%run_scoped3A_81, %dma_start3A_161] : memref<40x128xi32, #tpu.memory_space<vmem>> -> memref<1x128xi32, #tpu.memory_space<vmem>>
        %dma_start3A_163 = tpu.memref_squeeze %dma_start3A_162 : memref<1x128xi32, #tpu.memory_space<vmem>> -> memref<128xi32, #tpu.memory_space<vmem>>
        %dma_start3A_164 = arith.constant 0 : i32
        %dma_start3A_165 = arith.constant 0 : i32
        %dma_start3A_166 = tpu.memref_slice %arg2[%dma_start3A_164, %dma_start3A_165] : memref<10000x128xf32, #tpu.memory_space<hbm>> -> memref<10000x128xf32, #tpu.memory_space<hbm>>
        tpu.enqueue_indirect_dma source(%dma_start3A_166 : memref<10000x128xf32, #tpu.memory_space<hbm>>) target(%dma_start3A_160 : memref<128x128xf32, #tpu.memory_space<vmem>>) offsets(%dma_start3A_163 : memref<128xi32, #tpu.memory_space<vmem>>) semaphore(%run_scoped3A_156 : memref<!tpu.dma_semaphore, #tpu.memory_space<semaphore_mem>>)
        %dma_wait3A_167 = arith.constant 0 : i32
        %dma_wait3A_168 = arith.constant 0 : i32
        %dma_wait3A_169 = tpu.memref_slice %arg8[%run_scoped3A_82, %dma_wait3A_167, %dma_wait3A_168] : memref<2x128x128xf32, #tpu.memory_space<vmem>> -> memref<1x128x128xf32, #tpu.memory_space<vmem>>
        %dma_wait3A_170 = tpu.memref_squeeze %dma_wait3A_169 : memref<1x128x128xf32, #tpu.memory_space<vmem>> -> memref<128x128xf32, #tpu.memory_space<vmem>>
        %dma_wait3A_171 = arith.constant 0 : i32
        %dma_wait3A_172 = tpu.memref_slice %arg6[%run_scoped3A_81, %dma_wait3A_171] : memref<40x128xi32, #tpu.memory_space<vmem>> -> memref<1x128xi32, #tpu.memory_space<vmem>>
        %dma_wait3A_173 = tpu.memref_squeeze %dma_wait3A_172 : memref<1x128xi32, #tpu.memory_space<vmem>> -> memref<128xi32, #tpu.memory_space<vmem>>
        %dma_wait3A_174 = arith.constant 0 : i32
        %dma_wait3A_175 = arith.constant 0 : i32
        %dma_wait3A_176 = tpu.memref_slice %arg2[%dma_wait3A_174, %dma_wait3A_175] : memref<10000x128xf32, #tpu.memory_space<hbm>> -> memref<10000x128xf32, #tpu.memory_space<hbm>>
        tpu.wait_indirect_dma semaphore(%run_scoped3A_156 : memref<!tpu.dma_semaphore, #tpu.memory_space<semaphore_mem>>) src(%dma_wait3A_176 : memref<10000x128xf32, #tpu.memory_space<hbm>>) dst(%dma_wait3A_170 : memref<128x128xf32, #tpu.memory_space<vmem>>)
        tpu.yield
      }) : () -> ()
      %scan3A_83 = arith.constant 0 : i32
      %scan3A_84 = arith.constant 19 : i32
      %scan3A_85 = arith.addi %scan3A_83, %scan3A_84 : i32
      %scan3A_86 = arith.constant 1 : i32
      scf.for %scan3A_156 = %scan3A_83 to %scan3A_85 step %scan3A_86  : i32 {
        %mul3A_157 = arith.constant 2 : i32
        %mul3A_158 = arith.muli %scan3A_156, %mul3A_157 : i32
        %add3A_159 = arith.constant 0 : i32
        %add3A_160 = arith.addi %add3A_159, %mul3A_158 : i32
        %add3A_161 = arith.constant 0 : i32
        %add3A_162 = arith.addi %add3A_160, %add3A_161 : i32
        %add3A_163 = arith.constant 1 : i32
        %add3A_164 = arith.addi %add3A_162, %add3A_163 : i32
        %dma_start3A_165 = arith.constant 1 : i32
        %dma_start3A_166 = arith.constant 0 : i32
        %dma_start3A_167 = arith.constant 0 : i32
        %dma_start3A_168 = tpu.memref_slice %arg8[%dma_start3A_165, %dma_start3A_166, %dma_start3A_167] : memref<2x128x128xf32, #tpu.memory_space<vmem>> -> memref<1x128x128xf32, #tpu.memory_space<vmem>>
        %dma_start3A_169 = tpu.memref_squeeze %dma_start3A_168 : memref<1x128x128xf32, #tpu.memory_space<vmem>> -> memref<128x128xf32, #tpu.memory_space<vmem>>
        %dma_start3A_170 = arith.constant 0 : i32
        %dma_start3A_171 = tpu.memref_slice %arg6[%add3A_164, %dma_start3A_170] : memref<40x128xi32, #tpu.memory_space<vmem>> -> memref<1x128xi32, #tpu.memory_space<vmem>>
        %dma_start3A_172 = tpu.memref_squeeze %dma_start3A_171 : memref<1x128xi32, #tpu.memory_space<vmem>> -> memref<128xi32, #tpu.memory_space<vmem>>
        %dma_start3A_173 = arith.constant 0 : i32
        %dma_start3A_174 = arith.constant 0 : i32
        %dma_start3A_175 = tpu.memref_slice %arg2[%dma_start3A_173, %dma_start3A_174] : memref<10000x128xf32, #tpu.memory_space<hbm>> -> memref<10000x128xf32, #tpu.memory_space<hbm>>
        tpu.enqueue_indirect_dma source(%dma_start3A_175 : memref<10000x128xf32, #tpu.memory_space<hbm>>) target(%dma_start3A_169 : memref<128x128xf32, #tpu.memory_space<vmem>>) offsets(%dma_start3A_172 : memref<128xi32, #tpu.memory_space<vmem>>) semaphore(%arg10 : memref<!tpu.dma_semaphore, #tpu.memory_space<semaphore_mem>>)
        %run_scoped3A_176 = arith.constant 0 : i32
        "tpu.region"() ({
          %run_scoped3A_215 = tpu.sem_alloc : memref<!tpu.dma_semaphore, #tpu.memory_space<semaphore_mem>>
          %dma_start3A_216 = arith.constant 0 : i32
          %dma_start3A_217 = arith.constant 0 : i32
          %dma_start3A_218 = tpu.memref_slice %arg8[%run_scoped3A_176, %dma_start3A_216, %dma_start3A_217] : memref<2x128x128xf32, #tpu.memory_space<vmem>> -> memref<1x128x128xf32, #tpu.memory_space<vmem>>
          %dma_start3A_219 = tpu.memref_squeeze %dma_start3A_218 : memref<1x128x128xf32, #tpu.memory_space<vmem>> -> memref<128x128xf32, #tpu.memory_space<vmem>>
          %dma_start3A_220 = arith.constant 0 : i32
          %dma_start3A_221 = tpu.memref_slice %arg7[%add3A_162, %dma_start3A_220] : memref<40x128xi32, #tpu.memory_space<vmem>> -> memref<1x128xi32, #tpu.memory_space<vmem>>
          %dma_start3A_222 = tpu.memref_squeeze %dma_start3A_221 : memref<1x128xi32, #tpu.memory_space<vmem>> -> memref<128xi32, #tpu.memory_space<vmem>>
          %dma_start3A_223 = arith.constant 0 : i32
          %dma_start3A_224 = arith.constant 0 : i32
          %dma_start3A_225 = tpu.memref_slice %arg9[%dma_start3A_223, %dma_start3A_224] : memref<10112x128xf32, #tpu.memory_space<vmem_shared>> -> memref<10112x128xf32, #tpu.memory_space<vmem_shared>>
          tpu.enqueue_indirect_dma source(%dma_start3A_219 : memref<128x128xf32, #tpu.memory_space<vmem>>) target(%dma_start3A_225 : memref<10112x128xf32, #tpu.memory_space<vmem_shared>>) offsets(%dma_start3A_222 : memref<128xi32, #tpu.memory_space<vmem>>) semaphore(%run_scoped3A_215 : memref<!tpu.dma_semaphore, #tpu.memory_space<semaphore_mem>>) {add = true}
          %dma_wait3A_226 = arith.constant 0 : i32
          %dma_wait3A_227 = arith.constant 0 : i32
          %dma_wait3A_228 = tpu.memref_slice %arg8[%run_scoped3A_176, %dma_wait3A_226, %dma_wait3A_227] : memref<2x128x128xf32, #tpu.memory_space<vmem>> -> memref<1x128x128xf32, #tpu.memory_space<vmem>>
          %dma_wait3A_229 = tpu.memref_squeeze %dma_wait3A_228 : memref<1x128x128xf32, #tpu.memory_space<vmem>> -> memref<128x128xf32, #tpu.memory_space<vmem>>
          %dma_wait3A_230 = arith.constant 0 : i32
          %dma_wait3A_231 = tpu.memref_slice %arg7[%add3A_162, %dma_wait3A_230] : memref<40x128xi32, #tpu.memory_space<vmem>> -> memref<1x128xi32, #tpu.memory_space<vmem>>
          %dma_wait3A_232 = tpu.memref_squeeze %dma_wait3A_231 : memref<1x128xi32, #tpu.memory_space<vmem>> -> memref<128xi32, #tpu.memory_space<vmem>>
          %dma_wait3A_233 = arith.constant 0 : i32
          %dma_wait3A_234 = arith.constant 0 : i32
          %dma_wait3A_235 = tpu.memref_slice %arg9[%dma_wait3A_233, %dma_wait3A_234] : memref<10112x128xf32, #tpu.memory_space<vmem_shared>> -> memref<10112x128xf32, #tpu.memory_space<vmem_shared>>
          tpu.wait_indirect_dma semaphore(%run_scoped3A_215 : memref<!tpu.dma_semaphore, #tpu.memory_space<semaphore_mem>>) src(%dma_wait3A_229 : memref<128x128xf32, #tpu.memory_space<vmem>>) dst(%dma_wait3A_235 : memref<10112x128xf32, #tpu.memory_space<vmem_shared>>)
          tpu.yield
        }) : () -> ()
        %dma_wait3A_177 = arith.constant 1 : i32
        %dma_wait3A_178 = arith.constant 0 : i32
        %dma_wait3A_179 = arith.constant 0 : i32
        %dma_wait3A_180 = tpu.memref_slice %arg8[%dma_wait3A_177, %dma_wait3A_178, %dma_wait3A_179] : memref<2x128x128xf32, #tpu.memory_space<vmem>> -> memref<1x128x128xf32, #tpu.memory_space<vmem>>
        %dma_wait3A_181 = tpu.memref_squeeze %dma_wait3A_180 : memref<1x128x128xf32, #tpu.memory_space<vmem>> -> memref<128x128xf32, #tpu.memory_space<vmem>>
        %dma_wait3A_182 = arith.constant 0 : i32
        %dma_wait3A_183 = tpu.memref_slice %arg6[%add3A_164, %dma_wait3A_182] : memref<40x128xi32, #tpu.memory_space<vmem>> -> memref<1x128xi32, #tpu.memory_space<vmem>>
        %dma_wait3A_184 = tpu.memref_squeeze %dma_wait3A_183 : memref<1x128xi32, #tpu.memory_space<vmem>> -> memref<128xi32, #tpu.memory_space<vmem>>
        %dma_wait3A_185 = arith.constant 0 : i32
        %dma_wait3A_186 = arith.constant 0 : i32
        %dma_wait3A_187 = tpu.memref_slice %arg2[%dma_wait3A_185, %dma_wait3A_186] : memref<10000x128xf32, #tpu.memory_space<hbm>> -> memref<10000x128xf32, #tpu.memory_space<hbm>>
        tpu.wait_indirect_dma semaphore(%arg10 : memref<!tpu.dma_semaphore, #tpu.memory_space<semaphore_mem>>) src(%dma_wait3A_187 : memref<10000x128xf32, #tpu.memory_space<hbm>>) dst(%dma_wait3A_181 : memref<128x128xf32, #tpu.memory_space<vmem>>)
        %add3A_188 = arith.constant 1 : i32
        %add3A_189 = arith.addi %add3A_160, %add3A_188 : i32
        %add3A_190 = arith.constant 1 : i32
        %add3A_191 = arith.addi %add3A_189, %add3A_190 : i32
        %dma_start3A_192 = arith.constant 0 : i32
        %dma_start3A_193 = arith.constant 0 : i32
        %dma_start3A_194 = arith.constant 0 : i32
        %dma_start3A_195 = tpu.memref_slice %arg8[%dma_start3A_192, %dma_start3A_193, %dma_start3A_194] : memref<2x128x128xf32, #tpu.memory_space<vmem>> -> memref<1x128x128xf32, #tpu.memory_space<vmem>>
        %dma_start3A_196 = tpu.memref_squeeze %dma_start3A_195 : memref<1x128x128xf32, #tpu.memory_space<vmem>> -> memref<128x128xf32, #tpu.memory_space<vmem>>
        %dma_start3A_197 = arith.constant 0 : i32
        %dma_start3A_198 = tpu.memref_slice %arg6[%add3A_191, %dma_start3A_197] : memref<40x128xi32, #tpu.memory_space<vmem>> -> memref<1x128xi32, #tpu.memory_space<vmem>>
        %dma_start3A_199 = tpu.memref_squeeze %dma_start3A_198 : memref<1x128xi32, #tpu.memory_space<vmem>> -> memref<128xi32, #tpu.memory_space<vmem>>
        %dma_start3A_200 = arith.constant 0 : i32
        %dma_start3A_201 = arith.constant 0 : i32
        %dma_start3A_202 = tpu.memref_slice %arg2[%dma_start3A_200, %dma_start3A_201] : memref<10000x128xf32, #tpu.memory_space<hbm>> -> memref<10000x128xf32, #tpu.memory_space<hbm>>
        tpu.enqueue_indirect_dma source(%dma_start3A_202 : memref<10000x128xf32, #tpu.memory_space<hbm>>) target(%dma_start3A_196 : memref<128x128xf32, #tpu.memory_space<vmem>>) offsets(%dma_start3A_199 : memref<128xi32, #tpu.memory_space<vmem>>) semaphore(%arg10 : memref<!tpu.dma_semaphore, #tpu.memory_space<semaphore_mem>>)
        %run_scoped3A_203 = arith.constant 1 : i32
        "tpu.region"() ({
          %run_scoped3A_215 = tpu.sem_alloc : memref<!tpu.dma_semaphore, #tpu.memory_space<semaphore_mem>>
          %dma_start3A_216 = arith.constant 0 : i32
          %dma_start3A_217 = arith.constant 0 : i32
          %dma_start3A_218 = tpu.memref_slice %arg8[%run_scoped3A_203, %dma_start3A_216, %dma_start3A_217] : memref<2x128x128xf32, #tpu.memory_space<vmem>> -> memref<1x128x128xf32, #tpu.memory_space<vmem>>
          %dma_start3A_219 = tpu.memref_squeeze %dma_start3A_218 : memref<1x128x128xf32, #tpu.memory_space<vmem>> -> memref<128x128xf32, #tpu.memory_space<vmem>>
          %dma_start3A_220 = arith.constant 0 : i32
          %dma_start3A_221 = tpu.memref_slice %arg7[%add3A_189, %dma_start3A_220] : memref<40x128xi32, #tpu.memory_space<vmem>> -> memref<1x128xi32, #tpu.memory_space<vmem>>
          %dma_start3A_222 = tpu.memref_squeeze %dma_start3A_221 : memref<1x128xi32, #tpu.memory_space<vmem>> -> memref<128xi32, #tpu.memory_space<vmem>>
          %dma_start3A_223 = arith.constant 0 : i32
          %dma_start3A_224 = arith.constant 0 : i32
          %dma_start3A_225 = tpu.memref_slice %arg9[%dma_start3A_223, %dma_start3A_224] : memref<10112x128xf32, #tpu.memory_space<vmem_shared>> -> memref<10112x128xf32, #tpu.memory_space<vmem_shared>>
          tpu.enqueue_indirect_dma source(%dma_start3A_219 : memref<128x128xf32, #tpu.memory_space<vmem>>) target(%dma_start3A_225 : memref<10112x128xf32, #tpu.memory_space<vmem_shared>>) offsets(%dma_start3A_222 : memref<128xi32, #tpu.memory_space<vmem>>) semaphore(%run_scoped3A_215 : memref<!tpu.dma_semaphore, #tpu.memory_space<semaphore_mem>>) {add = true}
          %dma_wait3A_226 = arith.constant 0 : i32
          %dma_wait3A_227 = arith.constant 0 : i32
          %dma_wait3A_228 = tpu.memref_slice %arg8[%run_scoped3A_203, %dma_wait3A_226, %dma_wait3A_227] : memref<2x128x128xf32, #tpu.memory_space<vmem>> -> memref<1x128x128xf32, #tpu.memory_space<vmem>>
          %dma_wait3A_229 = tpu.memref_squeeze %dma_wait3A_228 : memref<1x128x128xf32, #tpu.memory_space<vmem>> -> memref<128x128xf32, #tpu.memory_space<vmem>>
          %dma_wait3A_230 = arith.constant 0 : i32
          %dma_wait3A_231 = tpu.memref_slice %arg7[%add3A_189, %dma_wait3A_230] : memref<40x128xi32, #tpu.memory_space<vmem>> -> memref<1x128xi32, #tpu.memory_space<vmem>>
          %dma_wait3A_232 = tpu.memref_squeeze %dma_wait3A_231 : memref<1x128xi32, #tpu.memory_space<vmem>> -> memref<128xi32, #tpu.memory_space<vmem>>
          %dma_wait3A_233 = arith.constant 0 : i32
          %dma_wait3A_234 = arith.constant 0 : i32
          %dma_wait3A_235 = tpu.memref_slice %arg9[%dma_wait3A_233, %dma_wait3A_234] : memref<10112x128xf32, #tpu.memory_space<vmem_shared>> -> memref<10112x128xf32, #tpu.memory_space<vmem_shared>>
          tpu.wait_indirect_dma semaphore(%run_scoped3A_215 : memref<!tpu.dma_semaphore, #tpu.memory_space<semaphore_mem>>) src(%dma_wait3A_229 : memref<128x128xf32, #tpu.memory_space<vmem>>) dst(%dma_wait3A_235 : memref<10112x128xf32, #tpu.memory_space<vmem_shared>>)
          tpu.yield
        }) : () -> ()
        %dma_wait3A_204 = arith.constant 0 : i32
        %dma_wait3A_205 = arith.constant 0 : i32
        %dma_wait3A_206 = arith.constant 0 : i32
        %dma_wait3A_207 = tpu.memref_slice %arg8[%dma_wait3A_204, %dma_wait3A_205, %dma_wait3A_206] : memref<2x128x128xf32, #tpu.memory_space<vmem>> -> memref<1x128x128xf32, #tpu.memory_space<vmem>>
        %dma_wait3A_208 = tpu.memref_squeeze %dma_wait3A_207 : memref<1x128x128xf32, #tpu.memory_space<vmem>> -> memref<128x128xf32, #tpu.memory_space<vmem>>
        %dma_wait3A_209 = arith.constant 0 : i32
        %dma_wait3A_210 = tpu.memref_slice %arg6[%add3A_191, %dma_wait3A_209] : memref<40x128xi32, #tpu.memory_space<vmem>> -> memref<1x128xi32, #tpu.memory_space<vmem>>
        %dma_wait3A_211 = tpu.memref_squeeze %dma_wait3A_210 : memref<1x128xi32, #tpu.memory_space<vmem>> -> memref<128xi32, #tpu.memory_space<vmem>>
        %dma_wait3A_212 = arith.constant 0 : i32
        %dma_wait3A_213 = arith.constant 0 : i32
        %dma_wait3A_214 = tpu.memref_slice %arg2[%dma_wait3A_212, %dma_wait3A_213] : memref<10000x128xf32, #tpu.memory_space<hbm>> -> memref<10000x128xf32, #tpu.memory_space<hbm>>
        tpu.wait_indirect_dma semaphore(%arg10 : memref<!tpu.dma_semaphore, #tpu.memory_space<semaphore_mem>>) src(%dma_wait3A_214 : memref<10000x128xf32, #tpu.memory_space<hbm>>) dst(%dma_wait3A_208 : memref<128x128xf32, #tpu.memory_space<vmem>>)
      }
      %scan3A_87 = arith.constant 19 : i32
      %dma_start3A_88 = arith.constant 39 : i32
      %dma_start3A_89 = arith.constant 1 : i32
      %dma_start3A_90 = arith.constant 0 : i32
      %dma_start3A_91 = arith.constant 0 : i32
      %dma_start3A_92 = tpu.memref_slice %arg8[%dma_start3A_89, %dma_start3A_90, %dma_start3A_91] : memref<2x128x128xf32, #tpu.memory_space<vmem>> -> memref<1x128x128xf32, #tpu.memory_space<vmem>>
      %dma_start3A_93 = tpu.memref_squeeze %dma_start3A_92 : memref<1x128x128xf32, #tpu.memory_space<vmem>> -> memref<128x128xf32, #tpu.memory_space<vmem>>
      %dma_start3A_94 = arith.constant 0 : i32
      %dma_start3A_95 = tpu.memref_slice %arg6[%dma_start3A_88, %dma_start3A_94] : memref<40x128xi32, #tpu.memory_space<vmem>> -> memref<1x128xi32, #tpu.memory_space<vmem>>
      %dma_start3A_96 = tpu.memref_squeeze %dma_start3A_95 : memref<1x128xi32, #tpu.memory_space<vmem>> -> memref<128xi32, #tpu.memory_space<vmem>>
      %dma_start3A_97 = arith.constant 0 : i32
      %dma_start3A_98 = arith.constant 0 : i32
      %dma_start3A_99 = tpu.memref_slice %arg2[%dma_start3A_97, %dma_start3A_98] : memref<10000x128xf32, #tpu.memory_space<hbm>> -> memref<10000x128xf32, #tpu.memory_space<hbm>>
      tpu.enqueue_indirect_dma source(%dma_start3A_99 : memref<10000x128xf32, #tpu.memory_space<hbm>>) target(%dma_start3A_93 : memref<128x128xf32, #tpu.memory_space<vmem>>) offsets(%dma_start3A_96 : memref<128xi32, #tpu.memory_space<vmem>>) semaphore(%arg10 : memref<!tpu.dma_semaphore, #tpu.memory_space<semaphore_mem>>)
      %run_scoped3A_100 = arith.constant 0 : i32
      %run_scoped3A_101 = arith.constant 38 : i32
      "tpu.region"() ({
        %run_scoped3A_156 = tpu.sem_alloc : memref<!tpu.dma_semaphore, #tpu.memory_space<semaphore_mem>>
        %dma_start3A_157 = arith.constant 0 : i32
        %dma_start3A_158 = arith.constant 0 : i32
        %dma_start3A_159 = tpu.memref_slice %arg8[%run_scoped3A_100, %dma_start3A_157, %dma_start3A_158] : memref<2x128x128xf32, #tpu.memory_space<vmem>> -> memref<1x128x128xf32, #tpu.memory_space<vmem>>
        %dma_start3A_160 = tpu.memref_squeeze %dma_start3A_159 : memref<1x128x128xf32, #tpu.memory_space<vmem>> -> memref<128x128xf32, #tpu.memory_space<vmem>>
        %dma_start3A_161 = arith.constant 0 : i32
        %dma_start3A_162 = tpu.memref_slice %arg7[%run_scoped3A_101, %dma_start3A_161] : memref<40x128xi32, #tpu.memory_space<vmem>> -> memref<1x128xi32, #tpu.memory_space<vmem>>
        %dma_start3A_163 = tpu.memref_squeeze %dma_start3A_162 : memref<1x128xi32, #tpu.memory_space<vmem>> -> memref<128xi32, #tpu.memory_space<vmem>>
        %dma_start3A_164 = arith.constant 0 : i32
        %dma_start3A_165 = arith.constant 0 : i32
        %dma_start3A_166 = tpu.memref_slice %arg9[%dma_start3A_164, %dma_start3A_165] : memref<10112x128xf32, #tpu.memory_space<vmem_shared>> -> memref<10112x128xf32, #tpu.memory_space<vmem_shared>>
        tpu.enqueue_indirect_dma source(%dma_start3A_160 : memref<128x128xf32, #tpu.memory_space<vmem>>) target(%dma_start3A_166 : memref<10112x128xf32, #tpu.memory_space<vmem_shared>>) offsets(%dma_start3A_163 : memref<128xi32, #tpu.memory_space<vmem>>) semaphore(%run_scoped3A_156 : memref<!tpu.dma_semaphore, #tpu.memory_space<semaphore_mem>>) {add = true}
        %dma_wait3A_167 = arith.constant 0 : i32
        %dma_wait3A_168 = arith.constant 0 : i32
        %dma_wait3A_169 = tpu.memref_slice %arg8[%run_scoped3A_100, %dma_wait3A_167, %dma_wait3A_168] : memref<2x128x128xf32, #tpu.memory_space<vmem>> -> memref<1x128x128xf32, #tpu.memory_space<vmem>>
        %dma_wait3A_170 = tpu.memref_squeeze %dma_wait3A_169 : memref<1x128x128xf32, #tpu.memory_space<vmem>> -> memref<128x128xf32, #tpu.memory_space<vmem>>
        %dma_wait3A_171 = arith.constant 0 : i32
        %dma_wait3A_172 = tpu.memref_slice %arg7[%run_scoped3A_101, %dma_wait3A_171] : memref<40x128xi32, #tpu.memory_space<vmem>> -> memref<1x128xi32, #tpu.memory_space<vmem>>
        %dma_wait3A_173 = tpu.memref_squeeze %dma_wait3A_172 : memref<1x128xi32, #tpu.memory_space<vmem>> -> memref<128xi32, #tpu.memory_space<vmem>>
        %dma_wait3A_174 = arith.constant 0 : i32
        %dma_wait3A_175 = arith.constant 0 : i32
        %dma_wait3A_176 = tpu.memref_slice %arg9[%dma_wait3A_174, %dma_wait3A_175] : memref<10112x128xf32, #tpu.memory_space<vmem_shared>> -> memref<10112x128xf32, #tpu.memory_space<vmem_shared>>
        tpu.wait_indirect_dma semaphore(%run_scoped3A_156 : memref<!tpu.dma_semaphore, #tpu.memory_space<semaphore_mem>>) src(%dma_wait3A_170 : memref<128x128xf32, #tpu.memory_space<vmem>>) dst(%dma_wait3A_176 : memref<10112x128xf32, #tpu.memory_space<vmem_shared>>)
        tpu.yield
      }) : () -> ()
      %dma_wait3A_102 = arith.constant 39 : i32
      %dma_wait3A_103 = arith.constant 1 : i32
      %dma_wait3A_104 = arith.constant 0 : i32
      %dma_wait3A_105 = arith.constant 0 : i32
      %dma_wait3A_106 = tpu.memref_slice %arg8[%dma_wait3A_103, %dma_wait3A_104, %dma_wait3A_105] : memref<2x128x128xf32, #tpu.memory_space<vmem>> -> memref<1x128x128xf32, #tpu.memory_space<vmem>>
      %dma_wait3A_107 = tpu.memref_squeeze %dma_wait3A_106 : memref<1x128x128xf32, #tpu.memory_space<vmem>> -> memref<128x128xf32, #tpu.memory_space<vmem>>
      %dma_wait3A_108 = arith.constant 0 : i32
      %dma_wait3A_109 = tpu.memref_slice %arg6[%dma_wait3A_102, %dma_wait3A_108] : memref<40x128xi32, #tpu.memory_space<vmem>> -> memref<1x128xi32, #tpu.memory_space<vmem>>
      %dma_wait3A_110 = tpu.memref_squeeze %dma_wait3A_109 : memref<1x128xi32, #tpu.memory_space<vmem>> -> memref<128xi32, #tpu.memory_space<vmem>>
      %dma_wait3A_111 = arith.constant 0 : i32
      %dma_wait3A_112 = arith.constant 0 : i32
      %dma_wait3A_113 = tpu.memref_slice %arg2[%dma_wait3A_111, %dma_wait3A_112] : memref<10000x128xf32, #tpu.memory_space<hbm>> -> memref<10000x128xf32, #tpu.memory_space<hbm>>
      tpu.wait_indirect_dma semaphore(%arg10 : memref<!tpu.dma_semaphore, #tpu.memory_space<semaphore_mem>>) src(%dma_wait3A_113 : memref<10000x128xf32, #tpu.memory_space<hbm>>) dst(%dma_wait3A_107 : memref<128x128xf32, #tpu.memory_space<vmem>>)
      %run_scoped3A_114 = arith.constant 1 : i32
      %run_scoped3A_115 = arith.constant 39 : i32
      "tpu.region"() ({
        %run_scoped3A_156 = tpu.sem_alloc : memref<!tpu.dma_semaphore, #tpu.memory_space<semaphore_mem>>
        %dma_start3A_157 = arith.constant 0 : i32
        %dma_start3A_158 = arith.constant 0 : i32
        %dma_start3A_159 = tpu.memref_slice %arg8[%run_scoped3A_114, %dma_start3A_157, %dma_start3A_158] : memref<2x128x128xf32, #tpu.memory_space<vmem>> -> memref<1x128x128xf32, #tpu.memory_space<vmem>>
        %dma_start3A_160 = tpu.memref_squeeze %dma_start3A_159 : memref<1x128x128xf32, #tpu.memory_space<vmem>> -> memref<128x128xf32, #tpu.memory_space<vmem>>
        %dma_start3A_161 = arith.constant 0 : i32
        %dma_start3A_162 = tpu.memref_slice %arg7[%run_scoped3A_115, %dma_start3A_161] : memref<40x128xi32, #tpu.memory_space<vmem>> -> memref<1x128xi32, #tpu.memory_space<vmem>>
        %dma_start3A_163 = tpu.memref_squeeze %dma_start3A_162 : memref<1x128xi32, #tpu.memory_space<vmem>> -> memref<128xi32, #tpu.memory_space<vmem>>
        %dma_start3A_164 = arith.constant 0 : i32
        %dma_start3A_165 = arith.constant 0 : i32
        %dma_start3A_166 = tpu.memref_slice %arg9[%dma_start3A_164, %dma_start3A_165] : memref<10112x128xf32, #tpu.memory_space<vmem_shared>> -> memref<10112x128xf32, #tpu.memory_space<vmem_shared>>
        tpu.enqueue_indirect_dma source(%dma_start3A_160 : memref<128x128xf32, #tpu.memory_space<vmem>>) target(%dma_start3A_166 : memref<10112x128xf32, #tpu.memory_space<vmem_shared>>) offsets(%dma_start3A_163 : memref<128xi32, #tpu.memory_space<vmem>>) semaphore(%run_scoped3A_156 : memref<!tpu.dma_semaphore, #tpu.memory_space<semaphore_mem>>) {add = true}
        %dma_wait3A_167 = arith.constant 0 : i32
        %dma_wait3A_168 = arith.constant 0 : i32
        %dma_wait3A_169 = tpu.memref_slice %arg8[%run_scoped3A_114, %dma_wait3A_167, %dma_wait3A_168] : memref<2x128x128xf32, #tpu.memory_space<vmem>> -> memref<1x128x128xf32, #tpu.memory_space<vmem>>
        %dma_wait3A_170 = tpu.memref_squeeze %dma_wait3A_169 : memref<1x128x128xf32, #tpu.memory_space<vmem>> -> memref<128x128xf32, #tpu.memory_space<vmem>>
        %dma_wait3A_171 = arith.constant 0 : i32
        %dma_wait3A_172 = tpu.memref_slice %arg7[%run_scoped3A_115, %dma_wait3A_171] : memref<40x128xi32, #tpu.memory_space<vmem>> -> memref<1x128xi32, #tpu.memory_space<vmem>>
        %dma_wait3A_173 = tpu.memref_squeeze %dma_wait3A_172 : memref<1x128xi32, #tpu.memory_space<vmem>> -> memref<128xi32, #tpu.memory_space<vmem>>
        %dma_wait3A_174 = arith.constant 0 : i32
        %dma_wait3A_175 = arith.constant 0 : i32
        %dma_wait3A_176 = tpu.memref_slice %arg9[%dma_wait3A_174, %dma_wait3A_175] : memref<10112x128xf32, #tpu.memory_space<vmem_shared>> -> memref<10112x128xf32, #tpu.memory_space<vmem_shared>>
        tpu.wait_indirect_dma semaphore(%run_scoped3A_156 : memref<!tpu.dma_semaphore, #tpu.memory_space<semaphore_mem>>) src(%dma_wait3A_170 : memref<128x128xf32, #tpu.memory_space<vmem>>) dst(%dma_wait3A_176 : memref<10112x128xf32, #tpu.memory_space<vmem_shared>>)
        tpu.yield
      }) : () -> ()
      "tpu.region"() ({
        %run_scoped3A_156 = tpu.sem_alloc : memref<!tpu.dma_semaphore, #tpu.memory_space<semaphore_mem>>
        %dma_start3A_157 = arith.constant 120 : i32
        %dma_start3A_158 = arith.constant 0 : i32
        %dma_start3A_159 = tpu.memref_slice %arg3[%arg1, %dma_start3A_157, %dma_start3A_158] : memref<16x160x128xi32, #tpu.memory_space<hbm>> -> memref<1x40x128xi32, #tpu.memory_space<hbm>>
        %dma_start3A_160 = tpu.memref_squeeze %dma_start3A_159 : memref<1x40x128xi32, #tpu.memory_space<hbm>> -> memref<40x128xi32, #tpu.memory_space<hbm>>
        %dma_start3A_161 = arith.constant 120 : i32
        %dma_start3A_162 = arith.constant 0 : i32
        %dma_start3A_163 = tpu.memref_slice %arg3[%arg1, %dma_start3A_161, %dma_start3A_162] : memref<16x160x128xi32, #tpu.memory_space<hbm>> -> memref<1x40x128xi32, #tpu.memory_space<hbm>>
        %dma_start3A_164 = tpu.memref_squeeze %dma_start3A_163 : memref<1x40x128xi32, #tpu.memory_space<hbm>> -> memref<40x128xi32, #tpu.memory_space<hbm>>
        tpu.enqueue_dma source(%dma_start3A_164 : memref<40x128xi32, #tpu.memory_space<hbm>>) target(%arg6 : memref<40x128xi32, #tpu.memory_space<vmem>>) target_semaphore(%run_scoped3A_156 : memref<!tpu.dma_semaphore, #tpu.memory_space<semaphore_mem>>)
        %dma_wait3A_165 = arith.constant 120 : i32
        %dma_wait3A_166 = arith.constant 0 : i32
        %dma_wait3A_167 = tpu.memref_slice %arg3[%arg1, %dma_wait3A_165, %dma_wait3A_166] : memref<16x160x128xi32, #tpu.memory_space<hbm>> -> memref<1x40x128xi32, #tpu.memory_space<hbm>>
        %dma_wait3A_168 = tpu.memref_squeeze %dma_wait3A_167 : memref<1x40x128xi32, #tpu.memory_space<hbm>> -> memref<40x128xi32, #tpu.memory_space<hbm>>
        %dma_wait3A_169 = arith.constant 120 : i32
        %dma_wait3A_170 = arith.constant 0 : i32
        %dma_wait3A_171 = tpu.memref_slice %arg3[%arg1, %dma_wait3A_169, %dma_wait3A_170] : memref<16x160x128xi32, #tpu.memory_space<hbm>> -> memref<1x40x128xi32, #tpu.memory_space<hbm>>
        %dma_wait3A_172 = tpu.memref_squeeze %dma_wait3A_171 : memref<1x40x128xi32, #tpu.memory_space<hbm>> -> memref<40x128xi32, #tpu.memory_space<hbm>>
        tpu.wait_dma2 semaphore(%run_scoped3A_156 : memref<!tpu.dma_semaphore, #tpu.memory_space<semaphore_mem>>) src(%dma_wait3A_172 : memref<40x128xi32, #tpu.memory_space<hbm>>) dst(%arg6 : memref<40x128xi32, #tpu.memory_space<vmem>>)
        tpu.yield
      }) : () -> ()
      "tpu.region"() ({
        %run_scoped3A_156 = tpu.sem_alloc : memref<!tpu.dma_semaphore, #tpu.memory_space<semaphore_mem>>
        %dma_start3A_157 = arith.constant 120 : i32
        %dma_start3A_158 = arith.constant 0 : i32
        %dma_start3A_159 = tpu.memref_slice %arg4[%arg1, %dma_start3A_157, %dma_start3A_158] : memref<16x160x128xi32, #tpu.memory_space<hbm>> -> memref<1x40x128xi32, #tpu.memory_space<hbm>>
        %dma_start3A_160 = tpu.memref_squeeze %dma_start3A_159 : memref<1x40x128xi32, #tpu.memory_space<hbm>> -> memref<40x128xi32, #tpu.memory_space<hbm>>
        %dma_start3A_161 = arith.constant 120 : i32
        %dma_start3A_162 = arith.constant 0 : i32
        %dma_start3A_163 = tpu.memref_slice %arg4[%arg1, %dma_start3A_161, %dma_start3A_162] : memref<16x160x128xi32, #tpu.memory_space<hbm>> -> memref<1x40x128xi32, #tpu.memory_space<hbm>>
        %dma_start3A_164 = tpu.memref_squeeze %dma_start3A_163 : memref<1x40x128xi32, #tpu.memory_space<hbm>> -> memref<40x128xi32, #tpu.memory_space<hbm>>
        tpu.enqueue_dma source(%dma_start3A_164 : memref<40x128xi32, #tpu.memory_space<hbm>>) target(%arg7 : memref<40x128xi32, #tpu.memory_space<vmem>>) target_semaphore(%run_scoped3A_156 : memref<!tpu.dma_semaphore, #tpu.memory_space<semaphore_mem>>)
        %dma_wait3A_165 = arith.constant 120 : i32
        %dma_wait3A_166 = arith.constant 0 : i32
        %dma_wait3A_167 = tpu.memref_slice %arg4[%arg1, %dma_wait3A_165, %dma_wait3A_166] : memref<16x160x128xi32, #tpu.memory_space<hbm>> -> memref<1x40x128xi32, #tpu.memory_space<hbm>>
        %dma_wait3A_168 = tpu.memref_squeeze %dma_wait3A_167 : memref<1x40x128xi32, #tpu.memory_space<hbm>> -> memref<40x128xi32, #tpu.memory_space<hbm>>
        %dma_wait3A_169 = arith.constant 120 : i32
        %dma_wait3A_170 = arith.constant 0 : i32
        %dma_wait3A_171 = tpu.memref_slice %arg4[%arg1, %dma_wait3A_169, %dma_wait3A_170] : memref<16x160x128xi32, #tpu.memory_space<hbm>> -> memref<1x40x128xi32, #tpu.memory_space<hbm>>
        %dma_wait3A_172 = tpu.memref_squeeze %dma_wait3A_171 : memref<1x40x128xi32, #tpu.memory_space<hbm>> -> memref<40x128xi32, #tpu.memory_space<hbm>>
        tpu.wait_dma2 semaphore(%run_scoped3A_156 : memref<!tpu.dma_semaphore, #tpu.memory_space<semaphore_mem>>) src(%dma_wait3A_172 : memref<40x128xi32, #tpu.memory_space<hbm>>) dst(%arg7 : memref<40x128xi32, #tpu.memory_space<vmem>>)
        tpu.yield
      }) : () -> ()
      %run_scoped3A_116 = arith.constant 0 : i32
      %run_scoped3A_117 = arith.constant 0 : i32
      "tpu.region"() ({
        %run_scoped3A_156 = tpu.sem_alloc : memref<!tpu.dma_semaphore, #tpu.memory_space<semaphore_mem>>
        %dma_start3A_157 = arith.constant 0 : i32
        %dma_start3A_158 = arith.constant 0 : i32
        %dma_start3A_159 = tpu.memref_slice %arg8[%run_scoped3A_117, %dma_start3A_157, %dma_start3A_158] : memref<2x128x128xf32, #tpu.memory_space<vmem>> -> memref<1x128x128xf32, #tpu.memory_space<vmem>>
        %dma_start3A_160 = tpu.memref_squeeze %dma_start3A_159 : memref<1x128x128xf32, #tpu.memory_space<vmem>> -> memref<128x128xf32, #tpu.memory_space<vmem>>
        %dma_start3A_161 = arith.constant 0 : i32
        %dma_start3A_162 = tpu.memref_slice %arg6[%run_scoped3A_116, %dma_start3A_161] : memref<40x128xi32, #tpu.memory_space<vmem>> -> memref<1x128xi32, #tpu.memory_space<vmem>>
        %dma_start3A_163 = tpu.memref_squeeze %dma_start3A_162 : memref<1x128xi32, #tpu.memory_space<vmem>> -> memref<128xi32, #tpu.memory_space<vmem>>
        %dma_start3A_164 = arith.constant 0 : i32
        %dma_start3A_165 = arith.constant 0 : i32
        %dma_start3A_166 = tpu.memref_slice %arg2[%dma_start3A_164, %dma_start3A_165] : memref<10000x128xf32, #tpu.memory_space<hbm>> -> memref<10000x128xf32, #tpu.memory_space<hbm>>
        tpu.enqueue_indirect_dma source(%dma_start3A_166 : memref<10000x128xf32, #tpu.memory_space<hbm>>) target(%dma_start3A_160 : memref<128x128xf32, #tpu.memory_space<vmem>>) offsets(%dma_start3A_163 : memref<128xi32, #tpu.memory_space<vmem>>) semaphore(%run_scoped3A_156 : memref<!tpu.dma_semaphore, #tpu.memory_space<semaphore_mem>>)
        %dma_wait3A_167 = arith.constant 0 : i32
        %dma_wait3A_168 = arith.constant 0 : i32
        %dma_wait3A_169 = tpu.memref_slice %arg8[%run_scoped3A_117, %dma_wait3A_167, %dma_wait3A_168] : memref<2x128x128xf32, #tpu.memory_space<vmem>> -> memref<1x128x128xf32, #tpu.memory_space<vmem>>
        %dma_wait3A_170 = tpu.memref_squeeze %dma_wait3A_169 : memref<1x128x128xf32, #tpu.memory_space<vmem>> -> memref<128x128xf32, #tpu.memory_space<vmem>>
        %dma_wait3A_171 = arith.constant 0 : i32
        %dma_wait3A_172 = tpu.memref_slice %arg6[%run_scoped3A_116, %dma_wait3A_171] : memref<40x128xi32, #tpu.memory_space<vmem>> -> memref<1x128xi32, #tpu.memory_space<vmem>>
        %dma_wait3A_173 = tpu.memref_squeeze %dma_wait3A_172 : memref<1x128xi32, #tpu.memory_space<vmem>> -> memref<128xi32, #tpu.memory_space<vmem>>
        %dma_wait3A_174 = arith.constant 0 : i32
        %dma_wait3A_175 = arith.constant 0 : i32
        %dma_wait3A_176 = tpu.memref_slice %arg2[%dma_wait3A_174, %dma_wait3A_175] : memref<10000x128xf32, #tpu.memory_space<hbm>> -> memref<10000x128xf32, #tpu.memory_space<hbm>>
        tpu.wait_indirect_dma semaphore(%run_scoped3A_156 : memref<!tpu.dma_semaphore, #tpu.memory_space<semaphore_mem>>) src(%dma_wait3A_176 : memref<10000x128xf32, #tpu.memory_space<hbm>>) dst(%dma_wait3A_170 : memref<128x128xf32, #tpu.memory_space<vmem>>)
        tpu.yield
      }) : () -> ()
      %scan3A_118 = arith.constant 0 : i32
      %scan3A_119 = arith.constant 19 : i32
      %scan3A_120 = arith.addi %scan3A_118, %scan3A_119 : i32
      %scan3A_121 = arith.constant 1 : i32
      scf.for %scan3A_156 = %scan3A_118 to %scan3A_120 step %scan3A_121  : i32 {
        %mul3A_157 = arith.constant 2 : i32
        %mul3A_158 = arith.muli %scan3A_156, %mul3A_157 : i32
        %add3A_159 = arith.constant 0 : i32
        %add3A_160 = arith.addi %add3A_159, %mul3A_158 : i32
        %add3A_161 = arith.constant 0 : i32
        %add3A_162 = arith.addi %add3A_160, %add3A_161 : i32
        %add3A_163 = arith.constant 1 : i32
        %add3A_164 = arith.addi %add3A_162, %add3A_163 : i32
        %dma_start3A_165 = arith.constant 1 : i32
        %dma_start3A_166 = arith.constant 0 : i32
        %dma_start3A_167 = arith.constant 0 : i32
        %dma_start3A_168 = tpu.memref_slice %arg8[%dma_start3A_165, %dma_start3A_166, %dma_start3A_167] : memref<2x128x128xf32, #tpu.memory_space<vmem>> -> memref<1x128x128xf32, #tpu.memory_space<vmem>>
        %dma_start3A_169 = tpu.memref_squeeze %dma_start3A_168 : memref<1x128x128xf32, #tpu.memory_space<vmem>> -> memref<128x128xf32, #tpu.memory_space<vmem>>
        %dma_start3A_170 = arith.constant 0 : i32
        %dma_start3A_171 = tpu.memref_slice %arg6[%add3A_164, %dma_start3A_170] : memref<40x128xi32, #tpu.memory_space<vmem>> -> memref<1x128xi32, #tpu.memory_space<vmem>>
        %dma_start3A_172 = tpu.memref_squeeze %dma_start3A_171 : memref<1x128xi32, #tpu.memory_space<vmem>> -> memref<128xi32, #tpu.memory_space<vmem>>
        %dma_start3A_173 = arith.constant 0 : i32
        %dma_start3A_174 = arith.constant 0 : i32
        %dma_start3A_175 = tpu.memref_slice %arg2[%dma_start3A_173, %dma_start3A_174] : memref<10000x128xf32, #tpu.memory_space<hbm>> -> memref<10000x128xf32, #tpu.memory_space<hbm>>
        tpu.enqueue_indirect_dma source(%dma_start3A_175 : memref<10000x128xf32, #tpu.memory_space<hbm>>) target(%dma_start3A_169 : memref<128x128xf32, #tpu.memory_space<vmem>>) offsets(%dma_start3A_172 : memref<128xi32, #tpu.memory_space<vmem>>) semaphore(%arg10 : memref<!tpu.dma_semaphore, #tpu.memory_space<semaphore_mem>>)
        %run_scoped3A_176 = arith.constant 0 : i32
        "tpu.region"() ({
          %run_scoped3A_215 = tpu.sem_alloc : memref<!tpu.dma_semaphore, #tpu.memory_space<semaphore_mem>>
          %dma_start3A_216 = arith.constant 0 : i32
          %dma_start3A_217 = arith.constant 0 : i32
          %dma_start3A_218 = tpu.memref_slice %arg8[%run_scoped3A_176, %dma_start3A_216, %dma_start3A_217] : memref<2x128x128xf32, #tpu.memory_space<vmem>> -> memref<1x128x128xf32, #tpu.memory_space<vmem>>
          %dma_start3A_219 = tpu.memref_squeeze %dma_start3A_218 : memref<1x128x128xf32, #tpu.memory_space<vmem>> -> memref<128x128xf32, #tpu.memory_space<vmem>>
          %dma_start3A_220 = arith.constant 0 : i32
          %dma_start3A_221 = tpu.memref_slice %arg7[%add3A_162, %dma_start3A_220] : memref<40x128xi32, #tpu.memory_space<vmem>> -> memref<1x128xi32, #tpu.memory_space<vmem>>
          %dma_start3A_222 = tpu.memref_squeeze %dma_start3A_221 : memref<1x128xi32, #tpu.memory_space<vmem>> -> memref<128xi32, #tpu.memory_space<vmem>>
          %dma_start3A_223 = arith.constant 0 : i32
          %dma_start3A_224 = arith.constant 0 : i32
          %dma_start3A_225 = tpu.memref_slice %arg9[%dma_start3A_223, %dma_start3A_224] : memref<10112x128xf32, #tpu.memory_space<vmem_shared>> -> memref<10112x128xf32, #tpu.memory_space<vmem_shared>>
          tpu.enqueue_indirect_dma source(%dma_start3A_219 : memref<128x128xf32, #tpu.memory_space<vmem>>) target(%dma_start3A_225 : memref<10112x128xf32, #tpu.memory_space<vmem_shared>>) offsets(%dma_start3A_222 : memref<128xi32, #tpu.memory_space<vmem>>) semaphore(%run_scoped3A_215 : memref<!tpu.dma_semaphore, #tpu.memory_space<semaphore_mem>>) {add = true}
          %dma_wait3A_226 = arith.constant 0 : i32
          %dma_wait3A_227 = arith.constant 0 : i32
          %dma_wait3A_228 = tpu.memref_slice %arg8[%run_scoped3A_176, %dma_wait3A_226, %dma_wait3A_227] : memref<2x128x128xf32, #tpu.memory_space<vmem>> -> memref<1x128x128xf32, #tpu.memory_space<vmem>>
          %dma_wait3A_229 = tpu.memref_squeeze %dma_wait3A_228 : memref<1x128x128xf32, #tpu.memory_space<vmem>> -> memref<128x128xf32, #tpu.memory_space<vmem>>
          %dma_wait3A_230 = arith.constant 0 : i32
          %dma_wait3A_231 = tpu.memref_slice %arg7[%add3A_162, %dma_wait3A_230] : memref<40x128xi32, #tpu.memory_space<vmem>> -> memref<1x128xi32, #tpu.memory_space<vmem>>
          %dma_wait3A_232 = tpu.memref_squeeze %dma_wait3A_231 : memref<1x128xi32, #tpu.memory_space<vmem>> -> memref<128xi32, #tpu.memory_space<vmem>>
          %dma_wait3A_233 = arith.constant 0 : i32
          %dma_wait3A_234 = arith.constant 0 : i32
          %dma_wait3A_235 = tpu.memref_slice %arg9[%dma_wait3A_233, %dma_wait3A_234] : memref<10112x128xf32, #tpu.memory_space<vmem_shared>> -> memref<10112x128xf32, #tpu.memory_space<vmem_shared>>
          tpu.wait_indirect_dma semaphore(%run_scoped3A_215 : memref<!tpu.dma_semaphore, #tpu.memory_space<semaphore_mem>>) src(%dma_wait3A_229 : memref<128x128xf32, #tpu.memory_space<vmem>>) dst(%dma_wait3A_235 : memref<10112x128xf32, #tpu.memory_space<vmem_shared>>)
          tpu.yield
        }) : () -> ()
        %dma_wait3A_177 = arith.constant 1 : i32
        %dma_wait3A_178 = arith.constant 0 : i32
        %dma_wait3A_179 = arith.constant 0 : i32
        %dma_wait3A_180 = tpu.memref_slice %arg8[%dma_wait3A_177, %dma_wait3A_178, %dma_wait3A_179] : memref<2x128x128xf32, #tpu.memory_space<vmem>> -> memref<1x128x128xf32, #tpu.memory_space<vmem>>
        %dma_wait3A_181 = tpu.memref_squeeze %dma_wait3A_180 : memref<1x128x128xf32, #tpu.memory_space<vmem>> -> memref<128x128xf32, #tpu.memory_space<vmem>>
        %dma_wait3A_182 = arith.constant 0 : i32
        %dma_wait3A_183 = tpu.memref_slice %arg6[%add3A_164, %dma_wait3A_182] : memref<40x128xi32, #tpu.memory_space<vmem>> -> memref<1x128xi32, #tpu.memory_space<vmem>>
        %dma_wait3A_184 = tpu.memref_squeeze %dma_wait3A_183 : memref<1x128xi32, #tpu.memory_space<vmem>> -> memref<128xi32, #tpu.memory_space<vmem>>
        %dma_wait3A_185 = arith.constant 0 : i32
        %dma_wait3A_186 = arith.constant 0 : i32
        %dma_wait3A_187 = tpu.memref_slice %arg2[%dma_wait3A_185, %dma_wait3A_186] : memref<10000x128xf32, #tpu.memory_space<hbm>> -> memref<10000x128xf32, #tpu.memory_space<hbm>>
        tpu.wait_indirect_dma semaphore(%arg10 : memref<!tpu.dma_semaphore, #tpu.memory_space<semaphore_mem>>) src(%dma_wait3A_187 : memref<10000x128xf32, #tpu.memory_space<hbm>>) dst(%dma_wait3A_181 : memref<128x128xf32, #tpu.memory_space<vmem>>)
        %add3A_188 = arith.constant 1 : i32
        %add3A_189 = arith.addi %add3A_160, %add3A_188 : i32
        %add3A_190 = arith.constant 1 : i32
        %add3A_191 = arith.addi %add3A_189, %add3A_190 : i32
        %dma_start3A_192 = arith.constant 0 : i32
        %dma_start3A_193 = arith.constant 0 : i32
        %dma_start3A_194 = arith.constant 0 : i32
        %dma_start3A_195 = tpu.memref_slice %arg8[%dma_start3A_192, %dma_start3A_193, %dma_start3A_194] : memref<2x128x128xf32, #tpu.memory_space<vmem>> -> memref<1x128x128xf32, #tpu.memory_space<vmem>>
        %dma_start3A_196 = tpu.memref_squeeze %dma_start3A_195 : memref<1x128x128xf32, #tpu.memory_space<vmem>> -> memref<128x128xf32, #tpu.memory_space<vmem>>
        %dma_start3A_197 = arith.constant 0 : i32
        %dma_start3A_198 = tpu.memref_slice %arg6[%add3A_191, %dma_start3A_197] : memref<40x128xi32, #tpu.memory_space<vmem>> -> memref<1x128xi32, #tpu.memory_space<vmem>>
        %dma_start3A_199 = tpu.memref_squeeze %dma_start3A_198 : memref<1x128xi32, #tpu.memory_space<vmem>> -> memref<128xi32, #tpu.memory_space<vmem>>
        %dma_start3A_200 = arith.constant 0 : i32
        %dma_start3A_201 = arith.constant 0 : i32
        %dma_start3A_202 = tpu.memref_slice %arg2[%dma_start3A_200, %dma_start3A_201] : memref<10000x128xf32, #tpu.memory_space<hbm>> -> memref<10000x128xf32, #tpu.memory_space<hbm>>
        tpu.enqueue_indirect_dma source(%dma_start3A_202 : memref<10000x128xf32, #tpu.memory_space<hbm>>) target(%dma_start3A_196 : memref<128x128xf32, #tpu.memory_space<vmem>>) offsets(%dma_start3A_199 : memref<128xi32, #tpu.memory_space<vmem>>) semaphore(%arg10 : memref<!tpu.dma_semaphore, #tpu.memory_space<semaphore_mem>>)
        %run_scoped3A_203 = arith.constant 1 : i32
        "tpu.region"() ({
          %run_scoped3A_215 = tpu.sem_alloc : memref<!tpu.dma_semaphore, #tpu.memory_space<semaphore_mem>>
          %dma_start3A_216 = arith.constant 0 : i32
          %dma_start3A_217 = arith.constant 0 : i32
          %dma_start3A_218 = tpu.memref_slice %arg8[%run_scoped3A_203, %dma_start3A_216, %dma_start3A_217] : memref<2x128x128xf32, #tpu.memory_space<vmem>> -> memref<1x128x128xf32, #tpu.memory_space<vmem>>
          %dma_start3A_219 = tpu.memref_squeeze %dma_start3A_218 : memref<1x128x128xf32, #tpu.memory_space<vmem>> -> memref<128x128xf32, #tpu.memory_space<vmem>>
          %dma_start3A_220 = arith.constant 0 : i32
          %dma_start3A_221 = tpu.memref_slice %arg7[%add3A_189, %dma_start3A_220] : memref<40x128xi32, #tpu.memory_space<vmem>> -> memref<1x128xi32, #tpu.memory_space<vmem>>
          %dma_start3A_222 = tpu.memref_squeeze %dma_start3A_221 : memref<1x128xi32, #tpu.memory_space<vmem>> -> memref<128xi32, #tpu.memory_space<vmem>>
          %dma_start3A_223 = arith.constant 0 : i32
          %dma_start3A_224 = arith.constant 0 : i32
          %dma_start3A_225 = tpu.memref_slice %arg9[%dma_start3A_223, %dma_start3A_224] : memref<10112x128xf32, #tpu.memory_space<vmem_shared>> -> memref<10112x128xf32, #tpu.memory_space<vmem_shared>>
          tpu.enqueue_indirect_dma source(%dma_start3A_219 : memref<128x128xf32, #tpu.memory_space<vmem>>) target(%dma_start3A_225 : memref<10112x128xf32, #tpu.memory_space<vmem_shared>>) offsets(%dma_start3A_222 : memref<128xi32, #tpu.memory_space<vmem>>) semaphore(%run_scoped3A_215 : memref<!tpu.dma_semaphore, #tpu.memory_space<semaphore_mem>>) {add = true}
          %dma_wait3A_226 = arith.constant 0 : i32
          %dma_wait3A_227 = arith.constant 0 : i32
          %dma_wait3A_228 = tpu.memref_slice %arg8[%run_scoped3A_203, %dma_wait3A_226, %dma_wait3A_227] : memref<2x128x128xf32, #tpu.memory_space<vmem>> -> memref<1x128x128xf32, #tpu.memory_space<vmem>>
          %dma_wait3A_229 = tpu.memref_squeeze %dma_wait3A_228 : memref<1x128x128xf32, #tpu.memory_space<vmem>> -> memref<128x128xf32, #tpu.memory_space<vmem>>
          %dma_wait3A_230 = arith.constant 0 : i32
          %dma_wait3A_231 = tpu.memref_slice %arg7[%add3A_189, %dma_wait3A_230] : memref<40x128xi32, #tpu.memory_space<vmem>> -> memref<1x128xi32, #tpu.memory_space<vmem>>
          %dma_wait3A_232 = tpu.memref_squeeze %dma_wait3A_231 : memref<1x128xi32, #tpu.memory_space<vmem>> -> memref<128xi32, #tpu.memory_space<vmem>>
          %dma_wait3A_233 = arith.constant 0 : i32
          %dma_wait3A_234 = arith.constant 0 : i32
          %dma_wait3A_235 = tpu.memref_slice %arg9[%dma_wait3A_233, %dma_wait3A_234] : memref<10112x128xf32, #tpu.memory_space<vmem_shared>> -> memref<10112x128xf32, #tpu.memory_space<vmem_shared>>
          tpu.wait_indirect_dma semaphore(%run_scoped3A_215 : memref<!tpu.dma_semaphore, #tpu.memory_space<semaphore_mem>>) src(%dma_wait3A_229 : memref<128x128xf32, #tpu.memory_space<vmem>>) dst(%dma_wait3A_235 : memref<10112x128xf32, #tpu.memory_space<vmem_shared>>)
          tpu.yield
        }) : () -> ()
        %dma_wait3A_204 = arith.constant 0 : i32
        %dma_wait3A_205 = arith.constant 0 : i32
        %dma_wait3A_206 = arith.constant 0 : i32
        %dma_wait3A_207 = tpu.memref_slice %arg8[%dma_wait3A_204, %dma_wait3A_205, %dma_wait3A_206] : memref<2x128x128xf32, #tpu.memory_space<vmem>> -> memref<1x128x128xf32, #tpu.memory_space<vmem>>
        %dma_wait3A_208 = tpu.memref_squeeze %dma_wait3A_207 : memref<1x128x128xf32, #tpu.memory_space<vmem>> -> memref<128x128xf32, #tpu.memory_space<vmem>>
        %dma_wait3A_209 = arith.constant 0 : i32
        %dma_wait3A_210 = tpu.memref_slice %arg6[%add3A_191, %dma_wait3A_209] : memref<40x128xi32, #tpu.memory_space<vmem>> -> memref<1x128xi32, #tpu.memory_space<vmem>>
        %dma_wait3A_211 = tpu.memref_squeeze %dma_wait3A_210 : memref<1x128xi32, #tpu.memory_space<vmem>> -> memref<128xi32, #tpu.memory_space<vmem>>
        %dma_wait3A_212 = arith.constant 0 : i32
        %dma_wait3A_213 = arith.constant 0 : i32
        %dma_wait3A_214 = tpu.memref_slice %arg2[%dma_wait3A_212, %dma_wait3A_213] : memref<10000x128xf32, #tpu.memory_space<hbm>> -> memref<10000x128xf32, #tpu.memory_space<hbm>>
        tpu.wait_indirect_dma semaphore(%arg10 : memref<!tpu.dma_semaphore, #tpu.memory_space<semaphore_mem>>) src(%dma_wait3A_214 : memref<10000x128xf32, #tpu.memory_space<hbm>>) dst(%dma_wait3A_208 : memref<128x128xf32, #tpu.memory_space<vmem>>)
      }
      %scan3A_122 = arith.constant 19 : i32
      %dma_start3A_123 = arith.constant 39 : i32
      %dma_start3A_124 = arith.constant 1 : i32
      %dma_start3A_125 = arith.constant 0 : i32
      %dma_start3A_126 = arith.constant 0 : i32
      %dma_start3A_127 = tpu.memref_slice %arg8[%dma_start3A_124, %dma_start3A_125, %dma_start3A_126] : memref<2x128x128xf32, #tpu.memory_space<vmem>> -> memref<1x128x128xf32, #tpu.memory_space<vmem>>
      %dma_start3A_128 = tpu.memref_squeeze %dma_start3A_127 : memref<1x128x128xf32, #tpu.memory_space<vmem>> -> memref<128x128xf32, #tpu.memory_space<vmem>>
      %dma_start3A_129 = arith.constant 0 : i32
      %dma_start3A_130 = tpu.memref_slice %arg6[%dma_start3A_123, %dma_start3A_129] : memref<40x128xi32, #tpu.memory_space<vmem>> -> memref<1x128xi32, #tpu.memory_space<vmem>>
      %dma_start3A_131 = tpu.memref_squeeze %dma_start3A_130 : memref<1x128xi32, #tpu.memory_space<vmem>> -> memref<128xi32, #tpu.memory_space<vmem>>
      %dma_start3A_132 = arith.constant 0 : i32
      %dma_start3A_133 = arith.constant 0 : i32
      %dma_start3A_134 = tpu.memref_slice %arg2[%dma_start3A_132, %dma_start3A_133] : memref<10000x128xf32, #tpu.memory_space<hbm>> -> memref<10000x128xf32, #tpu.memory_space<hbm>>
      tpu.enqueue_indirect_dma source(%dma_start3A_134 : memref<10000x128xf32, #tpu.memory_space<hbm>>) target(%dma_start3A_128 : memref<128x128xf32, #tpu.memory_space<vmem>>) offsets(%dma_start3A_131 : memref<128xi32, #tpu.memory_space<vmem>>) semaphore(%arg10 : memref<!tpu.dma_semaphore, #tpu.memory_space<semaphore_mem>>)
      %run_scoped3A_135 = arith.constant 0 : i32
      %run_scoped3A_136 = arith.constant 38 : i32
      "tpu.region"() ({
        %run_scoped3A_156 = tpu.sem_alloc : memref<!tpu.dma_semaphore, #tpu.memory_space<semaphore_mem>>
        %dma_start3A_157 = arith.constant 0 : i32
        %dma_start3A_158 = arith.constant 0 : i32
        %dma_start3A_159 = tpu.memref_slice %arg8[%run_scoped3A_135, %dma_start3A_157, %dma_start3A_158] : memref<2x128x128xf32, #tpu.memory_space<vmem>> -> memref<1x128x128xf32, #tpu.memory_space<vmem>>
        %dma_start3A_160 = tpu.memref_squeeze %dma_start3A_159 : memref<1x128x128xf32, #tpu.memory_space<vmem>> -> memref<128x128xf32, #tpu.memory_space<vmem>>
        %dma_start3A_161 = arith.constant 0 : i32
        %dma_start3A_162 = tpu.memref_slice %arg7[%run_scoped3A_136, %dma_start3A_161] : memref<40x128xi32, #tpu.memory_space<vmem>> -> memref<1x128xi32, #tpu.memory_space<vmem>>
        %dma_start3A_163 = tpu.memref_squeeze %dma_start3A_162 : memref<1x128xi32, #tpu.memory_space<vmem>> -> memref<128xi32, #tpu.memory_space<vmem>>
        %dma_start3A_164 = arith.constant 0 : i32
        %dma_start3A_165 = arith.constant 0 : i32
        %dma_start3A_166 = tpu.memref_slice %arg9[%dma_start3A_164, %dma_start3A_165] : memref<10112x128xf32, #tpu.memory_space<vmem_shared>> -> memref<10112x128xf32, #tpu.memory_space<vmem_shared>>
        tpu.enqueue_indirect_dma source(%dma_start3A_160 : memref<128x128xf32, #tpu.memory_space<vmem>>) target(%dma_start3A_166 : memref<10112x128xf32, #tpu.memory_space<vmem_shared>>) offsets(%dma_start3A_163 : memref<128xi32, #tpu.memory_space<vmem>>) semaphore(%run_scoped3A_156 : memref<!tpu.dma_semaphore, #tpu.memory_space<semaphore_mem>>) {add = true}
        %dma_wait3A_167 = arith.constant 0 : i32
        %dma_wait3A_168 = arith.constant 0 : i32
        %dma_wait3A_169 = tpu.memref_slice %arg8[%run_scoped3A_135, %dma_wait3A_167, %dma_wait3A_168] : memref<2x128x128xf32, #tpu.memory_space<vmem>> -> memref<1x128x128xf32, #tpu.memory_space<vmem>>
        %dma_wait3A_170 = tpu.memref_squeeze %dma_wait3A_169 : memref<1x128x128xf32, #tpu.memory_space<vmem>> -> memref<128x128xf32, #tpu.memory_space<vmem>>
        %dma_wait3A_171 = arith.constant 0 : i32
        %dma_wait3A_172 = tpu.memref_slice %arg7[%run_scoped3A_136, %dma_wait3A_171] : memref<40x128xi32, #tpu.memory_space<vmem>> -> memref<1x128xi32, #tpu.memory_space<vmem>>
        %dma_wait3A_173 = tpu.memref_squeeze %dma_wait3A_172 : memref<1x128xi32, #tpu.memory_space<vmem>> -> memref<128xi32, #tpu.memory_space<vmem>>
        %dma_wait3A_174 = arith.constant 0 : i32
        %dma_wait3A_175 = arith.constant 0 : i32
        %dma_wait3A_176 = tpu.memref_slice %arg9[%dma_wait3A_174, %dma_wait3A_175] : memref<10112x128xf32, #tpu.memory_space<vmem_shared>> -> memref<10112x128xf32, #tpu.memory_space<vmem_shared>>
        tpu.wait_indirect_dma semaphore(%run_scoped3A_156 : memref<!tpu.dma_semaphore, #tpu.memory_space<semaphore_mem>>) src(%dma_wait3A_170 : memref<128x128xf32, #tpu.memory_space<vmem>>) dst(%dma_wait3A_176 : memref<10112x128xf32, #tpu.memory_space<vmem_shared>>)
        tpu.yield
      }) : () -> ()
      %dma_wait3A_137 = arith.constant 39 : i32
      %dma_wait3A_138 = arith.constant 1 : i32
      %dma_wait3A_139 = arith.constant 0 : i32
      %dma_wait3A_140 = arith.constant 0 : i32
      %dma_wait3A_141 = tpu.memref_slice %arg8[%dma_wait3A_138, %dma_wait3A_139, %dma_wait3A_140] : memref<2x128x128xf32, #tpu.memory_space<vmem>> -> memref<1x128x128xf32, #tpu.memory_space<vmem>>
      %dma_wait3A_142 = tpu.memref_squeeze %dma_wait3A_141 : memref<1x128x128xf32, #tpu.memory_space<vmem>> -> memref<128x128xf32, #tpu.memory_space<vmem>>
      %dma_wait3A_143 = arith.constant 0 : i32
      %dma_wait3A_144 = tpu.memref_slice %arg6[%dma_wait3A_137, %dma_wait3A_143] : memref<40x128xi32, #tpu.memory_space<vmem>> -> memref<1x128xi32, #tpu.memory_space<vmem>>
      %dma_wait3A_145 = tpu.memref_squeeze %dma_wait3A_144 : memref<1x128xi32, #tpu.memory_space<vmem>> -> memref<128xi32, #tpu.memory_space<vmem>>
      %dma_wait3A_146 = arith.constant 0 : i32
      %dma_wait3A_147 = arith.constant 0 : i32
      %dma_wait3A_148 = tpu.memref_slice %arg2[%dma_wait3A_146, %dma_wait3A_147] : memref<10000x128xf32, #tpu.memory_space<hbm>> -> memref<10000x128xf32, #tpu.memory_space<hbm>>
      tpu.wait_indirect_dma semaphore(%arg10 : memref<!tpu.dma_semaphore, #tpu.memory_space<semaphore_mem>>) src(%dma_wait3A_148 : memref<10000x128xf32, #tpu.memory_space<hbm>>) dst(%dma_wait3A_142 : memref<128x128xf32, #tpu.memory_space<vmem>>)
      %run_scoped3A_149 = arith.constant 1 : i32
      %run_scoped3A_150 = arith.constant 39 : i32
      "tpu.region"() ({
        %run_scoped3A_156 = tpu.sem_alloc : memref<!tpu.dma_semaphore, #tpu.memory_space<semaphore_mem>>
        %dma_start3A_157 = arith.constant 0 : i32
        %dma_start3A_158 = arith.constant 0 : i32
        %dma_start3A_159 = tpu.memref_slice %arg8[%run_scoped3A_149, %dma_start3A_157, %dma_start3A_158] : memref<2x128x128xf32, #tpu.memory_space<vmem>> -> memref<1x128x128xf32, #tpu.memory_space<vmem>>
        %dma_start3A_160 = tpu.memref_squeeze %dma_start3A_159 : memref<1x128x128xf32, #tpu.memory_space<vmem>> -> memref<128x128xf32, #tpu.memory_space<vmem>>
        %dma_start3A_161 = arith.constant 0 : i32
        %dma_start3A_162 = tpu.memref_slice %arg7[%run_scoped3A_150, %dma_start3A_161] : memref<40x128xi32, #tpu.memory_space<vmem>> -> memref<1x128xi32, #tpu.memory_space<vmem>>
        %dma_start3A_163 = tpu.memref_squeeze %dma_start3A_162 : memref<1x128xi32, #tpu.memory_space<vmem>> -> memref<128xi32, #tpu.memory_space<vmem>>
        %dma_start3A_164 = arith.constant 0 : i32
        %dma_start3A_165 = arith.constant 0 : i32
        %dma_start3A_166 = tpu.memref_slice %arg9[%dma_start3A_164, %dma_start3A_165] : memref<10112x128xf32, #tpu.memory_space<vmem_shared>> -> memref<10112x128xf32, #tpu.memory_space<vmem_shared>>
        tpu.enqueue_indirect_dma source(%dma_start3A_160 : memref<128x128xf32, #tpu.memory_space<vmem>>) target(%dma_start3A_166 : memref<10112x128xf32, #tpu.memory_space<vmem_shared>>) offsets(%dma_start3A_163 : memref<128xi32, #tpu.memory_space<vmem>>) semaphore(%run_scoped3A_156 : memref<!tpu.dma_semaphore, #tpu.memory_space<semaphore_mem>>) {add = true}
        %dma_wait3A_167 = arith.constant 0 : i32
        %dma_wait3A_168 = arith.constant 0 : i32
        %dma_wait3A_169 = tpu.memref_slice %arg8[%run_scoped3A_149, %dma_wait3A_167, %dma_wait3A_168] : memref<2x128x128xf32, #tpu.memory_space<vmem>> -> memref<1x128x128xf32, #tpu.memory_space<vmem>>
        %dma_wait3A_170 = tpu.memref_squeeze %dma_wait3A_169 : memref<1x128x128xf32, #tpu.memory_space<vmem>> -> memref<128x128xf32, #tpu.memory_space<vmem>>
        %dma_wait3A_171 = arith.constant 0 : i32
        %dma_wait3A_172 = tpu.memref_slice %arg7[%run_scoped3A_150, %dma_wait3A_171] : memref<40x128xi32, #tpu.memory_space<vmem>> -> memref<1x128xi32, #tpu.memory_space<vmem>>
        %dma_wait3A_173 = tpu.memref_squeeze %dma_wait3A_172 : memref<1x128xi32, #tpu.memory_space<vmem>> -> memref<128xi32, #tpu.memory_space<vmem>>
        %dma_wait3A_174 = arith.constant 0 : i32
        %dma_wait3A_175 = arith.constant 0 : i32
        %dma_wait3A_176 = tpu.memref_slice %arg9[%dma_wait3A_174, %dma_wait3A_175] : memref<10112x128xf32, #tpu.memory_space<vmem_shared>> -> memref<10112x128xf32, #tpu.memory_space<vmem_shared>>
        tpu.wait_indirect_dma semaphore(%run_scoped3A_156 : memref<!tpu.dma_semaphore, #tpu.memory_space<semaphore_mem>>) src(%dma_wait3A_170 : memref<128x128xf32, #tpu.memory_space<vmem>>) dst(%dma_wait3A_176 : memref<10112x128xf32, #tpu.memory_space<vmem_shared>>)
        tpu.yield
      }) : () -> ()
      %barrier3A_151 = arith.constant 0 : index
      tpu.barrier barrier_id(%barrier3A_151)
      %mul3A_152 = arith.constant 632 : i32
      %mul3A_153 = arith.muli %arg1, %mul3A_152 : i32
      %mul3A_154 = arith.constant 632 : i32
      %mul3A_155 = arith.muli %arg1, %mul3A_154 : i32
      "tpu.region"() ({
        %run_scoped3A_156 = tpu.sem_alloc : memref<!tpu.dma_semaphore, #tpu.memory_space<semaphore_mem>>
        %dma_start3A_157 = arith.constant 0 : i32
        %dma_start3A_158 = tpu.memref_slice %arg5[%mul3A_155, %dma_start3A_157] : memref<10112x128xf32, #tpu.memory_space<hbm>> -> memref<632x128xf32, #tpu.memory_space<hbm>>
        %dma_start3A_159 = arith.constant 0 : i32
        %dma_start3A_160 = tpu.memref_slice %arg9[%mul3A_153, %dma_start3A_159] : memref<10112x128xf32, #tpu.memory_space<vmem_shared>> -> memref<632x128xf32, #tpu.memory_space<vmem_shared>>
        tpu.enqueue_dma source(%dma_start3A_160 : memref<632x128xf32, #tpu.memory_space<vmem_shared>>) target(%dma_start3A_158 : memref<632x128xf32, #tpu.memory_space<hbm>>) target_semaphore(%run_scoped3A_156 : memref<!tpu.dma_semaphore, #tpu.memory_space<semaphore_mem>>)
        %dma_wait3A_161 = arith.constant 0 : i32
        %dma_wait3A_162 = tpu.memref_slice %arg5[%mul3A_155, %dma_wait3A_161] : memref<10112x128xf32, #tpu.memory_space<hbm>> -> memref<632x128xf32, #tpu.memory_space<hbm>>
        %dma_wait3A_163 = arith.constant 0 : i32
        %dma_wait3A_164 = tpu.memref_slice %arg9[%mul3A_153, %dma_wait3A_163] : memref<10112x128xf32, #tpu.memory_space<vmem_shared>> -> memref<632x128xf32, #tpu.memory_space<vmem_shared>>
        tpu.wait_dma2 semaphore(%run_scoped3A_156 : memref<!tpu.dma_semaphore, #tpu.memory_space<semaphore_mem>>) src(%dma_wait3A_164 : memref<632x128xf32, #tpu.memory_space<vmem_shared>>) dst(%dma_wait3A_162 : memref<632x128xf32, #tpu.memory_space<hbm>>)
        tpu.yield
      }) : () -> ()
    } else {
    }
    return
  }
}

module attributes {stable_mosaic.version = 14 : i64} {
  func.func @_tc_z_body(%arg0: i32, %arg1: memref<2000x128xf32, #tpu.memory_space<vmem>>, %arg2: memref<128x128xf32, #tpu.memory_space<vmem>>, %arg3: memref<2000x128xf32, #tpu.memory_space<vmem>>) attributes {dimension_semantics = [#tpu.dimension_semantics<arbitrary>], iteration_bounds = array<i64: 5>, scalar_prefetch = 0 : i64, scratch_operands = 0 : i64, tpu.core_type = #tpu.core_type<tc>, window_params = [{transform_indices = @transform_0, window_bounds = array<i64: 2000, 128>}, {pipeline_mode = #tpu.pipeline_mode<synchronous>, transform_indices = @transform_1, window_bounds = array<i64: 128, 128>}, {transform_indices = @transform_2, window_bounds = array<i64: 2000, 128>}]} {
    %get3A = arith.constant 0 : index
    %get3A_0 = arith.constant 0 : index
    %get3A_1 = vector.load %arg1[%get3A, %get3A_0] : memref<2000x128xf32, #tpu.memory_space<vmem>>, vector<2000x128xf32>
    %get3A_2 = arith.constant 0 : index
    %get3A_3 = arith.constant 0 : index
    %get3A_4 = vector.load %arg2[%get3A_2, %get3A_3] : memref<128x128xf32, #tpu.memory_space<vmem>>, vector<128x128xf32>
    %dot_general3A = arith.constant dense<0.000000e+00> : vector<2000x128xf32>
    %dot_general3A_5 = tpu.matmul %get3A_1, %get3A_4, %dot_general3A {dimension_numbers = #tpu.dot_dimension_numbers<[1], [0], [0], [1], [0, 0, 1, 1], [], []>, transpose_lhs_hint = false} : vector<2000x128xf32>, vector<128x128xf32>, vector<2000x128xf32> -> vector<2000x128xf32>
    %swap3A = arith.constant 0 : index
    %swap3A_6 = arith.constant 0 : index
    %swap3A_7 = vector.load %arg3[%swap3A, %swap3A_6] : memref<2000x128xf32, #tpu.memory_space<vmem>>, vector<2000x128xf32>
    tpu.vector_store %arg3[%swap3A, %swap3A_6], %dot_general3A_5 {strides = array<i32>} : memref<2000x128xf32, #tpu.memory_space<vmem>>, vector<2000x128xf32>,
    return
  }
  func.func @transform_0(%arg0: i32) -> (i32, i32) {
    %c0_i32 = arith.constant 0 : i32
    %c0_i32_0 = arith.constant 0 : i32
    return %arg0, %c0_i32 : i32, i32
  }
  func.func @transform_1(%arg0: i32) -> (i32, i32) {
    %c0_i32 = arith.constant 0 : i32
    %c0_i32_0 = arith.constant 0 : i32
    %c0_i32_1 = arith.constant 0 : i32
    return %c0_i32, %c0_i32_0 : i32, i32
  }
  func.func @transform_2(%arg0: i32) -> (i32, i32) {
    %c0_i32 = arith.constant 0 : i32
    %c0_i32_0 = arith.constant 0 : i32
    return %arg0, %c0_i32 : i32, i32
  }
}

module attributes {stable_mosaic.version = 14 : i64} {
  func.func @_tc_branches_body(%arg0: i32, %arg1: memref<2000x128xf32, #tpu.memory_space<vmem>>, %arg2: memref<128x128xf32, #tpu.memory_space<vmem>>, %arg3: memref<1x128xf32, #tpu.memory_space<vmem>>, %arg4: memref<128x64xf32, #tpu.memory_space<vmem>>, %arg5: memref<1x64xf32, #tpu.memory_space<vmem>>, %arg6: memref<128x64xf32, #tpu.memory_space<vmem>>, %arg7: memref<1x64xf32, #tpu.memory_space<vmem>>, %arg8: memref<2000x192xf32, #tpu.memory_space<vmem>>) attributes {dimension_semantics = [#tpu.dimension_semantics<arbitrary>], iteration_bounds = array<i64: 5>, scalar_prefetch = 0 : i64, scratch_operands = 0 : i64, tpu.core_type = #tpu.core_type<tc>, window_params = [{transform_indices = @transform_0, window_bounds = array<i64: 2000, 128>}, {pipeline_mode = #tpu.pipeline_mode<synchronous>, transform_indices = @transform_1, window_bounds = array<i64: 128, 128>}, {pipeline_mode = #tpu.pipeline_mode<synchronous>, transform_indices = @transform_2, window_bounds = array<i64: 1, 128>}, {pipeline_mode = #tpu.pipeline_mode<synchronous>, transform_indices = @transform_3, window_bounds = array<i64: 128, 64>}, {pipeline_mode = #tpu.pipeline_mode<synchronous>, transform_indices = @transform_4, window_bounds = array<i64: 1, 64>}, {pipeline_mode = #tpu.pipeline_mode<synchronous>, transform_indices = @transform_5, window_bounds = array<i64: 128, 64>}, {pipeline_mode = #tpu.pipeline_mode<synchronous>, transform_indices = @transform_6, window_bounds = array<i64: 1, 64>}, {transform_indices = @transform_7, window_bounds = array<i64: 2000, 192>}]} {
    %get3A = arith.constant 0 : index
    %get3A_0 = arith.constant 0 : index
    %get3A_1 = vector.load %arg1[%get3A, %get3A_0] : memref<2000x128xf32, #tpu.memory_space<vmem>>, vector<2000x128xf32>
    %get3A_2 = arith.constant 0 : index
    %get3A_3 = arith.constant 0 : index
    %get3A_4 = vector.load %arg2[%get3A_2, %get3A_3] : memref<128x128xf32, #tpu.memory_space<vmem>>, vector<128x128xf32>
    %dot_general3A = arith.constant dense<0.000000e+00> : vector<2000x128xf32>
    %dot_general3A_5 = tpu.matmul %get3A_1, %get3A_4, %dot_general3A {dimension_numbers = #tpu.dot_dimension_numbers<[1], [0], [0], [1], [0, 0, 1, 1], [], []>, transpose_lhs_hint = false} : vector<2000x128xf32>, vector<128x128xf32>, vector<2000x128xf32> -> vector<2000x128xf32>
    %get3A_6 = arith.constant 0 : index
    %get3A_7 = arith.constant 0 : index
    %get3A_8 = vector.load %arg3[%get3A_6, %get3A_7] : memref<1x128xf32, #tpu.memory_space<vmem>>, vector<1x128xf32>
    %add3A = vector.broadcast %get3A_8 : vector<1x128xf32> to vector<2000x128xf32>
    %add3A_9 = arith.addf %dot_general3A_5, %add3A : vector<2000x128xf32>
    %max3A = arith.constant 0.000000e+00 : f32
    %max3A_10 = vector.broadcast %max3A : f32 to vector<2000x128xf32>
    %max3A_11 = arith.maximumf %add3A_9, %max3A_10 : vector<2000x128xf32>
    %get3A_12 = arith.constant 0 : index
    %get3A_13 = arith.constant 0 : index
    %get3A_14 = vector.load %arg4[%get3A_12, %get3A_13] : memref<128x64xf32, #tpu.memory_space<vmem>>, vector<128x64xf32>
    %dot_general3A_15 = arith.constant dense<0.000000e+00> : vector<2000x64xf32>
    %dot_general3A_16 = tpu.matmul %get3A_1, %get3A_14, %dot_general3A_15 {dimension_numbers = #tpu.dot_dimension_numbers<[1], [0], [0], [1], [0, 0, 1, 1], [], []>, transpose_lhs_hint = false} : vector<2000x128xf32>, vector<128x64xf32>, vector<2000x64xf32> -> vector<2000x64xf32>
    %get3A_17 = arith.constant 0 : index
    %get3A_18 = arith.constant 0 : index
    %get3A_19 = vector.load %arg5[%get3A_17, %get3A_18] : memref<1x64xf32, #tpu.memory_space<vmem>>, vector<1x64xf32>
    %add3A_20 = vector.broadcast %get3A_19 : vector<1x64xf32> to vector<2000x64xf32>
    %add3A_21 = arith.addf %dot_general3A_16, %add3A_20 : vector<2000x64xf32>
    %max3A_22 = arith.constant 0.000000e+00 : f32
    %max3A_23 = vector.broadcast %max3A_22 : f32 to vector<2000x64xf32>
    %max3A_24 = arith.maximumf %add3A_21, %max3A_23 : vector<2000x64xf32>
    %get3A_25 = arith.constant 0 : index
    %get3A_26 = arith.constant 0 : index
    %get3A_27 = vector.load %arg6[%get3A_25, %get3A_26] : memref<128x64xf32, #tpu.memory_space<vmem>>, vector<128x64xf32>
    %dot_general3A_28 = arith.constant dense<0.000000e+00> : vector<2000x64xf32>
    %dot_general3A_29 = tpu.matmul %get3A_1, %get3A_27, %dot_general3A_28 {dimension_numbers = #tpu.dot_dimension_numbers<[1], [0], [0], [1], [0, 0, 1, 1], [], []>, transpose_lhs_hint = false} : vector<2000x128xf32>, vector<128x64xf32>, vector<2000x64xf32> -> vector<2000x64xf32>
    %get3A_30 = arith.constant 0 : index
    %get3A_31 = arith.constant 0 : index
    %get3A_32 = vector.load %arg7[%get3A_30, %get3A_31] : memref<1x64xf32, #tpu.memory_space<vmem>>, vector<1x64xf32>
    %add3A_33 = vector.broadcast %get3A_32 : vector<1x64xf32> to vector<2000x64xf32>
    %add3A_34 = arith.addf %dot_general3A_29, %add3A_33 : vector<2000x64xf32>
    %max3A_35 = arith.constant 0.000000e+00 : f32
    %max3A_36 = vector.broadcast %max3A_35 : f32 to vector<2000x64xf32>
    %max3A_37 = arith.maximumf %add3A_34, %max3A_36 : vector<2000x64xf32>
    %mul3A = arith.mulf %max3A_24, %max3A_37 : vector<2000x64xf32>
    %concatenate3A = tpu.concatenate %max3A_11, %mul3A in 1 : vector<2000x128xf32>, vector<2000x64xf32> -> vector<2000x192xf32>
    %swap3A = arith.constant 0 : index
    %swap3A_38 = arith.constant 0 : index
    %swap3A_39 = vector.load %arg8[%swap3A, %swap3A_38] : memref<2000x192xf32, #tpu.memory_space<vmem>>, vector<2000x192xf32>
    tpu.vector_store %arg8[%swap3A, %swap3A_38], %concatenate3A {strides = array<i32>} : memref<2000x192xf32, #tpu.memory_space<vmem>>, vector<2000x192xf32>,
    return
  }
  func.func @transform_0(%arg0: i32) -> (i32, i32) {
    %c0_i32 = arith.constant 0 : i32
    %c0_i32_0 = arith.constant 0 : i32
    return %arg0, %c0_i32 : i32, i32
  }
  func.func @transform_1(%arg0: i32) -> (i32, i32) {
    %c0_i32 = arith.constant 0 : i32
    %c0_i32_0 = arith.constant 0 : i32
    %c0_i32_1 = arith.constant 0 : i32
    return %c0_i32, %c0_i32_0 : i32, i32
  }
  func.func @transform_2(%arg0: i32) -> (i32, i32) {
    %c0_i32 = arith.constant 0 : i32
    %c0_i32_0 = arith.constant 0 : i32
    %c0_i32_1 = arith.constant 0 : i32
    return %c0_i32, %c0_i32_0 : i32, i32
  }
  func.func @transform_3(%arg0: i32) -> (i32, i32) {
    %c0_i32 = arith.constant 0 : i32
    %c0_i32_0 = arith.constant 0 : i32
    %c0_i32_1 = arith.constant 0 : i32
    return %c0_i32, %c0_i32_0 : i32, i32
  }
  func.func @transform_4(%arg0: i32) -> (i32, i32) {
    %c0_i32 = arith.constant 0 : i32
    %c0_i32_0 = arith.constant 0 : i32
    %c0_i32_1 = arith.constant 0 : i32
    return %c0_i32, %c0_i32_0 : i32, i32
  }
  func.func @transform_5(%arg0: i32) -> (i32, i32) {
    %c0_i32 = arith.constant 0 : i32
    %c0_i32_0 = arith.constant 0 : i32
    %c0_i32_1 = arith.constant 0 : i32
    return %c0_i32, %c0_i32_0 : i32, i32
  }
  func.func @transform_6(%arg0: i32) -> (i32, i32) {
    %c0_i32 = arith.constant 0 : i32
    %c0_i32_0 = arith.constant 0 : i32
    %c0_i32_1 = arith.constant 0 : i32
    return %c0_i32, %c0_i32_0 : i32, i32
  }
  func.func @transform_7(%arg0: i32) -> (i32, i32) {
    %c0_i32 = arith.constant 0 : i32
    %c0_i32_0 = arith.constant 0 : i32
    return %arg0, %c0_i32 : i32, i32
  }
}

module attributes {stable_mosaic.version = 14 : i64} {
  func.func @_tc_combine_body(%arg0: i32, %arg1: memref<2000x192xf32, #tpu.memory_space<vmem>>, %arg2: memref<2000x128xf32, #tpu.memory_space<vmem>>, %arg3: memref<1x128xf32, #tpu.memory_space<vmem>>, %arg4: memref<1x192xf32, #tpu.memory_space<vmem>>, %arg5: memref<1x192xf32, #tpu.memory_space<vmem>>, %arg6: memref<1x192xf32, #tpu.memory_space<vmem>>, %arg7: memref<1x192xf32, #tpu.memory_space<vmem>>, %arg8: memref<192x128xf32, #tpu.memory_space<vmem>>, %arg9: memref<2000x192xf32, #tpu.memory_space<vmem>>, %arg10: memref<2000x128xf32, #tpu.memory_space<vmem>>) attributes {dimension_semantics = [#tpu.dimension_semantics<arbitrary>], iteration_bounds = array<i64: 5>, scalar_prefetch = 0 : i64, scratch_operands = 0 : i64, tpu.core_type = #tpu.core_type<tc>, window_params = [{transform_indices = @transform_0, window_bounds = array<i64: 2000, 192>}, {transform_indices = @transform_1, window_bounds = array<i64: 2000, 128>}, {pipeline_mode = #tpu.pipeline_mode<synchronous>, transform_indices = @transform_2, window_bounds = array<i64: 1, 128>}, {pipeline_mode = #tpu.pipeline_mode<synchronous>, transform_indices = @transform_3, window_bounds = array<i64: 1, 192>}, {pipeline_mode = #tpu.pipeline_mode<synchronous>, transform_indices = @transform_4, window_bounds = array<i64: 1, 192>}, {pipeline_mode = #tpu.pipeline_mode<synchronous>, transform_indices = @transform_5, window_bounds = array<i64: 1, 192>}, {pipeline_mode = #tpu.pipeline_mode<synchronous>, transform_indices = @transform_6, window_bounds = array<i64: 1, 192>}, {pipeline_mode = #tpu.pipeline_mode<synchronous>, transform_indices = @transform_7, window_bounds = array<i64: 192, 128>}, {transform_indices = @transform_8, window_bounds = array<i64: 2000, 192>}, {transform_indices = @transform_9, window_bounds = array<i64: 2000, 128>}]} {
    %get3A = arith.constant 0 : index
    %get3A_0 = arith.constant 0 : index
    %get3A_1 = vector.load %arg2[%get3A, %get3A_0] : memref<2000x128xf32, #tpu.memory_space<vmem>>, vector<2000x128xf32>
    %get3A_2 = arith.constant 0 : index
    %get3A_3 = arith.constant 0 : index
    %get3A_4 = vector.load %arg3[%get3A_2, %get3A_3] : memref<1x128xf32, #tpu.memory_space<vmem>>, vector<1x128xf32>
    %add3A = vector.broadcast %get3A_4 : vector<1x128xf32> to vector<2000x128xf32>
    %add3A_5 = arith.addf %get3A_1, %add3A : vector<2000x128xf32>
    %max3A = arith.constant 0.000000e+00 : f32
    %max3A_6 = vector.broadcast %max3A : f32 to vector<2000x128xf32>
    %max3A_7 = arith.maximumf %add3A_5, %max3A_6 : vector<2000x128xf32>
    %get3A_8 = arith.constant 0 : index
    %get3A_9 = arith.constant 0 : index
    %get3A_10 = vector.load %arg1[%get3A_8, %get3A_9] : memref<2000x192xf32, #tpu.memory_space<vmem>>, vector<2000x192xf32>
    %slice3A = vector.extract_strided_slice %get3A_10 {offsets = [0, 0], sizes = [2000, 128], strides = [1, 1]} : vector<2000x192xf32> to vector<2000x128xf32>
    %add3A_11 = arith.addf %slice3A, %max3A_7 : vector<2000x128xf32>
    %slice3A_12 = vector.extract_strided_slice %get3A_10 {offsets = [0, 128], sizes = [2000, 64], strides = [1, 1]} : vector<2000x192xf32> to vector<2000x64xf32>
    %concatenate3A = tpu.concatenate %add3A_11, %slice3A_12 in 1 : vector<2000x128xf32>, vector<2000x64xf32> -> vector<2000x192xf32>
    %get3A_13 = arith.constant 0 : index
    %get3A_14 = arith.constant 0 : index
    %get3A_15 = vector.load %arg6[%get3A_13, %get3A_14] : memref<1x192xf32, #tpu.memory_space<vmem>>, vector<1x192xf32>
    %sub3A = vector.broadcast %get3A_15 : vector<1x192xf32> to vector<2000x192xf32>
    %sub3A_16 = arith.subf %concatenate3A, %sub3A : vector<2000x192xf32>
    %get3A_17 = arith.constant 0 : index
    %get3A_18 = arith.constant 0 : index
    %get3A_19 = vector.load %arg7[%get3A_17, %get3A_18] : memref<1x192xf32, #tpu.memory_space<vmem>>, vector<1x192xf32>
    %add3A_20 = arith.constant 9.99999974E-6 : f32
    %add3A_21 = vector.broadcast %add3A_20 : f32 to vector<1x192xf32>
    %add3A_22 = arith.addf %get3A_19, %add3A_21 : vector<1x192xf32>
    %sqrt3A = math.sqrt %add3A_22 : vector<1x192xf32>
    %div3A = vector.broadcast %sqrt3A : vector<1x192xf32> to vector<2000x192xf32>
    %div3A_23 = arith.divf %sub3A_16, %div3A : vector<2000x192xf32>
    %get3A_24 = arith.constant 0 : index
    %get3A_25 = arith.constant 0 : index
    %get3A_26 = vector.load %arg4[%get3A_24, %get3A_25] : memref<1x192xf32, #tpu.memory_space<vmem>>, vector<1x192xf32>
    %mul3A = vector.broadcast %get3A_26 : vector<1x192xf32> to vector<2000x192xf32>
    %mul3A_27 = arith.mulf %div3A_23, %mul3A : vector<2000x192xf32>
    %get3A_28 = arith.constant 0 : index
    %get3A_29 = arith.constant 0 : index
    %get3A_30 = vector.load %arg5[%get3A_28, %get3A_29] : memref<1x192xf32, #tpu.memory_space<vmem>>, vector<1x192xf32>
    %add3A_31 = vector.broadcast %get3A_30 : vector<1x192xf32> to vector<2000x192xf32>
    %add3A_32 = arith.addf %mul3A_27, %add3A_31 : vector<2000x192xf32>
    %swap3A = arith.constant 0 : index
    %swap3A_33 = arith.constant 0 : index
    %swap3A_34 = vector.load %arg9[%swap3A, %swap3A_33] : memref<2000x192xf32, #tpu.memory_space<vmem>>, vector<2000x192xf32>
    tpu.vector_store %arg9[%swap3A, %swap3A_33], %add3A_32 {strides = array<i32>} : memref<2000x192xf32, #tpu.memory_space<vmem>>, vector<2000x192xf32>,
    %get3A_35 = arith.constant 0 : index
    %get3A_36 = arith.constant 0 : index
    %get3A_37 = vector.load %arg8[%get3A_35, %get3A_36] : memref<192x128xf32, #tpu.memory_space<vmem>>, vector<192x128xf32>
    %dot_general3A = arith.constant dense<0.000000e+00> : vector<2000x128xf32>
    %dot_general3A_38 = tpu.matmul %add3A_32, %get3A_37, %dot_general3A {dimension_numbers = #tpu.dot_dimension_numbers<[1], [0], [0], [1], [0, 0, 1, 1], [], []>, transpose_lhs_hint = false} : vector<2000x192xf32>, vector<192x128xf32>, vector<2000x128xf32> -> vector<2000x128xf32>
    %swap3A_39 = arith.constant 0 : index
    %swap3A_40 = arith.constant 0 : index
    %swap3A_41 = vector.load %arg10[%swap3A_39, %swap3A_40] : memref<2000x128xf32, #tpu.memory_space<vmem>>, vector<2000x128xf32>
    tpu.vector_store %arg10[%swap3A_39, %swap3A_40], %dot_general3A_38 {strides = array<i32>} : memref<2000x128xf32, #tpu.memory_space<vmem>>, vector<2000x128xf32>,
    return
  }
  func.func @transform_0(%arg0: i32) -> (i32, i32) {
    %c0_i32 = arith.constant 0 : i32
    %c0_i32_0 = arith.constant 0 : i32
    return %arg0, %c0_i32 : i32, i32
  }
  func.func @transform_1(%arg0: i32) -> (i32, i32) {
    %c0_i32 = arith.constant 0 : i32
    %c0_i32_0 = arith.constant 0 : i32
    return %arg0, %c0_i32 : i32, i32
  }
  func.func @transform_2(%arg0: i32) -> (i32, i32) {
    %c0_i32 = arith.constant 0 : i32
    %c0_i32_0 = arith.constant 0 : i32
    %c0_i32_1 = arith.constant 0 : i32
    return %c0_i32, %c0_i32_0 : i32, i32
  }
  func.func @transform_3(%arg0: i32) -> (i32, i32) {
    %c0_i32 = arith.constant 0 : i32
    %c0_i32_0 = arith.constant 0 : i32
    %c0_i32_1 = arith.constant 0 : i32
    return %c0_i32, %c0_i32_0 : i32, i32
  }
  func.func @transform_4(%arg0: i32) -> (i32, i32) {
    %c0_i32 = arith.constant 0 : i32
    %c0_i32_0 = arith.constant 0 : i32
    %c0_i32_1 = arith.constant 0 : i32
    return %c0_i32, %c0_i32_0 : i32, i32
  }
  func.func @transform_5(%arg0: i32) -> (i32, i32) {
    %c0_i32 = arith.constant 0 : i32
    %c0_i32_0 = arith.constant 0 : i32
    %c0_i32_1 = arith.constant 0 : i32
    return %c0_i32, %c0_i32_0 : i32, i32
  }
  func.func @transform_6(%arg0: i32) -> (i32, i32) {
    %c0_i32 = arith.constant 0 : i32
    %c0_i32_0 = arith.constant 0 : i32
    %c0_i32_1 = arith.constant 0 : i32
    return %c0_i32, %c0_i32_0 : i32, i32
  }
  func.func @transform_7(%arg0: i32) -> (i32, i32) {
    %c0_i32 = arith.constant 0 : i32
    %c0_i32_0 = arith.constant 0 : i32
    %c0_i32_1 = arith.constant 0 : i32
    return %c0_i32, %c0_i32_0 : i32, i32
  }
  func.func @transform_8(%arg0: i32) -> (i32, i32) {
    %c0_i32 = arith.constant 0 : i32
    %c0_i32_0 = arith.constant 0 : i32
    return %arg0, %c0_i32 : i32, i32
  }
  func.func @transform_9(%arg0: i32) -> (i32, i32) {
    %c0_i32 = arith.constant 0 : i32
    %c0_i32_0 = arith.constant 0 : i32
    return %arg0, %c0_i32 : i32, i32
  }
}

module attributes {stable_mosaic.version = 14 : i64} {
  func.func @_tc_branches_body(%arg0: i32, %arg1: memref<2000x192xf32, #tpu.memory_space<vmem>>, %arg2: memref<192x128xf32, #tpu.memory_space<vmem>>, %arg3: memref<1x128xf32, #tpu.memory_space<vmem>>, %arg4: memref<192x64xf32, #tpu.memory_space<vmem>>, %arg5: memref<1x64xf32, #tpu.memory_space<vmem>>, %arg6: memref<192x64xf32, #tpu.memory_space<vmem>>, %arg7: memref<1x64xf32, #tpu.memory_space<vmem>>, %arg8: memref<2000x192xf32, #tpu.memory_space<vmem>>) attributes {dimension_semantics = [#tpu.dimension_semantics<arbitrary>], iteration_bounds = array<i64: 5>, scalar_prefetch = 0 : i64, scratch_operands = 0 : i64, tpu.core_type = #tpu.core_type<tc>, window_params = [{transform_indices = @transform_0, window_bounds = array<i64: 2000, 192>}, {pipeline_mode = #tpu.pipeline_mode<synchronous>, transform_indices = @transform_1, window_bounds = array<i64: 192, 128>}, {pipeline_mode = #tpu.pipeline_mode<synchronous>, transform_indices = @transform_2, window_bounds = array<i64: 1, 128>}, {pipeline_mode = #tpu.pipeline_mode<synchronous>, transform_indices = @transform_3, window_bounds = array<i64: 192, 64>}, {pipeline_mode = #tpu.pipeline_mode<synchronous>, transform_indices = @transform_4, window_bounds = array<i64: 1, 64>}, {pipeline_mode = #tpu.pipeline_mode<synchronous>, transform_indices = @transform_5, window_bounds = array<i64: 192, 64>}, {pipeline_mode = #tpu.pipeline_mode<synchronous>, transform_indices = @transform_6, window_bounds = array<i64: 1, 64>}, {transform_indices = @transform_7, window_bounds = array<i64: 2000, 192>}]} {
    %get3A = arith.constant 0 : index
    %get3A_0 = arith.constant 0 : index
    %get3A_1 = vector.load %arg1[%get3A, %get3A_0] : memref<2000x192xf32, #tpu.memory_space<vmem>>, vector<2000x192xf32>
    %get3A_2 = arith.constant 0 : index
    %get3A_3 = arith.constant 0 : index
    %get3A_4 = vector.load %arg2[%get3A_2, %get3A_3] : memref<192x128xf32, #tpu.memory_space<vmem>>, vector<192x128xf32>
    %dot_general3A = arith.constant dense<0.000000e+00> : vector<2000x128xf32>
    %dot_general3A_5 = tpu.matmul %get3A_1, %get3A_4, %dot_general3A {dimension_numbers = #tpu.dot_dimension_numbers<[1], [0], [0], [1], [0, 0, 1, 1], [], []>, transpose_lhs_hint = false} : vector<2000x192xf32>, vector<192x128xf32>, vector<2000x128xf32> -> vector<2000x128xf32>
    %get3A_6 = arith.constant 0 : index
    %get3A_7 = arith.constant 0 : index
    %get3A_8 = vector.load %arg3[%get3A_6, %get3A_7] : memref<1x128xf32, #tpu.memory_space<vmem>>, vector<1x128xf32>
    %add3A = vector.broadcast %get3A_8 : vector<1x128xf32> to vector<2000x128xf32>
    %add3A_9 = arith.addf %dot_general3A_5, %add3A : vector<2000x128xf32>
    %max3A = arith.constant 0.000000e+00 : f32
    %max3A_10 = vector.broadcast %max3A : f32 to vector<2000x128xf32>
    %max3A_11 = arith.maximumf %add3A_9, %max3A_10 : vector<2000x128xf32>
    %get3A_12 = arith.constant 0 : index
    %get3A_13 = arith.constant 0 : index
    %get3A_14 = vector.load %arg4[%get3A_12, %get3A_13] : memref<192x64xf32, #tpu.memory_space<vmem>>, vector<192x64xf32>
    %dot_general3A_15 = arith.constant dense<0.000000e+00> : vector<2000x64xf32>
    %dot_general3A_16 = tpu.matmul %get3A_1, %get3A_14, %dot_general3A_15 {dimension_numbers = #tpu.dot_dimension_numbers<[1], [0], [0], [1], [0, 0, 1, 1], [], []>, transpose_lhs_hint = false} : vector<2000x192xf32>, vector<192x64xf32>, vector<2000x64xf32> -> vector<2000x64xf32>
    %get3A_17 = arith.constant 0 : index
    %get3A_18 = arith.constant 0 : index
    %get3A_19 = vector.load %arg5[%get3A_17, %get3A_18] : memref<1x64xf32, #tpu.memory_space<vmem>>, vector<1x64xf32>
    %add3A_20 = vector.broadcast %get3A_19 : vector<1x64xf32> to vector<2000x64xf32>
    %add3A_21 = arith.addf %dot_general3A_16, %add3A_20 : vector<2000x64xf32>
    %max3A_22 = arith.constant 0.000000e+00 : f32
    %max3A_23 = vector.broadcast %max3A_22 : f32 to vector<2000x64xf32>
    %max3A_24 = arith.maximumf %add3A_21, %max3A_23 : vector<2000x64xf32>
    %get3A_25 = arith.constant 0 : index
    %get3A_26 = arith.constant 0 : index
    %get3A_27 = vector.load %arg6[%get3A_25, %get3A_26] : memref<192x64xf32, #tpu.memory_space<vmem>>, vector<192x64xf32>
    %dot_general3A_28 = arith.constant dense<0.000000e+00> : vector<2000x64xf32>
    %dot_general3A_29 = tpu.matmul %get3A_1, %get3A_27, %dot_general3A_28 {dimension_numbers = #tpu.dot_dimension_numbers<[1], [0], [0], [1], [0, 0, 1, 1], [], []>, transpose_lhs_hint = false} : vector<2000x192xf32>, vector<192x64xf32>, vector<2000x64xf32> -> vector<2000x64xf32>
    %get3A_30 = arith.constant 0 : index
    %get3A_31 = arith.constant 0 : index
    %get3A_32 = vector.load %arg7[%get3A_30, %get3A_31] : memref<1x64xf32, #tpu.memory_space<vmem>>, vector<1x64xf32>
    %add3A_33 = vector.broadcast %get3A_32 : vector<1x64xf32> to vector<2000x64xf32>
    %add3A_34 = arith.addf %dot_general3A_29, %add3A_33 : vector<2000x64xf32>
    %max3A_35 = arith.constant 0.000000e+00 : f32
    %max3A_36 = vector.broadcast %max3A_35 : f32 to vector<2000x64xf32>
    %max3A_37 = arith.maximumf %add3A_34, %max3A_36 : vector<2000x64xf32>
    %mul3A = arith.mulf %max3A_24, %max3A_37 : vector<2000x64xf32>
    %concatenate3A = tpu.concatenate %max3A_11, %mul3A in 1 : vector<2000x128xf32>, vector<2000x64xf32> -> vector<2000x192xf32>
    %swap3A = arith.constant 0 : index
    %swap3A_38 = arith.constant 0 : index
    %swap3A_39 = vector.load %arg8[%swap3A, %swap3A_38] : memref<2000x192xf32, #tpu.memory_space<vmem>>, vector<2000x192xf32>
    tpu.vector_store %arg8[%swap3A, %swap3A_38], %concatenate3A {strides = array<i32>} : memref<2000x192xf32, #tpu.memory_space<vmem>>, vector<2000x192xf32>,
    return
  }
  func.func @transform_0(%arg0: i32) -> (i32, i32) {
    %c0_i32 = arith.constant 0 : i32
    %c0_i32_0 = arith.constant 0 : i32
    return %arg0, %c0_i32 : i32, i32
  }
  func.func @transform_1(%arg0: i32) -> (i32, i32) {
    %c0_i32 = arith.constant 0 : i32
    %c0_i32_0 = arith.constant 0 : i32
    %c0_i32_1 = arith.constant 0 : i32
    return %c0_i32, %c0_i32_0 : i32, i32
  }
  func.func @transform_2(%arg0: i32) -> (i32, i32) {
    %c0_i32 = arith.constant 0 : i32
    %c0_i32_0 = arith.constant 0 : i32
    %c0_i32_1 = arith.constant 0 : i32
    return %c0_i32, %c0_i32_0 : i32, i32
  }
  func.func @transform_3(%arg0: i32) -> (i32, i32) {
    %c0_i32 = arith.constant 0 : i32
    %c0_i32_0 = arith.constant 0 : i32
    %c0_i32_1 = arith.constant 0 : i32
    return %c0_i32, %c0_i32_0 : i32, i32
  }
  func.func @transform_4(%arg0: i32) -> (i32, i32) {
    %c0_i32 = arith.constant 0 : i32
    %c0_i32_0 = arith.constant 0 : i32
    %c0_i32_1 = arith.constant 0 : i32
    return %c0_i32, %c0_i32_0 : i32, i32
  }
  func.func @transform_5(%arg0: i32) -> (i32, i32) {
    %c0_i32 = arith.constant 0 : i32
    %c0_i32_0 = arith.constant 0 : i32
    %c0_i32_1 = arith.constant 0 : i32
    return %c0_i32, %c0_i32_0 : i32, i32
  }
  func.func @transform_6(%arg0: i32) -> (i32, i32) {
    %c0_i32 = arith.constant 0 : i32
    %c0_i32_0 = arith.constant 0 : i32
    %c0_i32_1 = arith.constant 0 : i32
    return %c0_i32, %c0_i32_0 : i32, i32
  }
  func.func @transform_7(%arg0: i32) -> (i32, i32) {
    %c0_i32 = arith.constant 0 : i32
    %c0_i32_0 = arith.constant 0 : i32
    return %arg0, %c0_i32 : i32, i32
  }
}

module attributes {stable_mosaic.version = 14 : i64} {
  func.func @_tc_final_body(%arg0: i32, %arg1: memref<2000x192xf32, #tpu.memory_space<vmem>>, %arg2: memref<2000x128xf32, #tpu.memory_space<vmem>>, %arg3: memref<2000x1xi32, #tpu.memory_space<vmem>>, %arg4: memref<1x128xf32, #tpu.memory_space<vmem>>, %arg5: memref<1x192xf32, #tpu.memory_space<vmem>>, %arg6: memref<1x192xf32, #tpu.memory_space<vmem>>, %arg7: memref<1x192xf32, #tpu.memory_space<vmem>>, %arg8: memref<1x192xf32, #tpu.memory_space<vmem>>, %arg9: memref<384x128xf32, #tpu.memory_space<vmem>>, %arg10: memref<1x128xf32, #tpu.memory_space<vmem>>, %arg11: memref<64x128xf32, #tpu.memory_space<vmem>>, %arg12: memref<64x192xf32, #tpu.memory_space<vmem>>, %arg13: memref<64x192xf32, #tpu.memory_space<vmem>>, %arg14: memref<64x192xf32, #tpu.memory_space<vmem>>) attributes {dimension_semantics = [#tpu.dimension_semantics<arbitrary>], iteration_bounds = array<i64: 5>, scalar_prefetch = 0 : i64, scratch_operands = 3 : i64, tpu.core_type = #tpu.core_type<tc>, window_params = [{transform_indices = @transform_0, window_bounds = array<i64: 2000, 192>}, {transform_indices = @transform_1, window_bounds = array<i64: 2000, 128>}, {transform_indices = @transform_2, window_bounds = array<i64: 2000, 1>}, {pipeline_mode = #tpu.pipeline_mode<synchronous>, transform_indices = @transform_3, window_bounds = array<i64: 1, 128>}, {pipeline_mode = #tpu.pipeline_mode<synchronous>, transform_indices = @transform_4, window_bounds = array<i64: 1, 192>}, {pipeline_mode = #tpu.pipeline_mode<synchronous>, transform_indices = @transform_5, window_bounds = array<i64: 1, 192>}, {pipeline_mode = #tpu.pipeline_mode<synchronous>, transform_indices = @transform_6, window_bounds = array<i64: 1, 192>}, {pipeline_mode = #tpu.pipeline_mode<synchronous>, transform_indices = @transform_7, window_bounds = array<i64: 1, 192>}, {pipeline_mode = #tpu.pipeline_mode<synchronous>, transform_indices = @transform_8, window_bounds = array<i64: 384, 128>}, {pipeline_mode = #tpu.pipeline_mode<synchronous>, transform_indices = @transform_9, window_bounds = array<i64: 1, 128>}, {pipeline_mode = #tpu.pipeline_mode<synchronous>, transform_indices = @transform_10, window_bounds = array<i64: 64, 128>}]} {
    %eq3A = arith.constant 0 : i32
    %eq3A_0 = arith.cmpi eq, %arg0, %eq3A : i32
    %convert_element_type3A = arith.extui %eq3A_0 : i1 to i32
    %cond3A = arith.constant 0 : i32
    %cond3A_1 = arith.cmpi ne, %convert_element_type3A, %cond3A : i32
    scf.if %cond3A_1 {
      %broadcast_in_dim3A_80 = arith.constant 0.000000e+00 : f32
      %broadcast_in_dim3A_81 = vector.broadcast %broadcast_in_dim3A_80 : f32 to vector<64x192xf32>
      %swap3A_82 = arith.constant 0 : index
      %swap3A_83 = arith.constant 0 : index
      %swap3A_84 = vector.load %arg12[%swap3A_82, %swap3A_83] : memref<64x192xf32, #tpu.memory_space<vmem>>, vector<64x192xf32>
      tpu.vector_store %arg12[%swap3A_82, %swap3A_83], %broadcast_in_dim3A_81 {strides = array<i32>} : memref<64x192xf32, #tpu.memory_space<vmem>>, vector<64x192xf32>,
      %broadcast_in_dim3A_85 = arith.constant 0.000000e+00 : f32
      %broadcast_in_dim3A_86 = vector.broadcast %broadcast_in_dim3A_85 : f32 to vector<64x192xf32>
      %swap3A_87 = arith.constant 0 : index
      %swap3A_88 = arith.constant 0 : index
      %swap3A_89 = vector.load %arg13[%swap3A_87, %swap3A_88] : memref<64x192xf32, #tpu.memory_space<vmem>>, vector<64x192xf32>
      tpu.vector_store %arg13[%swap3A_87, %swap3A_88], %broadcast_in_dim3A_86 {strides = array<i32>} : memref<64x192xf32, #tpu.memory_space<vmem>>, vector<64x192xf32>,
      %broadcast_in_dim3A_90 = arith.constant -3.40282347E+38 : f32
      %broadcast_in_dim3A_91 = vector.broadcast %broadcast_in_dim3A_90 : f32 to vector<64x192xf32>
      %swap3A_92 = arith.constant 0 : index
      %swap3A_93 = arith.constant 0 : index
      %swap3A_94 = vector.load %arg14[%swap3A_92, %swap3A_93] : memref<64x192xf32, #tpu.memory_space<vmem>>, vector<64x192xf32>
      tpu.vector_store %arg14[%swap3A_92, %swap3A_93], %broadcast_in_dim3A_91 {strides = array<i32>} : memref<64x192xf32, #tpu.memory_space<vmem>>, vector<64x192xf32>,
    } else {
    }
    %get3A = arith.constant 0 : index
    %get3A_2 = arith.constant 0 : index
    %get3A_3 = vector.load %arg2[%get3A, %get3A_2] : memref<2000x128xf32, #tpu.memory_space<vmem>>, vector<2000x128xf32>
    %get3A_4 = arith.constant 0 : index
    %get3A_5 = arith.constant 0 : index
    %get3A_6 = vector.load %arg4[%get3A_4, %get3A_5] : memref<1x128xf32, #tpu.memory_space<vmem>>, vector<1x128xf32>
    %add3A = vector.broadcast %get3A_6 : vector<1x128xf32> to vector<2000x128xf32>
    %add3A_7 = arith.addf %get3A_3, %add3A : vector<2000x128xf32>
    %max3A = arith.constant 0.000000e+00 : f32
    %max3A_8 = vector.broadcast %max3A : f32 to vector<2000x128xf32>
    %max3A_9 = arith.maximumf %add3A_7, %max3A_8 : vector<2000x128xf32>
    %get3A_10 = arith.constant 0 : index
    %get3A_11 = arith.constant 0 : index
    %get3A_12 = vector.load %arg1[%get3A_10, %get3A_11] : memref<2000x192xf32, #tpu.memory_space<vmem>>, vector<2000x192xf32>
    %slice3A = vector.extract_strided_slice %get3A_12 {offsets = [0, 0], sizes = [2000, 128], strides = [1, 1]} : vector<2000x192xf32> to vector<2000x128xf32>
    %add3A_13 = arith.addf %slice3A, %max3A_9 : vector<2000x128xf32>
    %slice3A_14 = vector.extract_strided_slice %get3A_12 {offsets = [0, 128], sizes = [2000, 64], strides = [1, 1]} : vector<2000x192xf32> to vector<2000x64xf32>
    %concatenate3A = tpu.concatenate %add3A_13, %slice3A_14 in 1 : vector<2000x128xf32>, vector<2000x64xf32> -> vector<2000x192xf32>
    %get3A_15 = arith.constant 0 : index
    %get3A_16 = arith.constant 0 : index
    %get3A_17 = vector.load %arg7[%get3A_15, %get3A_16] : memref<1x192xf32, #tpu.memory_space<vmem>>, vector<1x192xf32>
    %sub3A = vector.broadcast %get3A_17 : vector<1x192xf32> to vector<2000x192xf32>
    %sub3A_18 = arith.subf %concatenate3A, %sub3A : vector<2000x192xf32>
    %get3A_19 = arith.constant 0 : index
    %get3A_20 = arith.constant 0 : index
    %get3A_21 = vector.load %arg8[%get3A_19, %get3A_20] : memref<1x192xf32, #tpu.memory_space<vmem>>, vector<1x192xf32>
    %add3A_22 = arith.constant 9.99999974E-6 : f32
    %add3A_23 = vector.broadcast %add3A_22 : f32 to vector<1x192xf32>
    %add3A_24 = arith.addf %get3A_21, %add3A_23 : vector<1x192xf32>
    %sqrt3A = math.sqrt %add3A_24 : vector<1x192xf32>
    %div3A = vector.broadcast %sqrt3A : vector<1x192xf32> to vector<2000x192xf32>
    %div3A_25 = arith.divf %sub3A_18, %div3A : vector<2000x192xf32>
    %get3A_26 = arith.constant 0 : index
    %get3A_27 = arith.constant 0 : index
    %get3A_28 = vector.load %arg5[%get3A_26, %get3A_27] : memref<1x192xf32, #tpu.memory_space<vmem>>, vector<1x192xf32>
    %mul3A = vector.broadcast %get3A_28 : vector<1x192xf32> to vector<2000x192xf32>
    %mul3A_29 = arith.mulf %div3A_25, %mul3A : vector<2000x192xf32>
    %get3A_30 = arith.constant 0 : index
    %get3A_31 = arith.constant 0 : index
    %get3A_32 = vector.load %arg6[%get3A_30, %get3A_31] : memref<1x192xf32, #tpu.memory_space<vmem>>, vector<1x192xf32>
    %add3A_33 = vector.broadcast %get3A_32 : vector<1x192xf32> to vector<2000x192xf32>
    %add3A_34 = arith.addf %mul3A_29, %add3A_33 : vector<2000x192xf32>
    %get3A_35 = arith.constant 0 : index
    %get3A_36 = arith.constant 0 : index
    %get3A_37 = vector.load %arg3[%get3A_35, %get3A_36] : memref<2000x1xi32, #tpu.memory_space<vmem>>, vector<2000x1xi32>
    %iota3A = tpu.iota {dimensions = array<i32: 1>} : vector<1x64xi32>
    %eq3A_38 = vector.broadcast %get3A_37 : vector<2000x1xi32> to vector<2000x64xi32>
    %eq3A_39 = vector.broadcast %iota3A : vector<1x64xi32> to vector<2000x64xi32>
    %eq3A_40 = arith.cmpi eq, %eq3A_38, %eq3A_39 : vector<2000x64xi32>
    %convert_element_type3A_41 = arith.extui %eq3A_40 : vector<2000x64xi1> to vector<2000x64xi32>
    %convert_element_type3A_42 = arith.sitofp %convert_element_type3A_41 : vector<2000x64xi32> to vector<2000x64xf32>
    %get3A_43 = arith.constant 0 : index
    %get3A_44 = arith.constant 0 : index
    %get3A_45 = vector.load %arg12[%get3A_43, %get3A_44] : memref<64x192xf32, #tpu.memory_space<vmem>>, vector<64x192xf32>
    %dot_general3A = arith.constant dense<0.000000e+00> : vector<64x192xf32>
    %dot_general3A_46 = tpu.matmul %convert_element_type3A_42, %add3A_34, %dot_general3A {dimension_numbers = #tpu.dot_dimension_numbers<[0], [0], [1], [1], [0, 1, 1, 1], [], []>, transpose_lhs_hint = false} : vector<2000x64xf32>, vector<2000x192xf32>, vector<64x192xf32> -> vector<64x192xf32>
    %add3A_47 = arith.addf %get3A_45, %dot_general3A_46 : vector<64x192xf32>
    %swap3A = arith.constant 0 : index
    %swap3A_48 = arith.constant 0 : index
    %swap3A_49 = vector.load %arg12[%swap3A, %swap3A_48] : memref<64x192xf32, #tpu.memory_space<vmem>>, vector<64x192xf32>
    tpu.vector_store %arg12[%swap3A, %swap3A_48], %add3A_47 {strides = array<i32>} : memref<64x192xf32, #tpu.memory_space<vmem>>, vector<64x192xf32>,
    %get3A_50 = arith.constant 0 : index
    %get3A_51 = arith.constant 0 : index
    %get3A_52 = vector.load %arg13[%get3A_50, %get3A_51] : memref<64x192xf32, #tpu.memory_space<vmem>>, vector<64x192xf32>
    %broadcast_in_dim3A = arith.constant 1.000000e+00 : f32
    %broadcast_in_dim3A_53 = vector.broadcast %broadcast_in_dim3A : f32 to vector<2000x192xf32>
    %dot_general3A_54 = arith.constant dense<0.000000e+00> : vector<64x192xf32>
    %dot_general3A_55 = tpu.matmul %convert_element_type3A_42, %broadcast_in_dim3A_53, %dot_general3A_54 {dimension_numbers = #tpu.dot_dimension_numbers<[0], [0], [1], [1], [0, 1, 1, 1], [], []>, transpose_lhs_hint = false} : vector<2000x64xf32>, vector<2000x192xf32>, vector<64x192xf32> -> vector<64x192xf32>
    %add3A_56 = arith.addf %get3A_52, %dot_general3A_55 : vector<64x192xf32>
    %swap3A_57 = arith.constant 0 : index
    %swap3A_58 = arith.constant 0 : index
    %swap3A_59 = vector.load %arg13[%swap3A_57, %swap3A_58] : memref<64x192xf32, #tpu.memory_space<vmem>>, vector<64x192xf32>
    tpu.vector_store %arg13[%swap3A_57, %swap3A_58], %add3A_56 {strides = array<i32>} : memref<64x192xf32, #tpu.memory_space<vmem>>, vector<64x192xf32>,
    %slice3A_60 = vector.extract_strided_slice %get3A_37 {offsets = [0, 0], sizes = [1, 1], strides = [1, 1]} : vector<2000x1xi32> to vector<1x1xi32>
    %squeeze3A = vector.extract %slice3A_60[0, 0] : i32 from vector<1x1xi32>
    %slice3A_61 = vector.extract_strided_slice %get3A_37 {offsets = [1999, 0], sizes = [1, 1], strides = [1, 1]} : vector<2000x1xi32> to vector<1x1xi32>
    %squeeze3A_62 = vector.extract %slice3A_61[0, 0] : i32 from vector<1x1xi32>
    %add3A_63 = arith.constant 1 : i32
    %add3A_64 = arith.addi %squeeze3A_62, %add3A_63 : i32
    %while3A = arith.constant 0 : i32
    %while3A_65 = arith.subi %add3A_64, %squeeze3A : i32
    %while3A_66 = arith.addi %squeeze3A, %while3A_65 : i32
    %while3A_67 = arith.constant 1 : i32
    %while3A_68 = arith.divsi %while3A_65, %while3A_67 : i32
    %while3A_69 = arith.muli %while3A_68, %while3A_67 : i32
    %while3A_70 = arith.addi %squeeze3A, %while3A_69 : i32
    %while3A_71 = arith.constant 1 : i32
    %while3A_72 = scf.for %while3A_80 = %squeeze3A to %while3A_70 step %while3A_71 iter_args(%while3A_81 = %while3A) -> (i32)  : i32 {
      %eq3A_82 = vector.broadcast %while3A_80 : i32 to vector<2000x1xi32>
      %eq3A_83 = arith.cmpi eq, %get3A_37, %eq3A_82 : vector<2000x1xi32>
      %jit3A = arith.constant -3.40282347E+38 : f32
      %broadcast_in_dim3A_84 = vector.shape_cast %eq3A_83 : vector<2000x1xi1> to vector<2000x1xi1>
      %broadcast_in_dim3A_85 = vector.broadcast %broadcast_in_dim3A_84 : vector<2000x1xi1> to vector<2000x192xi1>
      %broadcast_in_dim3A_86 = vector.broadcast %jit3A : f32 to vector<2000x192xf32>
      %select_n3A = arith.select %broadcast_in_dim3A_85, %add3A_34, %broadcast_in_dim3A_86 : vector<2000x192xi1>, vector<2000x192xf32>
      %reduce_max3A = arith.constant dense<0xFF800000> : vector<192xf32>
      %reduce_max3A_87 = vector.multi_reduction <maximumf>, %select_n3A, %reduce_max3A [0] : vector<2000x192xf32> to vector<192xf32>
      %broadcast_in_dim3A_88 = vector.shape_cast %reduce_max3A_87 : vector<192xf32> to vector<1x192xf32>
      %iota3A_89 = tpu.iota {dimensions = array<i32: 0>} : vector<64x1xi32>
      %eq3A_90 = vector.broadcast %while3A_80 : i32 to vector<64x1xi32>
      %eq3A_91 = arith.cmpi eq, %iota3A_89, %eq3A_90 : vector<64x1xi32>
      %get3A_92 = arith.constant 0 : index
      %get3A_93 = arith.constant 0 : index
      %get3A_94 = vector.load %arg14[%get3A_92, %get3A_93] : memref<64x192xf32, #tpu.memory_space<vmem>>, vector<64x192xf32>
      %max3A_95 = vector.broadcast %broadcast_in_dim3A_88 : vector<1x192xf32> to vector<64x192xf32>
      %max3A_96 = arith.maximumf %get3A_94, %max3A_95 : vector<64x192xf32>
      %get3A_97 = arith.constant 0 : index
      %get3A_98 = arith.constant 0 : index
      %get3A_99 = vector.load %arg14[%get3A_97, %get3A_98] : memref<64x192xf32, #tpu.memory_space<vmem>>, vector<64x192xf32>
      %broadcast_in_dim3A_100 = vector.shape_cast %eq3A_91 : vector<64x1xi1> to vector<64x1xi1>
      %broadcast_in_dim3A_101 = vector.broadcast %broadcast_in_dim3A_100 : vector<64x1xi1> to vector<64x192xi1>
      %select_n3A_102 = arith.select %broadcast_in_dim3A_101, %max3A_96, %get3A_99 : vector<64x192xi1>, vector<64x192xf32>
      %swap3A_103 = arith.constant 0 : index
      %swap3A_104 = arith.constant 0 : index
      %swap3A_105 = vector.load %arg14[%swap3A_103, %swap3A_104] : memref<64x192xf32, #tpu.memory_space<vmem>>, vector<64x192xf32>
      tpu.vector_store %arg14[%swap3A_103, %swap3A_104], %select_n3A_102 {strides = array<i32>} : memref<64x192xf32, #tpu.memory_space<vmem>>, vector<64x192xf32>,
      %while3A_106 = arith.constant 0 : i32
      scf.yield %while3A_106 : i32
    }
    %while3A_73 = arith.constant 1 : i32
    %while3A_74 = scf.for %while3A_80 = %while3A_70 to %while3A_66 step %while3A_73 iter_args(%while3A_81 = %while3A_72) -> (i32)  : i32 {
      %eq3A_82 = vector.broadcast %while3A_80 : i32 to vector<2000x1xi32>
      %eq3A_83 = arith.cmpi eq, %get3A_37, %eq3A_82 : vector<2000x1xi32>
      %jit3A = arith.constant -3.40282347E+38 : f32
      %broadcast_in_dim3A_84 = vector.shape_cast %eq3A_83 : vector<2000x1xi1> to vector<2000x1xi1>
      %broadcast_in_dim3A_85 = vector.broadcast %broadcast_in_dim3A_84 : vector<2000x1xi1> to vector<2000x192xi1>
      %broadcast_in_dim3A_86 = vector.broadcast %jit3A : f32 to vector<2000x192xf32>
      %select_n3A = arith.select %broadcast_in_dim3A_85, %add3A_34, %broadcast_in_dim3A_86 : vector<2000x192xi1>, vector<2000x192xf32>
      %reduce_max3A = arith.constant dense<0xFF800000> : vector<192xf32>
      %reduce_max3A_87 = vector.multi_reduction <maximumf>, %select_n3A, %reduce_max3A [0] : vector<2000x192xf32> to vector<192xf32>
      %broadcast_in_dim3A_88 = vector.shape_cast %reduce_max3A_87 : vector<192xf32> to vector<1x192xf32>
      %iota3A_89 = tpu.iota {dimensions = array<i32: 0>} : vector<64x1xi32>
      %eq3A_90 = vector.broadcast %while3A_80 : i32 to vector<64x1xi32>
      %eq3A_91 = arith.cmpi eq, %iota3A_89, %eq3A_90 : vector<64x1xi32>
      %get3A_92 = arith.constant 0 : index
      %get3A_93 = arith.constant 0 : index
      %get3A_94 = vector.load %arg14[%get3A_92, %get3A_93] : memref<64x192xf32, #tpu.memory_space<vmem>>, vector<64x192xf32>
      %max3A_95 = vector.broadcast %broadcast_in_dim3A_88 : vector<1x192xf32> to vector<64x192xf32>
      %max3A_96 = arith.maximumf %get3A_94, %max3A_95 : vector<64x192xf32>
      %get3A_97 = arith.constant 0 : index
      %get3A_98 = arith.constant 0 : index
      %get3A_99 = vector.load %arg14[%get3A_97, %get3A_98] : memref<64x192xf32, #tpu.memory_space<vmem>>, vector<64x192xf32>
      %broadcast_in_dim3A_100 = vector.shape_cast %eq3A_91 : vector<64x1xi1> to vector<64x1xi1>
      %broadcast_in_dim3A_101 = vector.broadcast %broadcast_in_dim3A_100 : vector<64x1xi1> to vector<64x192xi1>
      %select_n3A_102 = arith.select %broadcast_in_dim3A_101, %max3A_96, %get3A_99 : vector<64x192xi1>, vector<64x192xf32>
      %swap3A_103 = arith.constant 0 : index
      %swap3A_104 = arith.constant 0 : index
      %swap3A_105 = vector.load %arg14[%swap3A_103, %swap3A_104] : memref<64x192xf32, #tpu.memory_space<vmem>>, vector<64x192xf32>
      tpu.vector_store %arg14[%swap3A_103, %swap3A_104], %select_n3A_102 {strides = array<i32>} : memref<64x192xf32, #tpu.memory_space<vmem>>, vector<64x192xf32>,
      %while3A_106 = arith.constant 0 : i32
      scf.yield %while3A_106 : i32
    }
    %eq3A_75 = arith.constant 4 : i32
    %eq3A_76 = arith.cmpi eq, %arg0, %eq3A_75 : i32
    %convert_element_type3A_77 = arith.extui %eq3A_76 : i1 to i32
    %cond3A_78 = arith.constant 0 : i32
    %cond3A_79 = arith.cmpi ne, %convert_element_type3A_77, %cond3A_78 : i32
    scf.if %cond3A_79 {
      %get3A_80 = arith.constant 0 : index
      %get3A_81 = arith.constant 0 : index
      %get3A_82 = vector.load %arg13[%get3A_80, %get3A_81] : memref<64x192xf32, #tpu.memory_space<vmem>>, vector<64x192xf32>
      %get3A_83 = arith.constant 0 : index
      %get3A_84 = arith.constant 0 : index
      %get3A_85 = vector.load %arg12[%get3A_83, %get3A_84] : memref<64x192xf32, #tpu.memory_space<vmem>>, vector<64x192xf32>
      %max3A_86 = arith.constant 1.000000e+00 : f32
      %max3A_87 = vector.broadcast %max3A_86 : f32 to vector<64x192xf32>
      %max3A_88 = arith.maximumf %get3A_82, %max3A_87 : vector<64x192xf32>
      %div3A_89 = arith.divf %get3A_85, %max3A_88 : vector<64x192xf32>
      %gt3A = arith.constant 0.000000e+00 : f32
      %gt3A_90 = vector.broadcast %gt3A : f32 to vector<64x192xf32>
      %gt3A_91 = arith.cmpf ogt, %get3A_82, %gt3A_90 : vector<64x192xf32>
      %get3A_92 = arith.constant 0 : index
      %get3A_93 = arith.constant 0 : index
      %get3A_94 = vector.load %arg14[%get3A_92, %get3A_93] : memref<64x192xf32, #tpu.memory_space<vmem>>, vector<64x192xf32>
      %jit3A = arith.constant 0.000000e+00 : f32
      %broadcast_in_dim3A_95 = vector.broadcast %jit3A : f32 to vector<64x192xf32>
      %select_n3A = arith.select %gt3A_91, %get3A_94, %broadcast_in_dim3A_95 : vector<64x192xi1>, vector<64x192xf32>
      %concatenate3A_96 = tpu.concatenate %div3A_89, %select_n3A in 1 : vector<64x192xf32>, vector<64x192xf32> -> vector<64x384xf32>
      %get3A_97 = arith.constant 0 : index
      %get3A_98 = arith.constant 0 : index
      %get3A_99 = vector.load %arg9[%get3A_97, %get3A_98] : memref<384x128xf32, #tpu.memory_space<vmem>>, vector<384x128xf32>
      %dot_general3A_100 = arith.constant dense<0.000000e+00> : vector<64x128xf32>
      %dot_general3A_101 = tpu.matmul %concatenate3A_96, %get3A_99, %dot_general3A_100 {dimension_numbers = #tpu.dot_dimension_numbers<[1], [0], [0], [1], [0, 0, 1, 1], [], []>, transpose_lhs_hint = false} : vector<64x384xf32>, vector<384x128xf32>, vector<64x128xf32> -> vector<64x128xf32>
      %get3A_102 = arith.constant 0 : index
      %get3A_103 = arith.constant 0 : index
      %get3A_104 = vector.load %arg10[%get3A_102, %get3A_103] : memref<1x128xf32, #tpu.memory_space<vmem>>, vector<1x128xf32>
      %add3A_105 = vector.broadcast %get3A_104 : vector<1x128xf32> to vector<64x128xf32>
      %add3A_106 = arith.addf %dot_general3A_101, %add3A_105 : vector<64x128xf32>
      %iota3A_107 = tpu.iota {dimensions = array<i32: 1>} : vector<64x128xi32>
      %lt3A = arith.constant 6 : i32
      %lt3A_108 = vector.broadcast %lt3A : i32 to vector<64x128xi32>
      %lt3A_109 = arith.cmpi slt, %iota3A_107, %lt3A_108 : vector<64x128xi32>
      %jit3A_110 = arith.constant -3.40282347E+38 : f32
      %broadcast_in_dim3A_111 = vector.broadcast %jit3A_110 : f32 to vector<64x128xf32>
      %select_n3A_112 = arith.select %lt3A_109, %add3A_106, %broadcast_in_dim3A_111 : vector<64x128xi1>, vector<64x128xf32>
      %reduce_max3A = arith.constant dense<0xFF800000> : vector<64xf32>
      %reduce_max3A_113 = vector.multi_reduction <maximumf>, %select_n3A_112, %reduce_max3A [1] : vector<64x128xf32> to vector<64xf32>
      %broadcast_in_dim3A_114 = vector.shape_cast %reduce_max3A_113 : vector<64xf32> to vector<64x1xf32>
      %sub3A_115 = vector.broadcast %broadcast_in_dim3A_114 : vector<64x1xf32> to vector<64x128xf32>
      %sub3A_116 = arith.subf %add3A_106, %sub3A_115 : vector<64x128xf32>
      %exp3A = math.exp %sub3A_116 : vector<64x128xf32>
      %jit3A_117 = arith.constant 0.000000e+00 : f32
      %broadcast_in_dim3A_118 = vector.broadcast %jit3A_117 : f32 to vector<64x128xf32>
      %select_n3A_119 = arith.select %lt3A_109, %exp3A, %broadcast_in_dim3A_118 : vector<64x128xi1>, vector<64x128xf32>
      %reduce_sum3A = arith.constant dense<0.000000e+00> : vector<64xf32>
      %reduce_sum3A_120 = vector.multi_reduction <add>, %select_n3A_119, %reduce_sum3A [1] : vector<64x128xf32> to vector<64xf32>
      %broadcast_in_dim3A_121 = vector.shape_cast %reduce_sum3A_120 : vector<64xf32> to vector<64x1xf32>
      %log3A = math.log %broadcast_in_dim3A_121 : vector<64x1xf32>
      %sub3A_122 = vector.broadcast %broadcast_in_dim3A_114 : vector<64x1xf32> to vector<64x128xf32>
      %sub3A_123 = arith.subf %add3A_106, %sub3A_122 : vector<64x128xf32>
      %sub3A_124 = vector.broadcast %log3A : vector<64x1xf32> to vector<64x128xf32>
      %sub3A_125 = arith.subf %sub3A_123, %sub3A_124 : vector<64x128xf32>
      %swap3A_126 = arith.constant 0 : index
      %swap3A_127 = arith.constant 0 : index
      %swap3A_128 = vector.load %arg11[%swap3A_126, %swap3A_127] : memref<64x128xf32, #tpu.memory_space<vmem>>, vector<64x128xf32>
      tpu.vector_store %arg11[%swap3A_126, %swap3A_127], %sub3A_125 {strides = array<i32>} : memref<64x128xf32, #tpu.memory_space<vmem>>, vector<64x128xf32>,
    } else {
    }
    return
  }
  func.func @transform_0(%arg0: i32) -> (i32, i32) {
    %c0_i32 = arith.constant 0 : i32
    %c0_i32_0 = arith.constant 0 : i32
    return %arg0, %c0_i32 : i32, i32
  }
  func.func @transform_1(%arg0: i32) -> (i32, i32) {
    %c0_i32 = arith.constant 0 : i32
    %c0_i32_0 = arith.constant 0 : i32
    return %arg0, %c0_i32 : i32, i32
  }
  func.func @transform_2(%arg0: i32) -> (i32, i32) {
    %c0_i32 = arith.constant 0 : i32
    %c0_i32_0 = arith.constant 0 : i32
    return %arg0, %c0_i32 : i32, i32
  }
  func.func @transform_3(%arg0: i32) -> (i32, i32) {
    %c0_i32 = arith.constant 0 : i32
    %c0_i32_0 = arith.constant 0 : i32
    %c0_i32_1 = arith.constant 0 : i32
    return %c0_i32, %c0_i32_0 : i32, i32
  }
  func.func @transform_4(%arg0: i32) -> (i32, i32) {
    %c0_i32 = arith.constant 0 : i32
    %c0_i32_0 = arith.constant 0 : i32
    %c0_i32_1 = arith.constant 0 : i32
    return %c0_i32, %c0_i32_0 : i32, i32
  }
  func.func @transform_5(%arg0: i32) -> (i32, i32) {
    %c0_i32 = arith.constant 0 : i32
    %c0_i32_0 = arith.constant 0 : i32
    %c0_i32_1 = arith.constant 0 : i32
    return %c0_i32, %c0_i32_0 : i32, i32
  }
  func.func @transform_6(%arg0: i32) -> (i32, i32) {
    %c0_i32 = arith.constant 0 : i32
    %c0_i32_0 = arith.constant 0 : i32
    %c0_i32_1 = arith.constant 0 : i32
    return %c0_i32, %c0_i32_0 : i32, i32
  }
  func.func @transform_7(%arg0: i32) -> (i32, i32) {
    %c0_i32 = arith.constant 0 : i32
    %c0_i32_0 = arith.constant 0 : i32
    %c0_i32_1 = arith.constant 0 : i32
    return %c0_i32, %c0_i32_0 : i32, i32
  }
  func.func @transform_8(%arg0: i32) -> (i32, i32) {
    %c0_i32 = arith.constant 0 : i32
    %c0_i32_0 = arith.constant 0 : i32
    %c0_i32_1 = arith.constant 0 : i32
    return %c0_i32, %c0_i32_0 : i32, i32
  }
  func.func @transform_9(%arg0: i32) -> (i32, i32) {
    %c0_i32 = arith.constant 0 : i32
    %c0_i32_0 = arith.constant 0 : i32
    %c0_i32_1 = arith.constant 0 : i32
    return %c0_i32, %c0_i32_0 : i32, i32
  }
  func.func @transform_10(%arg0: i32) -> (i32, i32) {
    %c0_i32 = arith.constant 0 : i32
    %c0_i32_0 = arith.constant 0 : i32
    %c0_i32_1 = arith.constant 0 : i32
    return %c0_i32, %c0_i32_0 : i32, i32
  }
}

</mosaic_0001>

<sc_bundles>
// kernel: kernel.12.cloned.1.call-start
scs
__scs_entry_jumppad:
0x0: {  	(pc) =	sbr.rel $0x88, $3  }
0x1: {  	(tag) =	ssettag $0x0;
	lr =	simm.s32 $0x1  }
0x2: {  	[smem:$0x3F84] =	sst lr;
	_ =	strace $0xD0000000  }
0x3: {  	_ = 	snop  }
0x4: {  	_ = 	snop  }
0x5: {  	_ = 	snop  }
0x6: {  	_ = 	snop  }
0x7: {  	_ = 	snop  }
__scs_overlays_trampoline_lowered:
0x8: {  	[smem:$0x3F93] =	sst s0  }
0x9: {  	[smem:$0x3F94] =	sst s1  }
0xa: {  	[smem:$0x3F95] =	sst s2  }
0xb: {  	[smem:$0x3F96] =	sst s3  }
0xc: {  	[smem:$0x3F97] =	sst s4  }
0xd: {  	[smem:$0x3F98] =	sst s5  }
0xe: {  	[smem:$0x3F99] =	sst s6  }
0xf: {  	[smem:$0x3F9A] =	sst s7  }
0x10: {  	[smem:$0x3F9B] =	sst s8  }
0x11: {  	[smem:$0x3F9C] =	sst s9;
	s0 =	simm.s32 @!p0 $0x0  }
0x12: {  	s1 =	sld [smem:$0x3F82];
	s0 =	simm.s32 @p0 $0x1  }
0x13: {  	[smem:$0x3F9D] =	sst s0;
	s0 =	simm.s32 @!p1 $0x0  }
0x14: {  	s2 =	sld [smem:$0x3F81];
	s0 =	simm.s32 @p1 $0x1  }
0x15: {  	[smem:$0x3F9E] =	sst s0;
	s0 =	simm.s32 @!p2 $0x0  }
0x16: {  	s3 =	sld [smem:$0x3FDB];
	s0 =	simm.s32 @p2 $0x1  }
0x17: {  	s4 =	simm.s32 $0x1BF5;
	[smem:$0x3FA0] =	sst s0  }
0x18: {  	s0 =	sld [smem:$0x3F83];
	_ =	swait.ge [sflag:s4], $0x0  }
0x19: {  	s7 =	sld [smem:$0x3F84]  }
0x1a: {  	s8 =	sadd.s32 $0xFFFFE003, lr  }
0x1b: {  	s9 =	sadd.s32 $0xFFFFFEF7, lr;
	s5 =	simm.s32 $0xFFFFFFFF;
	p2 =	slt.u32 s8, $0xFFFFF086  }
0x1c: {  	p1 =	slt.u32 s9, $0xF7A;
	s5 =	simm.s32 @!p2 $0x0  }
0x1d: {  	s5 =	simm.s32 @p1 $0x1;
	p0 =	seq.s32 s7, s2  }
0x1e: {  	s7 =	smul.u32 @!p0 $0xF7A, s2;
	p2 =	seq.s32 @!p0 s5, $0x0  }
0x1f: {  	s9 =	smul.u32 $0xF7A, s1;
	s8 =	simm.s32 @!p0 $0x1BF5;
	p2 =	por !p2, p0  }
0x20: {  	[sflag:s8] =	ssyncset.s32 @!p0 $0xFFFFF086;
	s6 =	sadd.s32 @!p0 s3, s7;
	s7 =	simm.s32 @!p0 $0x108  }
0x21: {  	s3 =	sadd.s32 s3, s9;
	s6 =	sadd.s32 @!p0 $0x88, s6;
	s7 =	simm.s32 @p2 $0x1082  }
0x22: {  	[simem:s7], [sflag:s8] =	dma.local @!p0 [hbm:s6], $0xF7A  }
0x23: {  	s9 =	sor.u32 $0xD0000000, s2;
	s6 =	simm.s32 $0x108;
	_ =	swait.ge @!p0 [sflag:s8], $0x0  }
0x24: {  	s3 =	sadd.s32 $0x88, s3;
	s6 =	simm.s32 @!p1 $0x1082;
	[sflag:s4] =	ssyncset.s32 $0xFFFFF086  }
0x25: {  	[simem:s6], [sflag:s4] =	dma.local [hbm:s3], $0xF7A  }
0x26: {  	[smem:$0x3F84] =	sst s1;
	(tag) =	ssettag s2;
	_ =	strace s9  }
0x27: {  	s1 =	sld [smem:$0x3F94]  }
0x28: {  	s2 =	sld [smem:$0x3F95]  }
0x29: {  	s4 =	sld [smem:$0x3F97]  }
0x2a: {  	p0 =	seq.s32 s5, $0x0;
	s5 =	sld [smem:$0x3F98]  }
0x2b: {  	s6 =	sld [smem:$0x3F99]  }
0x2c: {  	s7 =	sld [smem:$0x3F9A]  }
0x2d: {  	s3 =	simm.s32 $0x108;
	s8 =	sld [smem:$0x3F9B]  }
0x2e: {  	s3 =	simm.s32 @!p0 $0x1082;
	s9 =	sld [smem:$0x3F9C]  }
0x2f: {  	lr =	sadd.s32 s0, s3;
	s0 =	sld [smem:$0x3F93]  }
0x30: {  	s3 =	sld [smem:$0x3F96]  }
0x31: {  	[smem:$0x3F9F] =	sst s10  }
0x32: {  	s10 =	sld [smem:$0x3F9D];
	_ =	sdelay $0x3  }
0x33: {  	p0 =	seq.s32 s10, $0x1;
	s10 =	sld [smem:$0x3F9F];
	_ =	sdelay $0x3  }
0x34: {  	[smem:$0x3F9F] =	sst s10  }
0x35: {  	s10 =	sld [smem:$0x3F9E];
	_ =	sdelay $0x3  }
0x36: {  	p1 =	seq.s32 s10, $0x1;
	s10 =	sld [smem:$0x3F9F];
	_ =	sdelay $0x3  }
0x37: {  	[smem:$0x3F9F] =	sst s10  }
0x38: {  	s10 =	sld [smem:$0x3FA0]  }
0x39: {  	_ = 	snop;
	(pc) =	sbr.ind lr, $3  }
0x3a: {  	_ = 	snop  }
0x3b: {  	_ = 	snop  }
0x3c: {  	p2 =	seq.s32 s10, $0x1;
	s10 =	sld [smem:$0x3F9F]  }
0x3d: {  	_ =	shalt  }
0x3e: {  	_ =	shalt  }
0x3f: {  	_ =	shalt  }
0x40: {  	_ =	shalt  }
0x41: {  	_ =	shalt  }
0x42: {  	_ =	shalt  }
0x43: {  	_ =	shalt  }
0x44: {  	_ =	shalt  }
0x45: {  	_ =	shalt  }
0x46: {  	_ =	shalt  }
0x47: {  	_ =	shalt  }
0x48: {  	_ =	shalt  }
0x49: {  	_ =	shalt  }
0x4a: {  	_ =	shalt  }
0x4b: {  	_ =	shalt  }
0x4c: {  	_ =	shalt  }
0x4d: {  	_ =	shalt  }
0x4e: {  	_ =	shalt  }
0x4f: {  	_ =	shalt  }
0x50: {  	_ =	shalt  }
0x51: {  	_ =	shalt  }
0x52: {  	_ =	shalt  }
0x53: {  	_ =	shalt  }
0x54: {  	_ =	shalt  }
0x55: {  	_ =	shalt  }
0x56: {  	_ =	shalt  }
0x57: {  	_ =	shalt  }
0x58: {  	_ =	shalt  }
0x59: {  	_ =	shalt  }
0x5a: {  	_ =	shalt  }
0x5b: {  	_ =	shalt  }
0x5c: {  	_ =	shalt  }
0x5d: {  	_ =	shalt  }
0x5e: {  	_ =	shalt  }
0x5f: {  	_ =	shalt  }
0x60: {  	_ =	shalt  }
0x61: {  	_ =	shalt  }
0x62: {  	_ =	shalt  }
0x63: {  	_ =	shalt  }
0x64: {  	_ =	shalt  }
0x65: {  	_ =	shalt  }
0x66: {  	_ =	shalt  }
0x67: {  	_ =	shalt  }
0x68: {  	_ =	shalt  }
0x69: {  	_ =	shalt  }
0x6a: {  	_ =	shalt  }
0x6b: {  	_ =	shalt  }
0x6c: {  	_ =	shalt  }
0x6d: {  	_ =	shalt  }
0x6e: {  	_ =	shalt  }
0x6f: {  	_ =	shalt  }
0x70: {  	_ =	shalt  }
0x71: {  	_ =	shalt  }
0x72: {  	_ =	shalt  }
0x73: {  	_ =	shalt  }
0x74: {  	_ =	shalt  }
0x75: {  	_ =	shalt  }
0x76: {  	_ =	shalt  }
0x77: {  	_ =	shalt  }
0x78: {  	_ =	shalt  }
0x79: {  	_ =	shalt  }
0x7a: {  	_ =	shalt  }
0x7b: {  	_ =	shalt  }
0x7c: {  	_ =	shalt  }
0x7d: {  	_ =	shalt  }
0x7e: {  	_ =	shalt  }
0x7f: {  	_ =	shalt  }
0x80: {  	_ =	shalt  }
0x81: {  	_ =	shalt  }
0x82: {  	_ =	shalt  }
0x83: {  	_ =	shalt  }
0x84: {  	_ =	shalt  }
0x85: {  	_ =	shalt  }
0x86: {  	_ =	shalt  }
0x87: {  	_ =	shalt  }
.Lfunc_end0:
.L_simem_size_0:
called_computation.1_lowered:
.L_overlay_start_0:
0x88: {  	s2 =	sld [smem:$0x3FD9]  }
0x89: {  	s3 =	sld [smem:$0x3FFE];
	_ =	sdelay $0x1  }
0x8a: {  	s1 =	srdreg.scid  }
0x8b: {  	s0 =	sand.u32 $0x1, s1  }
0x8c: {  	s16 =	sshll.u32 s0, $0xA;
	s2 =	sadd.s32 s3, s2  }
0x8d: {  	s2 =	sadd.s32 s2, s16  }
0x8e: {  	[smem:$0x3FAB] =	sst s2  }
0x8f: {  	_ = 	snop  }
0x90: {  	(tm) =	ssettm $0x1  }
0x91: {  	s17 =	sld [smem:$0x3FFB];
	_ =	sdelay $0x3  }
0x92: {  	_ =	strace s17  }
0x93: {  	s2 =	sld [smem:$0x3FFC];
	_ =	sdelay $0x3  }
0x94: {  	_ =	strace s2  }
0x95: {  	s2 =	sld [smem:$0x3FFD];
	_ =	sdelay $0x3  }
0x96: {  	_ =	strace s2  }
0x97: {  	_ =	strace $0x8FFFFFFF  }
0x98: {  	s18 =	sld [smem:$0x3FDB];
	_ =	sdelay $0x1  }
0x99: {  	s19 =	simm.s32 $_scs_section_size  }
0x9a: {  	s4 =	simm.s32 $_size__tile_overlayer_lowered;
	s5 =	simm.s32 $_tile_overlayer_lowered  }
0x9b: {  	s22 =	simm.s32 $0x1BFF;
	s21 =	sshll.u32 s5, $0x1;
	s2 =	sadd.s32 s19, s18  }
0x9c: {  	s6 =	simm.s32 $0x0;
	s20 =	sshll.u32 s4, $0x1;
	s4 =	sadd.s32 s21, s2  }
0x9d: {  	[timem:s6], [sflag:s22] =	dma.local [hbm:s4], s20  }
0x9e: {  	_ =	swait.ge [sflag:s22], s20  }
0x9f: {  	s3 =	ssub.s32 $0x0, s20;
	[sflag:s22] =	ssyncset.done $0x0  }
0xa0: {  	[sflag:s22] =	ssyncadd.s32 s3;
	_ =	sdelay $0x1  }
0xa1: {  	s23 =	simm.s32 $0x1B8B  }
0xa2: {  	_ =	swait.ge [sflag:s23], $0x1  }
0xa3: {  	[sflag:s23] =	ssyncset.done $0x0  }
0xa4: {  	s25 =	simm.s32 $0x1B8E;
	s24 =	sld [smem:$0x3FFE];
	[sflag:s23] =	ssyncadd.s32 $0xFFFFFFFF  }
0xa5: {  	s26 =	simm.s32 $execute0_lowered;
	[smem:$0x3FD2] =	sst s25  }
0xa6: {  	s4 =	sshll.u32 s26, $0x1;
	_ =	strace $0x80000049;
	[dreg:$0x1] =	wrdreg $0xFFFFFFFF  }
0xa7: {  	s28 =	simm.s32 $_size_execute0_lowered;
	s2 =	sadd.s32 s2, s4;
	[dreg:$0x0] =	wrdreg $0x0  }
0xa8: {  	s4 =	sshll.u32 s28, $0x1;
	[dreg:$0x2] =	wrdreg s2  }
0xa9: {  	[dreg:$0x3] =	wrdreg s4  }
0xaa: {  	[dreg:$0x4] =	wrdreg $0xC0  }
0xab: {  	_ =	task [dreg:s6], $0x5FFFF  }
0xac: {  	[dreg:$0x1] =	wrdreg $0xFFFFFFFF  }
0xad: {  	[dreg:$0x0] =	wrdreg $0x60  }
0xae: {  	[dreg:$0x2] =	wrdreg s24  }
0xaf: {  	[dreg:$0x3] =	wrdreg $0xA8000  }
0xb0: {  	[dreg:$0x4] =	wrdreg $0x9  }
0xb1: {  	_ =	task.clear_ibuf [dreg:s6], $0x5FFFF;
	_ =	strace $0x90000049  }
0xb2: {  	s29 =	simm.s32 $0x9;
	_ =	strace $0x8000004B  }
0xb3: {  	_ =	swait.ge [sflag:s29], $0x1  }
0xb4: {  	[sflag:s29] =	ssyncadd.s32 $0xFFFFFFFF  }
0xb5: {  	_ =	strace $0x9000004B  }
0xb6: {  	_ =	sfence  }
0xb7: {  	s30 =	sld [smem:$0x0];
	_ =	sdelay $0x2  }
0xb8: {  	s31 =	sshll.u32 s1, $0xD;
	s1 =	sshrl.u32 s1, $0x2  }
0xb9: {  	s3 =	sand.u32 $0x4000, s31;
	s1 =	sadd.s32 s1, s30  }
0xba: {  	s0 =	sor.u32 s3, s0;
	s1 =	sshll.u32 s1, $0x11  }
0xbb: {  	s0 =	sor.u32 s1, s0  }
0xbc: {  	s0 =	sadd.s32 $0x8F2B, s0  }
0xbd: {  	[sflag:s0] =	ssyncadd.remote.s32 $0x1  }
0xbe: {  	_ =	sfence.sel $0xFFFF  }
0xbf: {  	[dreg:$0x0] =	wrdreg $0xFFFFFFFF;
	(pc) =	sbr.abs _section_cstart, $3  }
0xc0: {  	[dreg:$0x1] =	wrdreg $0xFFFFFFFF  }
0xc1: {  	_ =	task.clear_ibuf [dreg:s6], $0x2FFFF;
	_ =	strace $0x9FFFFFFF  }
0xc2: {  	(tm) =	ssettm $0x7FFFFFFF  }
0xc3: {  	_ =	shalt  }
tec
execute0_lowered:
.L_overlay_start_1:
0x0: {  	(tag) =	ssettag $0x1  }
0x1: {  	s1 =	srdreg.scid  }
0x2: {  	s1 =	sand.u32 $0x1, s1  }
0x3: {  	p0 =	seq.s32 s1, $0x1  }
.Ltmp0:
0x4: {  	_ = 	snop;
	(pc) =	sbr.rel @p0 .LBB2_12-.Ltmp0, $4  }
0x5: {  	s3 =	rddreg [dreg:$0x0]  }
0x6: {  	s2 =	rddreg [dreg:$0x1];
	s4 =	simm.s32 $0x0  }
0x7: {  	[smem:$0x7FF] =	sst s4  }
0x8: {  	s0 =	rddreg [dreg:$0x2];
	_ =	strace $0x8000004A;
	s1 =	stileid.u32  }
0x9: {  	s4 =	smul.u32 $0x2780, s1  }
0xa: {  	s6 =	smul.u32 $0x4F000, s1  }
0xb: {  	s5 =	sadd.s32 $0x18400, s3;
	s7 =	smul.u32 $0x5000, s1  }
0xc: {  	s12 =	sadd.s32 $0xE400, s3;
	s13 =	sadd.s32 $0x4400, s3;
	s6 =	sshrl.u32 s6, $0x2  }
0xd: {  	s4 =	sadd.s32 s4, s3;
	s31 =	sshrl.u32 s7, $0x3;
	s3 =	sadd.s32 s6, s2  }
0xe: {  	s15 =	sadd.s32 s12, s31;
	s7 =	sadd.s32 $0x280, s31;
	s14 =	sadd.s32 s13, s31  }
0xf: {  	s8 =	sadd.s32 $0x500, s31;
	s6 =	sadd.s32 $0x780, s31;
	s4 =	sadd.s32 $0x8D800, s4  }
0x10: {  	s16 =	sadd.s32 $0x10000, s3;
	s11 =	sadd.s32 s12, s7;
	s10 =	sadd.s32 s13, s7  }
0x11: {  	s9 =	sadd.s32 s12, s8;
	s8 =	sadd.s32 s13, s8;
	s7 =	sadd.s32 s12, s6  }
0x12: {  	s6 =	sadd.s32 s13, s6;
	s19 =	sadd.s32 $0x4000, s3;
	s18 =	sadd.s32 $0x8000, s3  }
0x13: {  	v0 =	vimm.f32 $0.0e+00;
	s17 =	sadd.s32 $0xC000, s3;
	s12 =	simm.s32 $0x0;
	s13 =	simm.s32 $0x200  }
.LBB2_2:
0x14: {  	p0 =	sne.s32 s13, $0xFE00;
	[tilespmem:s12+$0x2870] =	vst v0  }
0x15: {  	[tilespmem:s12+$0x2800] =	vst v0  }
0x16: {  	[tilespmem:s12+$0x2810] =	vst v0  }
.Ltmp1:
0x17: {  	[tilespmem:s12+$0x2820] =	vst v0;
	(pc) =	sbr.rel @p0 .LBB2_2-.Ltmp1, $4  }
0x18: {  	[tilespmem:s12+$0x2830] =	vst v0  }
0x19: {  	[tilespmem:s12+$0x2840] =	vst v0  }
0x1a: {  	[tilespmem:s12+$0x2850] =	vst v0  }
0x1b: {  	[tilespmem:s12+$0x2860] =	vst v0;
	s12 =	sshra.s32 s13, $0x2;
	s13 =	sadd.s32 $0x200, s13  }
0x1c: {  	[tilespmem:s12+$0x2870] =	vst v0  }
0x1d: {  	[tilespmem:s12+$0x2800] =	vst v0  }
0x1e: {  	[tilespmem:s12+$0x2810] =	vst v0  }
0x1f: {  	[tilespmem:s12+$0x2820] =	vst v0  }
0x20: {  	[tilespmem:s12+$0x2830] =	vst v0  }
0x21: {  	[tilespmem:s12+$0x2840] =	vst v0  }
0x22: {  	[tilespmem:s12+$0x2850] =	vst v0  }
0x23: {  	[tilespmem:s12+$0x2860] =	vst v0;
	s13 =	simm.s32 $0x2800;
	s12 =	simm.s32 $0x2  }
0x24: {  	[spmem:s3] =	stream.linear.scatter [tilespmem:s13], [sflag:$0x2], $0x4000, $0x38;
	[tilespmem:$0x1E400] =	vst v63  }
0x25: {  	_ =	swait.ge [sflag:s12], $0x4000  }
0x26: {  	[sflag:s12] =	ssyncset.done $0x0  }
0x27: {  	[sflag:s12] =	ssyncadd.s32 $0xFFFFC000  }
0x28: {  	[spmem:s19] =	stream.linear.scatter [tilespmem:s13], [sflag:$0x2], $0x4000, $0x38;
	[tilespmem:$0x1E400] =	vst v63  }
0x29: {  	_ =	swait.ge [sflag:s12], $0x4000  }
0x2a: {  	[sflag:s12] =	ssyncset.done $0x0  }
0x2b: {  	[sflag:s12] =	ssyncadd.s32 $0xFFFFC000  }
0x2c: {  	[spmem:s18] =	stream.linear.scatter [tilespmem:s13], [sflag:$0x2], $0x4000, $0x38;
	[tilespmem:$0x1E400] =	vst v63  }
0x2d: {  	_ =	swait.ge [sflag:s12], $0x4000  }
0x2e: {  	[sflag:s12] =	ssyncset.done $0x0  }
0x2f: {  	[sflag:s12] =	ssyncadd.s32 $0xFFFFC000  }
0x30: {  	[spmem:s17] =	stream.linear.scatter [tilespmem:s13], [sflag:$0x2], $0x4000, $0x38;
	[tilespmem:$0x1E400] =	vst v63  }
0x31: {  	_ =	swait.ge [sflag:s12], $0x4000  }
0x32: {  	[sflag:s12] =	ssyncset.done $0x0  }
0x33: {  	[sflag:s12] =	ssyncadd.s32 $0xFFFFC000  }
0x34: {  	[spmem:s16] =	stream.linear.scatter [tilespmem:s13], [sflag:$0x2], $0x3C00, $0x38;
	[tilespmem:$0x1E400] =	vst v63  }
0x35: {  	_ =	swait.ge [sflag:s12], $0x3C00  }
0x36: {  	[sflag:s12] =	ssyncset.done $0x0  }
0x37: {  	[sflag:s12] =	ssyncadd.s32 $0xFFFFC400  }
0x38: {  	s25 =	simm.s32 $0x0;
	[bflag:$0x0] =	sbarrier.arrive $0xFFFF  }
0x39: {  	[tilespmem:s25], [sflag:$0x2] =	stream.linear.gather [hbm4b:s15+s25], $0x1400, $0x38;
	[tilespmem:$0x1E400] =	vst v63  }
0x3a: {  	_ =	swait.ge [sflag:s12], $0x1400  }
0x3b: {  	[sflag:s12] =	ssyncset.done $0x0  }
0x3c: {  	s26 =	simm.s32 $0x1400;
	[sflag:s12] =	ssyncadd.s32 $0xFFFFEC00  }
0x3d: {  	[tilespmem:s26], [sflag:$0x2] =	stream.linear.gather [hbm4b:s14+s25], $0x1400, $0x38;
	[tilespmem:$0x1E400] =	vst v63  }
0x3e: {  	_ =	swait.ge [sflag:s12], $0x1400  }
0x3f: {  	[sflag:s12] =	ssyncset.done $0x0  }
0x40: {  	s14 =	simm.s32 $0x80;
	[sflag:s12] =	ssyncadd.s32 $0xFFFFEC00  }
0x41: {  	[tilespmem:s13], [sflag:$0x2] =	stream.indirect.gather [hbm4b:s5+s14], $0x80, s25, s14, $0xb8;
	[tilespmem:$0x1E400] =	vst v63  }
0x42: {  	_ =	swait.ge [sflag:s12], $0x4000  }
0x43: {  	[sflag:s12] =	ssyncset.done $0x0  }
0x44: {  	s28 =	simm.s32 $0x80;
	s15 =	simm.s32 $0x6800;
	[sflag:s12] =	ssyncadd.s32 $0xFFFFC000  }
0x45: {  	[tilespmem:s15], [sflag:$0x1] =	stream.indirect.gather [hbm4b:s5+s14], $0x80, s28, s14, $0xb8;
	[tilespmem:$0x1E400] =	vst v63  }
0x46: {  	s29 =	simm.s32 $0x1400  }
0x47: {  	[spmem:s2] =	stream.indirect.scatter.add.f32 [tilespmem:s13], [sflag:$0x2], $0x80, s29, s14, $0xb8;
	[tilespmem:$0x1E400] =	vst v63  }
0x48: {  	_ =	swait.ge [sflag:s12], $0x4000  }
0x49: {  	[sflag:s12] =	ssyncset.done $0x0  }
0x4a: {  	s16 =	simm.s32 $0x1;
	[sflag:s12] =	ssyncadd.s32 $0xFFFFC000  }
0x4b: {  	_ =	swait.ge [sflag:s16], $0x4000  }
0x4c: {  	[sflag:s16] =	ssyncset.done $0x0  }
0x4d: {  	s30 =	simm.s32 $0x100;
	[sflag:s16] =	ssyncadd.s32 $0xFFFFC000  }
0x4e: {  	[tilespmem:s13], [sflag:$0x1] =	stream.indirect.gather [hbm4b:s5+s14], $0x80, s30, s14, $0xb8;
	[tilespmem:$0x1E400] =	vst v63  }
0x4f: {  	s31 =	simm.s32 $0x1480  }
0x50: {  	[spmem:s2] =	stream.indirect.scatter.add.f32 [tilespmem:s15], [sflag:$0x2], $0x80, s31, s14, $0xb8;
	[tilespmem:$0x1E400] =	vst v63  }
0x51: {  	_ =	swait.ge [sflag:s12], $0x4000  }
0x52: {  	[sflag:s12] =	ssyncset.done $0x0  }
0x53: {  	[sflag:s12] =	ssyncadd.s32 $0xFFFFC000  }
0x54: {  	_ =	swait.ge [sflag:s16], $0x4000  }
0x55: {  	s18 =	simm.s32 $0x800;
	s17 =	simm.s32 $0x100;
	[sflag:s16] =	ssyncset.done $0x0  }
.LBB2_4:
0x56: {  	s19 =	sadd.s32 $0x80, s17  }
0x57: {  	[sflag:s16] =	ssyncadd.s32 $0xFFFFC000;
	s20 =	smov.u32 s18;
	s21 =	sadd.s32 $0x400, s18  }
0x58: {  	[tilespmem:s15], [sflag:$0x1] =	stream.indirect.gather [hbm4b:s5+s14], $0x80, s19, s14, $0xb8;
	[tilespmem:$0x1E400] =	vst v63  }
0x59: {  	p0 =	sne.s32 s18, $0x4800;
	s18 =	sadd.s32 $0x1400, s17  }
0x5a: {  	[spmem:s2] =	stream.indirect.scatter.add.f32 [tilespmem:s13], [sflag:$0x2], $0x80, s18, s14, $0xb8;
	[tilespmem:$0x1E400] =	vst v63  }
0x5b: {  	_ =	swait.ge [sflag:s12], $0x4000  }
0x5c: {  	[sflag:s12] =	ssyncset.done $0x0  }
0x5d: {  	[sflag:s12] =	ssyncadd.s32 $0xFFFFC000  }
0x5e: {  	_ =	swait.ge [sflag:s16], $0x4000  }
0x5f: {  	[sflag:s16] =	ssyncset.done $0x0  }
0x60: {  	s18 =	sadd.s32 $0x100, s17;
	[sflag:s16] =	ssyncadd.s32 $0xFFFFC000  }
0x61: {  	[tilespmem:s13], [sflag:$0x1] =	stream.indirect.gather [hbm4b:s5+s14], $0x80, s18, s14, $0xb8;
	[tilespmem:$0x1E400] =	vst v63  }
0x62: {  	s17 =	sadd.s32 $0x1480, s17  }
0x63: {  	[spmem:s2] =	stream.indirect.scatter.add.f32 [tilespmem:s15], [sflag:$0x2], $0x80, s17, s14, $0xb8;
	[tilespmem:$0x1E400] =	vst v63  }
.Ltmp2:
0x64: {  	_ =	swait.ge [sflag:s12], $0x4000;
	(pc) =	sbr.rel @p0 .LBB2_4-.Ltmp2, $4  }
0x65: {  	[sflag:s12] =	ssyncset.done $0x0  }
0x66: {  	[sflag:s12] =	ssyncadd.s32 $0xFFFFC000  }
0x67: {  	_ =	swait.ge [sflag:s16], $0x4000  }
0x68: {  	s18 =	smov.u32 s21;
	s17 =	sshra.s32 s20, $0x2;
	[sflag:s16] =	ssyncset.done $0x0  }
0x69: {  	s18 =	sadd.s32 $0x80, s17;
	[sflag:s16] =	ssyncadd.s32 $0xFFFFC000  }
0x6a: {  	[tilespmem:s15], [sflag:$0x1] =	stream.indirect.gather [hbm4b:s5+s14], $0x80, s18, s14, $0xb8;
	[tilespmem:$0x1E400] =	vst v63  }
0x6b: {  	s19 =	sadd.s32 $0x1400, s17  }
0x6c: {  	[spmem:s2] =	stream.indirect.scatter.add.f32 [tilespmem:s13], [sflag:$0x2], $0x80, s19, s14, $0xb8;
	[tilespmem:$0x1E400] =	vst v63  }
0x6d: {  	_ =	swait.ge [sflag:s12], $0x4000  }
0x6e: {  	[sflag:s12] =	ssyncset.done $0x0  }
0x6f: {  	[sflag:s12] =	ssyncadd.s32 $0xFFFFC000  }
0x70: {  	_ =	swait.ge [sflag:s16], $0x4000  }
0x71: {  	[sflag:s16] =	ssyncset.done $0x0  }
0x72: {  	s20 =	sadd.s32 $0x100, s17;
	[sflag:s16] =	ssyncadd.s32 $0xFFFFC000  }
0x73: {  	[tilespmem:s13], [sflag:$0x1] =	stream.indirect.gather [hbm4b:s5+s14], $0x80, s20, s14, $0xb8;
	[tilespmem:$0x1E400] =	vst v63  }
0x74: {  	s21 =	sadd.s32 $0x1480, s17  }
0x75: {  	[spmem:s2] =	stream.indirect.scatter.add.f32 [tilespmem:s15], [sflag:$0x2], $0x80, s21, s14, $0xb8;
	[tilespmem:$0x1E400] =	vst v63  }
0x76: {  	_ =	swait.ge [sflag:s12], $0x4000  }
0x77: {  	[sflag:s12] =	ssyncset.done $0x0  }
0x78: {  	[sflag:s12] =	ssyncadd.s32 $0xFFFFC000  }
0x79: {  	_ =	swait.ge [sflag:s16], $0x4000  }
0x7a: {  	s22 =	simm.s32 $0x1380;
	[sflag:s16] =	ssyncset.done $0x0  }
0x7b: {  	s13 =	simm.s32 $0x6800;
	s12 =	simm.s32 $0x80;
	[sflag:s16] =	ssyncadd.s32 $0xFFFFC000  }
0x7c: {  	[tilespmem:s13], [sflag:$0x1] =	stream.indirect.gather [hbm4b:s5+s12], $0x80, s22, s12, $0xb8;
	[tilespmem:$0x1E400] =	vst v63  }
0x7d: {  	s23 =	simm.s32 $0x2700;
	s14 =	simm.s32 $0x2;
	s16 =	simm.s32 $0x2800  }
0x7e: {  	[spmem:s2] =	stream.indirect.scatter.add.f32 [tilespmem:s16], [sflag:$0x2], $0x80, s23, s12, $0xb8;
	[tilespmem:$0x1E400] =	vst v63  }
0x7f: {  	_ =	swait.ge [sflag:s14], $0x4000  }
0x80: {  	[sflag:s14] =	ssyncset.done $0x0  }
0x81: {  	s15 =	simm.s32 $0x1;
	[sflag:s14] =	ssyncadd.s32 $0xFFFFC000  }
0x82: {  	_ =	swait.ge [sflag:s15], $0x4000  }
0x83: {  	[sflag:s15] =	ssyncset.done $0x0  }
0x84: {  	s24 =	simm.s32 $0x2780;
	[sflag:s15] =	ssyncadd.s32 $0xFFFFC000  }
0x85: {  	[spmem:s2] =	stream.indirect.scatter.add.f32 [tilespmem:s13], [sflag:$0x2], $0x80, s24, s12, $0xb8;
	[tilespmem:$0x1E400] =	vst v63  }
0x86: {  	_ =	swait.ge [sflag:s14], $0x4000  }
0x87: {  	[sflag:s14] =	ssyncset.done $0x0  }
0x88: {  	s25 =	simm.s32 $0x0;
	[sflag:s14] =	ssyncadd.s32 $0xFFFFC000  }
0x89: {  	[tilespmem:s25], [sflag:$0x2] =	stream.linear.gather [hbm4b:s11+s25], $0x1400, $0x38;
	[tilespmem:$0x1E400] =	vst v63  }
0x8a: {  	_ =	swait.ge [sflag:s14], $0x1400  }
0x8b: {  	[sflag:s14] =	ssyncset.done $0x0  }
0x8c: {  	s26 =	simm.s32 $0x1400;
	[sflag:s14] =	ssyncadd.s32 $0xFFFFEC00  }
0x8d: {  	[tilespmem:s26], [sflag:$0x2] =	stream.linear.gather [hbm4b:s10+s25], $0x1400, $0x38;
	[tilespmem:$0x1E400] =	vst v63  }
0x8e: {  	_ =	swait.ge [sflag:s14], $0x1400  }
0x8f: {  	[sflag:s14] =	ssyncset.done $0x0  }
0x90: {  	[sflag:s14] =	ssyncadd.s32 $0xFFFFEC00  }
0x91: {  	[tilespmem:s16], [sflag:$0x2] =	stream.indirect.gather [hbm4b:s5+s12], $0x80, s25, s12, $0xb8;
	[tilespmem:$0x1E400] =	vst v63  }
0x92: {  	_ =	swait.ge [sflag:s14], $0x4000  }
0x93: {  	[sflag:s14] =	ssyncset.done $0x0  }
0x94: {  	s28 =	simm.s32 $0x80;
	[sflag:s14] =	ssyncadd.s32 $0xFFFFC000  }
0x95: {  	[tilespmem:s13], [sflag:$0x1] =	stream.indirect.gather [hbm4b:s5+s12], $0x80, s28, s12, $0xb8;
	[tilespmem:$0x1E400] =	vst v63  }
0x96: {  	s29 =	simm.s32 $0x1400  }
0x97: {  	[spmem:s2] =	stream.indirect.scatter.add.f32 [tilespmem:s16], [sflag:$0x2], $0x80, s29, s12, $0xb8;
	[tilespmem:$0x1E400] =	vst v63  }
0x98: {  	_ =	swait.ge [sflag:s14], $0x4000  }
0x99: {  	[sflag:s14] =	ssyncset.done $0x0  }
0x9a: {  	[sflag:s14] =	ssyncadd.s32 $0xFFFFC000  }
0x9b: {  	_ =	swait.ge [sflag:s15], $0x4000  }
0x9c: {  	[sflag:s15] =	ssyncset.done $0x0  }
0x9d: {  	s30 =	simm.s32 $0x100;
	[sflag:s15] =	ssyncadd.s32 $0xFFFFC000  }
0x9e: {  	[tilespmem:s16], [sflag:$0x1] =	stream.indirect.gather [hbm4b:s5+s12], $0x80, s30, s12, $0xb8;
	[tilespmem:$0x1E400] =	vst v63  }
0x9f: {  	s31 =	simm.s32 $0x1480  }
0xa0: {  	[spmem:s2] =	stream.indirect.scatter.add.f32 [tilespmem:s13], [sflag:$0x2], $0x80, s31, s12, $0xb8;
	[tilespmem:$0x1E400] =	vst v63  }
0xa1: {  	_ =	swait.ge [sflag:s14], $0x4000  }
0xa2: {  	[sflag:s14] =	ssyncset.done $0x0  }
0xa3: {  	[sflag:s14] =	ssyncadd.s32 $0xFFFFC000  }
0xa4: {  	_ =	swait.ge [sflag:s15], $0x4000  }
0xa5: {  	s11 =	simm.s32 $0x800;
	s10 =	simm.s32 $0x100;
	[sflag:s15] =	ssyncset.done $0x0  }
.LBB2_6:
0xa6: {  	s17 =	sadd.s32 $0x80, s10  }
0xa7: {  	[sflag:s15] =	ssyncadd.s32 $0xFFFFC000;
	s18 =	smov.u32 s11;
	s19 =	sadd.s32 $0x400, s11  }
0xa8: {  	[tilespmem:s13], [sflag:$0x1] =	stream.indirect.gather [hbm4b:s5+s12], $0x80, s17, s12, $0xb8;
	[tilespmem:$0x1E400] =	vst v63  }
0xa9: {  	p0 =	sne.s32 s11, $0x4800;
	s11 =	sadd.s32 $0x1400, s10  }
0xaa: {  	[spmem:s2] =	stream.indirect.scatter.add.f32 [tilespmem:s16], [sflag:$0x2], $0x80, s11, s12, $0xb8;
	[tilespmem:$0x1E400] =	vst v63  }
0xab: {  	_ =	swait.ge [sflag:s14], $0x4000  }
0xac: {  	[sflag:s14] =	ssyncset.done $0x0  }
0xad: {  	[sflag:s14] =	ssyncadd.s32 $0xFFFFC000  }
0xae: {  	_ =	swait.ge [sflag:s15], $0x4000  }
0xaf: {  	[sflag:s15] =	ssyncset.done $0x0  }
0xb0: {  	s11 =	sadd.s32 $0x100, s10;
	[sflag:s15] =	ssyncadd.s32 $0xFFFFC000  }
0xb1: {  	[tilespmem:s16], [sflag:$0x1] =	stream.indirect.gather [hbm4b:s5+s12], $0x80, s11, s12, $0xb8;
	[tilespmem:$0x1E400] =	vst v63  }
0xb2: {  	s10 =	sadd.s32 $0x1480, s10  }
0xb3: {  	[spmem:s2] =	stream.indirect.scatter.add.f32 [tilespmem:s13], [sflag:$0x2], $0x80, s10, s12, $0xb8;
	[tilespmem:$0x1E400] =	vst v63  }
.Ltmp3:
0xb4: {  	_ =	swait.ge [sflag:s14], $0x4000;
	(pc) =	sbr.rel @p0 .LBB2_6-.Ltmp3, $4  }
0xb5: {  	[sflag:s14] =	ssyncset.done $0x0  }
0xb6: {  	[sflag:s14] =	ssyncadd.s32 $0xFFFFC000  }
0xb7: {  	_ =	swait.ge [sflag:s15], $0x4000  }
0xb8: {  	s11 =	smov.u32 s19;
	s10 =	sshra.s32 s18, $0x2;
	[sflag:s15] =	ssyncset.done $0x0  }
0xb9: {  	s11 =	sadd.s32 $0x80, s10;
	[sflag:s15] =	ssyncadd.s32 $0xFFFFC000  }
0xba: {  	[tilespmem:s13], [sflag:$0x1] =	stream.indirect.gather [hbm4b:s5+s12], $0x80, s11, s12, $0xb8;
	[tilespmem:$0x1E400] =	vst v63  }
0xbb: {  	s19 =	sadd.s32 $0x1400, s10  }
0xbc: {  	[spmem:s2] =	stream.indirect.scatter.add.f32 [tilespmem:s16], [sflag:$0x2], $0x80, s19, s12, $0xb8;
	[tilespmem:$0x1E400] =	vst v63  }
0xbd: {  	_ =	swait.ge [sflag:s14], $0x4000  }
0xbe: {  	[sflag:s14] =	ssyncset.done $0x0  }
0xbf: {  	[sflag:s14] =	ssyncadd.s32 $0xFFFFC000  }
0xc0: {  	_ =	swait.ge [sflag:s15], $0x4000  }
0xc1: {  	[sflag:s15] =	ssyncset.done $0x0  }
0xc2: {  	s20 =	sadd.s32 $0x100, s10;
	[sflag:s15] =	ssyncadd.s32 $0xFFFFC000  }
0xc3: {  	[tilespmem:s16], [sflag:$0x1] =	stream.indirect.gather [hbm4b:s5+s12], $0x80, s20, s12, $0xb8;
	[tilespmem:$0x1E400] =	vst v63  }
0xc4: {  	s21 =	sadd.s32 $0x1480, s10  }
0xc5: {  	[spmem:s2] =	stream.indirect.scatter.add.f32 [tilespmem:s13], [sflag:$0x2], $0x80, s21, s12, $0xb8;
	[tilespmem:$0x1E400] =	vst v63  }
0xc6: {  	_ =	swait.ge [sflag:s14], $0x4000  }
0xc7: {  	[sflag:s14] =	ssyncset.done $0x0  }
0xc8: {  	[sflag:s14] =	ssyncadd.s32 $0xFFFFC000  }
0xc9: {  	_ =	swait.ge [sflag:s15], $0x4000  }
0xca: {  	s10 =	simm.s32 $0x80;
	[sflag:s15] =	ssyncset.done $0x0  }
0xcb: {  	s22 =	simm.s32 $0x1380;
	s11 =	simm.s32 $0x6800;
	[sflag:s15] =	ssyncadd.s32 $0xFFFFC000  }
0xcc: {  	[tilespmem:s11], [sflag:$0x1] =	stream.indirect.gather [hbm4b:s5+s10], $0x80, s22, s10, $0xb8;
	[tilespmem:$0x1E400] =	vst v63  }
0xcd: {  	s23 =	simm.s32 $0x2700;
	s12 =	simm.s32 $0x2;
	s14 =	simm.s32 $0x2800  }
0xce: {  	[spmem:s2] =	stream.indirect.scatter.add.f32 [tilespmem:s14], [sflag:$0x2], $0x80, s23, s10, $0xb8;
	[tilespmem:$0x1E400] =	vst v63  }
0xcf: {  	_ =	swait.ge [sflag:s12], $0x4000  }
0xd0: {  	[sflag:s12] =	ssyncset.done $0x0  }
0xd1: {  	s13 =	simm.s32 $0x1;
	[sflag:s12] =	ssyncadd.s32 $0xFFFFC000  }
0xd2: {  	_ =	swait.ge [sflag:s13], $0x4000  }
0xd3: {  	[sflag:s13] =	ssyncset.done $0x0  }
0xd4: {  	s24 =	simm.s32 $0x2780;
	[sflag:s13] =	ssyncadd.s32 $0xFFFFC000  }
0xd5: {  	[spmem:s2] =	stream.indirect.scatter.add.f32 [tilespmem:s11], [sflag:$0x2], $0x80, s24, s10, $0xb8;
	[tilespmem:$0x1E400] =	vst v63  }
0xd6: {  	_ =	swait.ge [sflag:s12], $0x4000  }
0xd7: {  	[sflag:s12] =	ssyncset.done $0x0  }
0xd8: {  	s25 =	simm.s32 $0x0;
	[sflag:s12] =	ssyncadd.s32 $0xFFFFC000  }
0xd9: {  	[tilespmem:s25], [sflag:$0x2] =	stream.linear.gather [hbm4b:s9+s25], $0x1400, $0x38;
	[tilespmem:$0x1E400] =	vst v63  }
0xda: {  	_ =	swait.ge [sflag:s12], $0x1400  }
0xdb: {  	[sflag:s12] =	ssyncset.done $0x0  }
0xdc: {  	s26 =	simm.s32 $0x1400;
	[sflag:s12] =	ssyncadd.s32 $0xFFFFEC00  }
0xdd: {  	[tilespmem:s26], [sflag:$0x2] =	stream.linear.gather [hbm4b:s8+s25], $0x1400, $0x38;
	[tilespmem:$0x1E400] =	vst v63  }
0xde: {  	_ =	swait.ge [sflag:s12], $0x1400  }
0xdf: {  	[sflag:s12] =	ssyncset.done $0x0  }
0xe0: {  	[sflag:s12] =	ssyncadd.s32 $0xFFFFEC00  }
0xe1: {  	[tilespmem:s14], [sflag:$0x2] =	stream.indirect.gather [hbm4b:s5+s10], $0x80, s25, s10, $0xb8;
	[tilespmem:$0x1E400] =	vst v63  }
0xe2: {  	_ =	swait.ge [sflag:s12], $0x4000  }
0xe3: {  	[sflag:s12] =	ssyncset.done $0x0  }
0xe4: {  	s28 =	simm.s32 $0x80;
	[sflag:s12] =	ssyncadd.s32 $0xFFFFC000  }
0xe5: {  	[tilespmem:s11], [sflag:$0x1] =	stream.indirect.gather [hbm4b:s5+s10], $0x80, s28, s10, $0xb8;
	[tilespmem:$0x1E400] =	vst v63  }
0xe6: {  	s29 =	simm.s32 $0x1400  }
0xe7: {  	[spmem:s2] =	stream.indirect.scatter.add.f32 [tilespmem:s14], [sflag:$0x2], $0x80, s29, s10, $0xb8;
	[tilespmem:$0x1E400] =	vst v63  }
0xe8: {  	_ =	swait.ge [sflag:s12], $0x4000  }
0xe9: {  	[sflag:s12] =	ssyncset.done $0x0  }
0xea: {  	[sflag:s12] =	ssyncadd.s32 $0xFFFFC000  }
0xeb: {  	_ =	swait.ge [sflag:s13], $0x4000  }
0xec: {  	[sflag:s13] =	ssyncset.done $0x0  }
0xed: {  	s30 =	simm.s32 $0x100;
	[sflag:s13] =	ssyncadd.s32 $0xFFFFC000  }
0xee: {  	[tilespmem:s14], [sflag:$0x1] =	stream.indirect.gather [hbm4b:s5+s10], $0x80, s30, s10, $0xb8;
	[tilespmem:$0x1E400] =	vst v63  }
0xef: {  	s31 =	simm.s32 $0x1480  }
0xf0: {  	[spmem:s2] =	stream.indirect.scatter.add.f32 [tilespmem:s11], [sflag:$0x2], $0x80, s31, s10, $0xb8;
	[tilespmem:$0x1E400] =	vst v63  }
0xf1: {  	_ =	swait.ge [sflag:s12], $0x4000  }
0xf2: {  	[sflag:s12] =	ssyncset.done $0x0  }
0xf3: {  	[sflag:s12] =	ssyncadd.s32 $0xFFFFC000  }
0xf4: {  	_ =	swait.ge [sflag:s13], $0x4000  }
0xf5: {  	s9 =	simm.s32 $0x800;
	s8 =	simm.s32 $0x100;
	[sflag:s13] =	ssyncset.done $0x0  }
.LBB2_8:
0xf6: {  	s15 =	sadd.s32 $0x80, s8  }
0xf7: {  	[sflag:s13] =	ssyncadd.s32 $0xFFFFC000;
	s16 =	smov.u32 s9;
	s17 =	sadd.s32 $0x400, s9  }
0xf8: {  	[tilespmem:s11], [sflag:$0x1] =	stream.indirect.gather [hbm4b:s5+s10], $0x80, s15, s10, $0xb8;
	[tilespmem:$0x1E400] =	vst v63  }
0xf9: {  	p0 =	sne.s32 s9, $0x4800;
	s9 =	sadd.s32 $0x1400, s8  }
0xfa: {  	[spmem:s2] =	stream.indirect.scatter.add.f32 [tilespmem:s14], [sflag:$0x2], $0x80, s9, s10, $0xb8;
	[tilespmem:$0x1E400] =	vst v63  }
0xfb: {  	_ =	swait.ge [sflag:s12], $0x4000  }
0xfc: {  	[sflag:s12] =	ssyncset.done $0x0  }
0xfd: {  	[sflag:s12] =	ssyncadd.s32 $0xFFFFC000  }
0xfe: {  	_ =	swait.ge [sflag:s13], $0x4000  }
0xff: {  	[sflag:s13] =	ssyncset.done $0x0  }
0x100: {  	s9 =	sadd.s32 $0x100, s8;
	[sflag:s13] =	ssyncadd.s32 $0xFFFFC000  }
0x101: {  	[tilespmem:s14], [sflag:$0x1] =	stream.indirect.gather [hbm4b:s5+s10], $0x80, s9, s10, $0xb8;
	[tilespmem:$0x1E400] =	vst v63  }
0x102: {  	s8 =	sadd.s32 $0x1480, s8  }
0x103: {  	[spmem:s2] =	stream.indirect.scatter.add.f32 [tilespmem:s11], [sflag:$0x2], $0x80, s8, s10, $0xb8;
	[tilespmem:$0x1E400] =	vst v63  }
.Ltmp4:
0x104: {  	_ =	swait.ge [sflag:s12], $0x4000;
	(pc) =	sbr.rel @p0 .LBB2_8-.Ltmp4, $4  }
0x105: {  	[sflag:s12] =	ssyncset.done $0x0  }
0x106: {  	[sflag:s12] =	ssyncadd.s32 $0xFFFFC000  }
0x107: {  	_ =	swait.ge [sflag:s13], $0x4000  }
0x108: {  	s9 =	smov.u32 s17;
	s8 =	sshra.s32 s16, $0x2;
	[sflag:s13] =	ssyncset.done $0x0  }
0x109: {  	s9 =	sadd.s32 $0x80, s8;
	[sflag:s13] =	ssyncadd.s32 $0xFFFFC000  }
0x10a: {  	[tilespmem:s11], [sflag:$0x1] =	stream.indirect.gather [hbm4b:s5+s10], $0x80, s9, s10, $0xb8;
	[tilespmem:$0x1E400] =	vst v63  }
0x10b: {  	s19 =	sadd.s32 $0x1400, s8  }
0x10c: {  	[spmem:s2] =	stream.indirect.scatter.add.f32 [tilespmem:s14], [sflag:$0x2], $0x80, s19, s10, $0xb8;
	[tilespmem:$0x1E400] =	vst v63  }
0x10d: {  	_ =	swait.ge [sflag:s12], $0x4000  }
0x10e: {  	[sflag:s12] =	ssyncset.done $0x0  }
0x10f: {  	[sflag:s12] =	ssyncadd.s32 $0xFFFFC000  }
0x110: {  	_ =	swait.ge [sflag:s13], $0x4000  }
0x111: {  	[sflag:s13] =	ssyncset.done $0x0  }
0x112: {  	s20 =	sadd.s32 $0x100, s8;
	[sflag:s13] =	ssyncadd.s32 $0xFFFFC000  }
0x113: {  	[tilespmem:s14], [sflag:$0x1] =	stream.indirect.gather [hbm4b:s5+s10], $0x80, s20, s10, $0xb8;
	[tilespmem:$0x1E400] =	vst v63  }
0x114: {  	s21 =	sadd.s32 $0x1480, s8  }
0x115: {  	[spmem:s2] =	stream.indirect.scatter.add.f32 [tilespmem:s11], [sflag:$0x2], $0x80, s21, s10, $0xb8;
	[tilespmem:$0x1E400] =	vst v63  }
0x116: {  	_ =	swait.ge [sflag:s12], $0x4000  }
0x117: {  	[sflag:s12] =	ssyncset.done $0x0  }
0x118: {  	[sflag:s12] =	ssyncadd.s32 $0xFFFFC000  }
0x119: {  	_ =	swait.ge [sflag:s13], $0x4000  }
0x11a: {  	s8 =	simm.s32 $0x80;
	[sflag:s13] =	ssyncset.done $0x0  }
0x11b: {  	s22 =	simm.s32 $0x1380;
	s9 =	simm.s32 $0x6800;
	[sflag:s13] =	ssyncadd.s32 $0xFFFFC000  }
0x11c: {  	[tilespmem:s9], [sflag:$0x1] =	stream.indirect.gather [hbm4b:s5+s8], $0x80, s22, s8, $0xb8;
	[tilespmem:$0x1E400] =	vst v63  }
0x11d: {  	s23 =	simm.s32 $0x2700;
	s10 =	simm.s32 $0x2;
	s12 =	simm.s32 $0x2800  }
0x11e: {  	[spmem:s2] =	stream.indirect.scatter.add.f32 [tilespmem:s12], [sflag:$0x2], $0x80, s23, s8, $0xb8;
	[tilespmem:$0x1E400] =	vst v63  }
0x11f: {  	_ =	swait.ge [sflag:s10], $0x4000  }
0x120: {  	[sflag:s10] =	ssyncset.done $0x0  }
0x121: {  	s11 =	simm.s32 $0x1;
	[sflag:s10] =	ssyncadd.s32 $0xFFFFC000  }
0x122: {  	_ =	swait.ge [sflag:s11], $0x4000  }
0x123: {  	[sflag:s11] =	ssyncset.done $0x0  }
0x124: {  	s24 =	simm.s32 $0x2780;
	[sflag:s11] =	ssyncadd.s32 $0xFFFFC000  }
0x125: {  	[spmem:s2] =	stream.indirect.scatter.add.f32 [tilespmem:s9], [sflag:$0x2], $0x80, s24, s8, $0xb8;
	[tilespmem:$0x1E400] =	vst v63  }
0x126: {  	_ =	swait.ge [sflag:s10], $0x4000  }
0x127: {  	[sflag:s10] =	ssyncset.done $0x0  }
0x128: {  	s25 =	simm.s32 $0x0;
	[sflag:s10] =	ssyncadd.s32 $0xFFFFC000  }
0x129: {  	[tilespmem:s25], [sflag:$0x2] =	stream.linear.gather [hbm4b:s7+s25], $0x1400, $0x38;
	[tilespmem:$0x1E400] =	vst v63  }
0x12a: {  	_ =	swait.ge [sflag:s10], $0x1400  }
0x12b: {  	[sflag:s10] =	ssyncset.done $0x0  }
0x12c: {  	s26 =	simm.s32 $0x1400;
	[sflag:s10] =	ssyncadd.s32 $0xFFFFEC00  }
0x12d: {  	[tilespmem:s26], [sflag:$0x2] =	stream.linear.gather [hbm4b:s6+s25], $0x1400, $0x38;
	[tilespmem:$0x1E400] =	vst v63  }
0x12e: {  	_ =	swait.ge [sflag:s10], $0x1400  }
0x12f: {  	[sflag:s10] =	ssyncset.done $0x0  }
0x130: {  	[sflag:s10] =	ssyncadd.s32 $0xFFFFEC00  }
0x131: {  	[tilespmem:s12], [sflag:$0x2] =	stream.indirect.gather [hbm4b:s5+s8], $0x80, s25, s8, $0xb8;
	[tilespmem:$0x1E400] =	vst v63  }
0x132: {  	_ =	swait.ge [sflag:s10], $0x4000  }
0x133: {  	[sflag:s10] =	ssyncset.done $0x0  }
0x134: {  	s28 =	simm.s32 $0x80;
	[sflag:s10] =	ssyncadd.s32 $0xFFFFC000  }
0x135: {  	[tilespmem:s9], [sflag:$0x1] =	stream.indirect.gather [hbm4b:s5+s8], $0x80, s28, s8, $0xb8;
	[tilespmem:$0x1E400] =	vst v63  }
0x136: {  	s29 =	simm.s32 $0x1400  }
0x137: {  	[spmem:s2] =	stream.indirect.scatter.add.f32 [tilespmem:s12], [sflag:$0x2], $0x80, s29, s8, $0xb8;
	[tilespmem:$0x1E400] =	vst v63  }
0x138: {  	_ =	swait.ge [sflag:s10], $0x4000  }
0x139: {  	[sflag:s10] =	ssyncset.done $0x0  }
0x13a: {  	[sflag:s10] =	ssyncadd.s32 $0xFFFFC000  }
0x13b: {  	_ =	swait.ge [sflag:s11], $0x4000  }
0x13c: {  	[sflag:s11] =	ssyncset.done $0x0  }
0x13d: {  	s30 =	simm.s32 $0x100;
	[sflag:s11] =	ssyncadd.s32 $0xFFFFC000  }
0x13e: {  	[tilespmem:s12], [sflag:$0x1] =	stream.indirect.gather [hbm4b:s5+s8], $0x80, s30, s8, $0xb8;
	[tilespmem:$0x1E400] =	vst v63  }
0x13f: {  	s31 =	simm.s32 $0x1480  }
0x140: {  	[spmem:s2] =	stream.indirect.scatter.add.f32 [tilespmem:s9], [sflag:$0x2], $0x80, s31, s8, $0xb8;
	[tilespmem:$0x1E400] =	vst v63  }
0x141: {  	_ =	swait.ge [sflag:s10], $0x4000  }
0x142: {  	[sflag:s10] =	ssyncset.done $0x0  }
0x143: {  	[sflag:s10] =	ssyncadd.s32 $0xFFFFC000  }
0x144: {  	_ =	swait.ge [sflag:s11], $0x4000  }
0x145: {  	s7 =	simm.s32 $0x800;
	s6 =	simm.s32 $0x100;
	[sflag:s11] =	ssyncset.done $0x0  }
.LBB2_10:
0x146: {  	s13 =	sadd.s32 $0x80, s6  }
0x147: {  	[sflag:s11] =	ssyncadd.s32 $0xFFFFC000;
	s14 =	smov.u32 s7;
	s15 =	sadd.s32 $0x400, s7  }
0x148: {  	[tilespmem:s9], [sflag:$0x1] =	stream.indirect.gather [hbm4b:s5+s8], $0x80, s13, s8, $0xb8;
	[tilespmem:$0x1E400] =	vst v63  }
0x149: {  	p0 =	sne.s32 s7, $0x4800;
	s7 =	sadd.s32 $0x1400, s6  }
0x14a: {  	[spmem:s2] =	stream.indirect.scatter.add.f32 [tilespmem:s12], [sflag:$0x2], $0x80, s7, s8, $0xb8;
	[tilespmem:$0x1E400] =	vst v63  }
0x14b: {  	_ =	swait.ge [sflag:s10], $0x4000  }
0x14c: {  	[sflag:s10] =	ssyncset.done $0x0  }
0x14d: {  	[sflag:s10] =	ssyncadd.s32 $0xFFFFC000  }
0x14e: {  	_ =	swait.ge [sflag:s11], $0x4000  }
0x14f: {  	[sflag:s11] =	ssyncset.done $0x0  }
0x150: {  	s7 =	sadd.s32 $0x100, s6;
	[sflag:s11] =	ssyncadd.s32 $0xFFFFC000  }
0x151: {  	[tilespmem:s12], [sflag:$0x1] =	stream.indirect.gather [hbm4b:s5+s8], $0x80, s7, s8, $0xb8;
	[tilespmem:$0x1E400] =	vst v63  }
0x152: {  	s6 =	sadd.s32 $0x1480, s6  }
0x153: {  	[spmem:s2] =	stream.indirect.scatter.add.f32 [tilespmem:s9], [sflag:$0x2], $0x80, s6, s8, $0xb8;
	[tilespmem:$0x1E400] =	vst v63  }
.Ltmp5:
0x154: {  	_ =	swait.ge [sflag:s10], $0x4000;
	(pc) =	sbr.rel @p0 .LBB2_10-.Ltmp5, $4  }
0x155: {  	[sflag:s10] =	ssyncset.done $0x0  }
0x156: {  	[sflag:s10] =	ssyncadd.s32 $0xFFFFC000  }
0x157: {  	_ =	swait.ge [sflag:s11], $0x4000  }
0x158: {  	s7 =	smov.u32 s15;
	s6 =	sshra.s32 s14, $0x2;
	[sflag:s11] =	ssyncset.done $0x0  }
0x159: {  	s7 =	sadd.s32 $0x80, s6;
	[sflag:s11] =	ssyncadd.s32 $0xFFFFC000  }
0x15a: {  	[tilespmem:s9], [sflag:$0x1] =	stream.indirect.gather [hbm4b:s5+s8], $0x80, s7, s8, $0xb8;
	[tilespmem:$0x1E400] =	vst v63  }
0x15b: {  	s19 =	sadd.s32 $0x1400, s6  }
0x15c: {  	[spmem:s2] =	stream.indirect.scatter.add.f32 [tilespmem:s12], [sflag:$0x2], $0x80, s19, s8, $0xb8;
	[tilespmem:$0x1E400] =	vst v63  }
0x15d: {  	_ =	swait.ge [sflag:s10], $0x4000  }
0x15e: {  	[sflag:s10] =	ssyncset.done $0x0  }
0x15f: {  	[sflag:s10] =	ssyncadd.s32 $0xFFFFC000  }
0x160: {  	_ =	swait.ge [sflag:s11], $0x4000  }
0x161: {  	[sflag:s11] =	ssyncset.done $0x0  }
0x162: {  	s20 =	sadd.s32 $0x100, s6;
	[sflag:s11] =	ssyncadd.s32 $0xFFFFC000  }
0x163: {  	[tilespmem:s12], [sflag:$0x1] =	stream.indirect.gather [hbm4b:s5+s8], $0x80, s20, s8, $0xb8;
	[tilespmem:$0x1E400] =	vst v63  }
0x164: {  	s21 =	sadd.s32 $0x1480, s6  }
0x165: {  	[spmem:s2] =	stream.indirect.scatter.add.f32 [tilespmem:s9], [sflag:$0x2], $0x80, s21, s8, $0xb8;
	[tilespmem:$0x1E400] =	vst v63  }
0x166: {  	_ =	swait.ge [sflag:s10], $0x4000  }
0x167: {  	[sflag:s10] =	ssyncset.done $0x0  }
0x168: {  	[sflag:s10] =	ssyncadd.s32 $0xFFFFC000  }
0x169: {  	_ =	swait.ge [sflag:s11], $0x4000  }
0x16a: {  	s22 =	simm.s32 $0x80;
	[sflag:s11] =	ssyncset.done $0x0  }
0x16b: {  	s23 =	simm.s32 $0x1380;
	s24 =	simm.s32 $0x6800;
	[sflag:s11] =	ssyncadd.s32 $0xFFFFC000  }
0x16c: {  	[tilespmem:s24], [sflag:$0x1] =	stream.indirect.gather [hbm4b:s5+s22], $0x80, s23, s22, $0xb8;
	[tilespmem:$0x1E400] =	vst v63  }
0x16d: {  	s25 =	simm.s32 $0x2700;
	s26 =	simm.s32 $0x2800;
	s28 =	simm.s32 $0x2  }
0x16e: {  	[spmem:s2] =	stream.indirect.scatter.add.f32 [tilespmem:s26], [sflag:$0x2], $0x80, s25, s22, $0xb8;
	[tilespmem:$0x1E400] =	vst v63  }
0x16f: {  	_ =	swait.ge [sflag:s28], $0x4000  }
0x170: {  	[sflag:s28] =	ssyncset.done $0x0  }
0x171: {  	s29 =	simm.s32 $0x1;
	[sflag:s28] =	ssyncadd.s32 $0xFFFFC000  }
0x172: {  	_ =	swait.ge [sflag:s29], $0x4000  }
0x173: {  	[sflag:s29] =	ssyncset.done $0x0  }
0x174: {  	s30 =	simm.s32 $0x2780;
	[sflag:s29] =	ssyncadd.s32 $0xFFFFC000  }
0x175: {  	[spmem:s2] =	stream.indirect.scatter.add.f32 [tilespmem:s24], [sflag:$0x2], $0x80, s30, s22, $0xb8;
	[tilespmem:$0x1E400] =	vst v63  }
0x176: {  	_ =	swait.ge [sflag:s28], $0x4000  }
0x177: {  	[sflag:s28] =	ssyncset.done $0x0  }
0x178: {  	s31 =	sshll.u32 s1, $0x6;
	[sflag:s28] =	ssyncadd.s32 $0xFFFFC000  }
0x179: {  	s3 =	sshrl.u32 s3, $0x3;
	s2 =	sor.u32 $0x1C02, s31;
	[bflag:$0x0] =	sbarrier.arrive $0xFFFF  }
0x17a: {  	[hbm:s4], [sflag:s2] =	dma.local [spmem:s3], $0x2780  }
0x17b: {  	_ =	swait.ge [sflag:s28], $0x2780  }
0x17c: {  	[sflag:s28] =	ssyncset.done $0x0  }
0x17d: {  	[sflag:s28] =	ssyncadd.s32 $0xFFFFD880  }
.LBB2_12:
0x17e: {  	_ =	sfence.sel $0x180000  }
0x17f: {  	[bflag:$0x0] =	sbarrier.arrive $0xFFFF  }
0x180: {  	p0 =	sne.s32 s1, $0x0;
	_ =	strace $0x9000004A  }
0x181: {  	s0 =	sadd.s32 @!p0 $0x100000, s0;
	[bflag:$0x2] =	sbarrier.arrive $0xFFFF  }
0x182: {  	[sflag:s0] =	ssyncadd.tile.s32 @!p0 $0x1;
	_ =	shalt  }
.Lfunc_end2:
_tile_overlayer_lowered:
.L_overlay_start_2:
0x183: {  	(tag) =	ssettag $0x2  }
0x184: {  	s0 =	rddreg [dreg:$0x0];
	s2 =	stileid.u32  }
0x185: {  	s1 =	rddreg [dreg:$0x1];
	p0 =	sne.s32 s2, $0x0  }
0x186: {  	s3 =	rddreg [dreg:$0x2];
	[bflag:$0x3] =	sbarrier.arrive $0xFFFF;
	s2 =	simm.s32 @!p0 $0x1C02  }
0x187: {  	[timem:s3], [sflag:s2] =	dma.local @!p0 [hbm:s0], s1  }
0x188: {  	s0 =	simm.s32 @!p0 $0x2  }
0x189: {  	_ =	swait.ge @!p0 [sflag:s0], s1  }
0x18a: {  	s1 =	ssub.s32 @!p0 $0x0, s1;
	[sflag:s0] =	ssyncset.done @!p0 $0x0  }
0x18b: {  	[sflag:s0] =	ssyncadd.s32 @!p0 s1  }
0x18c: {  	[bflag:$0x3] =	sbarrier.arrive $0xFFFF  }
0x18d: {  	_ =	shalt  }

// kernel: kernel.9.cloned.1.call-start
scs
__scs_entry_jumppad:
0x0: {  	(pc) =	sbr.rel $0x88, $3  }
0x1: {  	(tag) =	ssettag $0x0;
	lr =	simm.s32 $0x1  }
0x2: {  	[smem:$0x3F84] =	sst lr;
	_ =	strace $0xD0000000  }
0x3: {  	_ = 	snop  }
0x4: {  	_ = 	snop  }
0x5: {  	_ = 	snop  }
0x6: {  	_ = 	snop  }
0x7: {  	_ = 	snop  }
__scs_overlays_trampoline_lowered:
0x8: {  	[smem:$0x3F93] =	sst s0  }
0x9: {  	[smem:$0x3F94] =	sst s1  }
0xa: {  	[smem:$0x3F95] =	sst s2  }
0xb: {  	[smem:$0x3F96] =	sst s3  }
0xc: {  	[smem:$0x3F97] =	sst s4  }
0xd: {  	[smem:$0x3F98] =	sst s5  }
0xe: {  	[smem:$0x3F99] =	sst s6  }
0xf: {  	[smem:$0x3F9A] =	sst s7  }
0x10: {  	[smem:$0x3F9B] =	sst s8  }
0x11: {  	[smem:$0x3F9C] =	sst s9;
	s0 =	simm.s32 @!p0 $0x0  }
0x12: {  	s1 =	sld [smem:$0x3F82];
	s0 =	simm.s32 @p0 $0x1  }
0x13: {  	[smem:$0x3F9D] =	sst s0;
	s0 =	simm.s32 @!p1 $0x0  }
0x14: {  	s2 =	sld [smem:$0x3F81];
	s0 =	simm.s32 @p1 $0x1  }
0x15: {  	[smem:$0x3F9E] =	sst s0;
	s0 =	simm.s32 @!p2 $0x0  }
0x16: {  	s3 =	sld [smem:$0x3FDB];
	s0 =	simm.s32 @p2 $0x1  }
0x17: {  	s4 =	simm.s32 $0x1BF5;
	[smem:$0x3FA0] =	sst s0  }
0x18: {  	s0 =	sld [smem:$0x3F83];
	_ =	swait.ge [sflag:s4], $0x0  }
0x19: {  	s7 =	sld [smem:$0x3F84]  }
0x1a: {  	s8 =	sadd.s32 $0xFFFFE003, lr  }
0x1b: {  	s9 =	sadd.s32 $0xFFFFFEF7, lr;
	s5 =	simm.s32 $0xFFFFFFFF;
	p2 =	slt.u32 s8, $0xFFFFF086  }
0x1c: {  	p1 =	slt.u32 s9, $0xF7A;
	s5 =	simm.s32 @!p2 $0x0  }
0x1d: {  	s5 =	simm.s32 @p1 $0x1;
	p0 =	seq.s32 s7, s2  }
0x1e: {  	s7 =	smul.u32 @!p0 $0xF7A, s2;
	p2 =	seq.s32 @!p0 s5, $0x0  }
0x1f: {  	s9 =	smul.u32 $0xF7A, s1;
	s8 =	simm.s32 @!p0 $0x1BF5;
	p2 =	por !p2, p0  }
0x20: {  	[sflag:s8] =	ssyncset.s32 @!p0 $0xFFFFF086;
	s6 =	sadd.s32 @!p0 s3, s7;
	s7 =	simm.s32 @!p0 $0x108  }
0x21: {  	s3 =	sadd.s32 s3, s9;
	s6 =	sadd.s32 @!p0 $0x88, s6;
	s7 =	simm.s32 @p2 $0x1082  }
0x22: {  	[simem:s7], [sflag:s8] =	dma.local @!p0 [hbm:s6], $0xF7A  }
0x23: {  	s9 =	sor.u32 $0xD0000000, s2;
	s6 =	simm.s32 $0x108;
	_ =	swait.ge @!p0 [sflag:s8], $0x0  }
0x24: {  	s3 =	sadd.s32 $0x88, s3;
	s6 =	simm.s32 @!p1 $0x1082;
	[sflag:s4] =	ssyncset.s32 $0xFFFFF086  }
0x25: {  	[simem:s6], [sflag:s4] =	dma.local [hbm:s3], $0xF7A  }
0x26: {  	[smem:$0x3F84] =	sst s1;
	(tag) =	ssettag s2;
	_ =	strace s9  }
0x27: {  	s1 =	sld [smem:$0x3F94]  }
0x28: {  	s2 =	sld [smem:$0x3F95]  }
0x29: {  	s4 =	sld [smem:$0x3F97]  }
0x2a: {  	p0 =	seq.s32 s5, $0x0;
	s5 =	sld [smem:$0x3F98]  }
0x2b: {  	s6 =	sld [smem:$0x3F99]  }
0x2c: {  	s7 =	sld [smem:$0x3F9A]  }
0x2d: {  	s3 =	simm.s32 $0x108;
	s8 =	sld [smem:$0x3F9B]  }
0x2e: {  	s3 =	simm.s32 @!p0 $0x1082;
	s9 =	sld [smem:$0x3F9C]  }
0x2f: {  	lr =	sadd.s32 s0, s3;
	s0 =	sld [smem:$0x3F93]  }
0x30: {  	s3 =	sld [smem:$0x3F96]  }
0x31: {  	[smem:$0x3F9F] =	sst s10  }
0x32: {  	s10 =	sld [smem:$0x3F9D];
	_ =	sdelay $0x3  }
0x33: {  	p0 =	seq.s32 s10, $0x1;
	s10 =	sld [smem:$0x3F9F];
	_ =	sdelay $0x3  }
0x34: {  	[smem:$0x3F9F] =	sst s10  }
0x35: {  	s10 =	sld [smem:$0x3F9E];
	_ =	sdelay $0x3  }
0x36: {  	p1 =	seq.s32 s10, $0x1;
	s10 =	sld [smem:$0x3F9F];
	_ =	sdelay $0x3  }
0x37: {  	[smem:$0x3F9F] =	sst s10  }
0x38: {  	s10 =	sld [smem:$0x3FA0]  }
0x39: {  	_ = 	snop;
	(pc) =	sbr.ind lr, $3  }
0x3a: {  	_ = 	snop  }
0x3b: {  	_ = 	snop  }
0x3c: {  	p2 =	seq.s32 s10, $0x1;
	s10 =	sld [smem:$0x3F9F]  }
0x3d: {  	_ =	shalt  }
0x3e: {  	_ =	shalt  }
0x3f: {  	_ =	shalt  }
0x40: {  	_ =	shalt  }
0x41: {  	_ =	shalt  }
0x42: {  	_ =	shalt  }
0x43: {  	_ =	shalt  }
0x44: {  	_ =	shalt  }
0x45: {  	_ =	shalt  }
0x46: {  	_ =	shalt  }
0x47: {  	_ =	shalt  }
0x48: {  	_ =	shalt  }
0x49: {  	_ =	shalt  }
0x4a: {  	_ =	shalt  }
0x4b: {  	_ =	shalt  }
0x4c: {  	_ =	shalt  }
0x4d: {  	_ =	shalt  }
0x4e: {  	_ =	shalt  }
0x4f: {  	_ =	shalt  }
0x50: {  	_ =	shalt  }
0x51: {  	_ =	shalt  }
0x52: {  	_ =	shalt  }
0x53: {  	_ =	shalt  }
0x54: {  	_ =	shalt  }
0x55: {  	_ =	shalt  }
0x56: {  	_ =	shalt  }
0x57: {  	_ =	shalt  }
0x58: {  	_ =	shalt  }
0x59: {  	_ =	shalt  }
0x5a: {  	_ =	shalt  }
0x5b: {  	_ =	shalt  }
0x5c: {  	_ =	shalt  }
0x5d: {  	_ =	shalt  }
0x5e: {  	_ =	shalt  }
0x5f: {  	_ =	shalt  }
0x60: {  	_ =	shalt  }
0x61: {  	_ =	shalt  }
0x62: {  	_ =	shalt  }
0x63: {  	_ =	shalt  }
0x64: {  	_ =	shalt  }
0x65: {  	_ =	shalt  }
0x66: {  	_ =	shalt  }
0x67: {  	_ =	shalt  }
0x68: {  	_ =	shalt  }
0x69: {  	_ =	shalt  }
0x6a: {  	_ =	shalt  }
0x6b: {  	_ =	shalt  }
0x6c: {  	_ =	shalt  }
0x6d: {  	_ =	shalt  }
0x6e: {  	_ =	shalt  }
0x6f: {  	_ =	shalt  }
0x70: {  	_ =	shalt  }
0x71: {  	_ =	shalt  }
0x72: {  	_ =	shalt  }
0x73: {  	_ =	shalt  }
0x74: {  	_ =	shalt  }
0x75: {  	_ =	shalt  }
0x76: {  	_ =	shalt  }
0x77: {  	_ =	shalt  }
0x78: {  	_ =	shalt  }
0x79: {  	_ =	shalt  }
0x7a: {  	_ =	shalt  }
0x7b: {  	_ =	shalt  }
0x7c: {  	_ =	shalt  }
0x7d: {  	_ =	shalt  }
0x7e: {  	_ =	shalt  }
0x7f: {  	_ =	shalt  }
0x80: {  	_ =	shalt  }
0x81: {  	_ =	shalt  }
0x82: {  	_ =	shalt  }
0x83: {  	_ =	shalt  }
0x84: {  	_ =	shalt  }
0x85: {  	_ =	shalt  }
0x86: {  	_ =	shalt  }
0x87: {  	_ =	shalt  }
.Lfunc_end0:
.L_simem_size_0:
called_computation_lowered:
.L_overlay_start_0:
0x88: {  	s2 =	sld [smem:$0x3FD9]  }
0x89: {  	s3 =	sld [smem:$0x3FFE];
	_ =	sdelay $0x1  }
0x8a: {  	s1 =	srdreg.scid  }
0x8b: {  	s0 =	sand.u32 $0x1, s1  }
0x8c: {  	s16 =	sshll.u32 s0, $0xA;
	s2 =	sadd.s32 s3, s2  }
0x8d: {  	s2 =	sadd.s32 s2, s16  }
0x8e: {  	[smem:$0x3FAB] =	sst s2  }
0x8f: {  	_ = 	snop  }
0x90: {  	(tm) =	ssettm $0x1  }
0x91: {  	s17 =	sld [smem:$0x3FFB];
	_ =	sdelay $0x3  }
0x92: {  	_ =	strace s17  }
0x93: {  	s2 =	sld [smem:$0x3FFC];
	_ =	sdelay $0x3  }
0x94: {  	_ =	strace s2  }
0x95: {  	s2 =	sld [smem:$0x3FFD];
	_ =	sdelay $0x3  }
0x96: {  	_ =	strace s2  }
0x97: {  	_ =	strace $0x8FFFFFFF  }
0x98: {  	s18 =	sld [smem:$0x3FDB];
	_ =	sdelay $0x1  }
0x99: {  	s19 =	simm.s32 $_scs_section_size  }
0x9a: {  	s4 =	simm.s32 $_size__tile_overlayer_lowered;
	s5 =	simm.s32 $_tile_overlayer_lowered  }
0x9b: {  	s22 =	simm.s32 $0x1BFF;
	s21 =	sshll.u32 s5, $0x1;
	s2 =	sadd.s32 s19, s18  }
0x9c: {  	s6 =	simm.s32 $0x0;
	s20 =	sshll.u32 s4, $0x1;
	s4 =	sadd.s32 s21, s2  }
0x9d: {  	[timem:s6], [sflag:s22] =	dma.local [hbm:s4], s20  }
0x9e: {  	_ =	swait.ge [sflag:s22], s20  }
0x9f: {  	s3 =	ssub.s32 $0x0, s20;
	[sflag:s22] =	ssyncset.done $0x0  }
0xa0: {  	[sflag:s22] =	ssyncadd.s32 s3;
	_ =	sdelay $0x1  }
0xa1: {  	s23 =	simm.s32 $0x1B8B  }
0xa2: {  	_ =	swait.ge [sflag:s23], $0x1  }
0xa3: {  	[sflag:s23] =	ssyncset.done $0x0  }
0xa4: {  	s25 =	simm.s32 $0x1B8E;
	s24 =	sld [smem:$0x3FFE];
	[sflag:s23] =	ssyncadd.s32 $0xFFFFFFFF  }
0xa5: {  	s26 =	simm.s32 $execute0_lowered;
	[smem:$0x3FD2] =	sst s25  }
0xa6: {  	s4 =	sshll.u32 s26, $0x1;
	_ =	strace $0x80000046;
	[dreg:$0x1] =	wrdreg $0xFFFFFFFF  }
0xa7: {  	s28 =	simm.s32 $_size_execute0_lowered;
	s2 =	sadd.s32 s2, s4;
	[dreg:$0x0] =	wrdreg $0x0  }
0xa8: {  	s4 =	sshll.u32 s28, $0x1;
	[dreg:$0x2] =	wrdreg s2  }
0xa9: {  	[dreg:$0x3] =	wrdreg s4  }
0xaa: {  	[dreg:$0x4] =	wrdreg $0xC0  }
0xab: {  	_ =	task [dreg:s6], $0x5FFFF  }
0xac: {  	[dreg:$0x1] =	wrdreg $0xFFFFFFFF  }
0xad: {  	[dreg:$0x0] =	wrdreg $0x60  }
0xae: {  	[dreg:$0x2] =	wrdreg s24  }
0xaf: {  	[dreg:$0x3] =	wrdreg $0xA8000  }
0xb0: {  	[dreg:$0x4] =	wrdreg $0x9  }
0xb1: {  	_ =	task.clear_ibuf [dreg:s6], $0x5FFFF;
	_ =	strace $0x90000046  }
0xb2: {  	s29 =	simm.s32 $0x9;
	_ =	strace $0x80000048  }
0xb3: {  	_ =	swait.ge [sflag:s29], $0x1  }
0xb4: {  	[sflag:s29] =	ssyncadd.s32 $0xFFFFFFFF  }
0xb5: {  	_ =	strace $0x90000048  }
0xb6: {  	_ =	sfence  }
0xb7: {  	s30 =	sld [smem:$0x0];
	_ =	sdelay $0x2  }
0xb8: {  	s31 =	sshll.u32 s1, $0xD;
	s1 =	sshrl.u32 s1, $0x2  }
0xb9: {  	s3 =	sand.u32 $0x4000, s31;
	s1 =	sadd.s32 s1, s30  }
0xba: {  	s0 =	sor.u32 s3, s0;
	s1 =	sshll.u32 s1, $0x11  }
0xbb: {  	s0 =	sor.u32 s1, s0  }
0xbc: {  	s0 =	sadd.s32 $0x8F2B, s0  }
0xbd: {  	[sflag:s0] =	ssyncadd.remote.s32 $0x1  }
0xbe: {  	_ =	sfence.sel $0xFFFF  }
0xbf: {  	[dreg:$0x0] =	wrdreg $0xFFFFFFFF;
	(pc) =	sbr.abs _section_cstart, $3  }
0xc0: {  	[dreg:$0x1] =	wrdreg $0xFFFFFFFF  }
0xc1: {  	_ =	task.clear_ibuf [dreg:s6], $0x2FFFF;
	_ =	strace $0x9FFFFFFF  }
0xc2: {  	(tm) =	ssettm $0x7FFFFFFF  }
0xc3: {  	_ =	shalt  }
tec
execute0_lowered:
.L_overlay_start_1:
0x0: {  	(tag) =	ssettag $0x1  }
0x1: {  	s1 =	srdreg.scid  }
0x2: {  	s1 =	sand.u32 $0x1, s1  }
0x3: {  	p0 =	seq.s32 s1, $0x1  }
.Ltmp0:
0x4: {  	_ = 	snop;
	(pc) =	sbr.rel @p0 .LBB2_12-.Ltmp0, $4  }
0x5: {  	s3 =	rddreg [dreg:$0x0]  }
0x6: {  	s2 =	rddreg [dreg:$0x1];
	s4 =	simm.s32 $0x0  }
0x7: {  	[smem:$0x7FF] =	sst s4  }
0x8: {  	s0 =	rddreg [dreg:$0x2];
	_ =	strace $0x80000047;
	s1 =	stileid.u32  }
0x9: {  	s4 =	smul.u32 $0x2780, s1  }
0xa: {  	s6 =	smul.u32 $0x4F000, s1  }
0xb: {  	s5 =	sadd.s32 $0x18400, s3;
	s7 =	smul.u32 $0x5000, s1  }
0xc: {  	s12 =	sadd.s32 $0xE400, s3;
	s13 =	sadd.s32 $0x4400, s3;
	s6 =	sshrl.u32 s6, $0x2  }
0xd: {  	s4 =	sadd.s32 s4, s3;
	s31 =	sshrl.u32 s7, $0x3;
	s3 =	sadd.s32 s6, s2  }
0xe: {  	s15 =	sadd.s32 s12, s31;
	s7 =	sadd.s32 $0x280, s31;
	s14 =	sadd.s32 s13, s31  }
0xf: {  	s8 =	sadd.s32 $0x500, s31;
	s6 =	sadd.s32 $0x780, s31;
	s4 =	sadd.s32 $0x3F600, s4  }
0x10: {  	s16 =	sadd.s32 $0x10000, s3;
	s11 =	sadd.s32 s12, s7;
	s10 =	sadd.s32 s13, s7  }
0x11: {  	s9 =	sadd.s32 s12, s8;
	s8 =	sadd.s32 s13, s8;
	s7 =	sadd.s32 s12, s6  }
0x12: {  	s6 =	sadd.s32 s13, s6;
	s19 =	sadd.s32 $0x4000, s3;
	s18 =	sadd.s32 $0x8000, s3  }
0x13: {  	v0 =	vimm.f32 $0.0e+00;
	s17 =	sadd.s32 $0xC000, s3;
	s12 =	simm.s32 $0x0;
	s13 =	simm.s32 $0x200  }
.LBB2_2:
0x14: {  	p0 =	sne.s32 s13, $0xFE00;
	[tilespmem:s12+$0x2870] =	vst v0  }
0x15: {  	[tilespmem:s12+$0x2800] =	vst v0  }
0x16: {  	[tilespmem:s12+$0x2810] =	vst v0  }
.Ltmp1:
0x17: {  	[tilespmem:s12+$0x2820] =	vst v0;
	(pc) =	sbr.rel @p0 .LBB2_2-.Ltmp1, $4  }
0x18: {  	[tilespmem:s12+$0x2830] =	vst v0  }
0x19: {  	[tilespmem:s12+$0x2840] =	vst v0  }
0x1a: {  	[tilespmem:s12+$0x2850] =	vst v0  }
0x1b: {  	[tilespmem:s12+$0x2860] =	vst v0;
	s12 =	sshra.s32 s13, $0x2;
	s13 =	sadd.s32 $0x200, s13  }
0x1c: {  	[tilespmem:s12+$0x2870] =	vst v0  }
0x1d: {  	[tilespmem:s12+$0x2800] =	vst v0  }
0x1e: {  	[tilespmem:s12+$0x2810] =	vst v0  }
0x1f: {  	[tilespmem:s12+$0x2820] =	vst v0  }
0x20: {  	[tilespmem:s12+$0x2830] =	vst v0  }
0x21: {  	[tilespmem:s12+$0x2840] =	vst v0  }
0x22: {  	[tilespmem:s12+$0x2850] =	vst v0  }
0x23: {  	[tilespmem:s12+$0x2860] =	vst v0;
	s13 =	simm.s32 $0x2800;
	s12 =	simm.s32 $0x2  }
0x24: {  	[spmem:s3] =	stream.linear.scatter [tilespmem:s13], [sflag:$0x2], $0x4000, $0x38;
	[tilespmem:$0x1E400] =	vst v63  }
0x25: {  	_ =	swait.ge [sflag:s12], $0x4000  }
0x26: {  	[sflag:s12] =	ssyncset.done $0x0  }
0x27: {  	[sflag:s12] =	ssyncadd.s32 $0xFFFFC000  }
0x28: {  	[spmem:s19] =	stream.linear.scatter [tilespmem:s13], [sflag:$0x2], $0x4000, $0x38;
	[tilespmem:$0x1E400] =	vst v63  }
0x29: {  	_ =	swait.ge [sflag:s12], $0x4000  }
0x2a: {  	[sflag:s12] =	ssyncset.done $0x0  }
0x2b: {  	[sflag:s12] =	ssyncadd.s32 $0xFFFFC000  }
0x2c: {  	[spmem:s18] =	stream.linear.scatter [tilespmem:s13], [sflag:$0x2], $0x4000, $0x38;
	[tilespmem:$0x1E400] =	vst v63  }
0x2d: {  	_ =	swait.ge [sflag:s12], $0x4000  }
0x2e: {  	[sflag:s12] =	ssyncset.done $0x0  }
0x2f: {  	[sflag:s12] =	ssyncadd.s32 $0xFFFFC000  }
0x30: {  	[spmem:s17] =	stream.linear.scatter [tilespmem:s13], [sflag:$0x2], $0x4000, $0x38;
	[tilespmem:$0x1E400] =	vst v63  }
0x31: {  	_ =	swait.ge [sflag:s12], $0x4000  }
0x32: {  	[sflag:s12] =	ssyncset.done $0x0  }
0x33: {  	[sflag:s12] =	ssyncadd.s32 $0xFFFFC000  }
0x34: {  	[spmem:s16] =	stream.linear.scatter [tilespmem:s13], [sflag:$0x2], $0x3C00, $0x38;
	[tilespmem:$0x1E400] =	vst v63  }
0x35: {  	_ =	swait.ge [sflag:s12], $0x3C00  }
0x36: {  	[sflag:s12] =	ssyncset.done $0x0  }
0x37: {  	[sflag:s12] =	ssyncadd.s32 $0xFFFFC400  }
0x38: {  	s25 =	simm.s32 $0x0;
	[bflag:$0x0] =	sbarrier.arrive $0xFFFF  }
0x39: {  	[tilespmem:s25], [sflag:$0x2] =	stream.linear.gather [hbm4b:s15+s25], $0x1400, $0x38;
	[tilespmem:$0x1E400] =	vst v63  }
0x3a: {  	_ =	swait.ge [sflag:s12], $0x1400  }
0x3b: {  	[sflag:s12] =	ssyncset.done $0x0  }
0x3c: {  	s26 =	simm.s32 $0x1400;
	[sflag:s12] =	ssyncadd.s32 $0xFFFFEC00  }
0x3d: {  	[tilespmem:s26], [sflag:$0x2] =	stream.linear.gather [hbm4b:s14+s25], $0x1400, $0x38;
	[tilespmem:$0x1E400] =	vst v63  }
0x3e: {  	_ =	swait.ge [sflag:s12], $0x1400  }
0x3f: {  	[sflag:s12] =	ssyncset.done $0x0  }
0x40: {  	s14 =	simm.s32 $0x80;
	[sflag:s12] =	ssyncadd.s32 $0xFFFFEC00  }
0x41: {  	[tilespmem:s13], [sflag:$0x2] =	stream.indirect.gather [hbm4b:s5+s14], $0x80, s25, s14, $0xb8;
	[tilespmem:$0x1E400] =	vst v63  }
0x42: {  	_ =	swait.ge [sflag:s12], $0x4000  }
0x43: {  	[sflag:s12] =	ssyncset.done $0x0  }
0x44: {  	s28 =	simm.s32 $0x80;
	s15 =	simm.s32 $0x6800;
	[sflag:s12] =	ssyncadd.s32 $0xFFFFC000  }
0x45: {  	[tilespmem:s15], [sflag:$0x1] =	stream.indirect.gather [hbm4b:s5+s14], $0x80, s28, s14, $0xb8;
	[tilespmem:$0x1E400] =	vst v63  }
0x46: {  	s29 =	simm.s32 $0x1400  }
0x47: {  	[spmem:s2] =	stream.indirect.scatter.add.f32 [tilespmem:s13], [sflag:$0x2], $0x80, s29, s14, $0xb8;
	[tilespmem:$0x1E400] =	vst v63  }
0x48: {  	_ =	swait.ge [sflag:s12], $0x4000  }
0x49: {  	[sflag:s12] =	ssyncset.done $0x0  }
0x4a: {  	s16 =	simm.s32 $0x1;
	[sflag:s12] =	ssyncadd.s32 $0xFFFFC000  }
0x4b: {  	_ =	swait.ge [sflag:s16], $0x4000  }
0x4c: {  	[sflag:s16] =	ssyncset.done $0x0  }
0x4d: {  	s30 =	simm.s32 $0x100;
	[sflag:s16] =	ssyncadd.s32 $0xFFFFC000  }
0x4e: {  	[tilespmem:s13], [sflag:$0x1] =	stream.indirect.gather [hbm4b:s5+s14], $0x80, s30, s14, $0xb8;
	[tilespmem:$0x1E400] =	vst v63  }
0x4f: {  	s31 =	simm.s32 $0x1480  }
0x50: {  	[spmem:s2] =	stream.indirect.scatter.add.f32 [tilespmem:s15], [sflag:$0x2], $0x80, s31, s14, $0xb8;
	[tilespmem:$0x1E400] =	vst v63  }
0x51: {  	_ =	swait.ge [sflag:s12], $0x4000  }
0x52: {  	[sflag:s12] =	ssyncset.done $0x0  }
0x53: {  	[sflag:s12] =	ssyncadd.s32 $0xFFFFC000  }
0x54: {  	_ =	swait.ge [sflag:s16], $0x4000  }
0x55: {  	s18 =	simm.s32 $0x800;
	s17 =	simm.s32 $0x100;
	[sflag:s16] =	ssyncset.done $0x0  }
.LBB2_4:
0x56: {  	s19 =	sadd.s32 $0x80, s17  }
0x57: {  	[sflag:s16] =	ssyncadd.s32 $0xFFFFC000;
	s20 =	smov.u32 s18;
	s21 =	sadd.s32 $0x400, s18  }
0x58: {  	[tilespmem:s15], [sflag:$0x1] =	stream.indirect.gather [hbm4b:s5+s14], $0x80, s19, s14, $0xb8;
	[tilespmem:$0x1E400] =	vst v63  }
0x59: {  	p0 =	sne.s32 s18, $0x4800;
	s18 =	sadd.s32 $0x1400, s17  }
0x5a: {  	[spmem:s2] =	stream.indirect.scatter.add.f32 [tilespmem:s13], [sflag:$0x2], $0x80, s18, s14, $0xb8;
	[tilespmem:$0x1E400] =	vst v63  }
0x5b: {  	_ =	swait.ge [sflag:s12], $0x4000  }
0x5c: {  	[sflag:s12] =	ssyncset.done $0x0  }
0x5d: {  	[sflag:s12] =	ssyncadd.s32 $0xFFFFC000  }
0x5e: {  	_ =	swait.ge [sflag:s16], $0x4000  }
0x5f: {  	[sflag:s16] =	ssyncset.done $0x0  }
0x60: {  	s18 =	sadd.s32 $0x100, s17;
	[sflag:s16] =	ssyncadd.s32 $0xFFFFC000  }
0x61: {  	[tilespmem:s13], [sflag:$0x1] =	stream.indirect.gather [hbm4b:s5+s14], $0x80, s18, s14, $0xb8;
	[tilespmem:$0x1E400] =	vst v63  }
0x62: {  	s17 =	sadd.s32 $0x1480, s17  }
0x63: {  	[spmem:s2] =	stream.indirect.scatter.add.f32 [tilespmem:s15], [sflag:$0x2], $0x80, s17, s14, $0xb8;
	[tilespmem:$0x1E400] =	vst v63  }
.Ltmp2:
0x64: {  	_ =	swait.ge [sflag:s12], $0x4000;
	(pc) =	sbr.rel @p0 .LBB2_4-.Ltmp2, $4  }
0x65: {  	[sflag:s12] =	ssyncset.done $0x0  }
0x66: {  	[sflag:s12] =	ssyncadd.s32 $0xFFFFC000  }
0x67: {  	_ =	swait.ge [sflag:s16], $0x4000  }
0x68: {  	s18 =	smov.u32 s21;
	s17 =	sshra.s32 s20, $0x2;
	[sflag:s16] =	ssyncset.done $0x0  }
0x69: {  	s18 =	sadd.s32 $0x80, s17;
	[sflag:s16] =	ssyncadd.s32 $0xFFFFC000  }
0x6a: {  	[tilespmem:s15], [sflag:$0x1] =	stream.indirect.gather [hbm4b:s5+s14], $0x80, s18, s14, $0xb8;
	[tilespmem:$0x1E400] =	vst v63  }
0x6b: {  	s19 =	sadd.s32 $0x1400, s17  }
0x6c: {  	[spmem:s2] =	stream.indirect.scatter.add.f32 [tilespmem:s13], [sflag:$0x2], $0x80, s19, s14, $0xb8;
	[tilespmem:$0x1E400] =	vst v63  }
0x6d: {  	_ =	swait.ge [sflag:s12], $0x4000  }
0x6e: {  	[sflag:s12] =	ssyncset.done $0x0  }
0x6f: {  	[sflag:s12] =	ssyncadd.s32 $0xFFFFC000  }
0x70: {  	_ =	swait.ge [sflag:s16], $0x4000  }
0x71: {  	[sflag:s16] =	ssyncset.done $0x0  }
0x72: {  	s20 =	sadd.s32 $0x100, s17;
	[sflag:s16] =	ssyncadd.s32 $0xFFFFC000  }
0x73: {  	[tilespmem:s13], [sflag:$0x1] =	stream.indirect.gather [hbm4b:s5+s14], $0x80, s20, s14, $0xb8;
	[tilespmem:$0x1E400] =	vst v63  }
0x74: {  	s21 =	sadd.s32 $0x1480, s17  }
0x75: {  	[spmem:s2] =	stream.indirect.scatter.add.f32 [tilespmem:s15], [sflag:$0x2], $0x80, s21, s14, $0xb8;
	[tilespmem:$0x1E400] =	vst v63  }
0x76: {  	_ =	swait.ge [sflag:s12], $0x4000  }
0x77: {  	[sflag:s12] =	ssyncset.done $0x0  }
0x78: {  	[sflag:s12] =	ssyncadd.s32 $0xFFFFC000  }
0x79: {  	_ =	swait.ge [sflag:s16], $0x4000  }
0x7a: {  	s22 =	simm.s32 $0x1380;
	[sflag:s16] =	ssyncset.done $0x0  }
0x7b: {  	s13 =	simm.s32 $0x6800;
	s12 =	simm.s32 $0x80;
	[sflag:s16] =	ssyncadd.s32 $0xFFFFC000  }
0x7c: {  	[tilespmem:s13], [sflag:$0x1] =	stream.indirect.gather [hbm4b:s5+s12], $0x80, s22, s12, $0xb8;
	[tilespmem:$0x1E400] =	vst v63  }
0x7d: {  	s23 =	simm.s32 $0x2700;
	s14 =	simm.s32 $0x2;
	s16 =	simm.s32 $0x2800  }
0x7e: {  	[spmem:s2] =	stream.indirect.scatter.add.f32 [tilespmem:s16], [sflag:$0x2], $0x80, s23, s12, $0xb8;
	[tilespmem:$0x1E400] =	vst v63  }
0x7f: {  	_ =	swait.ge [sflag:s14], $0x4000  }
0x80: {  	[sflag:s14] =	ssyncset.done $0x0  }
0x81: {  	s15 =	simm.s32 $0x1;
	[sflag:s14] =	ssyncadd.s32 $0xFFFFC000  }
0x82: {  	_ =	swait.ge [sflag:s15], $0x4000  }
0x83: {  	[sflag:s15] =	ssyncset.done $0x0  }
0x84: {  	s24 =	simm.s32 $0x2780;
	[sflag:s15] =	ssyncadd.s32 $0xFFFFC000  }
0x85: {  	[spmem:s2] =	stream.indirect.scatter.add.f32 [tilespmem:s13], [sflag:$0x2], $0x80, s24, s12, $0xb8;
	[tilespmem:$0x1E400] =	vst v63  }
0x86: {  	_ =	swait.ge [sflag:s14], $0x4000  }
0x87: {  	[sflag:s14] =	ssyncset.done $0x0  }
0x88: {  	s25 =	simm.s32 $0x0;
	[sflag:s14] =	ssyncadd.s32 $0xFFFFC000  }
0x89: {  	[tilespmem:s25], [sflag:$0x2] =	stream.linear.gather [hbm4b:s11+s25], $0x1400, $0x38;
	[tilespmem:$0x1E400] =	vst v63  }
0x8a: {  	_ =	swait.ge [sflag:s14], $0x1400  }
0x8b: {  	[sflag:s14] =	ssyncset.done $0x0  }
0x8c: {  	s26 =	simm.s32 $0x1400;
	[sflag:s14] =	ssyncadd.s32 $0xFFFFEC00  }
0x8d: {  	[tilespmem:s26], [sflag:$0x2] =	stream.linear.gather [hbm4b:s10+s25], $0x1400, $0x38;
	[tilespmem:$0x1E400] =	vst v63  }
0x8e: {  	_ =	swait.ge [sflag:s14], $0x1400  }
0x8f: {  	[sflag:s14] =	ssyncset.done $0x0  }
0x90: {  	[sflag:s14] =	ssyncadd.s32 $0xFFFFEC00  }
0x91: {  	[tilespmem:s16], [sflag:$0x2] =	stream.indirect.gather [hbm4b:s5+s12], $0x80, s25, s12, $0xb8;
	[tilespmem:$0x1E400] =	vst v63  }
0x92: {  	_ =	swait.ge [sflag:s14], $0x4000  }
0x93: {  	[sflag:s14] =	ssyncset.done $0x0  }
0x94: {  	s28 =	simm.s32 $0x80;
	[sflag:s14] =	ssyncadd.s32 $0xFFFFC000  }
0x95: {  	[tilespmem:s13], [sflag:$0x1] =	stream.indirect.gather [hbm4b:s5+s12], $0x80, s28, s12, $0xb8;
	[tilespmem:$0x1E400] =	vst v63  }
0x96: {  	s29 =	simm.s32 $0x1400  }
0x97: {  	[spmem:s2] =	stream.indirect.scatter.add.f32 [tilespmem:s16], [sflag:$0x2], $0x80, s29, s12, $0xb8;
	[tilespmem:$0x1E400] =	vst v63  }
0x98: {  	_ =	swait.ge [sflag:s14], $0x4000  }
0x99: {  	[sflag:s14] =	ssyncset.done $0x0  }
0x9a: {  	[sflag:s14] =	ssyncadd.s32 $0xFFFFC000  }
0x9b: {  	_ =	swait.ge [sflag:s15], $0x4000  }
0x9c: {  	[sflag:s15] =	ssyncset.done $0x0  }
0x9d: {  	s30 =	simm.s32 $0x100;
	[sflag:s15] =	ssyncadd.s32 $0xFFFFC000  }
0x9e: {  	[tilespmem:s16], [sflag:$0x1] =	stream.indirect.gather [hbm4b:s5+s12], $0x80, s30, s12, $0xb8;
	[tilespmem:$0x1E400] =	vst v63  }
0x9f: {  	s31 =	simm.s32 $0x1480  }
0xa0: {  	[spmem:s2] =	stream.indirect.scatter.add.f32 [tilespmem:s13], [sflag:$0x2], $0x80, s31, s12, $0xb8;
	[tilespmem:$0x1E400] =	vst v63  }
0xa1: {  	_ =	swait.ge [sflag:s14], $0x4000  }
0xa2: {  	[sflag:s14] =	ssyncset.done $0x0  }
0xa3: {  	[sflag:s14] =	ssyncadd.s32 $0xFFFFC000  }
0xa4: {  	_ =	swait.ge [sflag:s15], $0x4000  }
0xa5: {  	s11 =	simm.s32 $0x800;
	s10 =	simm.s32 $0x100;
	[sflag:s15] =	ssyncset.done $0x0  }
.LBB2_6:
0xa6: {  	s17 =	sadd.s32 $0x80, s10  }
0xa7: {  	[sflag:s15] =	ssyncadd.s32 $0xFFFFC000;
	s18 =	smov.u32 s11;
	s19 =	sadd.s32 $0x400, s11  }
0xa8: {  	[tilespmem:s13], [sflag:$0x1] =	stream.indirect.gather [hbm4b:s5+s12], $0x80, s17, s12, $0xb8;
	[tilespmem:$0x1E400] =	vst v63  }
0xa9: {  	p0 =	sne.s32 s11, $0x4800;
	s11 =	sadd.s32 $0x1400, s10  }
0xaa: {  	[spmem:s2] =	stream.indirect.scatter.add.f32 [tilespmem:s16], [sflag:$0x2], $0x80, s11, s12, $0xb8;
	[tilespmem:$0x1E400] =	vst v63  }
0xab: {  	_ =	swait.ge [sflag:s14], $0x4000  }
0xac: {  	[sflag:s14] =	ssyncset.done $0x0  }
0xad: {  	[sflag:s14] =	ssyncadd.s32 $0xFFFFC000  }
0xae: {  	_ =	swait.ge [sflag:s15], $0x4000  }
0xaf: {  	[sflag:s15] =	ssyncset.done $0x0  }
0xb0: {  	s11 =	sadd.s32 $0x100, s10;
	[sflag:s15] =	ssyncadd.s32 $0xFFFFC000  }
0xb1: {  	[tilespmem:s16], [sflag:$0x1] =	stream.indirect.gather [hbm4b:s5+s12], $0x80, s11, s12, $0xb8;
	[tilespmem:$0x1E400] =	vst v63  }
0xb2: {  	s10 =	sadd.s32 $0x1480, s10  }
0xb3: {  	[spmem:s2] =	stream.indirect.scatter.add.f32 [tilespmem:s13], [sflag:$0x2], $0x80, s10, s12, $0xb8;
	[tilespmem:$0x1E400] =	vst v63  }
.Ltmp3:
0xb4: {  	_ =	swait.ge [sflag:s14], $0x4000;
	(pc) =	sbr.rel @p0 .LBB2_6-.Ltmp3, $4  }
0xb5: {  	[sflag:s14] =	ssyncset.done $0x0  }
0xb6: {  	[sflag:s14] =	ssyncadd.s32 $0xFFFFC000  }
0xb7: {  	_ =	swait.ge [sflag:s15], $0x4000  }
0xb8: {  	s11 =	smov.u32 s19;
	s10 =	sshra.s32 s18, $0x2;
	[sflag:s15] =	ssyncset.done $0x0  }
0xb9: {  	s11 =	sadd.s32 $0x80, s10;
	[sflag:s15] =	ssyncadd.s32 $0xFFFFC000  }
0xba: {  	[tilespmem:s13], [sflag:$0x1] =	stream.indirect.gather [hbm4b:s5+s12], $0x80, s11, s12, $0xb8;
	[tilespmem:$0x1E400] =	vst v63  }
0xbb: {  	s19 =	sadd.s32 $0x1400, s10  }
0xbc: {  	[spmem:s2] =	stream.indirect.scatter.add.f32 [tilespmem:s16], [sflag:$0x2], $0x80, s19, s12, $0xb8;
	[tilespmem:$0x1E400] =	vst v63  }
0xbd: {  	_ =	swait.ge [sflag:s14], $0x4000  }
0xbe: {  	[sflag:s14] =	ssyncset.done $0x0  }
0xbf: {  	[sflag:s14] =	ssyncadd.s32 $0xFFFFC000  }
0xc0: {  	_ =	swait.ge [sflag:s15], $0x4000  }
0xc1: {  	[sflag:s15] =	ssyncset.done $0x0  }
0xc2: {  	s20 =	sadd.s32 $0x100, s10;
	[sflag:s15] =	ssyncadd.s32 $0xFFFFC000  }
0xc3: {  	[tilespmem:s16], [sflag:$0x1] =	stream.indirect.gather [hbm4b:s5+s12], $0x80, s20, s12, $0xb8;
	[tilespmem:$0x1E400] =	vst v63  }
0xc4: {  	s21 =	sadd.s32 $0x1480, s10  }
0xc5: {  	[spmem:s2] =	stream.indirect.scatter.add.f32 [tilespmem:s13], [sflag:$0x2], $0x80, s21, s12, $0xb8;
	[tilespmem:$0x1E400] =	vst v63  }
0xc6: {  	_ =	swait.ge [sflag:s14], $0x4000  }
0xc7: {  	[sflag:s14] =	ssyncset.done $0x0  }
0xc8: {  	[sflag:s14] =	ssyncadd.s32 $0xFFFFC000  }
0xc9: {  	_ =	swait.ge [sflag:s15], $0x4000  }
0xca: {  	s10 =	simm.s32 $0x80;
	[sflag:s15] =	ssyncset.done $0x0  }
0xcb: {  	s22 =	simm.s32 $0x1380;
	s11 =	simm.s32 $0x6800;
	[sflag:s15] =	ssyncadd.s32 $0xFFFFC000  }
0xcc: {  	[tilespmem:s11], [sflag:$0x1] =	stream.indirect.gather [hbm4b:s5+s10], $0x80, s22, s10, $0xb8;
	[tilespmem:$0x1E400] =	vst v63  }
0xcd: {  	s23 =	simm.s32 $0x2700;
	s12 =	simm.s32 $0x2;
	s14 =	simm.s32 $0x2800  }
0xce: {  	[spmem:s2] =	stream.indirect.scatter.add.f32 [tilespmem:s14], [sflag:$0x2], $0x80, s23, s10, $0xb8;
	[tilespmem:$0x1E400] =	vst v63  }
0xcf: {  	_ =	swait.ge [sflag:s12], $0x4000  }
0xd0: {  	[sflag:s12] =	ssyncset.done $0x0  }
0xd1: {  	s13 =	simm.s32 $0x1;
	[sflag:s12] =	ssyncadd.s32 $0xFFFFC000  }
0xd2: {  	_ =	swait.ge [sflag:s13], $0x4000  }
0xd3: {  	[sflag:s13] =	ssyncset.done $0x0  }
0xd4: {  	s24 =	simm.s32 $0x2780;
	[sflag:s13] =	ssyncadd.s32 $0xFFFFC000  }
0xd5: {  	[spmem:s2] =	stream.indirect.scatter.add.f32 [tilespmem:s11], [sflag:$0x2], $0x80, s24, s10, $0xb8;
	[tilespmem:$0x1E400] =	vst v63  }
0xd6: {  	_ =	swait.ge [sflag:s12], $0x4000  }
0xd7: {  	[sflag:s12] =	ssyncset.done $0x0  }
0xd8: {  	s25 =	simm.s32 $0x0;
	[sflag:s12] =	ssyncadd.s32 $0xFFFFC000  }
0xd9: {  	[tilespmem:s25], [sflag:$0x2] =	stream.linear.gather [hbm4b:s9+s25], $0x1400, $0x38;
	[tilespmem:$0x1E400] =	vst v63  }
0xda: {  	_ =	swait.ge [sflag:s12], $0x1400  }
0xdb: {  	[sflag:s12] =	ssyncset.done $0x0  }
0xdc: {  	s26 =	simm.s32 $0x1400;
	[sflag:s12] =	ssyncadd.s32 $0xFFFFEC00  }
0xdd: {  	[tilespmem:s26], [sflag:$0x2] =	stream.linear.gather [hbm4b:s8+s25], $0x1400, $0x38;
	[tilespmem:$0x1E400] =	vst v63  }
0xde: {  	_ =	swait.ge [sflag:s12], $0x1400  }
0xdf: {  	[sflag:s12] =	ssyncset.done $0x0  }
0xe0: {  	[sflag:s12] =	ssyncadd.s32 $0xFFFFEC00  }
0xe1: {  	[tilespmem:s14], [sflag:$0x2] =	stream.indirect.gather [hbm4b:s5+s10], $0x80, s25, s10, $0xb8;
	[tilespmem:$0x1E400] =	vst v63  }
0xe2: {  	_ =	swait.ge [sflag:s12], $0x4000  }
0xe3: {  	[sflag:s12] =	ssyncset.done $0x0  }
0xe4: {  	s28 =	simm.s32 $0x80;
	[sflag:s12] =	ssyncadd.s32 $0xFFFFC000  }
0xe5: {  	[tilespmem:s11], [sflag:$0x1] =	stream.indirect.gather [hbm4b:s5+s10], $0x80, s28, s10, $0xb8;
	[tilespmem:$0x1E400] =	vst v63  }
0xe6: {  	s29 =	simm.s32 $0x1400  }
0xe7: {  	[spmem:s2] =	stream.indirect.scatter.add.f32 [tilespmem:s14], [sflag:$0x2], $0x80, s29, s10, $0xb8;
	[tilespmem:$0x1E400] =	vst v63  }
0xe8: {  	_ =	swait.ge [sflag:s12], $0x4000  }
0xe9: {  	[sflag:s12] =	ssyncset.done $0x0  }
0xea: {  	[sflag:s12] =	ssyncadd.s32 $0xFFFFC000  }
0xeb: {  	_ =	swait.ge [sflag:s13], $0x4000  }
0xec: {  	[sflag:s13] =	ssyncset.done $0x0  }
0xed: {  	s30 =	simm.s32 $0x100;
	[sflag:s13] =	ssyncadd.s32 $0xFFFFC000  }
0xee: {  	[tilespmem:s14], [sflag:$0x1] =	stream.indirect.gather [hbm4b:s5+s10], $0x80, s30, s10, $0xb8;
	[tilespmem:$0x1E400] =	vst v63  }
0xef: {  	s31 =	simm.s32 $0x1480  }
0xf0: {  	[spmem:s2] =	stream.indirect.scatter.add.f32 [tilespmem:s11], [sflag:$0x2], $0x80, s31, s10, $0xb8;
	[tilespmem:$0x1E400] =	vst v63  }
0xf1: {  	_ =	swait.ge [sflag:s12], $0x4000  }
0xf2: {  	[sflag:s12] =	ssyncset.done $0x0  }
0xf3: {  	[sflag:s12] =	ssyncadd.s32 $0xFFFFC000  }
0xf4: {  	_ =	swait.ge [sflag:s13], $0x4000  }
0xf5: {  	s9 =	simm.s32 $0x800;
	s8 =	simm.s32 $0x100;
	[sflag:s13] =	ssyncset.done $0x0  }
.LBB2_8:
0xf6: {  	s15 =	sadd.s32 $0x80, s8  }
0xf7: {  	[sflag:s13] =	ssyncadd.s32 $0xFFFFC000;
	s16 =	smov.u32 s9;
	s17 =	sadd.s32 $0x400, s9  }
0xf8: {  	[tilespmem:s11], [sflag:$0x1] =	stream.indirect.gather [hbm4b:s5+s10], $0x80, s15, s10, $0xb8;
	[tilespmem:$0x1E400] =	vst v63  }
0xf9: {  	p0 =	sne.s32 s9, $0x4800;
	s9 =	sadd.s32 $0x1400, s8  }
0xfa: {  	[spmem:s2] =	stream.indirect.scatter.add.f32 [tilespmem:s14], [sflag:$0x2], $0x80, s9, s10, $0xb8;
	[tilespmem:$0x1E400] =	vst v63  }
0xfb: {  	_ =	swait.ge [sflag:s12], $0x4000  }
0xfc: {  	[sflag:s12] =	ssyncset.done $0x0  }
0xfd: {  	[sflag:s12] =	ssyncadd.s32 $0xFFFFC000  }
0xfe: {  	_ =	swait.ge [sflag:s13], $0x4000  }
0xff: {  	[sflag:s13] =	ssyncset.done $0x0  }
0x100: {  	s9 =	sadd.s32 $0x100, s8;
	[sflag:s13] =	ssyncadd.s32 $0xFFFFC000  }
0x101: {  	[tilespmem:s14], [sflag:$0x1] =	stream.indirect.gather [hbm4b:s5+s10], $0x80, s9, s10, $0xb8;
	[tilespmem:$0x1E400] =	vst v63  }
0x102: {  	s8 =	sadd.s32 $0x1480, s8  }
0x103: {  	[spmem:s2] =	stream.indirect.scatter.add.f32 [tilespmem:s11], [sflag:$0x2], $0x80, s8, s10, $0xb8;
	[tilespmem:$0x1E400] =	vst v63  }
.Ltmp4:
0x104: {  	_ =	swait.ge [sflag:s12], $0x4000;
	(pc) =	sbr.rel @p0 .LBB2_8-.Ltmp4, $4  }
0x105: {  	[sflag:s12] =	ssyncset.done $0x0  }
0x106: {  	[sflag:s12] =	ssyncadd.s32 $0xFFFFC000  }
0x107: {  	_ =	swait.ge [sflag:s13], $0x4000  }
0x108: {  	s9 =	smov.u32 s17;
	s8 =	sshra.s32 s16, $0x2;
	[sflag:s13] =	ssyncset.done $0x0  }
0x109: {  	s9 =	sadd.s32 $0x80, s8;
	[sflag:s13] =	ssyncadd.s32 $0xFFFFC000  }
0x10a: {  	[tilespmem:s11], [sflag:$0x1] =	stream.indirect.gather [hbm4b:s5+s10], $0x80, s9, s10, $0xb8;
	[tilespmem:$0x1E400] =	vst v63  }
0x10b: {  	s19 =	sadd.s32 $0x1400, s8  }
0x10c: {  	[spmem:s2] =	stream.indirect.scatter.add.f32 [tilespmem:s14], [sflag:$0x2], $0x80, s19, s10, $0xb8;
	[tilespmem:$0x1E400] =	vst v63  }
0x10d: {  	_ =	swait.ge [sflag:s12], $0x4000  }
0x10e: {  	[sflag:s12] =	ssyncset.done $0x0  }
0x10f: {  	[sflag:s12] =	ssyncadd.s32 $0xFFFFC000  }
0x110: {  	_ =	swait.ge [sflag:s13], $0x4000  }
0x111: {  	[sflag:s13] =	ssyncset.done $0x0  }
0x112: {  	s20 =	sadd.s32 $0x100, s8;
	[sflag:s13] =	ssyncadd.s32 $0xFFFFC000  }
0x113: {  	[tilespmem:s14], [sflag:$0x1] =	stream.indirect.gather [hbm4b:s5+s10], $0x80, s20, s10, $0xb8;
	[tilespmem:$0x1E400] =	vst v63  }
0x114: {  	s21 =	sadd.s32 $0x1480, s8  }
0x115: {  	[spmem:s2] =	stream.indirect.scatter.add.f32 [tilespmem:s11], [sflag:$0x2], $0x80, s21, s10, $0xb8;
	[tilespmem:$0x1E400] =	vst v63  }
0x116: {  	_ =	swait.ge [sflag:s12], $0x4000  }
0x117: {  	[sflag:s12] =	ssyncset.done $0x0  }
0x118: {  	[sflag:s12] =	ssyncadd.s32 $0xFFFFC000  }
0x119: {  	_ =	swait.ge [sflag:s13], $0x4000  }
0x11a: {  	s8 =	simm.s32 $0x80;
	[sflag:s13] =	ssyncset.done $0x0  }
0x11b: {  	s22 =	simm.s32 $0x1380;
	s9 =	simm.s32 $0x6800;
	[sflag:s13] =	ssyncadd.s32 $0xFFFFC000  }
0x11c: {  	[tilespmem:s9], [sflag:$0x1] =	stream.indirect.gather [hbm4b:s5+s8], $0x80, s22, s8, $0xb8;
	[tilespmem:$0x1E400] =	vst v63  }
0x11d: {  	s23 =	simm.s32 $0x2700;
	s10 =	simm.s32 $0x2;
	s12 =	simm.s32 $0x2800  }
0x11e: {  	[spmem:s2] =	stream.indirect.scatter.add.f32 [tilespmem:s12], [sflag:$0x2], $0x80, s23, s8, $0xb8;
	[tilespmem:$0x1E400] =	vst v63  }
0x11f: {  	_ =	swait.ge [sflag:s10], $0x4000  }
0x120: {  	[sflag:s10] =	ssyncset.done $0x0  }
0x121: {  	s11 =	simm.s32 $0x1;
	[sflag:s10] =	ssyncadd.s32 $0xFFFFC000  }
0x122: {  	_ =	swait.ge [sflag:s11], $0x4000  }
0x123: {  	[sflag:s11] =	ssyncset.done $0x0  }
0x124: {  	s24 =	simm.s32 $0x2780;
	[sflag:s11] =	ssyncadd.s32 $0xFFFFC000  }
0x125: {  	[spmem:s2] =	stream.indirect.scatter.add.f32 [tilespmem:s9], [sflag:$0x2], $0x80, s24, s8, $0xb8;
	[tilespmem:$0x1E400] =	vst v63  }
0x126: {  	_ =	swait.ge [sflag:s10], $0x4000  }
0x127: {  	[sflag:s10] =	ssyncset.done $0x0  }
0x128: {  	s25 =	simm.s32 $0x0;
	[sflag:s10] =	ssyncadd.s32 $0xFFFFC000  }
0x129: {  	[tilespmem:s25], [sflag:$0x2] =	stream.linear.gather [hbm4b:s7+s25], $0x1400, $0x38;
	[tilespmem:$0x1E400] =	vst v63  }
0x12a: {  	_ =	swait.ge [sflag:s10], $0x1400  }
0x12b: {  	[sflag:s10] =	ssyncset.done $0x0  }
0x12c: {  	s26 =	simm.s32 $0x1400;
	[sflag:s10] =	ssyncadd.s32 $0xFFFFEC00  }
0x12d: {  	[tilespmem:s26], [sflag:$0x2] =	stream.linear.gather [hbm4b:s6+s25], $0x1400, $0x38;
	[tilespmem:$0x1E400] =	vst v63  }
0x12e: {  	_ =	swait.ge [sflag:s10], $0x1400  }
0x12f: {  	[sflag:s10] =	ssyncset.done $0x0  }
0x130: {  	[sflag:s10] =	ssyncadd.s32 $0xFFFFEC00  }
0x131: {  	[tilespmem:s12], [sflag:$0x2] =	stream.indirect.gather [hbm4b:s5+s8], $0x80, s25, s8, $0xb8;
	[tilespmem:$0x1E400] =	vst v63  }
0x132: {  	_ =	swait.ge [sflag:s10], $0x4000  }
0x133: {  	[sflag:s10] =	ssyncset.done $0x0  }
0x134: {  	s28 =	simm.s32 $0x80;
	[sflag:s10] =	ssyncadd.s32 $0xFFFFC000  }
0x135: {  	[tilespmem:s9], [sflag:$0x1] =	stream.indirect.gather [hbm4b:s5+s8], $0x80, s28, s8, $0xb8;
	[tilespmem:$0x1E400] =	vst v63  }
0x136: {  	s29 =	simm.s32 $0x1400  }
0x137: {  	[spmem:s2] =	stream.indirect.scatter.add.f32 [tilespmem:s12], [sflag:$0x2], $0x80, s29, s8, $0xb8;
	[tilespmem:$0x1E400] =	vst v63  }
0x138: {  	_ =	swait.ge [sflag:s10], $0x4000  }
0x139: {  	[sflag:s10] =	ssyncset.done $0x0  }
0x13a: {  	[sflag:s10] =	ssyncadd.s32 $0xFFFFC000  }
0x13b: {  	_ =	swait.ge [sflag:s11], $0x4000  }
0x13c: {  	[sflag:s11] =	ssyncset.done $0x0  }
0x13d: {  	s30 =	simm.s32 $0x100;
	[sflag:s11] =	ssyncadd.s32 $0xFFFFC000  }
0x13e: {  	[tilespmem:s12], [sflag:$0x1] =	stream.indirect.gather [hbm4b:s5+s8], $0x80, s30, s8, $0xb8;
	[tilespmem:$0x1E400] =	vst v63  }
0x13f: {  	s31 =	simm.s32 $0x1480  }
0x140: {  	[spmem:s2] =	stream.indirect.scatter.add.f32 [tilespmem:s9], [sflag:$0x2], $0x80, s31, s8, $0xb8;
	[tilespmem:$0x1E400] =	vst v63  }
0x141: {  	_ =	swait.ge [sflag:s10], $0x4000  }
0x142: {  	[sflag:s10] =	ssyncset.done $0x0  }
0x143: {  	[sflag:s10] =	ssyncadd.s32 $0xFFFFC000  }
0x144: {  	_ =	swait.ge [sflag:s11], $0x4000  }
0x145: {  	s7 =	simm.s32 $0x800;
	s6 =	simm.s32 $0x100;
	[sflag:s11] =	ssyncset.done $0x0  }
.LBB2_10:
0x146: {  	s13 =	sadd.s32 $0x80, s6  }
0x147: {  	[sflag:s11] =	ssyncadd.s32 $0xFFFFC000;
	s14 =	smov.u32 s7;
	s15 =	sadd.s32 $0x400, s7  }
0x148: {  	[tilespmem:s9], [sflag:$0x1] =	stream.indirect.gather [hbm4b:s5+s8], $0x80, s13, s8, $0xb8;
	[tilespmem:$0x1E400] =	vst v63  }
0x149: {  	p0 =	sne.s32 s7, $0x4800;
	s7 =	sadd.s32 $0x1400, s6  }
0x14a: {  	[spmem:s2] =	stream.indirect.scatter.add.f32 [tilespmem:s12], [sflag:$0x2], $0x80, s7, s8, $0xb8;
	[tilespmem:$0x1E400] =	vst v63  }
0x14b: {  	_ =	swait.ge [sflag:s10], $0x4000  }
0x14c: {  	[sflag:s10] =	ssyncset.done $0x0  }
0x14d: {  	[sflag:s10] =	ssyncadd.s32 $0xFFFFC000  }
0x14e: {  	_ =	swait.ge [sflag:s11], $0x4000  }
0x14f: {  	[sflag:s11] =	ssyncset.done $0x0  }
0x150: {  	s7 =	sadd.s32 $0x100, s6;
	[sflag:s11] =	ssyncadd.s32 $0xFFFFC000  }
0x151: {  	[tilespmem:s12], [sflag:$0x1] =	stream.indirect.gather [hbm4b:s5+s8], $0x80, s7, s8, $0xb8;
	[tilespmem:$0x1E400] =	vst v63  }
0x152: {  	s6 =	sadd.s32 $0x1480, s6  }
0x153: {  	[spmem:s2] =	stream.indirect.scatter.add.f32 [tilespmem:s9], [sflag:$0x2], $0x80, s6, s8, $0xb8;
	[tilespmem:$0x1E400] =	vst v63  }
.Ltmp5:
0x154: {  	_ =	swait.ge [sflag:s10], $0x4000;
	(pc) =	sbr.rel @p0 .LBB2_10-.Ltmp5, $4  }
0x155: {  	[sflag:s10] =	ssyncset.done $0x0  }
0x156: {  	[sflag:s10] =	ssyncadd.s32 $0xFFFFC000  }
0x157: {  	_ =	swait.ge [sflag:s11], $0x4000  }
0x158: {  	s7 =	smov.u32 s15;
	s6 =	sshra.s32 s14, $0x2;
	[sflag:s11] =	ssyncset.done $0x0  }
0x159: {  	s7 =	sadd.s32 $0x80, s6;
	[sflag:s11] =	ssyncadd.s32 $0xFFFFC000  }
0x15a: {  	[tilespmem:s9], [sflag:$0x1] =	stream.indirect.gather [hbm4b:s5+s8], $0x80, s7, s8, $0xb8;
	[tilespmem:$0x1E400] =	vst v63  }
0x15b: {  	s19 =	sadd.s32 $0x1400, s6  }
0x15c: {  	[spmem:s2] =	stream.indirect.scatter.add.f32 [tilespmem:s12], [sflag:$0x2], $0x80, s19, s8, $0xb8;
	[tilespmem:$0x1E400] =	vst v63  }
0x15d: {  	_ =	swait.ge [sflag:s10], $0x4000  }
0x15e: {  	[sflag:s10] =	ssyncset.done $0x0  }
0x15f: {  	[sflag:s10] =	ssyncadd.s32 $0xFFFFC000  }
0x160: {  	_ =	swait.ge [sflag:s11], $0x4000  }
0x161: {  	[sflag:s11] =	ssyncset.done $0x0  }
0x162: {  	s20 =	sadd.s32 $0x100, s6;
	[sflag:s11] =	ssyncadd.s32 $0xFFFFC000  }
0x163: {  	[tilespmem:s12], [sflag:$0x1] =	stream.indirect.gather [hbm4b:s5+s8], $0x80, s20, s8, $0xb8;
	[tilespmem:$0x1E400] =	vst v63  }
0x164: {  	s21 =	sadd.s32 $0x1480, s6  }
0x165: {  	[spmem:s2] =	stream.indirect.scatter.add.f32 [tilespmem:s9], [sflag:$0x2], $0x80, s21, s8, $0xb8;
	[tilespmem:$0x1E400] =	vst v63  }
0x166: {  	_ =	swait.ge [sflag:s10], $0x4000  }
0x167: {  	[sflag:s10] =	ssyncset.done $0x0  }
0x168: {  	[sflag:s10] =	ssyncadd.s32 $0xFFFFC000  }
0x169: {  	_ =	swait.ge [sflag:s11], $0x4000  }
0x16a: {  	s22 =	simm.s32 $0x80;
	[sflag:s11] =	ssyncset.done $0x0  }
0x16b: {  	s23 =	simm.s32 $0x1380;
	s24 =	simm.s32 $0x6800;
	[sflag:s11] =	ssyncadd.s32 $0xFFFFC000  }
0x16c: {  	[tilespmem:s24], [sflag:$0x1] =	stream.indirect.gather [hbm4b:s5+s22], $0x80, s23, s22, $0xb8;
	[tilespmem:$0x1E400] =	vst v63  }
0x16d: {  	s25 =	simm.s32 $0x2700;
	s26 =	simm.s32 $0x2800;
	s28 =	simm.s32 $0x2  }
0x16e: {  	[spmem:s2] =	stream.indirect.scatter.add.f32 [tilespmem:s26], [sflag:$0x2], $0x80, s25, s22, $0xb8;
	[tilespmem:$0x1E400] =	vst v63  }
0x16f: {  	_ =	swait.ge [sflag:s28], $0x4000  }
0x170: {  	[sflag:s28] =	ssyncset.done $0x0  }
0x171: {  	s29 =	simm.s32 $0x1;
	[sflag:s28] =	ssyncadd.s32 $0xFFFFC000  }
0x172: {  	_ =	swait.ge [sflag:s29], $0x4000  }
0x173: {  	[sflag:s29] =	ssyncset.done $0x0  }
0x174: {  	s30 =	simm.s32 $0x2780;
	[sflag:s29] =	ssyncadd.s32 $0xFFFFC000  }
0x175: {  	[spmem:s2] =	stream.indirect.scatter.add.f32 [tilespmem:s24], [sflag:$0x2], $0x80, s30, s22, $0xb8;
	[tilespmem:$0x1E400] =	vst v63  }
0x176: {  	_ =	swait.ge [sflag:s28], $0x4000  }
0x177: {  	[sflag:s28] =	ssyncset.done $0x0  }
0x178: {  	s31 =	sshll.u32 s1, $0x6;
	[sflag:s28] =	ssyncadd.s32 $0xFFFFC000  }
0x179: {  	s3 =	sshrl.u32 s3, $0x3;
	s2 =	sor.u32 $0x1C02, s31;
	[bflag:$0x0] =	sbarrier.arrive $0xFFFF  }
0x17a: {  	[hbm:s4], [sflag:s2] =	dma.local [spmem:s3], $0x2780  }
0x17b: {  	_ =	swait.ge [sflag:s28], $0x2780  }
0x17c: {  	[sflag:s28] =	ssyncset.done $0x0  }
0x17d: {  	[sflag:s28] =	ssyncadd.s32 $0xFFFFD880  }
.LBB2_12:
0x17e: {  	_ =	sfence.sel $0x180000  }
0x17f: {  	[bflag:$0x0] =	sbarrier.arrive $0xFFFF  }
0x180: {  	p0 =	sne.s32 s1, $0x0;
	_ =	strace $0x90000047  }
0x181: {  	s0 =	sadd.s32 @!p0 $0x100000, s0;
	[bflag:$0x2] =	sbarrier.arrive $0xFFFF  }
0x182: {  	[sflag:s0] =	ssyncadd.tile.s32 @!p0 $0x1;
	_ =	shalt  }
.Lfunc_end2:
_tile_overlayer_lowered:
.L_overlay_start_2:
0x183: {  	(tag) =	ssettag $0x2  }
0x184: {  	s0 =	rddreg [dreg:$0x0];
	s2 =	stileid.u32  }
0x185: {  	s1 =	rddreg [dreg:$0x1];
	p0 =	sne.s32 s2, $0x0  }
0x186: {  	s3 =	rddreg [dreg:$0x2];
	[bflag:$0x3] =	sbarrier.arrive $0xFFFF;
	s2 =	simm.s32 @!p0 $0x1C02  }
0x187: {  	[timem:s3], [sflag:s2] =	dma.local @!p0 [hbm:s0], s1  }
0x188: {  	s0 =	simm.s32 @!p0 $0x2  }
0x189: {  	_ =	swait.ge @!p0 [sflag:s0], s1  }
0x18a: {  	s1 =	ssub.s32 @!p0 $0x0, s1;
	[sflag:s0] =	ssyncset.done @!p0 $0x0  }
0x18b: {  	[sflag:s0] =	ssyncadd.s32 @!p0 s1  }
0x18c: {  	[bflag:$0x3] =	sbarrier.arrive $0xFFFF  }
0x18d: {  	_ =	shalt  }

</sc_bundles>
